<compile_context>
chip_gen: v7x
topology: tpu7x:2x2x1
jax: 0.10.2.dev20260603
libtpu: 0.0.44.dev20260713+nightly
codegen_flags: <defaults>
</compile_context>

<pallas_src>
import functools

import jax
import jax.numpy as jnp
from jax import lax
from jax.experimental import pallas as pl
from jax.experimental.pallas import tpu as pltpu
from jax.experimental.pallas import tpu_sc as plsc

N = 10000
E = 320000
D = 128
H1 = 32
H2 = 16
HL = 8

NC = 2
NS = 16
NW = NC * NS
NP = 10240
RPT = NP // NS
K = 128
CH = 80
EPT = CH * K
EP = NW * EPT
G = 8
NG = CH // G
SR = N // NS

_SC_PARAMS = pltpu.CompilerParams(use_tc_tiling_on_sc=False)


def _sc_mesh():
    return plsc.VectorSubcoreMesh(
        core_axis_name="c", subcore_axis_name="s", num_cores=NC, num_subcores=NS
    )


def _zero_flat(ref, nwords):
    z = jnp.zeros((16,), jnp.float32)

    def body(i, carry):
        ref[pl.ds(i * 16, 16)] = z
        return carry

    lax.fori_loop(0, nwords // 16, body, 0)


def _zero_2d(ref, rows, cols):
    z = jnp.zeros((16,), jnp.float32)

    def body(r, carry):
        for k in range(cols // 16):
            ref[r, pl.ds(k * 16, 16)] = z
        return carry

    lax.fori_loop(0, rows, body, 0)


@functools.cache
def _build_sc_degree():
    return functools.partial(
        pl.kernel,
        out_type=(
            jax.ShapeDtypeStruct((NP,), jnp.float32),
            jax.ShapeDtypeStruct((NP,), jnp.float32),
        ),
        mesh=_sc_mesh(),
        scratch_types=[
            pltpu.VMEM((CH, K), jnp.int32),
            pltpu.VMEM((K,), jnp.float32),
            pltpu.VMEM((RPT,), jnp.float32),
            pltpu.VMEM_SHARED((NP,), jnp.float32),
        ],
        compiler_params=_SC_PARAMS,
    )(_sc_degree_body)


def _sc_degree_body(ei_hbm, out0, out1, col_v, ones_v, stage_v, acc_sh):
    c = lax.axis_index("c")
    s = lax.axis_index("s")
    w = c * NS + s
    pltpu.sync_copy(ei_hbm.at[1, w], col_v)
    one = jnp.ones((16,), jnp.float32)
    for k in range(K // 16):
        ones_v[pl.ds(k * 16, 16)] = one
    _zero_flat(stage_v, RPT)
    pltpu.sync_copy(stage_v, acc_sh.at[pl.ds(s * RPT, RPT)])
    plsc.subcore_barrier()

    def body(j, carry):
        pltpu.sync_copy(ones_v, acc_sh.at[col_v.at[j]], add=True)
        return carry

    lax.fori_loop(0, CH, body, 0)
    plsc.subcore_barrier()
    pltpu.sync_copy(acc_sh.at[pl.ds(s * RPT, RPT)], stage_v)

    @pl.when(c == 0)
    def _():
        pltpu.sync_copy(stage_v, out0.at[pl.ds(s * RPT, RPT)])

    @pl.when(c == 1)
    def _():
        pltpu.sync_copy(stage_v, out1.at[pl.ds(s * RPT, RPT)])


def _sc_degree(ei):
    return _build_sc_degree()(ei)


@functools.cache
def _make_msgpass(F, stage_tbl):
    scratch = [
        pltpu.VMEM((CH, K), jnp.int32),
        pltpu.VMEM((CH, K), jnp.int32),
        pltpu.VMEM((2, G, K, F), jnp.float32),
        pltpu.VMEM((RPT, F), jnp.float32),
        pltpu.VMEM_SHARED((NP, F), jnp.float32),
        [[pltpu.SemaphoreType.DMA] * G, [pltpu.SemaphoreType.DMA] * G],
    ]
    if stage_tbl:
        scratch.append(pltpu.VMEM_SHARED((N, F), jnp.float32))

    @functools.partial(
        pl.kernel,
        out_type=(
            jax.ShapeDtypeStruct((NP, F), jnp.float32),
            jax.ShapeDtypeStruct((NP, F), jnp.float32),
        ),
        mesh=_sc_mesh(),
        scratch_types=scratch,
        compiler_params=_SC_PARAMS,
        name=f"sc_msgpass_f{F}",
    )
    def _mp(h_hbm, ei_hbm, out0, out1, row_v, col_v, gbuf, stage_v, acc_sh,
            gsems, *maybe_tbl):
        c = lax.axis_index("c")
        s = lax.axis_index("s")
        w = c * NS + s
        pltpu.sync_copy(ei_hbm.at[0, w], row_v)
        pltpu.sync_copy(ei_hbm.at[1, w], col_v)
        if stage_tbl:
            tbl = maybe_tbl[0]
            pltpu.sync_copy(
                h_hbm.at[pl.ds(s * SR, SR)], stage_v.at[pl.ds(0, SR)]
            )
            pltpu.sync_copy(
                stage_v.at[pl.ds(0, SR)], tbl.at[pl.ds(s * SR, SR)]
            )
        else:
            tbl = h_hbm
        _zero_2d(stage_v, RPT, F)
        pltpu.sync_copy(stage_v, acc_sh.at[pl.ds(s * RPT, RPT)])
        plsc.subcore_barrier()
        for b in range(G):
            pltpu.async_copy(tbl.at[row_v.at[b]], gbuf.at[0, b], gsems[0][b])

        def body(i, carry):
            for p in (0, 1):
                g = i * 2 + p
                q = 1 - p

                @pl.when(g + 1 < NG)
                def _():
                    for b in range(G):
                        pltpu.async_copy(
                            tbl.at[row_v.at[(g + 1) * G + b]],
                            gbuf.at[q, b], gsems[q][b],
                        )

                for b in range(G):
                    pltpu.make_async_copy(
                        tbl.at[row_v.at[g * G + b]], gbuf.at[p, b],
                        gsems[p][b],
                    ).wait()
                    pltpu.sync_copy(
                        gbuf.at[p, b], acc_sh.at[col_v.at[g * G + b]],
                        add=True,
                    )
            return carry

        lax.fori_loop(0, NG // 2, body, 0)
        plsc.subcore_barrier()
        pltpu.sync_copy(acc_sh.at[pl.ds(s * RPT, RPT)], stage_v)

        @pl.when(c == 0)
        def _():
            pltpu.sync_copy(stage_v, out0.at[pl.ds(s * RPT, RPT)])

        @pl.when(c == 1)
        def _():
            pltpu.sync_copy(stage_v, out1.at[pl.ds(s * RPT, RPT)])

    return _mp


def _sc_msgpass32(h, ei):
    return _make_msgpass(H1, False)(h, ei)


def _sc_msgpass16(h, ei):
    return _make_msgpass(H2, False)(h, ei)


def _tc1_body(x4_ref, w1bd_ref, h1sp_ref):
    h1sp_ref[...] = jnp.dot(
        x4_ref[...], w1bd_ref[...], preferred_element_type=jnp.float32
    )


def _tc1(x4, W1bd):
    return pl.pallas_call(
        _tc1_body,
        out_shape=jax.ShapeDtypeStruct((N // 4, 4 * H1), jnp.float32),
    )(x4, W1bd)


def _tc2_body(a0_ref, a1_ref, h1sp_ref, dinv4_ref, b1p_ref, w2bd_ref,
              dinv4h_ref, h2sp_ref):
    agg = a0_ref[...][0 : N // 4] + a1_ref[...][0 : N // 4]
    h1 = jnp.maximum(
        (agg + h1sp_ref[...]) * dinv4_ref[...] + b1p_ref[...], 0.0
    )
    h2sp_ref[...] = (
        jnp.dot(h1, w2bd_ref[...], preferred_element_type=jnp.float32)
        * dinv4h_ref[...]
    )


def _tc2(a0p, a1p, h1sp, dinv4, b1p, W2bd, dinv4h):
    return pl.pallas_call(
        _tc2_body,
        out_shape=jax.ShapeDtypeStruct((N // 4, 4 * H2), jnp.float32),
    )(a0p, a1p, h1sp, dinv4, b1p, W2bd, dinv4h)


def _tc3_body(c0_ref, c1_ref, h2sp_ref, dinv8_ref, b2p_ref, wihbd_ref,
              bgp_ref, wout_ref, bout_ref, out_ref):
    agg = c0_ref[...][0 : N // 8] + c1_ref[...][0 : N // 8]
    h2 = jnp.maximum(
        (agg + h2sp_ref[...]) * dinv8_ref[...] + b2p_ref[...], 0.0
    )
    gates = (
        jnp.dot(h2, wihbd_ref[...], preferred_element_type=jnp.float32)
        + bgp_ref[...]
    )
    gp = 8 * HL
    sig_i = jax.nn.sigmoid(gates[:, 0:gp])
    tah_g = jnp.tanh(gates[:, 2 * gp : 3 * gp])
    sig_o = jax.nn.sigmoid(gates[:, 3 * gp : 4 * gp])
    hh = sig_o * jnp.tanh(sig_i * tah_g)
    out_ref[...] = (
        jnp.dot(hh, wout_ref[...], preferred_element_type=jnp.float32)
        + bout_ref[...]
    )


def _tc3(c0p, c1p, h2sp8, dinv8, b2p, Wihbd, bgp, W_out, b_out):
    return pl.pallas_call(
        _tc3_body,
        out_shape=jax.ShapeDtypeStruct((N // 8, HL), jnp.float32),
    )(c0p, c1p, h2sp8, dinv8, b2p, Wihbd, bgp, W_out, b_out)


def kernel(x, edge_index, W1, b1, W2, b2, W_ih, W_hh, b_ih, b_hh, W_out, b_out):
    ei = edge_index.astype(jnp.int32)
    pad_src = jnp.arange(EP - E, dtype=jnp.int32) % N
    pad_dst = (jnp.arange(EP - E, dtype=jnp.int32) % (NP - N)) + N
    ei_pad = jnp.concatenate(
        [ei, jnp.stack([pad_src, pad_dst])], axis=1
    ).reshape(2, NW, CH, K)

    eye4 = jnp.eye(4, dtype=jnp.float32)
    eye8 = jnp.eye(8, dtype=jnp.float32)
    W1bd = jnp.kron(eye4, W1)
    W2bd = jnp.kron(eye4, W2)
    Wihbd = jnp.concatenate(
        [jnp.kron(eye8, W_ih.T[:, 8 * t : 8 * t + 8]) for t in range(4)],
        axis=1,
    )
    bg = b_ih + b_hh
    bgp = jnp.concatenate(
        [jnp.tile(bg[8 * t : 8 * t + 8], 8) for t in range(4)]
    ).reshape(1, 32 * HL)
    Woutbd = jnp.kron(eye8, W_out)

    d0, d1 = _sc_degree(ei_pad)
    h1raw = _tc1(x.reshape(N // 4, 4 * D), W1bd)
    dinv1d = lax.rsqrt(d0[:N] + d1[:N] + 1.0)
    dinv4 = jnp.broadcast_to(dinv1d[:, None], (N, H1)).reshape(N // 4, 4 * H1)
    dinv4h = jnp.broadcast_to(dinv1d[:, None], (N, H2)).reshape(N // 4, 4 * H2)
    dinv8 = jnp.broadcast_to(dinv1d[:, None], (N, H2)).reshape(N // 8, 8 * H2)

    h1sp = h1raw * dinv4
    a0, a1 = _sc_msgpass32(h1sp.reshape(N, H1), ei_pad)
    h2sp = _tc2(
        a0.reshape(NP // 4, 4 * H1), a1.reshape(NP // 4, 4 * H1),
        h1sp, dinv4, jnp.tile(b1, 4).reshape(1, 4 * H1), W2bd, dinv4h,
    )
    c0, c1 = _sc_msgpass16(h2sp.reshape(N, H2), ei_pad)
    out = _tc3(
        c0.reshape(NP // 8, 8 * H2), c1.reshape(NP // 8, 8 * H2),
        h2sp.reshape(N // 8, 8 * H2), dinv8,
        jnp.tile(b2, 8).reshape(1, 8 * H2), Wihbd, bgp,
        Woutbd, b_out.reshape(1, 1),
    )
    return out.reshape(N)

# --- scband reference (transcript-rebuilt; emitter-appended) ---
"""Pipeline reference for scband-gnn-lstm-27169963114973 (READ-ONLY COPY).

The authoritative reference and input builder live on the scoring server;
editing this copy changes nothing except your own understanding.
"""

import jax, jax.numpy as jnp
import numpy as np

N = 10000
E = 320000
D = 128
H1 = 32
H2 = 16
HL = 8

def setup_inputs(seed: int = 0):
    key = jax.random.key(seed)
    ks = jax.random.split(key, 13)
    x = jax.random.normal(ks[0], (N, D), dtype=jnp.float32)
    edge_index = jax.random.randint(ks[1], (2, E), 0, N)
    W1 = jax.random.normal(ks[2], (D, H1), dtype=jnp.float32) * 0.05
    b1 = jnp.zeros((H1,), dtype=jnp.float32)
    W2 = jax.random.normal(ks[3], (H1, H2), dtype=jnp.float32) * 0.05
    b2 = jnp.zeros((H2,), dtype=jnp.float32)
    W_ih = jax.random.normal(ks[4], (4 * HL, H2), dtype=jnp.float32) * 0.05
    W_hh = jax.random.normal(ks[5], (4 * HL, HL), dtype=jnp.float32) * 0.05
    b_ih = jax.random.normal(ks[6], (4 * HL,), dtype=jnp.float32) * 0.05
    b_hh = jax.random.normal(ks[7], (4 * HL,), dtype=jnp.float32) * 0.05
    W_out = jax.random.normal(ks[8], (HL, 1), dtype=jnp.float32) * 0.05
    b_out = jnp.zeros((1,), dtype=jnp.float32)
    return {"x": x, "edge_index": edge_index, "W1": W1, "b1": b1, "W2": W2, "b2": b2,
            "W_ih": W_ih, "W_hh": W_hh, "b_ih": b_ih, "b_hh": b_hh, "W_out": W_out, "b_out": b_out}

def _gcn_conv(x, edge_index, W, b):
    # x -> x @ W, add self-loops, symmetric normalization, scatter-add to dst
    h = x @ W
    loop = jnp.arange(N, dtype=edge_index.dtype)
    row = jnp.concatenate([edge_index[0], loop])
    col = jnp.concatenate([edge_index[1], loop])
    deg = jnp.zeros((N,), h.dtype).at[col].add(1.0)
    dinv = jnp.where(deg > 0, 1.0 / jnp.sqrt(deg), 0.0)
    norm = dinv[row] * dinv[col]
    msg = h[row] * norm[:, None]
    agg = jnp.zeros((N, h.shape[1]), h.dtype).at[col].add(msg)
    return agg + b

def reference(x, edge_index, W1, b1, W2, b2, W_ih, W_hh, b_ih, b_hh, W_out, b_out):
    h = jax.nn.relu(_gcn_conv(x, edge_index, W1, b1))
    h = jax.nn.relu(_gcn_conv(h, edge_index, W2, b2))
    # LSTM over a length-1 sequence with zero initial state (PyTorch gate order i,f,g,o)
    h0 = jnp.zeros((N, HL), h.dtype)
    gates = h @ W_ih.T + h0 @ W_hh.T + b_ih + b_hh
    i, f, g, o = jnp.split(gates, 4, axis=1)
    c = jax.nn.sigmoid(i) * jnp.tanh(g)
    hh = jax.nn.sigmoid(o) * jnp.tanh(c)
    out = hh @ W_out + b_out
    return out.squeeze(-1)

if __name__ == "__main__":
    import jax
    _d = setup_inputs()
    print(jax.jit(kernel)(*tuple(_d.values())))

</pallas_src>

<mosaic_0001>
#map = affine_map<(d0, d1) -> (0, 0, 0, 0)>
#map1 = affine_map<(d0, d1) -> (0)>
module attributes {stable_mosaic.version = 14 : i64} {
  func.func @_sc_degree_body(%arg0: i32, %arg1: i32, %arg2: memref<2x32x80x128xi32, #tpu.memory_space<hbm>>, %arg3: memref<10240xf32, #tpu.memory_space<hbm>>, %arg4: memref<10240xf32, #tpu.memory_space<hbm>>, %arg5: memref<80x128xi32, #tpu.memory_space<vmem>>, %arg6: memref<128xf32, #tpu.memory_space<vmem>>, %arg7: memref<640xf32, #tpu.memory_space<vmem>>, %arg8: memref<10240xf32, #tpu.memory_space<vmem_shared>>) attributes {dimension_semantics = [#tpu.dimension_semantics<core_parallel>, #tpu.dimension_semantics<subcore_parallel>], iteration_bounds = array<i64: 2, 16>, scalar_prefetch = 0 : i64, scratch_operands = 4 : i64, tpu.core_type = #tpu.core_type<sc_vector_subcore>, window_params = [{transform_indices = #map}, {transform_indices = #map1}, {transform_indices = #map1}]} {
    %mul3A = arith.constant 16 : i32
    %mul3A_0 = arith.muli %arg0, %mul3A : i32
    %add3A = arith.addi %mul3A_0, %arg1 : i32
    %run_scoped3A = arith.constant 1 : i32
    "tpu.region"() ({
      %run_scoped3A_58 = tpu.sem_alloc : memref<!tpu.dma_semaphore, #tpu.memory_space<semaphore_mem>>
      %dma_start3A = arith.constant 0 : i32
      %dma_start3A_59 = arith.constant 0 : i32
      %dma_start3A_60 = tpu.memref_slice %arg2[%run_scoped3A, %add3A, %dma_start3A, %dma_start3A_59] : memref<2x32x80x128xi32, #tpu.memory_space<hbm>> -> memref<1x1x80x128xi32, #tpu.memory_space<hbm>>
      %dma_start3A_61 = tpu.memref_squeeze %dma_start3A_60 : memref<1x1x80x128xi32, #tpu.memory_space<hbm>> -> memref<80x128xi32, #tpu.memory_space<hbm>>
      %dma_start3A_62 = arith.constant 0 : i32
      %dma_start3A_63 = arith.constant 0 : i32
      %dma_start3A_64 = tpu.memref_slice %arg2[%run_scoped3A, %add3A, %dma_start3A_62, %dma_start3A_63] : memref<2x32x80x128xi32, #tpu.memory_space<hbm>> -> memref<1x1x80x128xi32, #tpu.memory_space<hbm>>
      %dma_start3A_65 = tpu.memref_squeeze %dma_start3A_64 : memref<1x1x80x128xi32, #tpu.memory_space<hbm>> -> memref<80x128xi32, #tpu.memory_space<hbm>>
      tpu.enqueue_dma source(%dma_start3A_65 : memref<80x128xi32, #tpu.memory_space<hbm>>) target(%arg5 : memref<80x128xi32, #tpu.memory_space<vmem>>) target_semaphore(%run_scoped3A_58 : memref<!tpu.dma_semaphore, #tpu.memory_space<semaphore_mem>>)
      %dma_wait3A = arith.constant 0 : i32
      %dma_wait3A_66 = arith.constant 0 : i32
      %dma_wait3A_67 = tpu.memref_slice %arg2[%run_scoped3A, %add3A, %dma_wait3A, %dma_wait3A_66] : memref<2x32x80x128xi32, #tpu.memory_space<hbm>> -> memref<1x1x80x128xi32, #tpu.memory_space<hbm>>
      %dma_wait3A_68 = tpu.memref_squeeze %dma_wait3A_67 : memref<1x1x80x128xi32, #tpu.memory_space<hbm>> -> memref<80x128xi32, #tpu.memory_space<hbm>>
      %dma_wait3A_69 = arith.constant 0 : i32
      %dma_wait3A_70 = arith.constant 0 : i32
      %dma_wait3A_71 = tpu.memref_slice %arg2[%run_scoped3A, %add3A, %dma_wait3A_69, %dma_wait3A_70] : memref<2x32x80x128xi32, #tpu.memory_space<hbm>> -> memref<1x1x80x128xi32, #tpu.memory_space<hbm>>
      %dma_wait3A_72 = tpu.memref_squeeze %dma_wait3A_71 : memref<1x1x80x128xi32, #tpu.memory_space<hbm>> -> memref<80x128xi32, #tpu.memory_space<hbm>>
      tpu.wait_dma2 semaphore(%run_scoped3A_58 : memref<!tpu.dma_semaphore, #tpu.memory_space<semaphore_mem>>) src(%dma_wait3A_72 : memref<80x128xi32, #tpu.memory_space<hbm>>) dst(%arg5 : memref<80x128xi32, #tpu.memory_space<vmem>>)
      tpu.yield
    }) : () -> ()
    %broadcast_in_dim3A = arith.constant 1.000000e+00 : f32
    %broadcast_in_dim3A_1 = vector.broadcast %broadcast_in_dim3A : f32 to vector<16xf32>
    %swap3A = arith.constant 0 : index
    %swap3A_2 = tpu.vector_load %arg6[%swap3A] {strides = array<i32>} : memref<128xf32, #tpu.memory_space<vmem>>, vector<16xf32>,
    %swap3A_3 = vector.shape_cast %swap3A_2 : vector<16xf32> to vector<16xf32>
    %swap3A_4 = vector.shape_cast %broadcast_in_dim3A_1 : vector<16xf32> to vector<16xf32>
    tpu.vector_store %arg6[%swap3A], %swap3A_4 {strides = array<i32>} : memref<128xf32, #tpu.memory_space<vmem>>, vector<16xf32>,
    %swap3A_5 = arith.constant 16 : index
    %swap3A_6 = tpu.vector_load %arg6[%swap3A_5] {strides = array<i32>} : memref<128xf32, #tpu.memory_space<vmem>>, vector<16xf32>,
    %swap3A_7 = vector.shape_cast %swap3A_6 : vector<16xf32> to vector<16xf32>
    %swap3A_8 = vector.shape_cast %broadcast_in_dim3A_1 : vector<16xf32> to vector<16xf32>
    tpu.vector_store %arg6[%swap3A_5], %swap3A_8 {strides = array<i32>} : memref<128xf32, #tpu.memory_space<vmem>>, vector<16xf32>,
    %swap3A_9 = arith.constant 32 : index
    %swap3A_10 = tpu.vector_load %arg6[%swap3A_9] {strides = array<i32>} : memref<128xf32, #tpu.memory_space<vmem>>, vector<16xf32>,
    %swap3A_11 = vector.shape_cast %swap3A_10 : vector<16xf32> to vector<16xf32>
    %swap3A_12 = vector.shape_cast %broadcast_in_dim3A_1 : vector<16xf32> to vector<16xf32>
    tpu.vector_store %arg6[%swap3A_9], %swap3A_12 {strides = array<i32>} : memref<128xf32, #tpu.memory_space<vmem>>, vector<16xf32>,
    %swap3A_13 = arith.constant 48 : index
    %swap3A_14 = tpu.vector_load %arg6[%swap3A_13] {strides = array<i32>} : memref<128xf32, #tpu.memory_space<vmem>>, vector<16xf32>,
    %swap3A_15 = vector.shape_cast %swap3A_14 : vector<16xf32> to vector<16xf32>
    %swap3A_16 = vector.shape_cast %broadcast_in_dim3A_1 : vector<16xf32> to vector<16xf32>
    tpu.vector_store %arg6[%swap3A_13], %swap3A_16 {strides = array<i32>} : memref<128xf32, #tpu.memory_space<vmem>>, vector<16xf32>,
    %swap3A_17 = arith.constant 64 : index
    %swap3A_18 = tpu.vector_load %arg6[%swap3A_17] {strides = array<i32>} : memref<128xf32, #tpu.memory_space<vmem>>, vector<16xf32>,
    %swap3A_19 = vector.shape_cast %swap3A_18 : vector<16xf32> to vector<16xf32>
    %swap3A_20 = vector.shape_cast %broadcast_in_dim3A_1 : vector<16xf32> to vector<16xf32>
    tpu.vector_store %arg6[%swap3A_17], %swap3A_20 {strides = array<i32>} : memref<128xf32, #tpu.memory_space<vmem>>, vector<16xf32>,
    %swap3A_21 = arith.constant 80 : index
    %swap3A_22 = tpu.vector_load %arg6[%swap3A_21] {strides = array<i32>} : memref<128xf32, #tpu.memory_space<vmem>>, vector<16xf32>,
    %swap3A_23 = vector.shape_cast %swap3A_22 : vector<16xf32> to vector<16xf32>
    %swap3A_24 = vector.shape_cast %broadcast_in_dim3A_1 : vector<16xf32> to vector<16xf32>
    tpu.vector_store %arg6[%swap3A_21], %swap3A_24 {strides = array<i32>} : memref<128xf32, #tpu.memory_space<vmem>>, vector<16xf32>,
    %swap3A_25 = arith.constant 96 : index
    %swap3A_26 = tpu.vector_load %arg6[%swap3A_25] {strides = array<i32>} : memref<128xf32, #tpu.memory_space<vmem>>, vector<16xf32>,
    %swap3A_27 = vector.shape_cast %swap3A_26 : vector<16xf32> to vector<16xf32>
    %swap3A_28 = vector.shape_cast %broadcast_in_dim3A_1 : vector<16xf32> to vector<16xf32>
    tpu.vector_store %arg6[%swap3A_25], %swap3A_28 {strides = array<i32>} : memref<128xf32, #tpu.memory_space<vmem>>, vector<16xf32>,
    %swap3A_29 = arith.constant 112 : index
    %swap3A_30 = tpu.vector_load %arg6[%swap3A_29] {strides = array<i32>} : memref<128xf32, #tpu.memory_space<vmem>>, vector<16xf32>,
    %swap3A_31 = vector.shape_cast %swap3A_30 : vector<16xf32> to vector<16xf32>
    %swap3A_32 = vector.shape_cast %broadcast_in_dim3A_1 : vector<16xf32> to vector<16xf32>
    tpu.vector_store %arg6[%swap3A_29], %swap3A_32 {strides = array<i32>} : memref<128xf32, #tpu.memory_space<vmem>>, vector<16xf32>,
    %broadcast_in_dim3A_33 = arith.constant 0.000000e+00 : f32
    %broadcast_in_dim3A_34 = vector.broadcast %broadcast_in_dim3A_33 : f32 to vector<16xf32>
    %scan3A = arith.constant 0 : i32
    %scan3A_35 = arith.constant 0 : i32
    %scan3A_36 = arith.constant 40 : i32
    %scan3A_37 = arith.addi %scan3A_35, %scan3A_36 : i32
    %scan3A_38 = arith.constant 1 : i32
    scf.for %scan3A_58 = %scan3A_35 to %scan3A_37 step %scan3A_38  : i32 {
      %mul3A_59 = arith.constant 16 : i32
      %mul3A_60 = arith.muli %scan3A_58, %mul3A_59 : i32
      %swap3A_61 = arith.index_cast %mul3A_60 : i32 to index
      %swap3A_62 = tpu.vector_load %arg7[%swap3A_61] {strides = array<i32>} : memref<640xf32, #tpu.memory_space<vmem>>, vector<16xf32>,
      %swap3A_63 = vector.shape_cast %swap3A_62 : vector<16xf32> to vector<16xf32>
      %swap3A_64 = vector.shape_cast %broadcast_in_dim3A_34 : vector<16xf32> to vector<16xf32>
      tpu.vector_store %arg7[%swap3A_61], %swap3A_64 {strides = array<i32>} : memref<640xf32, #tpu.memory_space<vmem>>, vector<16xf32>,
    }
    %scan3A_39 = arith.constant 40 : i32
    %mul3A_40 = arith.constant 640 : i32
    %mul3A_41 = arith.muli %arg1, %mul3A_40 : i32
    "tpu.region"() ({
      %run_scoped3A_58 = tpu.sem_alloc : memref<!tpu.dma_semaphore, #tpu.memory_space<semaphore_mem>>
      %dma_start3A = tpu.memref_slice %arg8[%mul3A_41] : memref<10240xf32, #tpu.memory_space<vmem_shared>> -> memref<640xf32, #tpu.memory_space<vmem_shared>>
      %dma_start3A_59 = tpu.memref_slice %arg8[%mul3A_41] : memref<10240xf32, #tpu.memory_space<vmem_shared>> -> memref<640xf32, #tpu.memory_space<vmem_shared>>
      tpu.enqueue_dma source(%arg7 : memref<640xf32, #tpu.memory_space<vmem>>) target(%dma_start3A_59 : memref<640xf32, #tpu.memory_space<vmem_shared>>) target_semaphore(%run_scoped3A_58 : memref<!tpu.dma_semaphore, #tpu.memory_space<semaphore_mem>>)
      %dma_wait3A = tpu.memref_slice %arg8[%mul3A_41] : memref<10240xf32, #tpu.memory_space<vmem_shared>> -> memref<640xf32, #tpu.memory_space<vmem_shared>>
      %dma_wait3A_60 = tpu.memref_slice %arg8[%mul3A_41] : memref<10240xf32, #tpu.memory_space<vmem_shared>> -> memref<640xf32, #tpu.memory_space<vmem_shared>>
      tpu.wait_dma2 semaphore(%run_scoped3A_58 : memref<!tpu.dma_semaphore, #tpu.memory_space<semaphore_mem>>) src(%arg7 : memref<640xf32, #tpu.memory_space<vmem>>) dst(%dma_wait3A_60 : memref<640xf32, #tpu.memory_space<vmem_shared>>)
      tpu.yield
    }) : () -> ()
    %barrier3A = arith.constant 0 : index
    tpu.barrier barrier_id(%barrier3A)
    %scan3A_42 = arith.constant 0 : i32
    %scan3A_43 = arith.constant 0 : i32
    %scan3A_44 = arith.constant 80 : i32
    %scan3A_45 = arith.addi %scan3A_43, %scan3A_44 : i32
    %scan3A_46 = arith.constant 1 : i32
    scf.for %scan3A_58 = %scan3A_43 to %scan3A_45 step %scan3A_46  : i32 {
      "tpu.region"() ({
        %run_scoped3A_59 = tpu.sem_alloc : memref<!tpu.dma_semaphore, #tpu.memory_space<semaphore_mem>>
        %dma_start3A = arith.constant 0 : i32
        %dma_start3A_60 = tpu.memref_slice %arg5[%scan3A_58, %dma_start3A] : memref<80x128xi32, #tpu.memory_space<vmem>> -> memref<1x128xi32, #tpu.memory_space<vmem>>
        %dma_start3A_61 = tpu.memref_squeeze %dma_start3A_60 : memref<1x128xi32, #tpu.memory_space<vmem>> -> memref<128xi32, #tpu.memory_space<vmem>>
        %dma_start3A_62 = arith.constant 0 : i32
        %dma_start3A_63 = tpu.memref_slice %arg8[%dma_start3A_62] : memref<10240xf32, #tpu.memory_space<vmem_shared>> -> memref<10240xf32, #tpu.memory_space<vmem_shared>>
        tpu.enqueue_indirect_dma source(%arg6 : memref<128xf32, #tpu.memory_space<vmem>>) target(%dma_start3A_63 : memref<10240xf32, #tpu.memory_space<vmem_shared>>) offsets(%dma_start3A_61 : memref<128xi32, #tpu.memory_space<vmem>>) semaphore(%run_scoped3A_59 : memref<!tpu.dma_semaphore, #tpu.memory_space<semaphore_mem>>) {add = true}
        %dma_wait3A = arith.constant 0 : i32
        %dma_wait3A_64 = tpu.memref_slice %arg5[%scan3A_58, %dma_wait3A] : memref<80x128xi32, #tpu.memory_space<vmem>> -> memref<1x128xi32, #tpu.memory_space<vmem>>
        %dma_wait3A_65 = tpu.memref_squeeze %dma_wait3A_64 : memref<1x128xi32, #tpu.memory_space<vmem>> -> memref<128xi32, #tpu.memory_space<vmem>>
        %dma_wait3A_66 = arith.constant 0 : i32
        %dma_wait3A_67 = tpu.memref_slice %arg8[%dma_wait3A_66] : memref<10240xf32, #tpu.memory_space<vmem_shared>> -> memref<10240xf32, #tpu.memory_space<vmem_shared>>
        tpu.wait_indirect_dma semaphore(%run_scoped3A_59 : memref<!tpu.dma_semaphore, #tpu.memory_space<semaphore_mem>>) src(%arg6 : memref<128xf32, #tpu.memory_space<vmem>>) dst(%dma_wait3A_67 : memref<10240xf32, #tpu.memory_space<vmem_shared>>)
        tpu.yield
      }) : () -> ()
    }
    %scan3A_47 = arith.constant 80 : i32
    %barrier3A_48 = arith.constant 0 : index
    tpu.barrier barrier_id(%barrier3A_48)
    %mul3A_49 = arith.constant 640 : i32
    %mul3A_50 = arith.muli %arg1, %mul3A_49 : i32
    "tpu.region"() ({
      %run_scoped3A_58 = tpu.sem_alloc : memref<!tpu.dma_semaphore, #tpu.memory_space<semaphore_mem>>
      %dma_start3A = tpu.memref_slice %arg8[%mul3A_50] : memref<10240xf32, #tpu.memory_space<vmem_shared>> -> memref<640xf32, #tpu.memory_space<vmem_shared>>
      %dma_start3A_59 = tpu.memref_slice %arg8[%mul3A_50] : memref<10240xf32, #tpu.memory_space<vmem_shared>> -> memref<640xf32, #tpu.memory_space<vmem_shared>>
      tpu.enqueue_dma source(%dma_start3A_59 : memref<640xf32, #tpu.memory_space<vmem_shared>>) target(%arg7 : memref<640xf32, #tpu.memory_space<vmem>>) target_semaphore(%run_scoped3A_58 : memref<!tpu.dma_semaphore, #tpu.memory_space<semaphore_mem>>)
      %dma_wait3A = tpu.memref_slice %arg8[%mul3A_50] : memref<10240xf32, #tpu.memory_space<vmem_shared>> -> memref<640xf32, #tpu.memory_space<vmem_shared>>
      %dma_wait3A_60 = tpu.memref_slice %arg8[%mul3A_50] : memref<10240xf32, #tpu.memory_space<vmem_shared>> -> memref<640xf32, #tpu.memory_space<vmem_shared>>
      tpu.wait_dma2 semaphore(%run_scoped3A_58 : memref<!tpu.dma_semaphore, #tpu.memory_space<semaphore_mem>>) src(%dma_wait3A_60 : memref<640xf32, #tpu.memory_space<vmem_shared>>) dst(%arg7 : memref<640xf32, #tpu.memory_space<vmem>>)
      tpu.yield
    }) : () -> ()
    %eq3A = arith.constant 0 : i32
    %eq3A_51 = arith.cmpi eq, %arg0, %eq3A : i32
    %convert_element_type3A = arith.extui %eq3A_51 : i1 to i32
    %cond3A = arith.constant 0 : i32
    %cond3A_52 = arith.cmpi ne, %convert_element_type3A, %cond3A : i32
    scf.if %cond3A_52 {
      %mul3A_58 = arith.constant 640 : i32
      %mul3A_59 = arith.muli %arg1, %mul3A_58 : i32
      "tpu.region"() ({
        %run_scoped3A_60 = tpu.sem_alloc : memref<!tpu.dma_semaphore, #tpu.memory_space<semaphore_mem>>
        %dma_start3A = tpu.memref_slice %arg3[%mul3A_59] : memref<10240xf32, #tpu.memory_space<hbm>> -> memref<640xf32, #tpu.memory_space<hbm>>
        %dma_start3A_61 = tpu.memref_slice %arg3[%mul3A_59] : memref<10240xf32, #tpu.memory_space<hbm>> -> memref<640xf32, #tpu.memory_space<hbm>>
        tpu.enqueue_dma source(%arg7 : memref<640xf32, #tpu.memory_space<vmem>>) target(%dma_start3A_61 : memref<640xf32, #tpu.memory_space<hbm>>) target_semaphore(%run_scoped3A_60 : memref<!tpu.dma_semaphore, #tpu.memory_space<semaphore_mem>>)
        %dma_wait3A = tpu.memref_slice %arg3[%mul3A_59] : memref<10240xf32, #tpu.memory_space<hbm>> -> memref<640xf32, #tpu.memory_space<hbm>>
        %dma_wait3A_62 = tpu.memref_slice %arg3[%mul3A_59] : memref<10240xf32, #tpu.memory_space<hbm>> -> memref<640xf32, #tpu.memory_space<hbm>>
        tpu.wait_dma2 semaphore(%run_scoped3A_60 : memref<!tpu.dma_semaphore, #tpu.memory_space<semaphore_mem>>) src(%arg7 : memref<640xf32, #tpu.memory_space<vmem>>) dst(%dma_wait3A_62 : memref<640xf32, #tpu.memory_space<hbm>>)
        tpu.yield
      }) : () -> ()
    } else {
    }
    %eq3A_53 = arith.constant 1 : i32
    %eq3A_54 = arith.cmpi eq, %arg0, %eq3A_53 : i32
    %convert_element_type3A_55 = arith.extui %eq3A_54 : i1 to i32
    %cond3A_56 = arith.constant 0 : i32
    %cond3A_57 = arith.cmpi ne, %convert_element_type3A_55, %cond3A_56 : i32
    scf.if %cond3A_57 {
      %mul3A_58 = arith.constant 640 : i32
      %mul3A_59 = arith.muli %arg1, %mul3A_58 : i32
      "tpu.region"() ({
        %run_scoped3A_60 = tpu.sem_alloc : memref<!tpu.dma_semaphore, #tpu.memory_space<semaphore_mem>>
        %dma_start3A = tpu.memref_slice %arg4[%mul3A_59] : memref<10240xf32, #tpu.memory_space<hbm>> -> memref<640xf32, #tpu.memory_space<hbm>>
        %dma_start3A_61 = tpu.memref_slice %arg4[%mul3A_59] : memref<10240xf32, #tpu.memory_space<hbm>> -> memref<640xf32, #tpu.memory_space<hbm>>
        tpu.enqueue_dma source(%arg7 : memref<640xf32, #tpu.memory_space<vmem>>) target(%dma_start3A_61 : memref<640xf32, #tpu.memory_space<hbm>>) target_semaphore(%run_scoped3A_60 : memref<!tpu.dma_semaphore, #tpu.memory_space<semaphore_mem>>)
        %dma_wait3A = tpu.memref_slice %arg4[%mul3A_59] : memref<10240xf32, #tpu.memory_space<hbm>> -> memref<640xf32, #tpu.memory_space<hbm>>
        %dma_wait3A_62 = tpu.memref_slice %arg4[%mul3A_59] : memref<10240xf32, #tpu.memory_space<hbm>> -> memref<640xf32, #tpu.memory_space<hbm>>
        tpu.wait_dma2 semaphore(%run_scoped3A_60 : memref<!tpu.dma_semaphore, #tpu.memory_space<semaphore_mem>>) src(%arg7 : memref<640xf32, #tpu.memory_space<vmem>>) dst(%dma_wait3A_62 : memref<640xf32, #tpu.memory_space<hbm>>)
        tpu.yield
      }) : () -> ()
    } else {
    }
    return
  }
}

#map = affine_map<(d0, d1) -> (0, 0)>
#map1 = affine_map<(d0, d1) -> (0, 0, 0, 0)>
module attributes {stable_mosaic.version = 14 : i64} {
  func.func @sc_msgpass_f16(%arg0: i32, %arg1: i32, %arg2: memref<10000x16xf32, #tpu.memory_space<hbm>>, %arg3: memref<2x32x80x128xi32, #tpu.memory_space<hbm>>, %arg4: memref<10240x16xf32, #tpu.memory_space<hbm>>, %arg5: memref<10240x16xf32, #tpu.memory_space<hbm>>, %arg6: memref<80x128xi32, #tpu.memory_space<vmem>>, %arg7: memref<80x128xi32, #tpu.memory_space<vmem>>, %arg8: memref<2x8x128x16xf32, #tpu.memory_space<vmem>>, %arg9: memref<640x16xf32, #tpu.memory_space<vmem>>, %arg10: memref<10240x16xf32, #tpu.memory_space<vmem_shared>>, %arg11: memref<!tpu.dma_semaphore, #tpu.memory_space<semaphore_mem>>, %arg12: memref<!tpu.dma_semaphore, #tpu.memory_space<semaphore_mem>>, %arg13: memref<!tpu.dma_semaphore, #tpu.memory_space<semaphore_mem>>, %arg14: memref<!tpu.dma_semaphore, #tpu.memory_space<semaphore_mem>>, %arg15: memref<!tpu.dma_semaphore, #tpu.memory_space<semaphore_mem>>, %arg16: memref<!tpu.dma_semaphore, #tpu.memory_space<semaphore_mem>>, %arg17: memref<!tpu.dma_semaphore, #tpu.memory_space<semaphore_mem>>, %arg18: memref<!tpu.dma_semaphore, #tpu.memory_space<semaphore_mem>>, %arg19: memref<!tpu.dma_semaphore, #tpu.memory_space<semaphore_mem>>, %arg20: memref<!tpu.dma_semaphore, #tpu.memory_space<semaphore_mem>>, %arg21: memref<!tpu.dma_semaphore, #tpu.memory_space<semaphore_mem>>, %arg22: memref<!tpu.dma_semaphore, #tpu.memory_space<semaphore_mem>>, %arg23: memref<!tpu.dma_semaphore, #tpu.memory_space<semaphore_mem>>, %arg24: memref<!tpu.dma_semaphore, #tpu.memory_space<semaphore_mem>>, %arg25: memref<!tpu.dma_semaphore, #tpu.memory_space<semaphore_mem>>, %arg26: memref<!tpu.dma_semaphore, #tpu.memory_space<semaphore_mem>>) attributes {dimension_semantics = [#tpu.dimension_semantics<core_parallel>, #tpu.dimension_semantics<subcore_parallel>], iteration_bounds = array<i64: 2, 16>, scalar_prefetch = 0 : i64, scratch_operands = 21 : i64, tpu.core_type = #tpu.core_type<sc_vector_subcore>, window_params = [{transform_indices = #map}, {transform_indices = #map1}, {transform_indices = #map}, {transform_indices = #map}]} {
    %mul3A = arith.constant 16 : i32
    %mul3A_0 = arith.muli %arg0, %mul3A : i32
    %add3A = arith.addi %mul3A_0, %arg1 : i32
    %run_scoped3A = arith.constant 0 : i32
    "tpu.region"() ({
      %run_scoped3A_129 = tpu.sem_alloc : memref<!tpu.dma_semaphore, #tpu.memory_space<semaphore_mem>>
      %dma_start3A_130 = arith.constant 0 : i32
      %dma_start3A_131 = arith.constant 0 : i32
      %dma_start3A_132 = tpu.memref_slice %arg3[%run_scoped3A, %add3A, %dma_start3A_130, %dma_start3A_131] : memref<2x32x80x128xi32, #tpu.memory_space<hbm>> -> memref<1x1x80x128xi32, #tpu.memory_space<hbm>>
      %dma_start3A_133 = tpu.memref_squeeze %dma_start3A_132 : memref<1x1x80x128xi32, #tpu.memory_space<hbm>> -> memref<80x128xi32, #tpu.memory_space<hbm>>
      %dma_start3A_134 = arith.constant 0 : i32
      %dma_start3A_135 = arith.constant 0 : i32
      %dma_start3A_136 = tpu.memref_slice %arg3[%run_scoped3A, %add3A, %dma_start3A_134, %dma_start3A_135] : memref<2x32x80x128xi32, #tpu.memory_space<hbm>> -> memref<1x1x80x128xi32, #tpu.memory_space<hbm>>
      %dma_start3A_137 = tpu.memref_squeeze %dma_start3A_136 : memref<1x1x80x128xi32, #tpu.memory_space<hbm>> -> memref<80x128xi32, #tpu.memory_space<hbm>>
      tpu.enqueue_dma source(%dma_start3A_137 : memref<80x128xi32, #tpu.memory_space<hbm>>) target(%arg6 : memref<80x128xi32, #tpu.memory_space<vmem>>) target_semaphore(%run_scoped3A_129 : memref<!tpu.dma_semaphore, #tpu.memory_space<semaphore_mem>>)
      %dma_wait3A = arith.constant 0 : i32
      %dma_wait3A_138 = arith.constant 0 : i32
      %dma_wait3A_139 = tpu.memref_slice %arg3[%run_scoped3A, %add3A, %dma_wait3A, %dma_wait3A_138] : memref<2x32x80x128xi32, #tpu.memory_space<hbm>> -> memref<1x1x80x128xi32, #tpu.memory_space<hbm>>
      %dma_wait3A_140 = tpu.memref_squeeze %dma_wait3A_139 : memref<1x1x80x128xi32, #tpu.memory_space<hbm>> -> memref<80x128xi32, #tpu.memory_space<hbm>>
      %dma_wait3A_141 = arith.constant 0 : i32
      %dma_wait3A_142 = arith.constant 0 : i32
      %dma_wait3A_143 = tpu.memref_slice %arg3[%run_scoped3A, %add3A, %dma_wait3A_141, %dma_wait3A_142] : memref<2x32x80x128xi32, #tpu.memory_space<hbm>> -> memref<1x1x80x128xi32, #tpu.memory_space<hbm>>
      %dma_wait3A_144 = tpu.memref_squeeze %dma_wait3A_143 : memref<1x1x80x128xi32, #tpu.memory_space<hbm>> -> memref<80x128xi32, #tpu.memory_space<hbm>>
      tpu.wait_dma2 semaphore(%run_scoped3A_129 : memref<!tpu.dma_semaphore, #tpu.memory_space<semaphore_mem>>) src(%dma_wait3A_144 : memref<80x128xi32, #tpu.memory_space<hbm>>) dst(%arg6 : memref<80x128xi32, #tpu.memory_space<vmem>>)
      tpu.yield
    }) : () -> ()
    %run_scoped3A_1 = arith.constant 1 : i32
    "tpu.region"() ({
      %run_scoped3A_129 = tpu.sem_alloc : memref<!tpu.dma_semaphore, #tpu.memory_space<semaphore_mem>>
      %dma_start3A_130 = arith.constant 0 : i32
      %dma_start3A_131 = arith.constant 0 : i32
      %dma_start3A_132 = tpu.memref_slice %arg3[%run_scoped3A_1, %add3A, %dma_start3A_130, %dma_start3A_131] : memref<2x32x80x128xi32, #tpu.memory_space<hbm>> -> memref<1x1x80x128xi32, #tpu.memory_space<hbm>>
      %dma_start3A_133 = tpu.memref_squeeze %dma_start3A_132 : memref<1x1x80x128xi32, #tpu.memory_space<hbm>> -> memref<80x128xi32, #tpu.memory_space<hbm>>
      %dma_start3A_134 = arith.constant 0 : i32
      %dma_start3A_135 = arith.constant 0 : i32
      %dma_start3A_136 = tpu.memref_slice %arg3[%run_scoped3A_1, %add3A, %dma_start3A_134, %dma_start3A_135] : memref<2x32x80x128xi32, #tpu.memory_space<hbm>> -> memref<1x1x80x128xi32, #tpu.memory_space<hbm>>
      %dma_start3A_137 = tpu.memref_squeeze %dma_start3A_136 : memref<1x1x80x128xi32, #tpu.memory_space<hbm>> -> memref<80x128xi32, #tpu.memory_space<hbm>>
      tpu.enqueue_dma source(%dma_start3A_137 : memref<80x128xi32, #tpu.memory_space<hbm>>) target(%arg7 : memref<80x128xi32, #tpu.memory_space<vmem>>) target_semaphore(%run_scoped3A_129 : memref<!tpu.dma_semaphore, #tpu.memory_space<semaphore_mem>>)
      %dma_wait3A = arith.constant 0 : i32
      %dma_wait3A_138 = arith.constant 0 : i32
      %dma_wait3A_139 = tpu.memref_slice %arg3[%run_scoped3A_1, %add3A, %dma_wait3A, %dma_wait3A_138] : memref<2x32x80x128xi32, #tpu.memory_space<hbm>> -> memref<1x1x80x128xi32, #tpu.memory_space<hbm>>
      %dma_wait3A_140 = tpu.memref_squeeze %dma_wait3A_139 : memref<1x1x80x128xi32, #tpu.memory_space<hbm>> -> memref<80x128xi32, #tpu.memory_space<hbm>>
      %dma_wait3A_141 = arith.constant 0 : i32
      %dma_wait3A_142 = arith.constant 0 : i32
      %dma_wait3A_143 = tpu.memref_slice %arg3[%run_scoped3A_1, %add3A, %dma_wait3A_141, %dma_wait3A_142] : memref<2x32x80x128xi32, #tpu.memory_space<hbm>> -> memref<1x1x80x128xi32, #tpu.memory_space<hbm>>
      %dma_wait3A_144 = tpu.memref_squeeze %dma_wait3A_143 : memref<1x1x80x128xi32, #tpu.memory_space<hbm>> -> memref<80x128xi32, #tpu.memory_space<hbm>>
      tpu.wait_dma2 semaphore(%run_scoped3A_129 : memref<!tpu.dma_semaphore, #tpu.memory_space<semaphore_mem>>) src(%dma_wait3A_144 : memref<80x128xi32, #tpu.memory_space<hbm>>) dst(%arg7 : memref<80x128xi32, #tpu.memory_space<vmem>>)
      tpu.yield
    }) : () -> ()
    %broadcast_in_dim3A = arith.constant 0.000000e+00 : f32
    %broadcast_in_dim3A_2 = vector.broadcast %broadcast_in_dim3A : f32 to vector<16xf32>
    %scan3A = arith.constant 0 : i32
    %scan3A_3 = arith.constant 0 : i32
    %scan3A_4 = arith.constant 640 : i32
    %scan3A_5 = arith.addi %scan3A_3, %scan3A_4 : i32
    %scan3A_6 = arith.constant 1 : i32
    scf.for %scan3A_129 = %scan3A_3 to %scan3A_5 step %scan3A_6  : i32 {
      %swap3A = arith.index_cast %scan3A_129 : i32 to index
      %swap3A_130 = arith.constant 0 : index
      %swap3A_131 = tpu.vector_load %arg9[%swap3A, %swap3A_130] {strides = array<i32>} : memref<640x16xf32, #tpu.memory_space<vmem>>, vector<1x16xf32>,
      %swap3A_132 = vector.shape_cast %swap3A_131 : vector<1x16xf32> to vector<16xf32>
      %swap3A_133 = vector.shape_cast %broadcast_in_dim3A_2 : vector<16xf32> to vector<1x16xf32>
      tpu.vector_store %arg9[%swap3A, %swap3A_130], %swap3A_133 {strides = array<i32>} : memref<640x16xf32, #tpu.memory_space<vmem>>, vector<1x16xf32>,
    }
    %scan3A_7 = arith.constant 640 : i32
    %mul3A_8 = arith.constant 640 : i32
    %mul3A_9 = arith.muli %arg1, %mul3A_8 : i32
    "tpu.region"() ({
      %run_scoped3A_129 = tpu.sem_alloc : memref<!tpu.dma_semaphore, #tpu.memory_space<semaphore_mem>>
      %dma_start3A_130 = arith.constant 0 : i32
      %dma_start3A_131 = tpu.memref_slice %arg10[%mul3A_9, %dma_start3A_130] : memref<10240x16xf32, #tpu.memory_space<vmem_shared>> -> memref<640x16xf32, #tpu.memory_space<vmem_shared>>
      %dma_start3A_132 = arith.constant 0 : i32
      %dma_start3A_133 = tpu.memref_slice %arg10[%mul3A_9, %dma_start3A_132] : memref<10240x16xf32, #tpu.memory_space<vmem_shared>> -> memref<640x16xf32, #tpu.memory_space<vmem_shared>>
      tpu.enqueue_dma source(%arg9 : memref<640x16xf32, #tpu.memory_space<vmem>>) target(%dma_start3A_133 : memref<640x16xf32, #tpu.memory_space<vmem_shared>>) target_semaphore(%run_scoped3A_129 : memref<!tpu.dma_semaphore, #tpu.memory_space<semaphore_mem>>)
      %dma_wait3A = arith.constant 0 : i32
      %dma_wait3A_134 = tpu.memref_slice %arg10[%mul3A_9, %dma_wait3A] : memref<10240x16xf32, #tpu.memory_space<vmem_shared>> -> memref<640x16xf32, #tpu.memory_space<vmem_shared>>
      %dma_wait3A_135 = arith.constant 0 : i32
      %dma_wait3A_136 = tpu.memref_slice %arg10[%mul3A_9, %dma_wait3A_135] : memref<10240x16xf32, #tpu.memory_space<vmem_shared>> -> memref<640x16xf32, #tpu.memory_space<vmem_shared>>
      tpu.wait_dma2 semaphore(%run_scoped3A_129 : memref<!tpu.dma_semaphore, #tpu.memory_space<semaphore_mem>>) src(%arg9 : memref<640x16xf32, #tpu.memory_space<vmem>>) dst(%dma_wait3A_136 : memref<640x16xf32, #tpu.memory_space<vmem_shared>>)
      tpu.yield
    }) : () -> ()
    %barrier3A = arith.constant 0 : index
    tpu.barrier barrier_id(%barrier3A)
    %dma_start3A = arith.constant 0 : i32
    %dma_start3A_10 = arith.constant 0 : i32
    %dma_start3A_11 = arith.constant 0 : i32
    %dma_start3A_12 = arith.constant 0 : i32
    %dma_start3A_13 = arith.constant 0 : i32
    %dma_start3A_14 = tpu.memref_slice %arg8[%dma_start3A_10, %dma_start3A_11, %dma_start3A_12, %dma_start3A_13] : memref<2x8x128x16xf32, #tpu.memory_space<vmem>> -> memref<1x1x128x16xf32, #tpu.memory_space<vmem>>
    %dma_start3A_15 = tpu.memref_squeeze %dma_start3A_14 : memref<1x1x128x16xf32, #tpu.memory_space<vmem>> -> memref<128x16xf32, #tpu.memory_space<vmem>>
    %dma_start3A_16 = arith.constant 0 : i32
    %dma_start3A_17 = tpu.memref_slice %arg6[%dma_start3A, %dma_start3A_16] : memref<80x128xi32, #tpu.memory_space<vmem>> -> memref<1x128xi32, #tpu.memory_space<vmem>>
    %dma_start3A_18 = tpu.memref_squeeze %dma_start3A_17 : memref<1x128xi32, #tpu.memory_space<vmem>> -> memref<128xi32, #tpu.memory_space<vmem>>
    %dma_start3A_19 = arith.constant 0 : i32
    %dma_start3A_20 = arith.constant 0 : i32
    %dma_start3A_21 = tpu.memref_slice %arg2[%dma_start3A_19, %dma_start3A_20] : memref<10000x16xf32, #tpu.memory_space<hbm>> -> memref<10000x16xf32, #tpu.memory_space<hbm>>
    tpu.enqueue_indirect_dma source(%dma_start3A_21 : memref<10000x16xf32, #tpu.memory_space<hbm>>) target(%dma_start3A_15 : memref<128x16xf32, #tpu.memory_space<vmem>>) offsets(%dma_start3A_18 : memref<128xi32, #tpu.memory_space<vmem>>) semaphore(%arg11 : memref<!tpu.dma_semaphore, #tpu.memory_space<semaphore_mem>>)
    %dma_start3A_22 = arith.constant 1 : i32
    %dma_start3A_23 = arith.constant 0 : i32
    %dma_start3A_24 = arith.constant 1 : i32
    %dma_start3A_25 = arith.constant 0 : i32
    %dma_start3A_26 = arith.constant 0 : i32
    %dma_start3A_27 = tpu.memref_slice %arg8[%dma_start3A_23, %dma_start3A_24, %dma_start3A_25, %dma_start3A_26] : memref<2x8x128x16xf32, #tpu.memory_space<vmem>> -> memref<1x1x128x16xf32, #tpu.memory_space<vmem>>
    %dma_start3A_28 = tpu.memref_squeeze %dma_start3A_27 : memref<1x1x128x16xf32, #tpu.memory_space<vmem>> -> memref<128x16xf32, #tpu.memory_space<vmem>>
    %dma_start3A_29 = arith.constant 0 : i32
    %dma_start3A_30 = tpu.memref_slice %arg6[%dma_start3A_22, %dma_start3A_29] : memref<80x128xi32, #tpu.memory_space<vmem>> -> memref<1x128xi32, #tpu.memory_space<vmem>>
    %dma_start3A_31 = tpu.memref_squeeze %dma_start3A_30 : memref<1x128xi32, #tpu.memory_space<vmem>> -> memref<128xi32, #tpu.memory_space<vmem>>
    %dma_start3A_32 = arith.constant 0 : i32
    %dma_start3A_33 = arith.constant 0 : i32
    %dma_start3A_34 = tpu.memref_slice %arg2[%dma_start3A_32, %dma_start3A_33] : memref<10000x16xf32, #tpu.memory_space<hbm>> -> memref<10000x16xf32, #tpu.memory_space<hbm>>
    tpu.enqueue_indirect_dma source(%dma_start3A_34 : memref<10000x16xf32, #tpu.memory_space<hbm>>) target(%dma_start3A_28 : memref<128x16xf32, #tpu.memory_space<vmem>>) offsets(%dma_start3A_31 : memref<128xi32, #tpu.memory_space<vmem>>) semaphore(%arg12 : memref<!tpu.dma_semaphore, #tpu.memory_space<semaphore_mem>>)
    %dma_start3A_35 = arith.constant 2 : i32
    %dma_start3A_36 = arith.constant 0 : i32
    %dma_start3A_37 = arith.constant 2 : i32
    %dma_start3A_38 = arith.constant 0 : i32
    %dma_start3A_39 = arith.constant 0 : i32
    %dma_start3A_40 = tpu.memref_slice %arg8[%dma_start3A_36, %dma_start3A_37, %dma_start3A_38, %dma_start3A_39] : memref<2x8x128x16xf32, #tpu.memory_space<vmem>> -> memref<1x1x128x16xf32, #tpu.memory_space<vmem>>
    %dma_start3A_41 = tpu.memref_squeeze %dma_start3A_40 : memref<1x1x128x16xf32, #tpu.memory_space<vmem>> -> memref<128x16xf32, #tpu.memory_space<vmem>>
    %dma_start3A_42 = arith.constant 0 : i32
    %dma_start3A_43 = tpu.memref_slice %arg6[%dma_start3A_35, %dma_start3A_42] : memref<80x128xi32, #tpu.memory_space<vmem>> -> memref<1x128xi32, #tpu.memory_space<vmem>>
    %dma_start3A_44 = tpu.memref_squeeze %dma_start3A_43 : memref<1x128xi32, #tpu.memory_space<vmem>> -> memref<128xi32, #tpu.memory_space<vmem>>
    %dma_start3A_45 = arith.constant 0 : i32
    %dma_start3A_46 = arith.constant 0 : i32
    %dma_start3A_47 = tpu.memref_slice %arg2[%dma_start3A_45, %dma_start3A_46] : memref<10000x16xf32, #tpu.memory_space<hbm>> -> memref<10000x16xf32, #tpu.memory_space<hbm>>
    tpu.enqueue_indirect_dma source(%dma_start3A_47 : memref<10000x16xf32, #tpu.memory_space<hbm>>) target(%dma_start3A_41 : memref<128x16xf32, #tpu.memory_space<vmem>>) offsets(%dma_start3A_44 : memref<128xi32, #tpu.memory_space<vmem>>) semaphore(%arg13 : memref<!tpu.dma_semaphore, #tpu.memory_space<semaphore_mem>>)
    %dma_start3A_48 = arith.constant 3 : i32
    %dma_start3A_49 = arith.constant 0 : i32
    %dma_start3A_50 = arith.constant 3 : i32
    %dma_start3A_51 = arith.constant 0 : i32
    %dma_start3A_52 = arith.constant 0 : i32
    %dma_start3A_53 = tpu.memref_slice %arg8[%dma_start3A_49, %dma_start3A_50, %dma_start3A_51, %dma_start3A_52] : memref<2x8x128x16xf32, #tpu.memory_space<vmem>> -> memref<1x1x128x16xf32, #tpu.memory_space<vmem>>
    %dma_start3A_54 = tpu.memref_squeeze %dma_start3A_53 : memref<1x1x128x16xf32, #tpu.memory_space<vmem>> -> memref<128x16xf32, #tpu.memory_space<vmem>>
    %dma_start3A_55 = arith.constant 0 : i32
    %dma_start3A_56 = tpu.memref_slice %arg6[%dma_start3A_48, %dma_start3A_55] : memref<80x128xi32, #tpu.memory_space<vmem>> -> memref<1x128xi32, #tpu.memory_space<vmem>>
    %dma_start3A_57 = tpu.memref_squeeze %dma_start3A_56 : memref<1x128xi32, #tpu.memory_space<vmem>> -> memref<128xi32, #tpu.memory_space<vmem>>
    %dma_start3A_58 = arith.constant 0 : i32
    %dma_start3A_59 = arith.constant 0 : i32
    %dma_start3A_60 = tpu.memref_slice %arg2[%dma_start3A_58, %dma_start3A_59] : memref<10000x16xf32, #tpu.memory_space<hbm>> -> memref<10000x16xf32, #tpu.memory_space<hbm>>
    tpu.enqueue_indirect_dma source(%dma_start3A_60 : memref<10000x16xf32, #tpu.memory_space<hbm>>) target(%dma_start3A_54 : memref<128x16xf32, #tpu.memory_space<vmem>>) offsets(%dma_start3A_57 : memref<128xi32, #tpu.memory_space<vmem>>) semaphore(%arg14 : memref<!tpu.dma_semaphore, #tpu.memory_space<semaphore_mem>>)
    %dma_start3A_61 = arith.constant 4 : i32
    %dma_start3A_62 = arith.constant 0 : i32
    %dma_start3A_63 = arith.constant 4 : i32
    %dma_start3A_64 = arith.constant 0 : i32
    %dma_start3A_65 = arith.constant 0 : i32
    %dma_start3A_66 = tpu.memref_slice %arg8[%dma_start3A_62, %dma_start3A_63, %dma_start3A_64, %dma_start3A_65] : memref<2x8x128x16xf32, #tpu.memory_space<vmem>> -> memref<1x1x128x16xf32, #tpu.memory_space<vmem>>
    %dma_start3A_67 = tpu.memref_squeeze %dma_start3A_66 : memref<1x1x128x16xf32, #tpu.memory_space<vmem>> -> memref<128x16xf32, #tpu.memory_space<vmem>>
    %dma_start3A_68 = arith.constant 0 : i32
    %dma_start3A_69 = tpu.memref_slice %arg6[%dma_start3A_61, %dma_start3A_68] : memref<80x128xi32, #tpu.memory_space<vmem>> -> memref<1x128xi32, #tpu.memory_space<vmem>>
    %dma_start3A_70 = tpu.memref_squeeze %dma_start3A_69 : memref<1x128xi32, #tpu.memory_space<vmem>> -> memref<128xi32, #tpu.memory_space<vmem>>
    %dma_start3A_71 = arith.constant 0 : i32
    %dma_start3A_72 = arith.constant 0 : i32
    %dma_start3A_73 = tpu.memref_slice %arg2[%dma_start3A_71, %dma_start3A_72] : memref<10000x16xf32, #tpu.memory_space<hbm>> -> memref<10000x16xf32, #tpu.memory_space<hbm>>
    tpu.enqueue_indirect_dma source(%dma_start3A_73 : memref<10000x16xf32, #tpu.memory_space<hbm>>) target(%dma_start3A_67 : memref<128x16xf32, #tpu.memory_space<vmem>>) offsets(%dma_start3A_70 : memref<128xi32, #tpu.memory_space<vmem>>) semaphore(%arg15 : memref<!tpu.dma_semaphore, #tpu.memory_space<semaphore_mem>>)
    %dma_start3A_74 = arith.constant 5 : i32
    %dma_start3A_75 = arith.constant 0 : i32
    %dma_start3A_76 = arith.constant 5 : i32
    %dma_start3A_77 = arith.constant 0 : i32
    %dma_start3A_78 = arith.constant 0 : i32
    %dma_start3A_79 = tpu.memref_slice %arg8[%dma_start3A_75, %dma_start3A_76, %dma_start3A_77, %dma_start3A_78] : memref<2x8x128x16xf32, #tpu.memory_space<vmem>> -> memref<1x1x128x16xf32, #tpu.memory_space<vmem>>
    %dma_start3A_80 = tpu.memref_squeeze %dma_start3A_79 : memref<1x1x128x16xf32, #tpu.memory_space<vmem>> -> memref<128x16xf32, #tpu.memory_space<vmem>>
    %dma_start3A_81 = arith.constant 0 : i32
    %dma_start3A_82 = tpu.memref_slice %arg6[%dma_start3A_74, %dma_start3A_81] : memref<80x128xi32, #tpu.memory_space<vmem>> -> memref<1x128xi32, #tpu.memory_space<vmem>>
    %dma_start3A_83 = tpu.memref_squeeze %dma_start3A_82 : memref<1x128xi32, #tpu.memory_space<vmem>> -> memref<128xi32, #tpu.memory_space<vmem>>
    %dma_start3A_84 = arith.constant 0 : i32
    %dma_start3A_85 = arith.constant 0 : i32
    %dma_start3A_86 = tpu.memref_slice %arg2[%dma_start3A_84, %dma_start3A_85] : memref<10000x16xf32, #tpu.memory_space<hbm>> -> memref<10000x16xf32, #tpu.memory_space<hbm>>
    tpu.enqueue_indirect_dma source(%dma_start3A_86 : memref<10000x16xf32, #tpu.memory_space<hbm>>) target(%dma_start3A_80 : memref<128x16xf32, #tpu.memory_space<vmem>>) offsets(%dma_start3A_83 : memref<128xi32, #tpu.memory_space<vmem>>) semaphore(%arg16 : memref<!tpu.dma_semaphore, #tpu.memory_space<semaphore_mem>>)
    %dma_start3A_87 = arith.constant 6 : i32
    %dma_start3A_88 = arith.constant 0 : i32
    %dma_start3A_89 = arith.constant 6 : i32
    %dma_start3A_90 = arith.constant 0 : i32
    %dma_start3A_91 = arith.constant 0 : i32
    %dma_start3A_92 = tpu.memref_slice %arg8[%dma_start3A_88, %dma_start3A_89, %dma_start3A_90, %dma_start3A_91] : memref<2x8x128x16xf32, #tpu.memory_space<vmem>> -> memref<1x1x128x16xf32, #tpu.memory_space<vmem>>
    %dma_start3A_93 = tpu.memref_squeeze %dma_start3A_92 : memref<1x1x128x16xf32, #tpu.memory_space<vmem>> -> memref<128x16xf32, #tpu.memory_space<vmem>>
    %dma_start3A_94 = arith.constant 0 : i32
    %dma_start3A_95 = tpu.memref_slice %arg6[%dma_start3A_87, %dma_start3A_94] : memref<80x128xi32, #tpu.memory_space<vmem>> -> memref<1x128xi32, #tpu.memory_space<vmem>>
    %dma_start3A_96 = tpu.memref_squeeze %dma_start3A_95 : memref<1x128xi32, #tpu.memory_space<vmem>> -> memref<128xi32, #tpu.memory_space<vmem>>
    %dma_start3A_97 = arith.constant 0 : i32
    %dma_start3A_98 = arith.constant 0 : i32
    %dma_start3A_99 = tpu.memref_slice %arg2[%dma_start3A_97, %dma_start3A_98] : memref<10000x16xf32, #tpu.memory_space<hbm>> -> memref<10000x16xf32, #tpu.memory_space<hbm>>
    tpu.enqueue_indirect_dma source(%dma_start3A_99 : memref<10000x16xf32, #tpu.memory_space<hbm>>) target(%dma_start3A_93 : memref<128x16xf32, #tpu.memory_space<vmem>>) offsets(%dma_start3A_96 : memref<128xi32, #tpu.memory_space<vmem>>) semaphore(%arg17 : memref<!tpu.dma_semaphore, #tpu.memory_space<semaphore_mem>>)
    %dma_start3A_100 = arith.constant 7 : i32
    %dma_start3A_101 = arith.constant 0 : i32
    %dma_start3A_102 = arith.constant 7 : i32
    %dma_start3A_103 = arith.constant 0 : i32
    %dma_start3A_104 = arith.constant 0 : i32
    %dma_start3A_105 = tpu.memref_slice %arg8[%dma_start3A_101, %dma_start3A_102, %dma_start3A_103, %dma_start3A_104] : memref<2x8x128x16xf32, #tpu.memory_space<vmem>> -> memref<1x1x128x16xf32, #tpu.memory_space<vmem>>
    %dma_start3A_106 = tpu.memref_squeeze %dma_start3A_105 : memref<1x1x128x16xf32, #tpu.memory_space<vmem>> -> memref<128x16xf32, #tpu.memory_space<vmem>>
    %dma_start3A_107 = arith.constant 0 : i32
    %dma_start3A_108 = tpu.memref_slice %arg6[%dma_start3A_100, %dma_start3A_107] : memref<80x128xi32, #tpu.memory_space<vmem>> -> memref<1x128xi32, #tpu.memory_space<vmem>>
    %dma_start3A_109 = tpu.memref_squeeze %dma_start3A_108 : memref<1x128xi32, #tpu.memory_space<vmem>> -> memref<128xi32, #tpu.memory_space<vmem>>
    %dma_start3A_110 = arith.constant 0 : i32
    %dma_start3A_111 = arith.constant 0 : i32
    %dma_start3A_112 = tpu.memref_slice %arg2[%dma_start3A_110, %dma_start3A_111] : memref<10000x16xf32, #tpu.memory_space<hbm>> -> memref<10000x16xf32, #tpu.memory_space<hbm>>
    tpu.enqueue_indirect_dma source(%dma_start3A_112 : memref<10000x16xf32, #tpu.memory_space<hbm>>) target(%dma_start3A_106 : memref<128x16xf32, #tpu.memory_space<vmem>>) offsets(%dma_start3A_109 : memref<128xi32, #tpu.memory_space<vmem>>) semaphore(%arg18 : memref<!tpu.dma_semaphore, #tpu.memory_space<semaphore_mem>>)
    %scan3A_113 = arith.constant 0 : i32
    %scan3A_114 = arith.constant 0 : i32
    %scan3A_115 = arith.constant 5 : i32
    %scan3A_116 = arith.addi %scan3A_114, %scan3A_115 : i32
    %scan3A_117 = arith.constant 1 : i32
    scf.for %scan3A_129 = %scan3A_114 to %scan3A_116 step %scan3A_117  : i32 {
      %mul3A_130 = arith.constant 2 : i32
      %mul3A_131 = arith.muli %scan3A_129, %mul3A_130 : i32
      %add3A_132 = arith.constant 0 : i32
      %add3A_133 = arith.addi %mul3A_131, %add3A_132 : i32
      %add3A_134 = arith.constant 1 : i32
      %add3A_135 = arith.addi %add3A_133, %add3A_134 : i32
      %lt3A = arith.constant 10 : i32
      %lt3A_136 = arith.cmpi slt, %add3A_135, %lt3A : i32
      %convert_element_type3A_137 = arith.extui %lt3A_136 : i1 to i32
      %cond3A_138 = arith.constant 0 : i32
      %cond3A_139 = arith.cmpi ne, %convert_element_type3A_137, %cond3A_138 : i32
      scf.if %cond3A_139 {
        %add3A_502 = arith.constant 1 : i32
        %add3A_503 = arith.addi %add3A_133, %add3A_502 : i32
        %mul3A_504 = arith.constant 8 : i32
        %mul3A_505 = arith.muli %add3A_503, %mul3A_504 : i32
        %add3A_506 = arith.constant 0 : i32
        %add3A_507 = arith.addi %mul3A_505, %add3A_506 : i32
        %dma_start3A_508 = arith.constant 1 : i32
        %dma_start3A_509 = arith.constant 0 : i32
        %dma_start3A_510 = arith.constant 0 : i32
        %dma_start3A_511 = arith.constant 0 : i32
        %dma_start3A_512 = tpu.memref_slice %arg8[%dma_start3A_508, %dma_start3A_509, %dma_start3A_510, %dma_start3A_511] : memref<2x8x128x16xf32, #tpu.memory_space<vmem>> -> memref<1x1x128x16xf32, #tpu.memory_space<vmem>>
        %dma_start3A_513 = tpu.memref_squeeze %dma_start3A_512 : memref<1x1x128x16xf32, #tpu.memory_space<vmem>> -> memref<128x16xf32, #tpu.memory_space<vmem>>
        %dma_start3A_514 = arith.constant 0 : i32
        %dma_start3A_515 = tpu.memref_slice %arg6[%add3A_507, %dma_start3A_514] : memref<80x128xi32, #tpu.memory_space<vmem>> -> memref<1x128xi32, #tpu.memory_space<vmem>>
        %dma_start3A_516 = tpu.memref_squeeze %dma_start3A_515 : memref<1x128xi32, #tpu.memory_space<vmem>> -> memref<128xi32, #tpu.memory_space<vmem>>
        %dma_start3A_517 = arith.constant 0 : i32
        %dma_start3A_518 = arith.constant 0 : i32
        %dma_start3A_519 = tpu.memref_slice %arg2[%dma_start3A_517, %dma_start3A_518] : memref<10000x16xf32, #tpu.memory_space<hbm>> -> memref<10000x16xf32, #tpu.memory_space<hbm>>
        tpu.enqueue_indirect_dma source(%dma_start3A_519 : memref<10000x16xf32, #tpu.memory_space<hbm>>) target(%dma_start3A_513 : memref<128x16xf32, #tpu.memory_space<vmem>>) offsets(%dma_start3A_516 : memref<128xi32, #tpu.memory_space<vmem>>) semaphore(%arg19 : memref<!tpu.dma_semaphore, #tpu.memory_space<semaphore_mem>>)
        %add3A_520 = arith.constant 1 : i32
        %add3A_521 = arith.addi %add3A_133, %add3A_520 : i32
        %mul3A_522 = arith.constant 8 : i32
        %mul3A_523 = arith.muli %add3A_521, %mul3A_522 : i32
        %add3A_524 = arith.constant 1 : i32
        %add3A_525 = arith.addi %mul3A_523, %add3A_524 : i32
        %dma_start3A_526 = arith.constant 1 : i32
        %dma_start3A_527 = arith.constant 1 : i32
        %dma_start3A_528 = arith.constant 0 : i32
        %dma_start3A_529 = arith.constant 0 : i32
        %dma_start3A_530 = tpu.memref_slice %arg8[%dma_start3A_526, %dma_start3A_527, %dma_start3A_528, %dma_start3A_529] : memref<2x8x128x16xf32, #tpu.memory_space<vmem>> -> memref<1x1x128x16xf32, #tpu.memory_space<vmem>>
        %dma_start3A_531 = tpu.memref_squeeze %dma_start3A_530 : memref<1x1x128x16xf32, #tpu.memory_space<vmem>> -> memref<128x16xf32, #tpu.memory_space<vmem>>
        %dma_start3A_532 = arith.constant 0 : i32
        %dma_start3A_533 = tpu.memref_slice %arg6[%add3A_525, %dma_start3A_532] : memref<80x128xi32, #tpu.memory_space<vmem>> -> memref<1x128xi32, #tpu.memory_space<vmem>>
        %dma_start3A_534 = tpu.memref_squeeze %dma_start3A_533 : memref<1x128xi32, #tpu.memory_space<vmem>> -> memref<128xi32, #tpu.memory_space<vmem>>
        %dma_start3A_535 = arith.constant 0 : i32
        %dma_start3A_536 = arith.constant 0 : i32
        %dma_start3A_537 = tpu.memref_slice %arg2[%dma_start3A_535, %dma_start3A_536] : memref<10000x16xf32, #tpu.memory_space<hbm>> -> memref<10000x16xf32, #tpu.memory_space<hbm>>
        tpu.enqueue_indirect_dma source(%dma_start3A_537 : memref<10000x16xf32, #tpu.memory_space<hbm>>) target(%dma_start3A_531 : memref<128x16xf32, #tpu.memory_space<vmem>>) offsets(%dma_start3A_534 : memref<128xi32, #tpu.memory_space<vmem>>) semaphore(%arg20 : memref<!tpu.dma_semaphore, #tpu.memory_space<semaphore_mem>>)
        %add3A_538 = arith.constant 1 : i32
        %add3A_539 = arith.addi %add3A_133, %add3A_538 : i32
        %mul3A_540 = arith.constant 8 : i32
        %mul3A_541 = arith.muli %add3A_539, %mul3A_540 : i32
        %add3A_542 = arith.constant 2 : i32
        %add3A_543 = arith.addi %mul3A_541, %add3A_542 : i32
        %dma_start3A_544 = arith.constant 1 : i32
        %dma_start3A_545 = arith.constant 2 : i32
        %dma_start3A_546 = arith.constant 0 : i32
        %dma_start3A_547 = arith.constant 0 : i32
        %dma_start3A_548 = tpu.memref_slice %arg8[%dma_start3A_544, %dma_start3A_545, %dma_start3A_546, %dma_start3A_547] : memref<2x8x128x16xf32, #tpu.memory_space<vmem>> -> memref<1x1x128x16xf32, #tpu.memory_space<vmem>>
        %dma_start3A_549 = tpu.memref_squeeze %dma_start3A_548 : memref<1x1x128x16xf32, #tpu.memory_space<vmem>> -> memref<128x16xf32, #tpu.memory_space<vmem>>
        %dma_start3A_550 = arith.constant 0 : i32
        %dma_start3A_551 = tpu.memref_slice %arg6[%add3A_543, %dma_start3A_550] : memref<80x128xi32, #tpu.memory_space<vmem>> -> memref<1x128xi32, #tpu.memory_space<vmem>>
        %dma_start3A_552 = tpu.memref_squeeze %dma_start3A_551 : memref<1x128xi32, #tpu.memory_space<vmem>> -> memref<128xi32, #tpu.memory_space<vmem>>
        %dma_start3A_553 = arith.constant 0 : i32
        %dma_start3A_554 = arith.constant 0 : i32
        %dma_start3A_555 = tpu.memref_slice %arg2[%dma_start3A_553, %dma_start3A_554] : memref<10000x16xf32, #tpu.memory_space<hbm>> -> memref<10000x16xf32, #tpu.memory_space<hbm>>
        tpu.enqueue_indirect_dma source(%dma_start3A_555 : memref<10000x16xf32, #tpu.memory_space<hbm>>) target(%dma_start3A_549 : memref<128x16xf32, #tpu.memory_space<vmem>>) offsets(%dma_start3A_552 : memref<128xi32, #tpu.memory_space<vmem>>) semaphore(%arg21 : memref<!tpu.dma_semaphore, #tpu.memory_space<semaphore_mem>>)
        %add3A_556 = arith.constant 1 : i32
        %add3A_557 = arith.addi %add3A_133, %add3A_556 : i32
        %mul3A_558 = arith.constant 8 : i32
        %mul3A_559 = arith.muli %add3A_557, %mul3A_558 : i32
        %add3A_560 = arith.constant 3 : i32
        %add3A_561 = arith.addi %mul3A_559, %add3A_560 : i32
        %dma_start3A_562 = arith.constant 1 : i32
        %dma_start3A_563 = arith.constant 3 : i32
        %dma_start3A_564 = arith.constant 0 : i32
        %dma_start3A_565 = arith.constant 0 : i32
        %dma_start3A_566 = tpu.memref_slice %arg8[%dma_start3A_562, %dma_start3A_563, %dma_start3A_564, %dma_start3A_565] : memref<2x8x128x16xf32, #tpu.memory_space<vmem>> -> memref<1x1x128x16xf32, #tpu.memory_space<vmem>>
        %dma_start3A_567 = tpu.memref_squeeze %dma_start3A_566 : memref<1x1x128x16xf32, #tpu.memory_space<vmem>> -> memref<128x16xf32, #tpu.memory_space<vmem>>
        %dma_start3A_568 = arith.constant 0 : i32
        %dma_start3A_569 = tpu.memref_slice %arg6[%add3A_561, %dma_start3A_568] : memref<80x128xi32, #tpu.memory_space<vmem>> -> memref<1x128xi32, #tpu.memory_space<vmem>>
        %dma_start3A_570 = tpu.memref_squeeze %dma_start3A_569 : memref<1x128xi32, #tpu.memory_space<vmem>> -> memref<128xi32, #tpu.memory_space<vmem>>
        %dma_start3A_571 = arith.constant 0 : i32
        %dma_start3A_572 = arith.constant 0 : i32
        %dma_start3A_573 = tpu.memref_slice %arg2[%dma_start3A_571, %dma_start3A_572] : memref<10000x16xf32, #tpu.memory_space<hbm>> -> memref<10000x16xf32, #tpu.memory_space<hbm>>
        tpu.enqueue_indirect_dma source(%dma_start3A_573 : memref<10000x16xf32, #tpu.memory_space<hbm>>) target(%dma_start3A_567 : memref<128x16xf32, #tpu.memory_space<vmem>>) offsets(%dma_start3A_570 : memref<128xi32, #tpu.memory_space<vmem>>) semaphore(%arg22 : memref<!tpu.dma_semaphore, #tpu.memory_space<semaphore_mem>>)
        %add3A_574 = arith.constant 1 : i32
        %add3A_575 = arith.addi %add3A_133, %add3A_574 : i32
        %mul3A_576 = arith.constant 8 : i32
        %mul3A_577 = arith.muli %add3A_575, %mul3A_576 : i32
        %add3A_578 = arith.constant 4 : i32
        %add3A_579 = arith.addi %mul3A_577, %add3A_578 : i32
        %dma_start3A_580 = arith.constant 1 : i32
        %dma_start3A_581 = arith.constant 4 : i32
        %dma_start3A_582 = arith.constant 0 : i32
        %dma_start3A_583 = arith.constant 0 : i32
        %dma_start3A_584 = tpu.memref_slice %arg8[%dma_start3A_580, %dma_start3A_581, %dma_start3A_582, %dma_start3A_583] : memref<2x8x128x16xf32, #tpu.memory_space<vmem>> -> memref<1x1x128x16xf32, #tpu.memory_space<vmem>>
        %dma_start3A_585 = tpu.memref_squeeze %dma_start3A_584 : memref<1x1x128x16xf32, #tpu.memory_space<vmem>> -> memref<128x16xf32, #tpu.memory_space<vmem>>
        %dma_start3A_586 = arith.constant 0 : i32
        %dma_start3A_587 = tpu.memref_slice %arg6[%add3A_579, %dma_start3A_586] : memref<80x128xi32, #tpu.memory_space<vmem>> -> memref<1x128xi32, #tpu.memory_space<vmem>>
        %dma_start3A_588 = tpu.memref_squeeze %dma_start3A_587 : memref<1x128xi32, #tpu.memory_space<vmem>> -> memref<128xi32, #tpu.memory_space<vmem>>
        %dma_start3A_589 = arith.constant 0 : i32
        %dma_start3A_590 = arith.constant 0 : i32
        %dma_start3A_591 = tpu.memref_slice %arg2[%dma_start3A_589, %dma_start3A_590] : memref<10000x16xf32, #tpu.memory_space<hbm>> -> memref<10000x16xf32, #tpu.memory_space<hbm>>
        tpu.enqueue_indirect_dma source(%dma_start3A_591 : memref<10000x16xf32, #tpu.memory_space<hbm>>) target(%dma_start3A_585 : memref<128x16xf32, #tpu.memory_space<vmem>>) offsets(%dma_start3A_588 : memref<128xi32, #tpu.memory_space<vmem>>) semaphore(%arg23 : memref<!tpu.dma_semaphore, #tpu.memory_space<semaphore_mem>>)
        %add3A_592 = arith.constant 1 : i32
        %add3A_593 = arith.addi %add3A_133, %add3A_592 : i32
        %mul3A_594 = arith.constant 8 : i32
        %mul3A_595 = arith.muli %add3A_593, %mul3A_594 : i32
        %add3A_596 = arith.constant 5 : i32
        %add3A_597 = arith.addi %mul3A_595, %add3A_596 : i32
        %dma_start3A_598 = arith.constant 1 : i32
        %dma_start3A_599 = arith.constant 5 : i32
        %dma_start3A_600 = arith.constant 0 : i32
        %dma_start3A_601 = arith.constant 0 : i32
        %dma_start3A_602 = tpu.memref_slice %arg8[%dma_start3A_598, %dma_start3A_599, %dma_start3A_600, %dma_start3A_601] : memref<2x8x128x16xf32, #tpu.memory_space<vmem>> -> memref<1x1x128x16xf32, #tpu.memory_space<vmem>>
        %dma_start3A_603 = tpu.memref_squeeze %dma_start3A_602 : memref<1x1x128x16xf32, #tpu.memory_space<vmem>> -> memref<128x16xf32, #tpu.memory_space<vmem>>
        %dma_start3A_604 = arith.constant 0 : i32
        %dma_start3A_605 = tpu.memref_slice %arg6[%add3A_597, %dma_start3A_604] : memref<80x128xi32, #tpu.memory_space<vmem>> -> memref<1x128xi32, #tpu.memory_space<vmem>>
        %dma_start3A_606 = tpu.memref_squeeze %dma_start3A_605 : memref<1x128xi32, #tpu.memory_space<vmem>> -> memref<128xi32, #tpu.memory_space<vmem>>
        %dma_start3A_607 = arith.constant 0 : i32
        %dma_start3A_608 = arith.constant 0 : i32
        %dma_start3A_609 = tpu.memref_slice %arg2[%dma_start3A_607, %dma_start3A_608] : memref<10000x16xf32, #tpu.memory_space<hbm>> -> memref<10000x16xf32, #tpu.memory_space<hbm>>
        tpu.enqueue_indirect_dma source(%dma_start3A_609 : memref<10000x16xf32, #tpu.memory_space<hbm>>) target(%dma_start3A_603 : memref<128x16xf32, #tpu.memory_space<vmem>>) offsets(%dma_start3A_606 : memref<128xi32, #tpu.memory_space<vmem>>) semaphore(%arg24 : memref<!tpu.dma_semaphore, #tpu.memory_space<semaphore_mem>>)
        %add3A_610 = arith.constant 1 : i32
        %add3A_611 = arith.addi %add3A_133, %add3A_610 : i32
        %mul3A_612 = arith.constant 8 : i32
        %mul3A_613 = arith.muli %add3A_611, %mul3A_612 : i32
        %add3A_614 = arith.constant 6 : i32
        %add3A_615 = arith.addi %mul3A_613, %add3A_614 : i32
        %dma_start3A_616 = arith.constant 1 : i32
        %dma_start3A_617 = arith.constant 6 : i32
        %dma_start3A_618 = arith.constant 0 : i32
        %dma_start3A_619 = arith.constant 0 : i32
        %dma_start3A_620 = tpu.memref_slice %arg8[%dma_start3A_616, %dma_start3A_617, %dma_start3A_618, %dma_start3A_619] : memref<2x8x128x16xf32, #tpu.memory_space<vmem>> -> memref<1x1x128x16xf32, #tpu.memory_space<vmem>>
        %dma_start3A_621 = tpu.memref_squeeze %dma_start3A_620 : memref<1x1x128x16xf32, #tpu.memory_space<vmem>> -> memref<128x16xf32, #tpu.memory_space<vmem>>
        %dma_start3A_622 = arith.constant 0 : i32
        %dma_start3A_623 = tpu.memref_slice %arg6[%add3A_615, %dma_start3A_622] : memref<80x128xi32, #tpu.memory_space<vmem>> -> memref<1x128xi32, #tpu.memory_space<vmem>>
        %dma_start3A_624 = tpu.memref_squeeze %dma_start3A_623 : memref<1x128xi32, #tpu.memory_space<vmem>> -> memref<128xi32, #tpu.memory_space<vmem>>
        %dma_start3A_625 = arith.constant 0 : i32
        %dma_start3A_626 = arith.constant 0 : i32
        %dma_start3A_627 = tpu.memref_slice %arg2[%dma_start3A_625, %dma_start3A_626] : memref<10000x16xf32, #tpu.memory_space<hbm>> -> memref<10000x16xf32, #tpu.memory_space<hbm>>
        tpu.enqueue_indirect_dma source(%dma_start3A_627 : memref<10000x16xf32, #tpu.memory_space<hbm>>) target(%dma_start3A_621 : memref<128x16xf32, #tpu.memory_space<vmem>>) offsets(%dma_start3A_624 : memref<128xi32, #tpu.memory_space<vmem>>) semaphore(%arg25 : memref<!tpu.dma_semaphore, #tpu.memory_space<semaphore_mem>>)
        %add3A_628 = arith.constant 1 : i32
        %add3A_629 = arith.addi %add3A_133, %add3A_628 : i32
        %mul3A_630 = arith.constant 8 : i32
        %mul3A_631 = arith.muli %add3A_629, %mul3A_630 : i32
        %add3A_632 = arith.constant 7 : i32
        %add3A_633 = arith.addi %mul3A_631, %add3A_632 : i32
        %dma_start3A_634 = arith.constant 1 : i32
        %dma_start3A_635 = arith.constant 7 : i32
        %dma_start3A_636 = arith.constant 0 : i32
        %dma_start3A_637 = arith.constant 0 : i32
        %dma_start3A_638 = tpu.memref_slice %arg8[%dma_start3A_634, %dma_start3A_635, %dma_start3A_636, %dma_start3A_637] : memref<2x8x128x16xf32, #tpu.memory_space<vmem>> -> memref<1x1x128x16xf32, #tpu.memory_space<vmem>>
        %dma_start3A_639 = tpu.memref_squeeze %dma_start3A_638 : memref<1x1x128x16xf32, #tpu.memory_space<vmem>> -> memref<128x16xf32, #tpu.memory_space<vmem>>
        %dma_start3A_640 = arith.constant 0 : i32
        %dma_start3A_641 = tpu.memref_slice %arg6[%add3A_633, %dma_start3A_640] : memref<80x128xi32, #tpu.memory_space<vmem>> -> memref<1x128xi32, #tpu.memory_space<vmem>>
        %dma_start3A_642 = tpu.memref_squeeze %dma_start3A_641 : memref<1x128xi32, #tpu.memory_space<vmem>> -> memref<128xi32, #tpu.memory_space<vmem>>
        %dma_start3A_643 = arith.constant 0 : i32
        %dma_start3A_644 = arith.constant 0 : i32
        %dma_start3A_645 = tpu.memref_slice %arg2[%dma_start3A_643, %dma_start3A_644] : memref<10000x16xf32, #tpu.memory_space<hbm>> -> memref<10000x16xf32, #tpu.memory_space<hbm>>
        tpu.enqueue_indirect_dma source(%dma_start3A_645 : memref<10000x16xf32, #tpu.memory_space<hbm>>) target(%dma_start3A_639 : memref<128x16xf32, #tpu.memory_space<vmem>>) offsets(%dma_start3A_642 : memref<128xi32, #tpu.memory_space<vmem>>) semaphore(%arg26 : memref<!tpu.dma_semaphore, #tpu.memory_space<semaphore_mem>>)
      } else {
      }
      %mul3A_140 = arith.constant 8 : i32
      %mul3A_141 = arith.muli %add3A_133, %mul3A_140 : i32
      %add3A_142 = arith.constant 0 : i32
      %add3A_143 = arith.addi %mul3A_141, %add3A_142 : i32
      %dma_wait3A = arith.constant 0 : i32
      %dma_wait3A_144 = arith.constant 0 : i32
      %dma_wait3A_145 = arith.constant 0 : i32
      %dma_wait3A_146 = arith.constant 0 : i32
      %dma_wait3A_147 = tpu.memref_slice %arg8[%dma_wait3A, %dma_wait3A_144, %dma_wait3A_145, %dma_wait3A_146] : memref<2x8x128x16xf32, #tpu.memory_space<vmem>> -> memref<1x1x128x16xf32, #tpu.memory_space<vmem>>
      %dma_wait3A_148 = tpu.memref_squeeze %dma_wait3A_147 : memref<1x1x128x16xf32, #tpu.memory_space<vmem>> -> memref<128x16xf32, #tpu.memory_space<vmem>>
      %dma_wait3A_149 = arith.constant 0 : i32
      %dma_wait3A_150 = tpu.memref_slice %arg6[%add3A_143, %dma_wait3A_149] : memref<80x128xi32, #tpu.memory_space<vmem>> -> memref<1x128xi32, #tpu.memory_space<vmem>>
      %dma_wait3A_151 = tpu.memref_squeeze %dma_wait3A_150 : memref<1x128xi32, #tpu.memory_space<vmem>> -> memref<128xi32, #tpu.memory_space<vmem>>
      %dma_wait3A_152 = arith.constant 0 : i32
      %dma_wait3A_153 = arith.constant 0 : i32
      %dma_wait3A_154 = tpu.memref_slice %arg2[%dma_wait3A_152, %dma_wait3A_153] : memref<10000x16xf32, #tpu.memory_space<hbm>> -> memref<10000x16xf32, #tpu.memory_space<hbm>>
      tpu.wait_indirect_dma semaphore(%arg11 : memref<!tpu.dma_semaphore, #tpu.memory_space<semaphore_mem>>) src(%dma_wait3A_154 : memref<10000x16xf32, #tpu.memory_space<hbm>>) dst(%dma_wait3A_148 : memref<128x16xf32, #tpu.memory_space<vmem>>)
      %mul3A_155 = arith.constant 8 : i32
      %mul3A_156 = arith.muli %add3A_133, %mul3A_155 : i32
      %add3A_157 = arith.constant 0 : i32
      %add3A_158 = arith.addi %mul3A_156, %add3A_157 : i32
      %run_scoped3A_159 = arith.constant 0 : i32
      %run_scoped3A_160 = arith.constant 0 : i32
      "tpu.region"() ({
        %run_scoped3A_502 = tpu.sem_alloc : memref<!tpu.dma_semaphore, #tpu.memory_space<semaphore_mem>>
        %dma_start3A_503 = arith.constant 0 : i32
        %dma_start3A_504 = arith.constant 0 : i32
        %dma_start3A_505 = tpu.memref_slice %arg8[%run_scoped3A_159, %run_scoped3A_160, %dma_start3A_503, %dma_start3A_504] : memref<2x8x128x16xf32, #tpu.memory_space<vmem>> -> memref<1x1x128x16xf32, #tpu.memory_space<vmem>>
        %dma_start3A_506 = tpu.memref_squeeze %dma_start3A_505 : memref<1x1x128x16xf32, #tpu.memory_space<vmem>> -> memref<128x16xf32, #tpu.memory_space<vmem>>
        %dma_start3A_507 = arith.constant 0 : i32
        %dma_start3A_508 = tpu.memref_slice %arg7[%add3A_158, %dma_start3A_507] : memref<80x128xi32, #tpu.memory_space<vmem>> -> memref<1x128xi32, #tpu.memory_space<vmem>>
        %dma_start3A_509 = tpu.memref_squeeze %dma_start3A_508 : memref<1x128xi32, #tpu.memory_space<vmem>> -> memref<128xi32, #tpu.memory_space<vmem>>
        %dma_start3A_510 = arith.constant 0 : i32
        %dma_start3A_511 = arith.constant 0 : i32
        %dma_start3A_512 = tpu.memref_slice %arg10[%dma_start3A_510, %dma_start3A_511] : memref<10240x16xf32, #tpu.memory_space<vmem_shared>> -> memref<10240x16xf32, #tpu.memory_space<vmem_shared>>
        tpu.enqueue_indirect_dma source(%dma_start3A_506 : memref<128x16xf32, #tpu.memory_space<vmem>>) target(%dma_start3A_512 : memref<10240x16xf32, #tpu.memory_space<vmem_shared>>) offsets(%dma_start3A_509 : memref<128xi32, #tpu.memory_space<vmem>>) semaphore(%run_scoped3A_502 : memref<!tpu.dma_semaphore, #tpu.memory_space<semaphore_mem>>) {add = true}
        %dma_wait3A_513 = arith.constant 0 : i32
        %dma_wait3A_514 = arith.constant 0 : i32
        %dma_wait3A_515 = tpu.memref_slice %arg8[%run_scoped3A_159, %run_scoped3A_160, %dma_wait3A_513, %dma_wait3A_514] : memref<2x8x128x16xf32, #tpu.memory_space<vmem>> -> memref<1x1x128x16xf32, #tpu.memory_space<vmem>>
        %dma_wait3A_516 = tpu.memref_squeeze %dma_wait3A_515 : memref<1x1x128x16xf32, #tpu.memory_space<vmem>> -> memref<128x16xf32, #tpu.memory_space<vmem>>
        %dma_wait3A_517 = arith.constant 0 : i32
        %dma_wait3A_518 = tpu.memref_slice %arg7[%add3A_158, %dma_wait3A_517] : memref<80x128xi32, #tpu.memory_space<vmem>> -> memref<1x128xi32, #tpu.memory_space<vmem>>
        %dma_wait3A_519 = tpu.memref_squeeze %dma_wait3A_518 : memref<1x128xi32, #tpu.memory_space<vmem>> -> memref<128xi32, #tpu.memory_space<vmem>>
        %dma_wait3A_520 = arith.constant 0 : i32
        %dma_wait3A_521 = arith.constant 0 : i32
        %dma_wait3A_522 = tpu.memref_slice %arg10[%dma_wait3A_520, %dma_wait3A_521] : memref<10240x16xf32, #tpu.memory_space<vmem_shared>> -> memref<10240x16xf32, #tpu.memory_space<vmem_shared>>
        tpu.wait_indirect_dma semaphore(%run_scoped3A_502 : memref<!tpu.dma_semaphore, #tpu.memory_space<semaphore_mem>>) src(%dma_wait3A_516 : memref<128x16xf32, #tpu.memory_space<vmem>>) dst(%dma_wait3A_522 : memref<10240x16xf32, #tpu.memory_space<vmem_shared>>)
        tpu.yield
      }) : () -> ()
      %mul3A_161 = arith.constant 8 : i32
      %mul3A_162 = arith.muli %add3A_133, %mul3A_161 : i32
      %add3A_163 = arith.constant 1 : i32
      %add3A_164 = arith.addi %mul3A_162, %add3A_163 : i32
      %dma_wait3A_165 = arith.constant 0 : i32
      %dma_wait3A_166 = arith.constant 1 : i32
      %dma_wait3A_167 = arith.constant 0 : i32
      %dma_wait3A_168 = arith.constant 0 : i32
      %dma_wait3A_169 = tpu.memref_slice %arg8[%dma_wait3A_165, %dma_wait3A_166, %dma_wait3A_167, %dma_wait3A_168] : memref<2x8x128x16xf32, #tpu.memory_space<vmem>> -> memref<1x1x128x16xf32, #tpu.memory_space<vmem>>
      %dma_wait3A_170 = tpu.memref_squeeze %dma_wait3A_169 : memref<1x1x128x16xf32, #tpu.memory_space<vmem>> -> memref<128x16xf32, #tpu.memory_space<vmem>>
      %dma_wait3A_171 = arith.constant 0 : i32
      %dma_wait3A_172 = tpu.memref_slice %arg6[%add3A_164, %dma_wait3A_171] : memref<80x128xi32, #tpu.memory_space<vmem>> -> memref<1x128xi32, #tpu.memory_space<vmem>>
      %dma_wait3A_173 = tpu.memref_squeeze %dma_wait3A_172 : memref<1x128xi32, #tpu.memory_space<vmem>> -> memref<128xi32, #tpu.memory_space<vmem>>
      %dma_wait3A_174 = arith.constant 0 : i32
      %dma_wait3A_175 = arith.constant 0 : i32
      %dma_wait3A_176 = tpu.memref_slice %arg2[%dma_wait3A_174, %dma_wait3A_175] : memref<10000x16xf32, #tpu.memory_space<hbm>> -> memref<10000x16xf32, #tpu.memory_space<hbm>>
      tpu.wait_indirect_dma semaphore(%arg12 : memref<!tpu.dma_semaphore, #tpu.memory_space<semaphore_mem>>) src(%dma_wait3A_176 : memref<10000x16xf32, #tpu.memory_space<hbm>>) dst(%dma_wait3A_170 : memref<128x16xf32, #tpu.memory_space<vmem>>)
      %mul3A_177 = arith.constant 8 : i32
      %mul3A_178 = arith.muli %add3A_133, %mul3A_177 : i32
      %add3A_179 = arith.constant 1 : i32
      %add3A_180 = arith.addi %mul3A_178, %add3A_179 : i32
      %run_scoped3A_181 = arith.constant 0 : i32
      %run_scoped3A_182 = arith.constant 1 : i32
      "tpu.region"() ({
        %run_scoped3A_502 = tpu.sem_alloc : memref<!tpu.dma_semaphore, #tpu.memory_space<semaphore_mem>>
        %dma_start3A_503 = arith.constant 0 : i32
        %dma_start3A_504 = arith.constant 0 : i32
        %dma_start3A_505 = tpu.memref_slice %arg8[%run_scoped3A_181, %run_scoped3A_182, %dma_start3A_503, %dma_start3A_504] : memref<2x8x128x16xf32, #tpu.memory_space<vmem>> -> memref<1x1x128x16xf32, #tpu.memory_space<vmem>>
        %dma_start3A_506 = tpu.memref_squeeze %dma_start3A_505 : memref<1x1x128x16xf32, #tpu.memory_space<vmem>> -> memref<128x16xf32, #tpu.memory_space<vmem>>
        %dma_start3A_507 = arith.constant 0 : i32
        %dma_start3A_508 = tpu.memref_slice %arg7[%add3A_180, %dma_start3A_507] : memref<80x128xi32, #tpu.memory_space<vmem>> -> memref<1x128xi32, #tpu.memory_space<vmem>>
        %dma_start3A_509 = tpu.memref_squeeze %dma_start3A_508 : memref<1x128xi32, #tpu.memory_space<vmem>> -> memref<128xi32, #tpu.memory_space<vmem>>
        %dma_start3A_510 = arith.constant 0 : i32
        %dma_start3A_511 = arith.constant 0 : i32
        %dma_start3A_512 = tpu.memref_slice %arg10[%dma_start3A_510, %dma_start3A_511] : memref<10240x16xf32, #tpu.memory_space<vmem_shared>> -> memref<10240x16xf32, #tpu.memory_space<vmem_shared>>
        tpu.enqueue_indirect_dma source(%dma_start3A_506 : memref<128x16xf32, #tpu.memory_space<vmem>>) target(%dma_start3A_512 : memref<10240x16xf32, #tpu.memory_space<vmem_shared>>) offsets(%dma_start3A_509 : memref<128xi32, #tpu.memory_space<vmem>>) semaphore(%run_scoped3A_502 : memref<!tpu.dma_semaphore, #tpu.memory_space<semaphore_mem>>) {add = true}
        %dma_wait3A_513 = arith.constant 0 : i32
        %dma_wait3A_514 = arith.constant 0 : i32
        %dma_wait3A_515 = tpu.memref_slice %arg8[%run_scoped3A_181, %run_scoped3A_182, %dma_wait3A_513, %dma_wait3A_514] : memref<2x8x128x16xf32, #tpu.memory_space<vmem>> -> memref<1x1x128x16xf32, #tpu.memory_space<vmem>>
        %dma_wait3A_516 = tpu.memref_squeeze %dma_wait3A_515 : memref<1x1x128x16xf32, #tpu.memory_space<vmem>> -> memref<128x16xf32, #tpu.memory_space<vmem>>
        %dma_wait3A_517 = arith.constant 0 : i32
        %dma_wait3A_518 = tpu.memref_slice %arg7[%add3A_180, %dma_wait3A_517] : memref<80x128xi32, #tpu.memory_space<vmem>> -> memref<1x128xi32, #tpu.memory_space<vmem>>
        %dma_wait3A_519 = tpu.memref_squeeze %dma_wait3A_518 : memref<1x128xi32, #tpu.memory_space<vmem>> -> memref<128xi32, #tpu.memory_space<vmem>>
        %dma_wait3A_520 = arith.constant 0 : i32
        %dma_wait3A_521 = arith.constant 0 : i32
        %dma_wait3A_522 = tpu.memref_slice %arg10[%dma_wait3A_520, %dma_wait3A_521] : memref<10240x16xf32, #tpu.memory_space<vmem_shared>> -> memref<10240x16xf32, #tpu.memory_space<vmem_shared>>
        tpu.wait_indirect_dma semaphore(%run_scoped3A_502 : memref<!tpu.dma_semaphore, #tpu.memory_space<semaphore_mem>>) src(%dma_wait3A_516 : memref<128x16xf32, #tpu.memory_space<vmem>>) dst(%dma_wait3A_522 : memref<10240x16xf32, #tpu.memory_space<vmem_shared>>)
        tpu.yield
      }) : () -> ()
      %mul3A_183 = arith.constant 8 : i32
      %mul3A_184 = arith.muli %add3A_133, %mul3A_183 : i32
      %add3A_185 = arith.constant 2 : i32
      %add3A_186 = arith.addi %mul3A_184, %add3A_185 : i32
      %dma_wait3A_187 = arith.constant 0 : i32
      %dma_wait3A_188 = arith.constant 2 : i32
      %dma_wait3A_189 = arith.constant 0 : i32
      %dma_wait3A_190 = arith.constant 0 : i32
      %dma_wait3A_191 = tpu.memref_slice %arg8[%dma_wait3A_187, %dma_wait3A_188, %dma_wait3A_189, %dma_wait3A_190] : memref<2x8x128x16xf32, #tpu.memory_space<vmem>> -> memref<1x1x128x16xf32, #tpu.memory_space<vmem>>
      %dma_wait3A_192 = tpu.memref_squeeze %dma_wait3A_191 : memref<1x1x128x16xf32, #tpu.memory_space<vmem>> -> memref<128x16xf32, #tpu.memory_space<vmem>>
      %dma_wait3A_193 = arith.constant 0 : i32
      %dma_wait3A_194 = tpu.memref_slice %arg6[%add3A_186, %dma_wait3A_193] : memref<80x128xi32, #tpu.memory_space<vmem>> -> memref<1x128xi32, #tpu.memory_space<vmem>>
      %dma_wait3A_195 = tpu.memref_squeeze %dma_wait3A_194 : memref<1x128xi32, #tpu.memory_space<vmem>> -> memref<128xi32, #tpu.memory_space<vmem>>
      %dma_wait3A_196 = arith.constant 0 : i32
      %dma_wait3A_197 = arith.constant 0 : i32
      %dma_wait3A_198 = tpu.memref_slice %arg2[%dma_wait3A_196, %dma_wait3A_197] : memref<10000x16xf32, #tpu.memory_space<hbm>> -> memref<10000x16xf32, #tpu.memory_space<hbm>>
      tpu.wait_indirect_dma semaphore(%arg13 : memref<!tpu.dma_semaphore, #tpu.memory_space<semaphore_mem>>) src(%dma_wait3A_198 : memref<10000x16xf32, #tpu.memory_space<hbm>>) dst(%dma_wait3A_192 : memref<128x16xf32, #tpu.memory_space<vmem>>)
      %mul3A_199 = arith.constant 8 : i32
      %mul3A_200 = arith.muli %add3A_133, %mul3A_199 : i32
      %add3A_201 = arith.constant 2 : i32
      %add3A_202 = arith.addi %mul3A_200, %add3A_201 : i32
      %run_scoped3A_203 = arith.constant 0 : i32
      %run_scoped3A_204 = arith.constant 2 : i32
      "tpu.region"() ({
        %run_scoped3A_502 = tpu.sem_alloc : memref<!tpu.dma_semaphore, #tpu.memory_space<semaphore_mem>>
        %dma_start3A_503 = arith.constant 0 : i32
        %dma_start3A_504 = arith.constant 0 : i32
        %dma_start3A_505 = tpu.memref_slice %arg8[%run_scoped3A_203, %run_scoped3A_204, %dma_start3A_503, %dma_start3A_504] : memref<2x8x128x16xf32, #tpu.memory_space<vmem>> -> memref<1x1x128x16xf32, #tpu.memory_space<vmem>>
        %dma_start3A_506 = tpu.memref_squeeze %dma_start3A_505 : memref<1x1x128x16xf32, #tpu.memory_space<vmem>> -> memref<128x16xf32, #tpu.memory_space<vmem>>
        %dma_start3A_507 = arith.constant 0 : i32
        %dma_start3A_508 = tpu.memref_slice %arg7[%add3A_202, %dma_start3A_507] : memref<80x128xi32, #tpu.memory_space<vmem>> -> memref<1x128xi32, #tpu.memory_space<vmem>>
        %dma_start3A_509 = tpu.memref_squeeze %dma_start3A_508 : memref<1x128xi32, #tpu.memory_space<vmem>> -> memref<128xi32, #tpu.memory_space<vmem>>
        %dma_start3A_510 = arith.constant 0 : i32
        %dma_start3A_511 = arith.constant 0 : i32
        %dma_start3A_512 = tpu.memref_slice %arg10[%dma_start3A_510, %dma_start3A_511] : memref<10240x16xf32, #tpu.memory_space<vmem_shared>> -> memref<10240x16xf32, #tpu.memory_space<vmem_shared>>
        tpu.enqueue_indirect_dma source(%dma_start3A_506 : memref<128x16xf32, #tpu.memory_space<vmem>>) target(%dma_start3A_512 : memref<10240x16xf32, #tpu.memory_space<vmem_shared>>) offsets(%dma_start3A_509 : memref<128xi32, #tpu.memory_space<vmem>>) semaphore(%run_scoped3A_502 : memref<!tpu.dma_semaphore, #tpu.memory_space<semaphore_mem>>) {add = true}
        %dma_wait3A_513 = arith.constant 0 : i32
        %dma_wait3A_514 = arith.constant 0 : i32
        %dma_wait3A_515 = tpu.memref_slice %arg8[%run_scoped3A_203, %run_scoped3A_204, %dma_wait3A_513, %dma_wait3A_514] : memref<2x8x128x16xf32, #tpu.memory_space<vmem>> -> memref<1x1x128x16xf32, #tpu.memory_space<vmem>>
        %dma_wait3A_516 = tpu.memref_squeeze %dma_wait3A_515 : memref<1x1x128x16xf32, #tpu.memory_space<vmem>> -> memref<128x16xf32, #tpu.memory_space<vmem>>
        %dma_wait3A_517 = arith.constant 0 : i32
        %dma_wait3A_518 = tpu.memref_slice %arg7[%add3A_202, %dma_wait3A_517] : memref<80x128xi32, #tpu.memory_space<vmem>> -> memref<1x128xi32, #tpu.memory_space<vmem>>
        %dma_wait3A_519 = tpu.memref_squeeze %dma_wait3A_518 : memref<1x128xi32, #tpu.memory_space<vmem>> -> memref<128xi32, #tpu.memory_space<vmem>>
        %dma_wait3A_520 = arith.constant 0 : i32
        %dma_wait3A_521 = arith.constant 0 : i32
        %dma_wait3A_522 = tpu.memref_slice %arg10[%dma_wait3A_520, %dma_wait3A_521] : memref<10240x16xf32, #tpu.memory_space<vmem_shared>> -> memref<10240x16xf32, #tpu.memory_space<vmem_shared>>
        tpu.wait_indirect_dma semaphore(%run_scoped3A_502 : memref<!tpu.dma_semaphore, #tpu.memory_space<semaphore_mem>>) src(%dma_wait3A_516 : memref<128x16xf32, #tpu.memory_space<vmem>>) dst(%dma_wait3A_522 : memref<10240x16xf32, #tpu.memory_space<vmem_shared>>)
        tpu.yield
      }) : () -> ()
      %mul3A_205 = arith.constant 8 : i32
      %mul3A_206 = arith.muli %add3A_133, %mul3A_205 : i32
      %add3A_207 = arith.constant 3 : i32
      %add3A_208 = arith.addi %mul3A_206, %add3A_207 : i32
      %dma_wait3A_209 = arith.constant 0 : i32
      %dma_wait3A_210 = arith.constant 3 : i32
      %dma_wait3A_211 = arith.constant 0 : i32
      %dma_wait3A_212 = arith.constant 0 : i32
      %dma_wait3A_213 = tpu.memref_slice %arg8[%dma_wait3A_209, %dma_wait3A_210, %dma_wait3A_211, %dma_wait3A_212] : memref<2x8x128x16xf32, #tpu.memory_space<vmem>> -> memref<1x1x128x16xf32, #tpu.memory_space<vmem>>
      %dma_wait3A_214 = tpu.memref_squeeze %dma_wait3A_213 : memref<1x1x128x16xf32, #tpu.memory_space<vmem>> -> memref<128x16xf32, #tpu.memory_space<vmem>>
      %dma_wait3A_215 = arith.constant 0 : i32
      %dma_wait3A_216 = tpu.memref_slice %arg6[%add3A_208, %dma_wait3A_215] : memref<80x128xi32, #tpu.memory_space<vmem>> -> memref<1x128xi32, #tpu.memory_space<vmem>>
      %dma_wait3A_217 = tpu.memref_squeeze %dma_wait3A_216 : memref<1x128xi32, #tpu.memory_space<vmem>> -> memref<128xi32, #tpu.memory_space<vmem>>
      %dma_wait3A_218 = arith.constant 0 : i32
      %dma_wait3A_219 = arith.constant 0 : i32
      %dma_wait3A_220 = tpu.memref_slice %arg2[%dma_wait3A_218, %dma_wait3A_219] : memref<10000x16xf32, #tpu.memory_space<hbm>> -> memref<10000x16xf32, #tpu.memory_space<hbm>>
      tpu.wait_indirect_dma semaphore(%arg14 : memref<!tpu.dma_semaphore, #tpu.memory_space<semaphore_mem>>) src(%dma_wait3A_220 : memref<10000x16xf32, #tpu.memory_space<hbm>>) dst(%dma_wait3A_214 : memref<128x16xf32, #tpu.memory_space<vmem>>)
      %mul3A_221 = arith.constant 8 : i32
      %mul3A_222 = arith.muli %add3A_133, %mul3A_221 : i32
      %add3A_223 = arith.constant 3 : i32
      %add3A_224 = arith.addi %mul3A_222, %add3A_223 : i32
      %run_scoped3A_225 = arith.constant 0 : i32
      %run_scoped3A_226 = arith.constant 3 : i32
      "tpu.region"() ({
        %run_scoped3A_502 = tpu.sem_alloc : memref<!tpu.dma_semaphore, #tpu.memory_space<semaphore_mem>>
        %dma_start3A_503 = arith.constant 0 : i32
        %dma_start3A_504 = arith.constant 0 : i32
        %dma_start3A_505 = tpu.memref_slice %arg8[%run_scoped3A_225, %run_scoped3A_226, %dma_start3A_503, %dma_start3A_504] : memref<2x8x128x16xf32, #tpu.memory_space<vmem>> -> memref<1x1x128x16xf32, #tpu.memory_space<vmem>>
        %dma_start3A_506 = tpu.memref_squeeze %dma_start3A_505 : memref<1x1x128x16xf32, #tpu.memory_space<vmem>> -> memref<128x16xf32, #tpu.memory_space<vmem>>
        %dma_start3A_507 = arith.constant 0 : i32
        %dma_start3A_508 = tpu.memref_slice %arg7[%add3A_224, %dma_start3A_507] : memref<80x128xi32, #tpu.memory_space<vmem>> -> memref<1x128xi32, #tpu.memory_space<vmem>>
        %dma_start3A_509 = tpu.memref_squeeze %dma_start3A_508 : memref<1x128xi32, #tpu.memory_space<vmem>> -> memref<128xi32, #tpu.memory_space<vmem>>
        %dma_start3A_510 = arith.constant 0 : i32
        %dma_start3A_511 = arith.constant 0 : i32
        %dma_start3A_512 = tpu.memref_slice %arg10[%dma_start3A_510, %dma_start3A_511] : memref<10240x16xf32, #tpu.memory_space<vmem_shared>> -> memref<10240x16xf32, #tpu.memory_space<vmem_shared>>
        tpu.enqueue_indirect_dma source(%dma_start3A_506 : memref<128x16xf32, #tpu.memory_space<vmem>>) target(%dma_start3A_512 : memref<10240x16xf32, #tpu.memory_space<vmem_shared>>) offsets(%dma_start3A_509 : memref<128xi32, #tpu.memory_space<vmem>>) semaphore(%run_scoped3A_502 : memref<!tpu.dma_semaphore, #tpu.memory_space<semaphore_mem>>) {add = true}
        %dma_wait3A_513 = arith.constant 0 : i32
        %dma_wait3A_514 = arith.constant 0 : i32
        %dma_wait3A_515 = tpu.memref_slice %arg8[%run_scoped3A_225, %run_scoped3A_226, %dma_wait3A_513, %dma_wait3A_514] : memref<2x8x128x16xf32, #tpu.memory_space<vmem>> -> memref<1x1x128x16xf32, #tpu.memory_space<vmem>>
        %dma_wait3A_516 = tpu.memref_squeeze %dma_wait3A_515 : memref<1x1x128x16xf32, #tpu.memory_space<vmem>> -> memref<128x16xf32, #tpu.memory_space<vmem>>
        %dma_wait3A_517 = arith.constant 0 : i32
        %dma_wait3A_518 = tpu.memref_slice %arg7[%add3A_224, %dma_wait3A_517] : memref<80x128xi32, #tpu.memory_space<vmem>> -> memref<1x128xi32, #tpu.memory_space<vmem>>
        %dma_wait3A_519 = tpu.memref_squeeze %dma_wait3A_518 : memref<1x128xi32, #tpu.memory_space<vmem>> -> memref<128xi32, #tpu.memory_space<vmem>>
        %dma_wait3A_520 = arith.constant 0 : i32
        %dma_wait3A_521 = arith.constant 0 : i32
        %dma_wait3A_522 = tpu.memref_slice %arg10[%dma_wait3A_520, %dma_wait3A_521] : memref<10240x16xf32, #tpu.memory_space<vmem_shared>> -> memref<10240x16xf32, #tpu.memory_space<vmem_shared>>
        tpu.wait_indirect_dma semaphore(%run_scoped3A_502 : memref<!tpu.dma_semaphore, #tpu.memory_space<semaphore_mem>>) src(%dma_wait3A_516 : memref<128x16xf32, #tpu.memory_space<vmem>>) dst(%dma_wait3A_522 : memref<10240x16xf32, #tpu.memory_space<vmem_shared>>)
        tpu.yield
      }) : () -> ()
      %mul3A_227 = arith.constant 8 : i32
      %mul3A_228 = arith.muli %add3A_133, %mul3A_227 : i32
      %add3A_229 = arith.constant 4 : i32
      %add3A_230 = arith.addi %mul3A_228, %add3A_229 : i32
      %dma_wait3A_231 = arith.constant 0 : i32
      %dma_wait3A_232 = arith.constant 4 : i32
      %dma_wait3A_233 = arith.constant 0 : i32
      %dma_wait3A_234 = arith.constant 0 : i32
      %dma_wait3A_235 = tpu.memref_slice %arg8[%dma_wait3A_231, %dma_wait3A_232, %dma_wait3A_233, %dma_wait3A_234] : memref<2x8x128x16xf32, #tpu.memory_space<vmem>> -> memref<1x1x128x16xf32, #tpu.memory_space<vmem>>
      %dma_wait3A_236 = tpu.memref_squeeze %dma_wait3A_235 : memref<1x1x128x16xf32, #tpu.memory_space<vmem>> -> memref<128x16xf32, #tpu.memory_space<vmem>>
      %dma_wait3A_237 = arith.constant 0 : i32
      %dma_wait3A_238 = tpu.memref_slice %arg6[%add3A_230, %dma_wait3A_237] : memref<80x128xi32, #tpu.memory_space<vmem>> -> memref<1x128xi32, #tpu.memory_space<vmem>>
      %dma_wait3A_239 = tpu.memref_squeeze %dma_wait3A_238 : memref<1x128xi32, #tpu.memory_space<vmem>> -> memref<128xi32, #tpu.memory_space<vmem>>
      %dma_wait3A_240 = arith.constant 0 : i32
      %dma_wait3A_241 = arith.constant 0 : i32
      %dma_wait3A_242 = tpu.memref_slice %arg2[%dma_wait3A_240, %dma_wait3A_241] : memref<10000x16xf32, #tpu.memory_space<hbm>> -> memref<10000x16xf32, #tpu.memory_space<hbm>>
      tpu.wait_indirect_dma semaphore(%arg15 : memref<!tpu.dma_semaphore, #tpu.memory_space<semaphore_mem>>) src(%dma_wait3A_242 : memref<10000x16xf32, #tpu.memory_space<hbm>>) dst(%dma_wait3A_236 : memref<128x16xf32, #tpu.memory_space<vmem>>)
      %mul3A_243 = arith.constant 8 : i32
      %mul3A_244 = arith.muli %add3A_133, %mul3A_243 : i32
      %add3A_245 = arith.constant 4 : i32
      %add3A_246 = arith.addi %mul3A_244, %add3A_245 : i32
      %run_scoped3A_247 = arith.constant 0 : i32
      %run_scoped3A_248 = arith.constant 4 : i32
      "tpu.region"() ({
        %run_scoped3A_502 = tpu.sem_alloc : memref<!tpu.dma_semaphore, #tpu.memory_space<semaphore_mem>>
        %dma_start3A_503 = arith.constant 0 : i32
        %dma_start3A_504 = arith.constant 0 : i32
        %dma_start3A_505 = tpu.memref_slice %arg8[%run_scoped3A_247, %run_scoped3A_248, %dma_start3A_503, %dma_start3A_504] : memref<2x8x128x16xf32, #tpu.memory_space<vmem>> -> memref<1x1x128x16xf32, #tpu.memory_space<vmem>>
        %dma_start3A_506 = tpu.memref_squeeze %dma_start3A_505 : memref<1x1x128x16xf32, #tpu.memory_space<vmem>> -> memref<128x16xf32, #tpu.memory_space<vmem>>
        %dma_start3A_507 = arith.constant 0 : i32
        %dma_start3A_508 = tpu.memref_slice %arg7[%add3A_246, %dma_start3A_507] : memref<80x128xi32, #tpu.memory_space<vmem>> -> memref<1x128xi32, #tpu.memory_space<vmem>>
        %dma_start3A_509 = tpu.memref_squeeze %dma_start3A_508 : memref<1x128xi32, #tpu.memory_space<vmem>> -> memref<128xi32, #tpu.memory_space<vmem>>
        %dma_start3A_510 = arith.constant 0 : i32
        %dma_start3A_511 = arith.constant 0 : i32
        %dma_start3A_512 = tpu.memref_slice %arg10[%dma_start3A_510, %dma_start3A_511] : memref<10240x16xf32, #tpu.memory_space<vmem_shared>> -> memref<10240x16xf32, #tpu.memory_space<vmem_shared>>
        tpu.enqueue_indirect_dma source(%dma_start3A_506 : memref<128x16xf32, #tpu.memory_space<vmem>>) target(%dma_start3A_512 : memref<10240x16xf32, #tpu.memory_space<vmem_shared>>) offsets(%dma_start3A_509 : memref<128xi32, #tpu.memory_space<vmem>>) semaphore(%run_scoped3A_502 : memref<!tpu.dma_semaphore, #tpu.memory_space<semaphore_mem>>) {add = true}
        %dma_wait3A_513 = arith.constant 0 : i32
        %dma_wait3A_514 = arith.constant 0 : i32
        %dma_wait3A_515 = tpu.memref_slice %arg8[%run_scoped3A_247, %run_scoped3A_248, %dma_wait3A_513, %dma_wait3A_514] : memref<2x8x128x16xf32, #tpu.memory_space<vmem>> -> memref<1x1x128x16xf32, #tpu.memory_space<vmem>>
        %dma_wait3A_516 = tpu.memref_squeeze %dma_wait3A_515 : memref<1x1x128x16xf32, #tpu.memory_space<vmem>> -> memref<128x16xf32, #tpu.memory_space<vmem>>
        %dma_wait3A_517 = arith.constant 0 : i32
        %dma_wait3A_518 = tpu.memref_slice %arg7[%add3A_246, %dma_wait3A_517] : memref<80x128xi32, #tpu.memory_space<vmem>> -> memref<1x128xi32, #tpu.memory_space<vmem>>
        %dma_wait3A_519 = tpu.memref_squeeze %dma_wait3A_518 : memref<1x128xi32, #tpu.memory_space<vmem>> -> memref<128xi32, #tpu.memory_space<vmem>>
        %dma_wait3A_520 = arith.constant 0 : i32
        %dma_wait3A_521 = arith.constant 0 : i32
        %dma_wait3A_522 = tpu.memref_slice %arg10[%dma_wait3A_520, %dma_wait3A_521] : memref<10240x16xf32, #tpu.memory_space<vmem_shared>> -> memref<10240x16xf32, #tpu.memory_space<vmem_shared>>
        tpu.wait_indirect_dma semaphore(%run_scoped3A_502 : memref<!tpu.dma_semaphore, #tpu.memory_space<semaphore_mem>>) src(%dma_wait3A_516 : memref<128x16xf32, #tpu.memory_space<vmem>>) dst(%dma_wait3A_522 : memref<10240x16xf32, #tpu.memory_space<vmem_shared>>)
        tpu.yield
      }) : () -> ()
      %mul3A_249 = arith.constant 8 : i32
      %mul3A_250 = arith.muli %add3A_133, %mul3A_249 : i32
      %add3A_251 = arith.constant 5 : i32
      %add3A_252 = arith.addi %mul3A_250, %add3A_251 : i32
      %dma_wait3A_253 = arith.constant 0 : i32
      %dma_wait3A_254 = arith.constant 5 : i32
      %dma_wait3A_255 = arith.constant 0 : i32
      %dma_wait3A_256 = arith.constant 0 : i32
      %dma_wait3A_257 = tpu.memref_slice %arg8[%dma_wait3A_253, %dma_wait3A_254, %dma_wait3A_255, %dma_wait3A_256] : memref<2x8x128x16xf32, #tpu.memory_space<vmem>> -> memref<1x1x128x16xf32, #tpu.memory_space<vmem>>
      %dma_wait3A_258 = tpu.memref_squeeze %dma_wait3A_257 : memref<1x1x128x16xf32, #tpu.memory_space<vmem>> -> memref<128x16xf32, #tpu.memory_space<vmem>>
      %dma_wait3A_259 = arith.constant 0 : i32
      %dma_wait3A_260 = tpu.memref_slice %arg6[%add3A_252, %dma_wait3A_259] : memref<80x128xi32, #tpu.memory_space<vmem>> -> memref<1x128xi32, #tpu.memory_space<vmem>>
      %dma_wait3A_261 = tpu.memref_squeeze %dma_wait3A_260 : memref<1x128xi32, #tpu.memory_space<vmem>> -> memref<128xi32, #tpu.memory_space<vmem>>
      %dma_wait3A_262 = arith.constant 0 : i32
      %dma_wait3A_263 = arith.constant 0 : i32
      %dma_wait3A_264 = tpu.memref_slice %arg2[%dma_wait3A_262, %dma_wait3A_263] : memref<10000x16xf32, #tpu.memory_space<hbm>> -> memref<10000x16xf32, #tpu.memory_space<hbm>>
      tpu.wait_indirect_dma semaphore(%arg16 : memref<!tpu.dma_semaphore, #tpu.memory_space<semaphore_mem>>) src(%dma_wait3A_264 : memref<10000x16xf32, #tpu.memory_space<hbm>>) dst(%dma_wait3A_258 : memref<128x16xf32, #tpu.memory_space<vmem>>)
      %mul3A_265 = arith.constant 8 : i32
      %mul3A_266 = arith.muli %add3A_133, %mul3A_265 : i32
      %add3A_267 = arith.constant 5 : i32
      %add3A_268 = arith.addi %mul3A_266, %add3A_267 : i32
      %run_scoped3A_269 = arith.constant 0 : i32
      %run_scoped3A_270 = arith.constant 5 : i32
      "tpu.region"() ({
        %run_scoped3A_502 = tpu.sem_alloc : memref<!tpu.dma_semaphore, #tpu.memory_space<semaphore_mem>>
        %dma_start3A_503 = arith.constant 0 : i32
        %dma_start3A_504 = arith.constant 0 : i32
        %dma_start3A_505 = tpu.memref_slice %arg8[%run_scoped3A_269, %run_scoped3A_270, %dma_start3A_503, %dma_start3A_504] : memref<2x8x128x16xf32, #tpu.memory_space<vmem>> -> memref<1x1x128x16xf32, #tpu.memory_space<vmem>>
        %dma_start3A_506 = tpu.memref_squeeze %dma_start3A_505 : memref<1x1x128x16xf32, #tpu.memory_space<vmem>> -> memref<128x16xf32, #tpu.memory_space<vmem>>
        %dma_start3A_507 = arith.constant 0 : i32
        %dma_start3A_508 = tpu.memref_slice %arg7[%add3A_268, %dma_start3A_507] : memref<80x128xi32, #tpu.memory_space<vmem>> -> memref<1x128xi32, #tpu.memory_space<vmem>>
        %dma_start3A_509 = tpu.memref_squeeze %dma_start3A_508 : memref<1x128xi32, #tpu.memory_space<vmem>> -> memref<128xi32, #tpu.memory_space<vmem>>
        %dma_start3A_510 = arith.constant 0 : i32
        %dma_start3A_511 = arith.constant 0 : i32
        %dma_start3A_512 = tpu.memref_slice %arg10[%dma_start3A_510, %dma_start3A_511] : memref<10240x16xf32, #tpu.memory_space<vmem_shared>> -> memref<10240x16xf32, #tpu.memory_space<vmem_shared>>
        tpu.enqueue_indirect_dma source(%dma_start3A_506 : memref<128x16xf32, #tpu.memory_space<vmem>>) target(%dma_start3A_512 : memref<10240x16xf32, #tpu.memory_space<vmem_shared>>) offsets(%dma_start3A_509 : memref<128xi32, #tpu.memory_space<vmem>>) semaphore(%run_scoped3A_502 : memref<!tpu.dma_semaphore, #tpu.memory_space<semaphore_mem>>) {add = true}
        %dma_wait3A_513 = arith.constant 0 : i32
        %dma_wait3A_514 = arith.constant 0 : i32
        %dma_wait3A_515 = tpu.memref_slice %arg8[%run_scoped3A_269, %run_scoped3A_270, %dma_wait3A_513, %dma_wait3A_514] : memref<2x8x128x16xf32, #tpu.memory_space<vmem>> -> memref<1x1x128x16xf32, #tpu.memory_space<vmem>>
        %dma_wait3A_516 = tpu.memref_squeeze %dma_wait3A_515 : memref<1x1x128x16xf32, #tpu.memory_space<vmem>> -> memref<128x16xf32, #tpu.memory_space<vmem>>
        %dma_wait3A_517 = arith.constant 0 : i32
        %dma_wait3A_518 = tpu.memref_slice %arg7[%add3A_268, %dma_wait3A_517] : memref<80x128xi32, #tpu.memory_space<vmem>> -> memref<1x128xi32, #tpu.memory_space<vmem>>
        %dma_wait3A_519 = tpu.memref_squeeze %dma_wait3A_518 : memref<1x128xi32, #tpu.memory_space<vmem>> -> memref<128xi32, #tpu.memory_space<vmem>>
        %dma_wait3A_520 = arith.constant 0 : i32
        %dma_wait3A_521 = arith.constant 0 : i32
        %dma_wait3A_522 = tpu.memref_slice %arg10[%dma_wait3A_520, %dma_wait3A_521] : memref<10240x16xf32, #tpu.memory_space<vmem_shared>> -> memref<10240x16xf32, #tpu.memory_space<vmem_shared>>
        tpu.wait_indirect_dma semaphore(%run_scoped3A_502 : memref<!tpu.dma_semaphore, #tpu.memory_space<semaphore_mem>>) src(%dma_wait3A_516 : memref<128x16xf32, #tpu.memory_space<vmem>>) dst(%dma_wait3A_522 : memref<10240x16xf32, #tpu.memory_space<vmem_shared>>)
        tpu.yield
      }) : () -> ()
      %mul3A_271 = arith.constant 8 : i32
      %mul3A_272 = arith.muli %add3A_133, %mul3A_271 : i32
      %add3A_273 = arith.constant 6 : i32
      %add3A_274 = arith.addi %mul3A_272, %add3A_273 : i32
      %dma_wait3A_275 = arith.constant 0 : i32
      %dma_wait3A_276 = arith.constant 6 : i32
      %dma_wait3A_277 = arith.constant 0 : i32
      %dma_wait3A_278 = arith.constant 0 : i32
      %dma_wait3A_279 = tpu.memref_slice %arg8[%dma_wait3A_275, %dma_wait3A_276, %dma_wait3A_277, %dma_wait3A_278] : memref<2x8x128x16xf32, #tpu.memory_space<vmem>> -> memref<1x1x128x16xf32, #tpu.memory_space<vmem>>
      %dma_wait3A_280 = tpu.memref_squeeze %dma_wait3A_279 : memref<1x1x128x16xf32, #tpu.memory_space<vmem>> -> memref<128x16xf32, #tpu.memory_space<vmem>>
      %dma_wait3A_281 = arith.constant 0 : i32
      %dma_wait3A_282 = tpu.memref_slice %arg6[%add3A_274, %dma_wait3A_281] : memref<80x128xi32, #tpu.memory_space<vmem>> -> memref<1x128xi32, #tpu.memory_space<vmem>>
      %dma_wait3A_283 = tpu.memref_squeeze %dma_wait3A_282 : memref<1x128xi32, #tpu.memory_space<vmem>> -> memref<128xi32, #tpu.memory_space<vmem>>
      %dma_wait3A_284 = arith.constant 0 : i32
      %dma_wait3A_285 = arith.constant 0 : i32
      %dma_wait3A_286 = tpu.memref_slice %arg2[%dma_wait3A_284, %dma_wait3A_285] : memref<10000x16xf32, #tpu.memory_space<hbm>> -> memref<10000x16xf32, #tpu.memory_space<hbm>>
      tpu.wait_indirect_dma semaphore(%arg17 : memref<!tpu.dma_semaphore, #tpu.memory_space<semaphore_mem>>) src(%dma_wait3A_286 : memref<10000x16xf32, #tpu.memory_space<hbm>>) dst(%dma_wait3A_280 : memref<128x16xf32, #tpu.memory_space<vmem>>)
      %mul3A_287 = arith.constant 8 : i32
      %mul3A_288 = arith.muli %add3A_133, %mul3A_287 : i32
      %add3A_289 = arith.constant 6 : i32
      %add3A_290 = arith.addi %mul3A_288, %add3A_289 : i32
      %run_scoped3A_291 = arith.constant 0 : i32
      %run_scoped3A_292 = arith.constant 6 : i32
      "tpu.region"() ({
        %run_scoped3A_502 = tpu.sem_alloc : memref<!tpu.dma_semaphore, #tpu.memory_space<semaphore_mem>>
        %dma_start3A_503 = arith.constant 0 : i32
        %dma_start3A_504 = arith.constant 0 : i32
        %dma_start3A_505 = tpu.memref_slice %arg8[%run_scoped3A_291, %run_scoped3A_292, %dma_start3A_503, %dma_start3A_504] : memref<2x8x128x16xf32, #tpu.memory_space<vmem>> -> memref<1x1x128x16xf32, #tpu.memory_space<vmem>>
        %dma_start3A_506 = tpu.memref_squeeze %dma_start3A_505 : memref<1x1x128x16xf32, #tpu.memory_space<vmem>> -> memref<128x16xf32, #tpu.memory_space<vmem>>
        %dma_start3A_507 = arith.constant 0 : i32
        %dma_start3A_508 = tpu.memref_slice %arg7[%add3A_290, %dma_start3A_507] : memref<80x128xi32, #tpu.memory_space<vmem>> -> memref<1x128xi32, #tpu.memory_space<vmem>>
        %dma_start3A_509 = tpu.memref_squeeze %dma_start3A_508 : memref<1x128xi32, #tpu.memory_space<vmem>> -> memref<128xi32, #tpu.memory_space<vmem>>
        %dma_start3A_510 = arith.constant 0 : i32
        %dma_start3A_511 = arith.constant 0 : i32
        %dma_start3A_512 = tpu.memref_slice %arg10[%dma_start3A_510, %dma_start3A_511] : memref<10240x16xf32, #tpu.memory_space<vmem_shared>> -> memref<10240x16xf32, #tpu.memory_space<vmem_shared>>
        tpu.enqueue_indirect_dma source(%dma_start3A_506 : memref<128x16xf32, #tpu.memory_space<vmem>>) target(%dma_start3A_512 : memref<10240x16xf32, #tpu.memory_space<vmem_shared>>) offsets(%dma_start3A_509 : memref<128xi32, #tpu.memory_space<vmem>>) semaphore(%run_scoped3A_502 : memref<!tpu.dma_semaphore, #tpu.memory_space<semaphore_mem>>) {add = true}
        %dma_wait3A_513 = arith.constant 0 : i32
        %dma_wait3A_514 = arith.constant 0 : i32
        %dma_wait3A_515 = tpu.memref_slice %arg8[%run_scoped3A_291, %run_scoped3A_292, %dma_wait3A_513, %dma_wait3A_514] : memref<2x8x128x16xf32, #tpu.memory_space<vmem>> -> memref<1x1x128x16xf32, #tpu.memory_space<vmem>>
        %dma_wait3A_516 = tpu.memref_squeeze %dma_wait3A_515 : memref<1x1x128x16xf32, #tpu.memory_space<vmem>> -> memref<128x16xf32, #tpu.memory_space<vmem>>
        %dma_wait3A_517 = arith.constant 0 : i32
        %dma_wait3A_518 = tpu.memref_slice %arg7[%add3A_290, %dma_wait3A_517] : memref<80x128xi32, #tpu.memory_space<vmem>> -> memref<1x128xi32, #tpu.memory_space<vmem>>
        %dma_wait3A_519 = tpu.memref_squeeze %dma_wait3A_518 : memref<1x128xi32, #tpu.memory_space<vmem>> -> memref<128xi32, #tpu.memory_space<vmem>>
        %dma_wait3A_520 = arith.constant 0 : i32
        %dma_wait3A_521 = arith.constant 0 : i32
        %dma_wait3A_522 = tpu.memref_slice %arg10[%dma_wait3A_520, %dma_wait3A_521] : memref<10240x16xf32, #tpu.memory_space<vmem_shared>> -> memref<10240x16xf32, #tpu.memory_space<vmem_shared>>
        tpu.wait_indirect_dma semaphore(%run_scoped3A_502 : memref<!tpu.dma_semaphore, #tpu.memory_space<semaphore_mem>>) src(%dma_wait3A_516 : memref<128x16xf32, #tpu.memory_space<vmem>>) dst(%dma_wait3A_522 : memref<10240x16xf32, #tpu.memory_space<vmem_shared>>)
        tpu.yield
      }) : () -> ()
      %mul3A_293 = arith.constant 8 : i32
      %mul3A_294 = arith.muli %add3A_133, %mul3A_293 : i32
      %add3A_295 = arith.constant 7 : i32
      %add3A_296 = arith.addi %mul3A_294, %add3A_295 : i32
      %dma_wait3A_297 = arith.constant 0 : i32
      %dma_wait3A_298 = arith.constant 7 : i32
      %dma_wait3A_299 = arith.constant 0 : i32
      %dma_wait3A_300 = arith.constant 0 : i32
      %dma_wait3A_301 = tpu.memref_slice %arg8[%dma_wait3A_297, %dma_wait3A_298, %dma_wait3A_299, %dma_wait3A_300] : memref<2x8x128x16xf32, #tpu.memory_space<vmem>> -> memref<1x1x128x16xf32, #tpu.memory_space<vmem>>
      %dma_wait3A_302 = tpu.memref_squeeze %dma_wait3A_301 : memref<1x1x128x16xf32, #tpu.memory_space<vmem>> -> memref<128x16xf32, #tpu.memory_space<vmem>>
      %dma_wait3A_303 = arith.constant 0 : i32
      %dma_wait3A_304 = tpu.memref_slice %arg6[%add3A_296, %dma_wait3A_303] : memref<80x128xi32, #tpu.memory_space<vmem>> -> memref<1x128xi32, #tpu.memory_space<vmem>>
      %dma_wait3A_305 = tpu.memref_squeeze %dma_wait3A_304 : memref<1x128xi32, #tpu.memory_space<vmem>> -> memref<128xi32, #tpu.memory_space<vmem>>
      %dma_wait3A_306 = arith.constant 0 : i32
      %dma_wait3A_307 = arith.constant 0 : i32
      %dma_wait3A_308 = tpu.memref_slice %arg2[%dma_wait3A_306, %dma_wait3A_307] : memref<10000x16xf32, #tpu.memory_space<hbm>> -> memref<10000x16xf32, #tpu.memory_space<hbm>>
      tpu.wait_indirect_dma semaphore(%arg18 : memref<!tpu.dma_semaphore, #tpu.memory_space<semaphore_mem>>) src(%dma_wait3A_308 : memref<10000x16xf32, #tpu.memory_space<hbm>>) dst(%dma_wait3A_302 : memref<128x16xf32, #tpu.memory_space<vmem>>)
      %mul3A_309 = arith.constant 8 : i32
      %mul3A_310 = arith.muli %add3A_133, %mul3A_309 : i32
      %add3A_311 = arith.constant 7 : i32
      %add3A_312 = arith.addi %mul3A_310, %add3A_311 : i32
      %run_scoped3A_313 = arith.constant 0 : i32
      %run_scoped3A_314 = arith.constant 7 : i32
      "tpu.region"() ({
        %run_scoped3A_502 = tpu.sem_alloc : memref<!tpu.dma_semaphore, #tpu.memory_space<semaphore_mem>>
        %dma_start3A_503 = arith.constant 0 : i32
        %dma_start3A_504 = arith.constant 0 : i32
        %dma_start3A_505 = tpu.memref_slice %arg8[%run_scoped3A_313, %run_scoped3A_314, %dma_start3A_503, %dma_start3A_504] : memref<2x8x128x16xf32, #tpu.memory_space<vmem>> -> memref<1x1x128x16xf32, #tpu.memory_space<vmem>>
        %dma_start3A_506 = tpu.memref_squeeze %dma_start3A_505 : memref<1x1x128x16xf32, #tpu.memory_space<vmem>> -> memref<128x16xf32, #tpu.memory_space<vmem>>
        %dma_start3A_507 = arith.constant 0 : i32
        %dma_start3A_508 = tpu.memref_slice %arg7[%add3A_312, %dma_start3A_507] : memref<80x128xi32, #tpu.memory_space<vmem>> -> memref<1x128xi32, #tpu.memory_space<vmem>>
        %dma_start3A_509 = tpu.memref_squeeze %dma_start3A_508 : memref<1x128xi32, #tpu.memory_space<vmem>> -> memref<128xi32, #tpu.memory_space<vmem>>
        %dma_start3A_510 = arith.constant 0 : i32
        %dma_start3A_511 = arith.constant 0 : i32
        %dma_start3A_512 = tpu.memref_slice %arg10[%dma_start3A_510, %dma_start3A_511] : memref<10240x16xf32, #tpu.memory_space<vmem_shared>> -> memref<10240x16xf32, #tpu.memory_space<vmem_shared>>
        tpu.enqueue_indirect_dma source(%dma_start3A_506 : memref<128x16xf32, #tpu.memory_space<vmem>>) target(%dma_start3A_512 : memref<10240x16xf32, #tpu.memory_space<vmem_shared>>) offsets(%dma_start3A_509 : memref<128xi32, #tpu.memory_space<vmem>>) semaphore(%run_scoped3A_502 : memref<!tpu.dma_semaphore, #tpu.memory_space<semaphore_mem>>) {add = true}
        %dma_wait3A_513 = arith.constant 0 : i32
        %dma_wait3A_514 = arith.constant 0 : i32
        %dma_wait3A_515 = tpu.memref_slice %arg8[%run_scoped3A_313, %run_scoped3A_314, %dma_wait3A_513, %dma_wait3A_514] : memref<2x8x128x16xf32, #tpu.memory_space<vmem>> -> memref<1x1x128x16xf32, #tpu.memory_space<vmem>>
        %dma_wait3A_516 = tpu.memref_squeeze %dma_wait3A_515 : memref<1x1x128x16xf32, #tpu.memory_space<vmem>> -> memref<128x16xf32, #tpu.memory_space<vmem>>
        %dma_wait3A_517 = arith.constant 0 : i32
        %dma_wait3A_518 = tpu.memref_slice %arg7[%add3A_312, %dma_wait3A_517] : memref<80x128xi32, #tpu.memory_space<vmem>> -> memref<1x128xi32, #tpu.memory_space<vmem>>
        %dma_wait3A_519 = tpu.memref_squeeze %dma_wait3A_518 : memref<1x128xi32, #tpu.memory_space<vmem>> -> memref<128xi32, #tpu.memory_space<vmem>>
        %dma_wait3A_520 = arith.constant 0 : i32
        %dma_wait3A_521 = arith.constant 0 : i32
        %dma_wait3A_522 = tpu.memref_slice %arg10[%dma_wait3A_520, %dma_wait3A_521] : memref<10240x16xf32, #tpu.memory_space<vmem_shared>> -> memref<10240x16xf32, #tpu.memory_space<vmem_shared>>
        tpu.wait_indirect_dma semaphore(%run_scoped3A_502 : memref<!tpu.dma_semaphore, #tpu.memory_space<semaphore_mem>>) src(%dma_wait3A_516 : memref<128x16xf32, #tpu.memory_space<vmem>>) dst(%dma_wait3A_522 : memref<10240x16xf32, #tpu.memory_space<vmem_shared>>)
        tpu.yield
      }) : () -> ()
      %mul3A_315 = arith.constant 2 : i32
      %mul3A_316 = arith.muli %scan3A_129, %mul3A_315 : i32
      %add3A_317 = arith.constant 1 : i32
      %add3A_318 = arith.addi %mul3A_316, %add3A_317 : i32
      %add3A_319 = arith.constant 1 : i32
      %add3A_320 = arith.addi %add3A_318, %add3A_319 : i32
      %lt3A_321 = arith.constant 10 : i32
      %lt3A_322 = arith.cmpi slt, %add3A_320, %lt3A_321 : i32
      %convert_element_type3A_323 = arith.extui %lt3A_322 : i1 to i32
      %cond3A_324 = arith.constant 0 : i32
      %cond3A_325 = arith.cmpi ne, %convert_element_type3A_323, %cond3A_324 : i32
      scf.if %cond3A_325 {
        %add3A_502 = arith.constant 1 : i32
        %add3A_503 = arith.addi %add3A_318, %add3A_502 : i32
        %mul3A_504 = arith.constant 8 : i32
        %mul3A_505 = arith.muli %add3A_503, %mul3A_504 : i32
        %add3A_506 = arith.constant 0 : i32
        %add3A_507 = arith.addi %mul3A_505, %add3A_506 : i32
        %dma_start3A_508 = arith.constant 0 : i32
        %dma_start3A_509 = arith.constant 0 : i32
        %dma_start3A_510 = arith.constant 0 : i32
        %dma_start3A_511 = arith.constant 0 : i32
        %dma_start3A_512 = tpu.memref_slice %arg8[%dma_start3A_508, %dma_start3A_509, %dma_start3A_510, %dma_start3A_511] : memref<2x8x128x16xf32, #tpu.memory_space<vmem>> -> memref<1x1x128x16xf32, #tpu.memory_space<vmem>>
        %dma_start3A_513 = tpu.memref_squeeze %dma_start3A_512 : memref<1x1x128x16xf32, #tpu.memory_space<vmem>> -> memref<128x16xf32, #tpu.memory_space<vmem>>
        %dma_start3A_514 = arith.constant 0 : i32
        %dma_start3A_515 = tpu.memref_slice %arg6[%add3A_507, %dma_start3A_514] : memref<80x128xi32, #tpu.memory_space<vmem>> -> memref<1x128xi32, #tpu.memory_space<vmem>>
        %dma_start3A_516 = tpu.memref_squeeze %dma_start3A_515 : memref<1x128xi32, #tpu.memory_space<vmem>> -> memref<128xi32, #tpu.memory_space<vmem>>
        %dma_start3A_517 = arith.constant 0 : i32
        %dma_start3A_518 = arith.constant 0 : i32
        %dma_start3A_519 = tpu.memref_slice %arg2[%dma_start3A_517, %dma_start3A_518] : memref<10000x16xf32, #tpu.memory_space<hbm>> -> memref<10000x16xf32, #tpu.memory_space<hbm>>
        tpu.enqueue_indirect_dma source(%dma_start3A_519 : memref<10000x16xf32, #tpu.memory_space<hbm>>) target(%dma_start3A_513 : memref<128x16xf32, #tpu.memory_space<vmem>>) offsets(%dma_start3A_516 : memref<128xi32, #tpu.memory_space<vmem>>) semaphore(%arg11 : memref<!tpu.dma_semaphore, #tpu.memory_space<semaphore_mem>>)
        %add3A_520 = arith.constant 1 : i32
        %add3A_521 = arith.addi %add3A_318, %add3A_520 : i32
        %mul3A_522 = arith.constant 8 : i32
        %mul3A_523 = arith.muli %add3A_521, %mul3A_522 : i32
        %add3A_524 = arith.constant 1 : i32
        %add3A_525 = arith.addi %mul3A_523, %add3A_524 : i32
        %dma_start3A_526 = arith.constant 0 : i32
        %dma_start3A_527 = arith.constant 1 : i32
        %dma_start3A_528 = arith.constant 0 : i32
        %dma_start3A_529 = arith.constant 0 : i32
        %dma_start3A_530 = tpu.memref_slice %arg8[%dma_start3A_526, %dma_start3A_527, %dma_start3A_528, %dma_start3A_529] : memref<2x8x128x16xf32, #tpu.memory_space<vmem>> -> memref<1x1x128x16xf32, #tpu.memory_space<vmem>>
        %dma_start3A_531 = tpu.memref_squeeze %dma_start3A_530 : memref<1x1x128x16xf32, #tpu.memory_space<vmem>> -> memref<128x16xf32, #tpu.memory_space<vmem>>
        %dma_start3A_532 = arith.constant 0 : i32
        %dma_start3A_533 = tpu.memref_slice %arg6[%add3A_525, %dma_start3A_532] : memref<80x128xi32, #tpu.memory_space<vmem>> -> memref<1x128xi32, #tpu.memory_space<vmem>>
        %dma_start3A_534 = tpu.memref_squeeze %dma_start3A_533 : memref<1x128xi32, #tpu.memory_space<vmem>> -> memref<128xi32, #tpu.memory_space<vmem>>
        %dma_start3A_535 = arith.constant 0 : i32
        %dma_start3A_536 = arith.constant 0 : i32
        %dma_start3A_537 = tpu.memref_slice %arg2[%dma_start3A_535, %dma_start3A_536] : memref<10000x16xf32, #tpu.memory_space<hbm>> -> memref<10000x16xf32, #tpu.memory_space<hbm>>
        tpu.enqueue_indirect_dma source(%dma_start3A_537 : memref<10000x16xf32, #tpu.memory_space<hbm>>) target(%dma_start3A_531 : memref<128x16xf32, #tpu.memory_space<vmem>>) offsets(%dma_start3A_534 : memref<128xi32, #tpu.memory_space<vmem>>) semaphore(%arg12 : memref<!tpu.dma_semaphore, #tpu.memory_space<semaphore_mem>>)
        %add3A_538 = arith.constant 1 : i32
        %add3A_539 = arith.addi %add3A_318, %add3A_538 : i32
        %mul3A_540 = arith.constant 8 : i32
        %mul3A_541 = arith.muli %add3A_539, %mul3A_540 : i32
        %add3A_542 = arith.constant 2 : i32
        %add3A_543 = arith.addi %mul3A_541, %add3A_542 : i32
        %dma_start3A_544 = arith.constant 0 : i32
        %dma_start3A_545 = arith.constant 2 : i32
        %dma_start3A_546 = arith.constant 0 : i32
        %dma_start3A_547 = arith.constant 0 : i32
        %dma_start3A_548 = tpu.memref_slice %arg8[%dma_start3A_544, %dma_start3A_545, %dma_start3A_546, %dma_start3A_547] : memref<2x8x128x16xf32, #tpu.memory_space<vmem>> -> memref<1x1x128x16xf32, #tpu.memory_space<vmem>>
        %dma_start3A_549 = tpu.memref_squeeze %dma_start3A_548 : memref<1x1x128x16xf32, #tpu.memory_space<vmem>> -> memref<128x16xf32, #tpu.memory_space<vmem>>
        %dma_start3A_550 = arith.constant 0 : i32
        %dma_start3A_551 = tpu.memref_slice %arg6[%add3A_543, %dma_start3A_550] : memref<80x128xi32, #tpu.memory_space<vmem>> -> memref<1x128xi32, #tpu.memory_space<vmem>>
        %dma_start3A_552 = tpu.memref_squeeze %dma_start3A_551 : memref<1x128xi32, #tpu.memory_space<vmem>> -> memref<128xi32, #tpu.memory_space<vmem>>
        %dma_start3A_553 = arith.constant 0 : i32
        %dma_start3A_554 = arith.constant 0 : i32
        %dma_start3A_555 = tpu.memref_slice %arg2[%dma_start3A_553, %dma_start3A_554] : memref<10000x16xf32, #tpu.memory_space<hbm>> -> memref<10000x16xf32, #tpu.memory_space<hbm>>
        tpu.enqueue_indirect_dma source(%dma_start3A_555 : memref<10000x16xf32, #tpu.memory_space<hbm>>) target(%dma_start3A_549 : memref<128x16xf32, #tpu.memory_space<vmem>>) offsets(%dma_start3A_552 : memref<128xi32, #tpu.memory_space<vmem>>) semaphore(%arg13 : memref<!tpu.dma_semaphore, #tpu.memory_space<semaphore_mem>>)
        %add3A_556 = arith.constant 1 : i32
        %add3A_557 = arith.addi %add3A_318, %add3A_556 : i32
        %mul3A_558 = arith.constant 8 : i32
        %mul3A_559 = arith.muli %add3A_557, %mul3A_558 : i32
        %add3A_560 = arith.constant 3 : i32
        %add3A_561 = arith.addi %mul3A_559, %add3A_560 : i32
        %dma_start3A_562 = arith.constant 0 : i32
        %dma_start3A_563 = arith.constant 3 : i32
        %dma_start3A_564 = arith.constant 0 : i32
        %dma_start3A_565 = arith.constant 0 : i32
        %dma_start3A_566 = tpu.memref_slice %arg8[%dma_start3A_562, %dma_start3A_563, %dma_start3A_564, %dma_start3A_565] : memref<2x8x128x16xf32, #tpu.memory_space<vmem>> -> memref<1x1x128x16xf32, #tpu.memory_space<vmem>>
        %dma_start3A_567 = tpu.memref_squeeze %dma_start3A_566 : memref<1x1x128x16xf32, #tpu.memory_space<vmem>> -> memref<128x16xf32, #tpu.memory_space<vmem>>
        %dma_start3A_568 = arith.constant 0 : i32
        %dma_start3A_569 = tpu.memref_slice %arg6[%add3A_561, %dma_start3A_568] : memref<80x128xi32, #tpu.memory_space<vmem>> -> memref<1x128xi32, #tpu.memory_space<vmem>>
        %dma_start3A_570 = tpu.memref_squeeze %dma_start3A_569 : memref<1x128xi32, #tpu.memory_space<vmem>> -> memref<128xi32, #tpu.memory_space<vmem>>
        %dma_start3A_571 = arith.constant 0 : i32
        %dma_start3A_572 = arith.constant 0 : i32
        %dma_start3A_573 = tpu.memref_slice %arg2[%dma_start3A_571, %dma_start3A_572] : memref<10000x16xf32, #tpu.memory_space<hbm>> -> memref<10000x16xf32, #tpu.memory_space<hbm>>
        tpu.enqueue_indirect_dma source(%dma_start3A_573 : memref<10000x16xf32, #tpu.memory_space<hbm>>) target(%dma_start3A_567 : memref<128x16xf32, #tpu.memory_space<vmem>>) offsets(%dma_start3A_570 : memref<128xi32, #tpu.memory_space<vmem>>) semaphore(%arg14 : memref<!tpu.dma_semaphore, #tpu.memory_space<semaphore_mem>>)
        %add3A_574 = arith.constant 1 : i32
        %add3A_575 = arith.addi %add3A_318, %add3A_574 : i32
        %mul3A_576 = arith.constant 8 : i32
        %mul3A_577 = arith.muli %add3A_575, %mul3A_576 : i32
        %add3A_578 = arith.constant 4 : i32
        %add3A_579 = arith.addi %mul3A_577, %add3A_578 : i32
        %dma_start3A_580 = arith.constant 0 : i32
        %dma_start3A_581 = arith.constant 4 : i32
        %dma_start3A_582 = arith.constant 0 : i32
        %dma_start3A_583 = arith.constant 0 : i32
        %dma_start3A_584 = tpu.memref_slice %arg8[%dma_start3A_580, %dma_start3A_581, %dma_start3A_582, %dma_start3A_583] : memref<2x8x128x16xf32, #tpu.memory_space<vmem>> -> memref<1x1x128x16xf32, #tpu.memory_space<vmem>>
        %dma_start3A_585 = tpu.memref_squeeze %dma_start3A_584 : memref<1x1x128x16xf32, #tpu.memory_space<vmem>> -> memref<128x16xf32, #tpu.memory_space<vmem>>
        %dma_start3A_586 = arith.constant 0 : i32
        %dma_start3A_587 = tpu.memref_slice %arg6[%add3A_579, %dma_start3A_586] : memref<80x128xi32, #tpu.memory_space<vmem>> -> memref<1x128xi32, #tpu.memory_space<vmem>>
        %dma_start3A_588 = tpu.memref_squeeze %dma_start3A_587 : memref<1x128xi32, #tpu.memory_space<vmem>> -> memref<128xi32, #tpu.memory_space<vmem>>
        %dma_start3A_589 = arith.constant 0 : i32
        %dma_start3A_590 = arith.constant 0 : i32
        %dma_start3A_591 = tpu.memref_slice %arg2[%dma_start3A_589, %dma_start3A_590] : memref<10000x16xf32, #tpu.memory_space<hbm>> -> memref<10000x16xf32, #tpu.memory_space<hbm>>
        tpu.enqueue_indirect_dma source(%dma_start3A_591 : memref<10000x16xf32, #tpu.memory_space<hbm>>) target(%dma_start3A_585 : memref<128x16xf32, #tpu.memory_space<vmem>>) offsets(%dma_start3A_588 : memref<128xi32, #tpu.memory_space<vmem>>) semaphore(%arg15 : memref<!tpu.dma_semaphore, #tpu.memory_space<semaphore_mem>>)
        %add3A_592 = arith.constant 1 : i32
        %add3A_593 = arith.addi %add3A_318, %add3A_592 : i32
        %mul3A_594 = arith.constant 8 : i32
        %mul3A_595 = arith.muli %add3A_593, %mul3A_594 : i32
        %add3A_596 = arith.constant 5 : i32
        %add3A_597 = arith.addi %mul3A_595, %add3A_596 : i32
        %dma_start3A_598 = arith.constant 0 : i32
        %dma_start3A_599 = arith.constant 5 : i32
        %dma_start3A_600 = arith.constant 0 : i32
        %dma_start3A_601 = arith.constant 0 : i32
        %dma_start3A_602 = tpu.memref_slice %arg8[%dma_start3A_598, %dma_start3A_599, %dma_start3A_600, %dma_start3A_601] : memref<2x8x128x16xf32, #tpu.memory_space<vmem>> -> memref<1x1x128x16xf32, #tpu.memory_space<vmem>>
        %dma_start3A_603 = tpu.memref_squeeze %dma_start3A_602 : memref<1x1x128x16xf32, #tpu.memory_space<vmem>> -> memref<128x16xf32, #tpu.memory_space<vmem>>
        %dma_start3A_604 = arith.constant 0 : i32
        %dma_start3A_605 = tpu.memref_slice %arg6[%add3A_597, %dma_start3A_604] : memref<80x128xi32, #tpu.memory_space<vmem>> -> memref<1x128xi32, #tpu.memory_space<vmem>>
        %dma_start3A_606 = tpu.memref_squeeze %dma_start3A_605 : memref<1x128xi32, #tpu.memory_space<vmem>> -> memref<128xi32, #tpu.memory_space<vmem>>
        %dma_start3A_607 = arith.constant 0 : i32
        %dma_start3A_608 = arith.constant 0 : i32
        %dma_start3A_609 = tpu.memref_slice %arg2[%dma_start3A_607, %dma_start3A_608] : memref<10000x16xf32, #tpu.memory_space<hbm>> -> memref<10000x16xf32, #tpu.memory_space<hbm>>
        tpu.enqueue_indirect_dma source(%dma_start3A_609 : memref<10000x16xf32, #tpu.memory_space<hbm>>) target(%dma_start3A_603 : memref<128x16xf32, #tpu.memory_space<vmem>>) offsets(%dma_start3A_606 : memref<128xi32, #tpu.memory_space<vmem>>) semaphore(%arg16 : memref<!tpu.dma_semaphore, #tpu.memory_space<semaphore_mem>>)
        %add3A_610 = arith.constant 1 : i32
        %add3A_611 = arith.addi %add3A_318, %add3A_610 : i32
        %mul3A_612 = arith.constant 8 : i32
        %mul3A_613 = arith.muli %add3A_611, %mul3A_612 : i32
        %add3A_614 = arith.constant 6 : i32
        %add3A_615 = arith.addi %mul3A_613, %add3A_614 : i32
        %dma_start3A_616 = arith.constant 0 : i32
        %dma_start3A_617 = arith.constant 6 : i32
        %dma_start3A_618 = arith.constant 0 : i32
        %dma_start3A_619 = arith.constant 0 : i32
        %dma_start3A_620 = tpu.memref_slice %arg8[%dma_start3A_616, %dma_start3A_617, %dma_start3A_618, %dma_start3A_619] : memref<2x8x128x16xf32, #tpu.memory_space<vmem>> -> memref<1x1x128x16xf32, #tpu.memory_space<vmem>>
        %dma_start3A_621 = tpu.memref_squeeze %dma_start3A_620 : memref<1x1x128x16xf32, #tpu.memory_space<vmem>> -> memref<128x16xf32, #tpu.memory_space<vmem>>
        %dma_start3A_622 = arith.constant 0 : i32
        %dma_start3A_623 = tpu.memref_slice %arg6[%add3A_615, %dma_start3A_622] : memref<80x128xi32, #tpu.memory_space<vmem>> -> memref<1x128xi32, #tpu.memory_space<vmem>>
        %dma_start3A_624 = tpu.memref_squeeze %dma_start3A_623 : memref<1x128xi32, #tpu.memory_space<vmem>> -> memref<128xi32, #tpu.memory_space<vmem>>
        %dma_start3A_625 = arith.constant 0 : i32
        %dma_start3A_626 = arith.constant 0 : i32
        %dma_start3A_627 = tpu.memref_slice %arg2[%dma_start3A_625, %dma_start3A_626] : memref<10000x16xf32, #tpu.memory_space<hbm>> -> memref<10000x16xf32, #tpu.memory_space<hbm>>
        tpu.enqueue_indirect_dma source(%dma_start3A_627 : memref<10000x16xf32, #tpu.memory_space<hbm>>) target(%dma_start3A_621 : memref<128x16xf32, #tpu.memory_space<vmem>>) offsets(%dma_start3A_624 : memref<128xi32, #tpu.memory_space<vmem>>) semaphore(%arg17 : memref<!tpu.dma_semaphore, #tpu.memory_space<semaphore_mem>>)
        %add3A_628 = arith.constant 1 : i32
        %add3A_629 = arith.addi %add3A_318, %add3A_628 : i32
        %mul3A_630 = arith.constant 8 : i32
        %mul3A_631 = arith.muli %add3A_629, %mul3A_630 : i32
        %add3A_632 = arith.constant 7 : i32
        %add3A_633 = arith.addi %mul3A_631, %add3A_632 : i32
        %dma_start3A_634 = arith.constant 0 : i32
        %dma_start3A_635 = arith.constant 7 : i32
        %dma_start3A_636 = arith.constant 0 : i32
        %dma_start3A_637 = arith.constant 0 : i32
        %dma_start3A_638 = tpu.memref_slice %arg8[%dma_start3A_634, %dma_start3A_635, %dma_start3A_636, %dma_start3A_637] : memref<2x8x128x16xf32, #tpu.memory_space<vmem>> -> memref<1x1x128x16xf32, #tpu.memory_space<vmem>>
        %dma_start3A_639 = tpu.memref_squeeze %dma_start3A_638 : memref<1x1x128x16xf32, #tpu.memory_space<vmem>> -> memref<128x16xf32, #tpu.memory_space<vmem>>
        %dma_start3A_640 = arith.constant 0 : i32
        %dma_start3A_641 = tpu.memref_slice %arg6[%add3A_633, %dma_start3A_640] : memref<80x128xi32, #tpu.memory_space<vmem>> -> memref<1x128xi32, #tpu.memory_space<vmem>>
        %dma_start3A_642 = tpu.memref_squeeze %dma_start3A_641 : memref<1x128xi32, #tpu.memory_space<vmem>> -> memref<128xi32, #tpu.memory_space<vmem>>
        %dma_start3A_643 = arith.constant 0 : i32
        %dma_start3A_644 = arith.constant 0 : i32
        %dma_start3A_645 = tpu.memref_slice %arg2[%dma_start3A_643, %dma_start3A_644] : memref<10000x16xf32, #tpu.memory_space<hbm>> -> memref<10000x16xf32, #tpu.memory_space<hbm>>
        tpu.enqueue_indirect_dma source(%dma_start3A_645 : memref<10000x16xf32, #tpu.memory_space<hbm>>) target(%dma_start3A_639 : memref<128x16xf32, #tpu.memory_space<vmem>>) offsets(%dma_start3A_642 : memref<128xi32, #tpu.memory_space<vmem>>) semaphore(%arg18 : memref<!tpu.dma_semaphore, #tpu.memory_space<semaphore_mem>>)
      } else {
      }
      %mul3A_326 = arith.constant 8 : i32
      %mul3A_327 = arith.muli %add3A_318, %mul3A_326 : i32
      %add3A_328 = arith.constant 0 : i32
      %add3A_329 = arith.addi %mul3A_327, %add3A_328 : i32
      %dma_wait3A_330 = arith.constant 1 : i32
      %dma_wait3A_331 = arith.constant 0 : i32
      %dma_wait3A_332 = arith.constant 0 : i32
      %dma_wait3A_333 = arith.constant 0 : i32
      %dma_wait3A_334 = tpu.memref_slice %arg8[%dma_wait3A_330, %dma_wait3A_331, %dma_wait3A_332, %dma_wait3A_333] : memref<2x8x128x16xf32, #tpu.memory_space<vmem>> -> memref<1x1x128x16xf32, #tpu.memory_space<vmem>>
      %dma_wait3A_335 = tpu.memref_squeeze %dma_wait3A_334 : memref<1x1x128x16xf32, #tpu.memory_space<vmem>> -> memref<128x16xf32, #tpu.memory_space<vmem>>
      %dma_wait3A_336 = arith.constant 0 : i32
      %dma_wait3A_337 = tpu.memref_slice %arg6[%add3A_329, %dma_wait3A_336] : memref<80x128xi32, #tpu.memory_space<vmem>> -> memref<1x128xi32, #tpu.memory_space<vmem>>
      %dma_wait3A_338 = tpu.memref_squeeze %dma_wait3A_337 : memref<1x128xi32, #tpu.memory_space<vmem>> -> memref<128xi32, #tpu.memory_space<vmem>>
      %dma_wait3A_339 = arith.constant 0 : i32
      %dma_wait3A_340 = arith.constant 0 : i32
      %dma_wait3A_341 = tpu.memref_slice %arg2[%dma_wait3A_339, %dma_wait3A_340] : memref<10000x16xf32, #tpu.memory_space<hbm>> -> memref<10000x16xf32, #tpu.memory_space<hbm>>
      tpu.wait_indirect_dma semaphore(%arg19 : memref<!tpu.dma_semaphore, #tpu.memory_space<semaphore_mem>>) src(%dma_wait3A_341 : memref<10000x16xf32, #tpu.memory_space<hbm>>) dst(%dma_wait3A_335 : memref<128x16xf32, #tpu.memory_space<vmem>>)
      %mul3A_342 = arith.constant 8 : i32
      %mul3A_343 = arith.muli %add3A_318, %mul3A_342 : i32
      %add3A_344 = arith.constant 0 : i32
      %add3A_345 = arith.addi %mul3A_343, %add3A_344 : i32
      %run_scoped3A_346 = arith.constant 1 : i32
      %run_scoped3A_347 = arith.constant 0 : i32
      "tpu.region"() ({
        %run_scoped3A_502 = tpu.sem_alloc : memref<!tpu.dma_semaphore, #tpu.memory_space<semaphore_mem>>
        %dma_start3A_503 = arith.constant 0 : i32
        %dma_start3A_504 = arith.constant 0 : i32
        %dma_start3A_505 = tpu.memref_slice %arg8[%run_scoped3A_346, %run_scoped3A_347, %dma_start3A_503, %dma_start3A_504] : memref<2x8x128x16xf32, #tpu.memory_space<vmem>> -> memref<1x1x128x16xf32, #tpu.memory_space<vmem>>
        %dma_start3A_506 = tpu.memref_squeeze %dma_start3A_505 : memref<1x1x128x16xf32, #tpu.memory_space<vmem>> -> memref<128x16xf32, #tpu.memory_space<vmem>>
        %dma_start3A_507 = arith.constant 0 : i32
        %dma_start3A_508 = tpu.memref_slice %arg7[%add3A_345, %dma_start3A_507] : memref<80x128xi32, #tpu.memory_space<vmem>> -> memref<1x128xi32, #tpu.memory_space<vmem>>
        %dma_start3A_509 = tpu.memref_squeeze %dma_start3A_508 : memref<1x128xi32, #tpu.memory_space<vmem>> -> memref<128xi32, #tpu.memory_space<vmem>>
        %dma_start3A_510 = arith.constant 0 : i32
        %dma_start3A_511 = arith.constant 0 : i32
        %dma_start3A_512 = tpu.memref_slice %arg10[%dma_start3A_510, %dma_start3A_511] : memref<10240x16xf32, #tpu.memory_space<vmem_shared>> -> memref<10240x16xf32, #tpu.memory_space<vmem_shared>>
        tpu.enqueue_indirect_dma source(%dma_start3A_506 : memref<128x16xf32, #tpu.memory_space<vmem>>) target(%dma_start3A_512 : memref<10240x16xf32, #tpu.memory_space<vmem_shared>>) offsets(%dma_start3A_509 : memref<128xi32, #tpu.memory_space<vmem>>) semaphore(%run_scoped3A_502 : memref<!tpu.dma_semaphore, #tpu.memory_space<semaphore_mem>>) {add = true}
        %dma_wait3A_513 = arith.constant 0 : i32
        %dma_wait3A_514 = arith.constant 0 : i32
        %dma_wait3A_515 = tpu.memref_slice %arg8[%run_scoped3A_346, %run_scoped3A_347, %dma_wait3A_513, %dma_wait3A_514] : memref<2x8x128x16xf32, #tpu.memory_space<vmem>> -> memref<1x1x128x16xf32, #tpu.memory_space<vmem>>
        %dma_wait3A_516 = tpu.memref_squeeze %dma_wait3A_515 : memref<1x1x128x16xf32, #tpu.memory_space<vmem>> -> memref<128x16xf32, #tpu.memory_space<vmem>>
        %dma_wait3A_517 = arith.constant 0 : i32
        %dma_wait3A_518 = tpu.memref_slice %arg7[%add3A_345, %dma_wait3A_517] : memref<80x128xi32, #tpu.memory_space<vmem>> -> memref<1x128xi32, #tpu.memory_space<vmem>>
        %dma_wait3A_519 = tpu.memref_squeeze %dma_wait3A_518 : memref<1x128xi32, #tpu.memory_space<vmem>> -> memref<128xi32, #tpu.memory_space<vmem>>
        %dma_wait3A_520 = arith.constant 0 : i32
        %dma_wait3A_521 = arith.constant 0 : i32
        %dma_wait3A_522 = tpu.memref_slice %arg10[%dma_wait3A_520, %dma_wait3A_521] : memref<10240x16xf32, #tpu.memory_space<vmem_shared>> -> memref<10240x16xf32, #tpu.memory_space<vmem_shared>>
        tpu.wait_indirect_dma semaphore(%run_scoped3A_502 : memref<!tpu.dma_semaphore, #tpu.memory_space<semaphore_mem>>) src(%dma_wait3A_516 : memref<128x16xf32, #tpu.memory_space<vmem>>) dst(%dma_wait3A_522 : memref<10240x16xf32, #tpu.memory_space<vmem_shared>>)
        tpu.yield
      }) : () -> ()
      %mul3A_348 = arith.constant 8 : i32
      %mul3A_349 = arith.muli %add3A_318, %mul3A_348 : i32
      %add3A_350 = arith.constant 1 : i32
      %add3A_351 = arith.addi %mul3A_349, %add3A_350 : i32
      %dma_wait3A_352 = arith.constant 1 : i32
      %dma_wait3A_353 = arith.constant 1 : i32
      %dma_wait3A_354 = arith.constant 0 : i32
      %dma_wait3A_355 = arith.constant 0 : i32
      %dma_wait3A_356 = tpu.memref_slice %arg8[%dma_wait3A_352, %dma_wait3A_353, %dma_wait3A_354, %dma_wait3A_355] : memref<2x8x128x16xf32, #tpu.memory_space<vmem>> -> memref<1x1x128x16xf32, #tpu.memory_space<vmem>>
      %dma_wait3A_357 = tpu.memref_squeeze %dma_wait3A_356 : memref<1x1x128x16xf32, #tpu.memory_space<vmem>> -> memref<128x16xf32, #tpu.memory_space<vmem>>
      %dma_wait3A_358 = arith.constant 0 : i32
      %dma_wait3A_359 = tpu.memref_slice %arg6[%add3A_351, %dma_wait3A_358] : memref<80x128xi32, #tpu.memory_space<vmem>> -> memref<1x128xi32, #tpu.memory_space<vmem>>
      %dma_wait3A_360 = tpu.memref_squeeze %dma_wait3A_359 : memref<1x128xi32, #tpu.memory_space<vmem>> -> memref<128xi32, #tpu.memory_space<vmem>>
      %dma_wait3A_361 = arith.constant 0 : i32
      %dma_wait3A_362 = arith.constant 0 : i32
      %dma_wait3A_363 = tpu.memref_slice %arg2[%dma_wait3A_361, %dma_wait3A_362] : memref<10000x16xf32, #tpu.memory_space<hbm>> -> memref<10000x16xf32, #tpu.memory_space<hbm>>
      tpu.wait_indirect_dma semaphore(%arg20 : memref<!tpu.dma_semaphore, #tpu.memory_space<semaphore_mem>>) src(%dma_wait3A_363 : memref<10000x16xf32, #tpu.memory_space<hbm>>) dst(%dma_wait3A_357 : memref<128x16xf32, #tpu.memory_space<vmem>>)
      %mul3A_364 = arith.constant 8 : i32
      %mul3A_365 = arith.muli %add3A_318, %mul3A_364 : i32
      %add3A_366 = arith.constant 1 : i32
      %add3A_367 = arith.addi %mul3A_365, %add3A_366 : i32
      %run_scoped3A_368 = arith.constant 1 : i32
      %run_scoped3A_369 = arith.constant 1 : i32
      "tpu.region"() ({
        %run_scoped3A_502 = tpu.sem_alloc : memref<!tpu.dma_semaphore, #tpu.memory_space<semaphore_mem>>
        %dma_start3A_503 = arith.constant 0 : i32
        %dma_start3A_504 = arith.constant 0 : i32
        %dma_start3A_505 = tpu.memref_slice %arg8[%run_scoped3A_368, %run_scoped3A_369, %dma_start3A_503, %dma_start3A_504] : memref<2x8x128x16xf32, #tpu.memory_space<vmem>> -> memref<1x1x128x16xf32, #tpu.memory_space<vmem>>
        %dma_start3A_506 = tpu.memref_squeeze %dma_start3A_505 : memref<1x1x128x16xf32, #tpu.memory_space<vmem>> -> memref<128x16xf32, #tpu.memory_space<vmem>>
        %dma_start3A_507 = arith.constant 0 : i32
        %dma_start3A_508 = tpu.memref_slice %arg7[%add3A_367, %dma_start3A_507] : memref<80x128xi32, #tpu.memory_space<vmem>> -> memref<1x128xi32, #tpu.memory_space<vmem>>
        %dma_start3A_509 = tpu.memref_squeeze %dma_start3A_508 : memref<1x128xi32, #tpu.memory_space<vmem>> -> memref<128xi32, #tpu.memory_space<vmem>>
        %dma_start3A_510 = arith.constant 0 : i32
        %dma_start3A_511 = arith.constant 0 : i32
        %dma_start3A_512 = tpu.memref_slice %arg10[%dma_start3A_510, %dma_start3A_511] : memref<10240x16xf32, #tpu.memory_space<vmem_shared>> -> memref<10240x16xf32, #tpu.memory_space<vmem_shared>>
        tpu.enqueue_indirect_dma source(%dma_start3A_506 : memref<128x16xf32, #tpu.memory_space<vmem>>) target(%dma_start3A_512 : memref<10240x16xf32, #tpu.memory_space<vmem_shared>>) offsets(%dma_start3A_509 : memref<128xi32, #tpu.memory_space<vmem>>) semaphore(%run_scoped3A_502 : memref<!tpu.dma_semaphore, #tpu.memory_space<semaphore_mem>>) {add = true}
        %dma_wait3A_513 = arith.constant 0 : i32
        %dma_wait3A_514 = arith.constant 0 : i32
        %dma_wait3A_515 = tpu.memref_slice %arg8[%run_scoped3A_368, %run_scoped3A_369, %dma_wait3A_513, %dma_wait3A_514] : memref<2x8x128x16xf32, #tpu.memory_space<vmem>> -> memref<1x1x128x16xf32, #tpu.memory_space<vmem>>
        %dma_wait3A_516 = tpu.memref_squeeze %dma_wait3A_515 : memref<1x1x128x16xf32, #tpu.memory_space<vmem>> -> memref<128x16xf32, #tpu.memory_space<vmem>>
        %dma_wait3A_517 = arith.constant 0 : i32
        %dma_wait3A_518 = tpu.memref_slice %arg7[%add3A_367, %dma_wait3A_517] : memref<80x128xi32, #tpu.memory_space<vmem>> -> memref<1x128xi32, #tpu.memory_space<vmem>>
        %dma_wait3A_519 = tpu.memref_squeeze %dma_wait3A_518 : memref<1x128xi32, #tpu.memory_space<vmem>> -> memref<128xi32, #tpu.memory_space<vmem>>
        %dma_wait3A_520 = arith.constant 0 : i32
        %dma_wait3A_521 = arith.constant 0 : i32
        %dma_wait3A_522 = tpu.memref_slice %arg10[%dma_wait3A_520, %dma_wait3A_521] : memref<10240x16xf32, #tpu.memory_space<vmem_shared>> -> memref<10240x16xf32, #tpu.memory_space<vmem_shared>>
        tpu.wait_indirect_dma semaphore(%run_scoped3A_502 : memref<!tpu.dma_semaphore, #tpu.memory_space<semaphore_mem>>) src(%dma_wait3A_516 : memref<128x16xf32, #tpu.memory_space<vmem>>) dst(%dma_wait3A_522 : memref<10240x16xf32, #tpu.memory_space<vmem_shared>>)
        tpu.yield
      }) : () -> ()
      %mul3A_370 = arith.constant 8 : i32
      %mul3A_371 = arith.muli %add3A_318, %mul3A_370 : i32
      %add3A_372 = arith.constant 2 : i32
      %add3A_373 = arith.addi %mul3A_371, %add3A_372 : i32
      %dma_wait3A_374 = arith.constant 1 : i32
      %dma_wait3A_375 = arith.constant 2 : i32
      %dma_wait3A_376 = arith.constant 0 : i32
      %dma_wait3A_377 = arith.constant 0 : i32
      %dma_wait3A_378 = tpu.memref_slice %arg8[%dma_wait3A_374, %dma_wait3A_375, %dma_wait3A_376, %dma_wait3A_377] : memref<2x8x128x16xf32, #tpu.memory_space<vmem>> -> memref<1x1x128x16xf32, #tpu.memory_space<vmem>>
      %dma_wait3A_379 = tpu.memref_squeeze %dma_wait3A_378 : memref<1x1x128x16xf32, #tpu.memory_space<vmem>> -> memref<128x16xf32, #tpu.memory_space<vmem>>
      %dma_wait3A_380 = arith.constant 0 : i32
      %dma_wait3A_381 = tpu.memref_slice %arg6[%add3A_373, %dma_wait3A_380] : memref<80x128xi32, #tpu.memory_space<vmem>> -> memref<1x128xi32, #tpu.memory_space<vmem>>
      %dma_wait3A_382 = tpu.memref_squeeze %dma_wait3A_381 : memref<1x128xi32, #tpu.memory_space<vmem>> -> memref<128xi32, #tpu.memory_space<vmem>>
      %dma_wait3A_383 = arith.constant 0 : i32
      %dma_wait3A_384 = arith.constant 0 : i32
      %dma_wait3A_385 = tpu.memref_slice %arg2[%dma_wait3A_383, %dma_wait3A_384] : memref<10000x16xf32, #tpu.memory_space<hbm>> -> memref<10000x16xf32, #tpu.memory_space<hbm>>
      tpu.wait_indirect_dma semaphore(%arg21 : memref<!tpu.dma_semaphore, #tpu.memory_space<semaphore_mem>>) src(%dma_wait3A_385 : memref<10000x16xf32, #tpu.memory_space<hbm>>) dst(%dma_wait3A_379 : memref<128x16xf32, #tpu.memory_space<vmem>>)
      %mul3A_386 = arith.constant 8 : i32
      %mul3A_387 = arith.muli %add3A_318, %mul3A_386 : i32
      %add3A_388 = arith.constant 2 : i32
      %add3A_389 = arith.addi %mul3A_387, %add3A_388 : i32
      %run_scoped3A_390 = arith.constant 1 : i32
      %run_scoped3A_391 = arith.constant 2 : i32
      "tpu.region"() ({
        %run_scoped3A_502 = tpu.sem_alloc : memref<!tpu.dma_semaphore, #tpu.memory_space<semaphore_mem>>
        %dma_start3A_503 = arith.constant 0 : i32
        %dma_start3A_504 = arith.constant 0 : i32
        %dma_start3A_505 = tpu.memref_slice %arg8[%run_scoped3A_390, %run_scoped3A_391, %dma_start3A_503, %dma_start3A_504] : memref<2x8x128x16xf32, #tpu.memory_space<vmem>> -> memref<1x1x128x16xf32, #tpu.memory_space<vmem>>
        %dma_start3A_506 = tpu.memref_squeeze %dma_start3A_505 : memref<1x1x128x16xf32, #tpu.memory_space<vmem>> -> memref<128x16xf32, #tpu.memory_space<vmem>>
        %dma_start3A_507 = arith.constant 0 : i32
        %dma_start3A_508 = tpu.memref_slice %arg7[%add3A_389, %dma_start3A_507] : memref<80x128xi32, #tpu.memory_space<vmem>> -> memref<1x128xi32, #tpu.memory_space<vmem>>
        %dma_start3A_509 = tpu.memref_squeeze %dma_start3A_508 : memref<1x128xi32, #tpu.memory_space<vmem>> -> memref<128xi32, #tpu.memory_space<vmem>>
        %dma_start3A_510 = arith.constant 0 : i32
        %dma_start3A_511 = arith.constant 0 : i32
        %dma_start3A_512 = tpu.memref_slice %arg10[%dma_start3A_510, %dma_start3A_511] : memref<10240x16xf32, #tpu.memory_space<vmem_shared>> -> memref<10240x16xf32, #tpu.memory_space<vmem_shared>>
        tpu.enqueue_indirect_dma source(%dma_start3A_506 : memref<128x16xf32, #tpu.memory_space<vmem>>) target(%dma_start3A_512 : memref<10240x16xf32, #tpu.memory_space<vmem_shared>>) offsets(%dma_start3A_509 : memref<128xi32, #tpu.memory_space<vmem>>) semaphore(%run_scoped3A_502 : memref<!tpu.dma_semaphore, #tpu.memory_space<semaphore_mem>>) {add = true}
        %dma_wait3A_513 = arith.constant 0 : i32
        %dma_wait3A_514 = arith.constant 0 : i32
        %dma_wait3A_515 = tpu.memref_slice %arg8[%run_scoped3A_390, %run_scoped3A_391, %dma_wait3A_513, %dma_wait3A_514] : memref<2x8x128x16xf32, #tpu.memory_space<vmem>> -> memref<1x1x128x16xf32, #tpu.memory_space<vmem>>
        %dma_wait3A_516 = tpu.memref_squeeze %dma_wait3A_515 : memref<1x1x128x16xf32, #tpu.memory_space<vmem>> -> memref<128x16xf32, #tpu.memory_space<vmem>>
        %dma_wait3A_517 = arith.constant 0 : i32
        %dma_wait3A_518 = tpu.memref_slice %arg7[%add3A_389, %dma_wait3A_517] : memref<80x128xi32, #tpu.memory_space<vmem>> -> memref<1x128xi32, #tpu.memory_space<vmem>>
        %dma_wait3A_519 = tpu.memref_squeeze %dma_wait3A_518 : memref<1x128xi32, #tpu.memory_space<vmem>> -> memref<128xi32, #tpu.memory_space<vmem>>
        %dma_wait3A_520 = arith.constant 0 : i32
        %dma_wait3A_521 = arith.constant 0 : i32
        %dma_wait3A_522 = tpu.memref_slice %arg10[%dma_wait3A_520, %dma_wait3A_521] : memref<10240x16xf32, #tpu.memory_space<vmem_shared>> -> memref<10240x16xf32, #tpu.memory_space<vmem_shared>>
        tpu.wait_indirect_dma semaphore(%run_scoped3A_502 : memref<!tpu.dma_semaphore, #tpu.memory_space<semaphore_mem>>) src(%dma_wait3A_516 : memref<128x16xf32, #tpu.memory_space<vmem>>) dst(%dma_wait3A_522 : memref<10240x16xf32, #tpu.memory_space<vmem_shared>>)
        tpu.yield
      }) : () -> ()
      %mul3A_392 = arith.constant 8 : i32
      %mul3A_393 = arith.muli %add3A_318, %mul3A_392 : i32
      %add3A_394 = arith.constant 3 : i32
      %add3A_395 = arith.addi %mul3A_393, %add3A_394 : i32
      %dma_wait3A_396 = arith.constant 1 : i32
      %dma_wait3A_397 = arith.constant 3 : i32
      %dma_wait3A_398 = arith.constant 0 : i32
      %dma_wait3A_399 = arith.constant 0 : i32
      %dma_wait3A_400 = tpu.memref_slice %arg8[%dma_wait3A_396, %dma_wait3A_397, %dma_wait3A_398, %dma_wait3A_399] : memref<2x8x128x16xf32, #tpu.memory_space<vmem>> -> memref<1x1x128x16xf32, #tpu.memory_space<vmem>>
      %dma_wait3A_401 = tpu.memref_squeeze %dma_wait3A_400 : memref<1x1x128x16xf32, #tpu.memory_space<vmem>> -> memref<128x16xf32, #tpu.memory_space<vmem>>
      %dma_wait3A_402 = arith.constant 0 : i32
      %dma_wait3A_403 = tpu.memref_slice %arg6[%add3A_395, %dma_wait3A_402] : memref<80x128xi32, #tpu.memory_space<vmem>> -> memref<1x128xi32, #tpu.memory_space<vmem>>
      %dma_wait3A_404 = tpu.memref_squeeze %dma_wait3A_403 : memref<1x128xi32, #tpu.memory_space<vmem>> -> memref<128xi32, #tpu.memory_space<vmem>>
      %dma_wait3A_405 = arith.constant 0 : i32
      %dma_wait3A_406 = arith.constant 0 : i32
      %dma_wait3A_407 = tpu.memref_slice %arg2[%dma_wait3A_405, %dma_wait3A_406] : memref<10000x16xf32, #tpu.memory_space<hbm>> -> memref<10000x16xf32, #tpu.memory_space<hbm>>
      tpu.wait_indirect_dma semaphore(%arg22 : memref<!tpu.dma_semaphore, #tpu.memory_space<semaphore_mem>>) src(%dma_wait3A_407 : memref<10000x16xf32, #tpu.memory_space<hbm>>) dst(%dma_wait3A_401 : memref<128x16xf32, #tpu.memory_space<vmem>>)
      %mul3A_408 = arith.constant 8 : i32
      %mul3A_409 = arith.muli %add3A_318, %mul3A_408 : i32
      %add3A_410 = arith.constant 3 : i32
      %add3A_411 = arith.addi %mul3A_409, %add3A_410 : i32
      %run_scoped3A_412 = arith.constant 1 : i32
      %run_scoped3A_413 = arith.constant 3 : i32
      "tpu.region"() ({
        %run_scoped3A_502 = tpu.sem_alloc : memref<!tpu.dma_semaphore, #tpu.memory_space<semaphore_mem>>
        %dma_start3A_503 = arith.constant 0 : i32
        %dma_start3A_504 = arith.constant 0 : i32
        %dma_start3A_505 = tpu.memref_slice %arg8[%run_scoped3A_412, %run_scoped3A_413, %dma_start3A_503, %dma_start3A_504] : memref<2x8x128x16xf32, #tpu.memory_space<vmem>> -> memref<1x1x128x16xf32, #tpu.memory_space<vmem>>
        %dma_start3A_506 = tpu.memref_squeeze %dma_start3A_505 : memref<1x1x128x16xf32, #tpu.memory_space<vmem>> -> memref<128x16xf32, #tpu.memory_space<vmem>>
        %dma_start3A_507 = arith.constant 0 : i32
        %dma_start3A_508 = tpu.memref_slice %arg7[%add3A_411, %dma_start3A_507] : memref<80x128xi32, #tpu.memory_space<vmem>> -> memref<1x128xi32, #tpu.memory_space<vmem>>
        %dma_start3A_509 = tpu.memref_squeeze %dma_start3A_508 : memref<1x128xi32, #tpu.memory_space<vmem>> -> memref<128xi32, #tpu.memory_space<vmem>>
        %dma_start3A_510 = arith.constant 0 : i32
        %dma_start3A_511 = arith.constant 0 : i32
        %dma_start3A_512 = tpu.memref_slice %arg10[%dma_start3A_510, %dma_start3A_511] : memref<10240x16xf32, #tpu.memory_space<vmem_shared>> -> memref<10240x16xf32, #tpu.memory_space<vmem_shared>>
        tpu.enqueue_indirect_dma source(%dma_start3A_506 : memref<128x16xf32, #tpu.memory_space<vmem>>) target(%dma_start3A_512 : memref<10240x16xf32, #tpu.memory_space<vmem_shared>>) offsets(%dma_start3A_509 : memref<128xi32, #tpu.memory_space<vmem>>) semaphore(%run_scoped3A_502 : memref<!tpu.dma_semaphore, #tpu.memory_space<semaphore_mem>>) {add = true}
        %dma_wait3A_513 = arith.constant 0 : i32
        %dma_wait3A_514 = arith.constant 0 : i32
        %dma_wait3A_515 = tpu.memref_slice %arg8[%run_scoped3A_412, %run_scoped3A_413, %dma_wait3A_513, %dma_wait3A_514] : memref<2x8x128x16xf32, #tpu.memory_space<vmem>> -> memref<1x1x128x16xf32, #tpu.memory_space<vmem>>
        %dma_wait3A_516 = tpu.memref_squeeze %dma_wait3A_515 : memref<1x1x128x16xf32, #tpu.memory_space<vmem>> -> memref<128x16xf32, #tpu.memory_space<vmem>>
        %dma_wait3A_517 = arith.constant 0 : i32
        %dma_wait3A_518 = tpu.memref_slice %arg7[%add3A_411, %dma_wait3A_517] : memref<80x128xi32, #tpu.memory_space<vmem>> -> memref<1x128xi32, #tpu.memory_space<vmem>>
        %dma_wait3A_519 = tpu.memref_squeeze %dma_wait3A_518 : memref<1x128xi32, #tpu.memory_space<vmem>> -> memref<128xi32, #tpu.memory_space<vmem>>
        %dma_wait3A_520 = arith.constant 0 : i32
        %dma_wait3A_521 = arith.constant 0 : i32
        %dma_wait3A_522 = tpu.memref_slice %arg10[%dma_wait3A_520, %dma_wait3A_521] : memref<10240x16xf32, #tpu.memory_space<vmem_shared>> -> memref<10240x16xf32, #tpu.memory_space<vmem_shared>>
        tpu.wait_indirect_dma semaphore(%run_scoped3A_502 : memref<!tpu.dma_semaphore, #tpu.memory_space<semaphore_mem>>) src(%dma_wait3A_516 : memref<128x16xf32, #tpu.memory_space<vmem>>) dst(%dma_wait3A_522 : memref<10240x16xf32, #tpu.memory_space<vmem_shared>>)
        tpu.yield
      }) : () -> ()
      %mul3A_414 = arith.constant 8 : i32
      %mul3A_415 = arith.muli %add3A_318, %mul3A_414 : i32
      %add3A_416 = arith.constant 4 : i32
      %add3A_417 = arith.addi %mul3A_415, %add3A_416 : i32
      %dma_wait3A_418 = arith.constant 1 : i32
      %dma_wait3A_419 = arith.constant 4 : i32
      %dma_wait3A_420 = arith.constant 0 : i32
      %dma_wait3A_421 = arith.constant 0 : i32
      %dma_wait3A_422 = tpu.memref_slice %arg8[%dma_wait3A_418, %dma_wait3A_419, %dma_wait3A_420, %dma_wait3A_421] : memref<2x8x128x16xf32, #tpu.memory_space<vmem>> -> memref<1x1x128x16xf32, #tpu.memory_space<vmem>>
      %dma_wait3A_423 = tpu.memref_squeeze %dma_wait3A_422 : memref<1x1x128x16xf32, #tpu.memory_space<vmem>> -> memref<128x16xf32, #tpu.memory_space<vmem>>
      %dma_wait3A_424 = arith.constant 0 : i32
      %dma_wait3A_425 = tpu.memref_slice %arg6[%add3A_417, %dma_wait3A_424] : memref<80x128xi32, #tpu.memory_space<vmem>> -> memref<1x128xi32, #tpu.memory_space<vmem>>
      %dma_wait3A_426 = tpu.memref_squeeze %dma_wait3A_425 : memref<1x128xi32, #tpu.memory_space<vmem>> -> memref<128xi32, #tpu.memory_space<vmem>>
      %dma_wait3A_427 = arith.constant 0 : i32
      %dma_wait3A_428 = arith.constant 0 : i32
      %dma_wait3A_429 = tpu.memref_slice %arg2[%dma_wait3A_427, %dma_wait3A_428] : memref<10000x16xf32, #tpu.memory_space<hbm>> -> memref<10000x16xf32, #tpu.memory_space<hbm>>
      tpu.wait_indirect_dma semaphore(%arg23 : memref<!tpu.dma_semaphore, #tpu.memory_space<semaphore_mem>>) src(%dma_wait3A_429 : memref<10000x16xf32, #tpu.memory_space<hbm>>) dst(%dma_wait3A_423 : memref<128x16xf32, #tpu.memory_space<vmem>>)
      %mul3A_430 = arith.constant 8 : i32
      %mul3A_431 = arith.muli %add3A_318, %mul3A_430 : i32
      %add3A_432 = arith.constant 4 : i32
      %add3A_433 = arith.addi %mul3A_431, %add3A_432 : i32
      %run_scoped3A_434 = arith.constant 1 : i32
      %run_scoped3A_435 = arith.constant 4 : i32
      "tpu.region"() ({
        %run_scoped3A_502 = tpu.sem_alloc : memref<!tpu.dma_semaphore, #tpu.memory_space<semaphore_mem>>
        %dma_start3A_503 = arith.constant 0 : i32
        %dma_start3A_504 = arith.constant 0 : i32
        %dma_start3A_505 = tpu.memref_slice %arg8[%run_scoped3A_434, %run_scoped3A_435, %dma_start3A_503, %dma_start3A_504] : memref<2x8x128x16xf32, #tpu.memory_space<vmem>> -> memref<1x1x128x16xf32, #tpu.memory_space<vmem>>
        %dma_start3A_506 = tpu.memref_squeeze %dma_start3A_505 : memref<1x1x128x16xf32, #tpu.memory_space<vmem>> -> memref<128x16xf32, #tpu.memory_space<vmem>>
        %dma_start3A_507 = arith.constant 0 : i32
        %dma_start3A_508 = tpu.memref_slice %arg7[%add3A_433, %dma_start3A_507] : memref<80x128xi32, #tpu.memory_space<vmem>> -> memref<1x128xi32, #tpu.memory_space<vmem>>
        %dma_start3A_509 = tpu.memref_squeeze %dma_start3A_508 : memref<1x128xi32, #tpu.memory_space<vmem>> -> memref<128xi32, #tpu.memory_space<vmem>>
        %dma_start3A_510 = arith.constant 0 : i32
        %dma_start3A_511 = arith.constant 0 : i32
        %dma_start3A_512 = tpu.memref_slice %arg10[%dma_start3A_510, %dma_start3A_511] : memref<10240x16xf32, #tpu.memory_space<vmem_shared>> -> memref<10240x16xf32, #tpu.memory_space<vmem_shared>>
        tpu.enqueue_indirect_dma source(%dma_start3A_506 : memref<128x16xf32, #tpu.memory_space<vmem>>) target(%dma_start3A_512 : memref<10240x16xf32, #tpu.memory_space<vmem_shared>>) offsets(%dma_start3A_509 : memref<128xi32, #tpu.memory_space<vmem>>) semaphore(%run_scoped3A_502 : memref<!tpu.dma_semaphore, #tpu.memory_space<semaphore_mem>>) {add = true}
        %dma_wait3A_513 = arith.constant 0 : i32
        %dma_wait3A_514 = arith.constant 0 : i32
        %dma_wait3A_515 = tpu.memref_slice %arg8[%run_scoped3A_434, %run_scoped3A_435, %dma_wait3A_513, %dma_wait3A_514] : memref<2x8x128x16xf32, #tpu.memory_space<vmem>> -> memref<1x1x128x16xf32, #tpu.memory_space<vmem>>
        %dma_wait3A_516 = tpu.memref_squeeze %dma_wait3A_515 : memref<1x1x128x16xf32, #tpu.memory_space<vmem>> -> memref<128x16xf32, #tpu.memory_space<vmem>>
        %dma_wait3A_517 = arith.constant 0 : i32
        %dma_wait3A_518 = tpu.memref_slice %arg7[%add3A_433, %dma_wait3A_517] : memref<80x128xi32, #tpu.memory_space<vmem>> -> memref<1x128xi32, #tpu.memory_space<vmem>>
        %dma_wait3A_519 = tpu.memref_squeeze %dma_wait3A_518 : memref<1x128xi32, #tpu.memory_space<vmem>> -> memref<128xi32, #tpu.memory_space<vmem>>
        %dma_wait3A_520 = arith.constant 0 : i32
        %dma_wait3A_521 = arith.constant 0 : i32
        %dma_wait3A_522 = tpu.memref_slice %arg10[%dma_wait3A_520, %dma_wait3A_521] : memref<10240x16xf32, #tpu.memory_space<vmem_shared>> -> memref<10240x16xf32, #tpu.memory_space<vmem_shared>>
        tpu.wait_indirect_dma semaphore(%run_scoped3A_502 : memref<!tpu.dma_semaphore, #tpu.memory_space<semaphore_mem>>) src(%dma_wait3A_516 : memref<128x16xf32, #tpu.memory_space<vmem>>) dst(%dma_wait3A_522 : memref<10240x16xf32, #tpu.memory_space<vmem_shared>>)
        tpu.yield
      }) : () -> ()
      %mul3A_436 = arith.constant 8 : i32
      %mul3A_437 = arith.muli %add3A_318, %mul3A_436 : i32
      %add3A_438 = arith.constant 5 : i32
      %add3A_439 = arith.addi %mul3A_437, %add3A_438 : i32
      %dma_wait3A_440 = arith.constant 1 : i32
      %dma_wait3A_441 = arith.constant 5 : i32
      %dma_wait3A_442 = arith.constant 0 : i32
      %dma_wait3A_443 = arith.constant 0 : i32
      %dma_wait3A_444 = tpu.memref_slice %arg8[%dma_wait3A_440, %dma_wait3A_441, %dma_wait3A_442, %dma_wait3A_443] : memref<2x8x128x16xf32, #tpu.memory_space<vmem>> -> memref<1x1x128x16xf32, #tpu.memory_space<vmem>>
      %dma_wait3A_445 = tpu.memref_squeeze %dma_wait3A_444 : memref<1x1x128x16xf32, #tpu.memory_space<vmem>> -> memref<128x16xf32, #tpu.memory_space<vmem>>
      %dma_wait3A_446 = arith.constant 0 : i32
      %dma_wait3A_447 = tpu.memref_slice %arg6[%add3A_439, %dma_wait3A_446] : memref<80x128xi32, #tpu.memory_space<vmem>> -> memref<1x128xi32, #tpu.memory_space<vmem>>
      %dma_wait3A_448 = tpu.memref_squeeze %dma_wait3A_447 : memref<1x128xi32, #tpu.memory_space<vmem>> -> memref<128xi32, #tpu.memory_space<vmem>>
      %dma_wait3A_449 = arith.constant 0 : i32
      %dma_wait3A_450 = arith.constant 0 : i32
      %dma_wait3A_451 = tpu.memref_slice %arg2[%dma_wait3A_449, %dma_wait3A_450] : memref<10000x16xf32, #tpu.memory_space<hbm>> -> memref<10000x16xf32, #tpu.memory_space<hbm>>
      tpu.wait_indirect_dma semaphore(%arg24 : memref<!tpu.dma_semaphore, #tpu.memory_space<semaphore_mem>>) src(%dma_wait3A_451 : memref<10000x16xf32, #tpu.memory_space<hbm>>) dst(%dma_wait3A_445 : memref<128x16xf32, #tpu.memory_space<vmem>>)
      %mul3A_452 = arith.constant 8 : i32
      %mul3A_453 = arith.muli %add3A_318, %mul3A_452 : i32
      %add3A_454 = arith.constant 5 : i32
      %add3A_455 = arith.addi %mul3A_453, %add3A_454 : i32
      %run_scoped3A_456 = arith.constant 1 : i32
      %run_scoped3A_457 = arith.constant 5 : i32
      "tpu.region"() ({
        %run_scoped3A_502 = tpu.sem_alloc : memref<!tpu.dma_semaphore, #tpu.memory_space<semaphore_mem>>
        %dma_start3A_503 = arith.constant 0 : i32
        %dma_start3A_504 = arith.constant 0 : i32
        %dma_start3A_505 = tpu.memref_slice %arg8[%run_scoped3A_456, %run_scoped3A_457, %dma_start3A_503, %dma_start3A_504] : memref<2x8x128x16xf32, #tpu.memory_space<vmem>> -> memref<1x1x128x16xf32, #tpu.memory_space<vmem>>
        %dma_start3A_506 = tpu.memref_squeeze %dma_start3A_505 : memref<1x1x128x16xf32, #tpu.memory_space<vmem>> -> memref<128x16xf32, #tpu.memory_space<vmem>>
        %dma_start3A_507 = arith.constant 0 : i32
        %dma_start3A_508 = tpu.memref_slice %arg7[%add3A_455, %dma_start3A_507] : memref<80x128xi32, #tpu.memory_space<vmem>> -> memref<1x128xi32, #tpu.memory_space<vmem>>
        %dma_start3A_509 = tpu.memref_squeeze %dma_start3A_508 : memref<1x128xi32, #tpu.memory_space<vmem>> -> memref<128xi32, #tpu.memory_space<vmem>>
        %dma_start3A_510 = arith.constant 0 : i32
        %dma_start3A_511 = arith.constant 0 : i32
        %dma_start3A_512 = tpu.memref_slice %arg10[%dma_start3A_510, %dma_start3A_511] : memref<10240x16xf32, #tpu.memory_space<vmem_shared>> -> memref<10240x16xf32, #tpu.memory_space<vmem_shared>>
        tpu.enqueue_indirect_dma source(%dma_start3A_506 : memref<128x16xf32, #tpu.memory_space<vmem>>) target(%dma_start3A_512 : memref<10240x16xf32, #tpu.memory_space<vmem_shared>>) offsets(%dma_start3A_509 : memref<128xi32, #tpu.memory_space<vmem>>) semaphore(%run_scoped3A_502 : memref<!tpu.dma_semaphore, #tpu.memory_space<semaphore_mem>>) {add = true}
        %dma_wait3A_513 = arith.constant 0 : i32
        %dma_wait3A_514 = arith.constant 0 : i32
        %dma_wait3A_515 = tpu.memref_slice %arg8[%run_scoped3A_456, %run_scoped3A_457, %dma_wait3A_513, %dma_wait3A_514] : memref<2x8x128x16xf32, #tpu.memory_space<vmem>> -> memref<1x1x128x16xf32, #tpu.memory_space<vmem>>
        %dma_wait3A_516 = tpu.memref_squeeze %dma_wait3A_515 : memref<1x1x128x16xf32, #tpu.memory_space<vmem>> -> memref<128x16xf32, #tpu.memory_space<vmem>>
        %dma_wait3A_517 = arith.constant 0 : i32
        %dma_wait3A_518 = tpu.memref_slice %arg7[%add3A_455, %dma_wait3A_517] : memref<80x128xi32, #tpu.memory_space<vmem>> -> memref<1x128xi32, #tpu.memory_space<vmem>>
        %dma_wait3A_519 = tpu.memref_squeeze %dma_wait3A_518 : memref<1x128xi32, #tpu.memory_space<vmem>> -> memref<128xi32, #tpu.memory_space<vmem>>
        %dma_wait3A_520 = arith.constant 0 : i32
        %dma_wait3A_521 = arith.constant 0 : i32
        %dma_wait3A_522 = tpu.memref_slice %arg10[%dma_wait3A_520, %dma_wait3A_521] : memref<10240x16xf32, #tpu.memory_space<vmem_shared>> -> memref<10240x16xf32, #tpu.memory_space<vmem_shared>>
        tpu.wait_indirect_dma semaphore(%run_scoped3A_502 : memref<!tpu.dma_semaphore, #tpu.memory_space<semaphore_mem>>) src(%dma_wait3A_516 : memref<128x16xf32, #tpu.memory_space<vmem>>) dst(%dma_wait3A_522 : memref<10240x16xf32, #tpu.memory_space<vmem_shared>>)
        tpu.yield
      }) : () -> ()
      %mul3A_458 = arith.constant 8 : i32
      %mul3A_459 = arith.muli %add3A_318, %mul3A_458 : i32
      %add3A_460 = arith.constant 6 : i32
      %add3A_461 = arith.addi %mul3A_459, %add3A_460 : i32
      %dma_wait3A_462 = arith.constant 1 : i32
      %dma_wait3A_463 = arith.constant 6 : i32
      %dma_wait3A_464 = arith.constant 0 : i32
      %dma_wait3A_465 = arith.constant 0 : i32
      %dma_wait3A_466 = tpu.memref_slice %arg8[%dma_wait3A_462, %dma_wait3A_463, %dma_wait3A_464, %dma_wait3A_465] : memref<2x8x128x16xf32, #tpu.memory_space<vmem>> -> memref<1x1x128x16xf32, #tpu.memory_space<vmem>>
      %dma_wait3A_467 = tpu.memref_squeeze %dma_wait3A_466 : memref<1x1x128x16xf32, #tpu.memory_space<vmem>> -> memref<128x16xf32, #tpu.memory_space<vmem>>
      %dma_wait3A_468 = arith.constant 0 : i32
      %dma_wait3A_469 = tpu.memref_slice %arg6[%add3A_461, %dma_wait3A_468] : memref<80x128xi32, #tpu.memory_space<vmem>> -> memref<1x128xi32, #tpu.memory_space<vmem>>
      %dma_wait3A_470 = tpu.memref_squeeze %dma_wait3A_469 : memref<1x128xi32, #tpu.memory_space<vmem>> -> memref<128xi32, #tpu.memory_space<vmem>>
      %dma_wait3A_471 = arith.constant 0 : i32
      %dma_wait3A_472 = arith.constant 0 : i32
      %dma_wait3A_473 = tpu.memref_slice %arg2[%dma_wait3A_471, %dma_wait3A_472] : memref<10000x16xf32, #tpu.memory_space<hbm>> -> memref<10000x16xf32, #tpu.memory_space<hbm>>
      tpu.wait_indirect_dma semaphore(%arg25 : memref<!tpu.dma_semaphore, #tpu.memory_space<semaphore_mem>>) src(%dma_wait3A_473 : memref<10000x16xf32, #tpu.memory_space<hbm>>) dst(%dma_wait3A_467 : memref<128x16xf32, #tpu.memory_space<vmem>>)
      %mul3A_474 = arith.constant 8 : i32
      %mul3A_475 = arith.muli %add3A_318, %mul3A_474 : i32
      %add3A_476 = arith.constant 6 : i32
      %add3A_477 = arith.addi %mul3A_475, %add3A_476 : i32
      %run_scoped3A_478 = arith.constant 1 : i32
      %run_scoped3A_479 = arith.constant 6 : i32
      "tpu.region"() ({
        %run_scoped3A_502 = tpu.sem_alloc : memref<!tpu.dma_semaphore, #tpu.memory_space<semaphore_mem>>
        %dma_start3A_503 = arith.constant 0 : i32
        %dma_start3A_504 = arith.constant 0 : i32
        %dma_start3A_505 = tpu.memref_slice %arg8[%run_scoped3A_478, %run_scoped3A_479, %dma_start3A_503, %dma_start3A_504] : memref<2x8x128x16xf32, #tpu.memory_space<vmem>> -> memref<1x1x128x16xf32, #tpu.memory_space<vmem>>
        %dma_start3A_506 = tpu.memref_squeeze %dma_start3A_505 : memref<1x1x128x16xf32, #tpu.memory_space<vmem>> -> memref<128x16xf32, #tpu.memory_space<vmem>>
        %dma_start3A_507 = arith.constant 0 : i32
        %dma_start3A_508 = tpu.memref_slice %arg7[%add3A_477, %dma_start3A_507] : memref<80x128xi32, #tpu.memory_space<vmem>> -> memref<1x128xi32, #tpu.memory_space<vmem>>
        %dma_start3A_509 = tpu.memref_squeeze %dma_start3A_508 : memref<1x128xi32, #tpu.memory_space<vmem>> -> memref<128xi32, #tpu.memory_space<vmem>>
        %dma_start3A_510 = arith.constant 0 : i32
        %dma_start3A_511 = arith.constant 0 : i32
        %dma_start3A_512 = tpu.memref_slice %arg10[%dma_start3A_510, %dma_start3A_511] : memref<10240x16xf32, #tpu.memory_space<vmem_shared>> -> memref<10240x16xf32, #tpu.memory_space<vmem_shared>>
        tpu.enqueue_indirect_dma source(%dma_start3A_506 : memref<128x16xf32, #tpu.memory_space<vmem>>) target(%dma_start3A_512 : memref<10240x16xf32, #tpu.memory_space<vmem_shared>>) offsets(%dma_start3A_509 : memref<128xi32, #tpu.memory_space<vmem>>) semaphore(%run_scoped3A_502 : memref<!tpu.dma_semaphore, #tpu.memory_space<semaphore_mem>>) {add = true}
        %dma_wait3A_513 = arith.constant 0 : i32
        %dma_wait3A_514 = arith.constant 0 : i32
        %dma_wait3A_515 = tpu.memref_slice %arg8[%run_scoped3A_478, %run_scoped3A_479, %dma_wait3A_513, %dma_wait3A_514] : memref<2x8x128x16xf32, #tpu.memory_space<vmem>> -> memref<1x1x128x16xf32, #tpu.memory_space<vmem>>
        %dma_wait3A_516 = tpu.memref_squeeze %dma_wait3A_515 : memref<1x1x128x16xf32, #tpu.memory_space<vmem>> -> memref<128x16xf32, #tpu.memory_space<vmem>>
        %dma_wait3A_517 = arith.constant 0 : i32
        %dma_wait3A_518 = tpu.memref_slice %arg7[%add3A_477, %dma_wait3A_517] : memref<80x128xi32, #tpu.memory_space<vmem>> -> memref<1x128xi32, #tpu.memory_space<vmem>>
        %dma_wait3A_519 = tpu.memref_squeeze %dma_wait3A_518 : memref<1x128xi32, #tpu.memory_space<vmem>> -> memref<128xi32, #tpu.memory_space<vmem>>
        %dma_wait3A_520 = arith.constant 0 : i32
        %dma_wait3A_521 = arith.constant 0 : i32
        %dma_wait3A_522 = tpu.memref_slice %arg10[%dma_wait3A_520, %dma_wait3A_521] : memref<10240x16xf32, #tpu.memory_space<vmem_shared>> -> memref<10240x16xf32, #tpu.memory_space<vmem_shared>>
        tpu.wait_indirect_dma semaphore(%run_scoped3A_502 : memref<!tpu.dma_semaphore, #tpu.memory_space<semaphore_mem>>) src(%dma_wait3A_516 : memref<128x16xf32, #tpu.memory_space<vmem>>) dst(%dma_wait3A_522 : memref<10240x16xf32, #tpu.memory_space<vmem_shared>>)
        tpu.yield
      }) : () -> ()
      %mul3A_480 = arith.constant 8 : i32
      %mul3A_481 = arith.muli %add3A_318, %mul3A_480 : i32
      %add3A_482 = arith.constant 7 : i32
      %add3A_483 = arith.addi %mul3A_481, %add3A_482 : i32
      %dma_wait3A_484 = arith.constant 1 : i32
      %dma_wait3A_485 = arith.constant 7 : i32
      %dma_wait3A_486 = arith.constant 0 : i32
      %dma_wait3A_487 = arith.constant 0 : i32
      %dma_wait3A_488 = tpu.memref_slice %arg8[%dma_wait3A_484, %dma_wait3A_485, %dma_wait3A_486, %dma_wait3A_487] : memref<2x8x128x16xf32, #tpu.memory_space<vmem>> -> memref<1x1x128x16xf32, #tpu.memory_space<vmem>>
      %dma_wait3A_489 = tpu.memref_squeeze %dma_wait3A_488 : memref<1x1x128x16xf32, #tpu.memory_space<vmem>> -> memref<128x16xf32, #tpu.memory_space<vmem>>
      %dma_wait3A_490 = arith.constant 0 : i32
      %dma_wait3A_491 = tpu.memref_slice %arg6[%add3A_483, %dma_wait3A_490] : memref<80x128xi32, #tpu.memory_space<vmem>> -> memref<1x128xi32, #tpu.memory_space<vmem>>
      %dma_wait3A_492 = tpu.memref_squeeze %dma_wait3A_491 : memref<1x128xi32, #tpu.memory_space<vmem>> -> memref<128xi32, #tpu.memory_space<vmem>>
      %dma_wait3A_493 = arith.constant 0 : i32
      %dma_wait3A_494 = arith.constant 0 : i32
      %dma_wait3A_495 = tpu.memref_slice %arg2[%dma_wait3A_493, %dma_wait3A_494] : memref<10000x16xf32, #tpu.memory_space<hbm>> -> memref<10000x16xf32, #tpu.memory_space<hbm>>
      tpu.wait_indirect_dma semaphore(%arg26 : memref<!tpu.dma_semaphore, #tpu.memory_space<semaphore_mem>>) src(%dma_wait3A_495 : memref<10000x16xf32, #tpu.memory_space<hbm>>) dst(%dma_wait3A_489 : memref<128x16xf32, #tpu.memory_space<vmem>>)
      %mul3A_496 = arith.constant 8 : i32
      %mul3A_497 = arith.muli %add3A_318, %mul3A_496 : i32
      %add3A_498 = arith.constant 7 : i32
      %add3A_499 = arith.addi %mul3A_497, %add3A_498 : i32
      %run_scoped3A_500 = arith.constant 1 : i32
      %run_scoped3A_501 = arith.constant 7 : i32
      "tpu.region"() ({
        %run_scoped3A_502 = tpu.sem_alloc : memref<!tpu.dma_semaphore, #tpu.memory_space<semaphore_mem>>
        %dma_start3A_503 = arith.constant 0 : i32
        %dma_start3A_504 = arith.constant 0 : i32
        %dma_start3A_505 = tpu.memref_slice %arg8[%run_scoped3A_500, %run_scoped3A_501, %dma_start3A_503, %dma_start3A_504] : memref<2x8x128x16xf32, #tpu.memory_space<vmem>> -> memref<1x1x128x16xf32, #tpu.memory_space<vmem>>
        %dma_start3A_506 = tpu.memref_squeeze %dma_start3A_505 : memref<1x1x128x16xf32, #tpu.memory_space<vmem>> -> memref<128x16xf32, #tpu.memory_space<vmem>>
        %dma_start3A_507 = arith.constant 0 : i32
        %dma_start3A_508 = tpu.memref_slice %arg7[%add3A_499, %dma_start3A_507] : memref<80x128xi32, #tpu.memory_space<vmem>> -> memref<1x128xi32, #tpu.memory_space<vmem>>
        %dma_start3A_509 = tpu.memref_squeeze %dma_start3A_508 : memref<1x128xi32, #tpu.memory_space<vmem>> -> memref<128xi32, #tpu.memory_space<vmem>>
        %dma_start3A_510 = arith.constant 0 : i32
        %dma_start3A_511 = arith.constant 0 : i32
        %dma_start3A_512 = tpu.memref_slice %arg10[%dma_start3A_510, %dma_start3A_511] : memref<10240x16xf32, #tpu.memory_space<vmem_shared>> -> memref<10240x16xf32, #tpu.memory_space<vmem_shared>>
        tpu.enqueue_indirect_dma source(%dma_start3A_506 : memref<128x16xf32, #tpu.memory_space<vmem>>) target(%dma_start3A_512 : memref<10240x16xf32, #tpu.memory_space<vmem_shared>>) offsets(%dma_start3A_509 : memref<128xi32, #tpu.memory_space<vmem>>) semaphore(%run_scoped3A_502 : memref<!tpu.dma_semaphore, #tpu.memory_space<semaphore_mem>>) {add = true}
        %dma_wait3A_513 = arith.constant 0 : i32
        %dma_wait3A_514 = arith.constant 0 : i32
        %dma_wait3A_515 = tpu.memref_slice %arg8[%run_scoped3A_500, %run_scoped3A_501, %dma_wait3A_513, %dma_wait3A_514] : memref<2x8x128x16xf32, #tpu.memory_space<vmem>> -> memref<1x1x128x16xf32, #tpu.memory_space<vmem>>
        %dma_wait3A_516 = tpu.memref_squeeze %dma_wait3A_515 : memref<1x1x128x16xf32, #tpu.memory_space<vmem>> -> memref<128x16xf32, #tpu.memory_space<vmem>>
        %dma_wait3A_517 = arith.constant 0 : i32
        %dma_wait3A_518 = tpu.memref_slice %arg7[%add3A_499, %dma_wait3A_517] : memref<80x128xi32, #tpu.memory_space<vmem>> -> memref<1x128xi32, #tpu.memory_space<vmem>>
        %dma_wait3A_519 = tpu.memref_squeeze %dma_wait3A_518 : memref<1x128xi32, #tpu.memory_space<vmem>> -> memref<128xi32, #tpu.memory_space<vmem>>
        %dma_wait3A_520 = arith.constant 0 : i32
        %dma_wait3A_521 = arith.constant 0 : i32
        %dma_wait3A_522 = tpu.memref_slice %arg10[%dma_wait3A_520, %dma_wait3A_521] : memref<10240x16xf32, #tpu.memory_space<vmem_shared>> -> memref<10240x16xf32, #tpu.memory_space<vmem_shared>>
        tpu.wait_indirect_dma semaphore(%run_scoped3A_502 : memref<!tpu.dma_semaphore, #tpu.memory_space<semaphore_mem>>) src(%dma_wait3A_516 : memref<128x16xf32, #tpu.memory_space<vmem>>) dst(%dma_wait3A_522 : memref<10240x16xf32, #tpu.memory_space<vmem_shared>>)
        tpu.yield
      }) : () -> ()
    }
    %scan3A_118 = arith.constant 5 : i32
    %barrier3A_119 = arith.constant 0 : index
    tpu.barrier barrier_id(%barrier3A_119)
    %mul3A_120 = arith.constant 640 : i32
    %mul3A_121 = arith.muli %arg1, %mul3A_120 : i32
    "tpu.region"() ({
      %run_scoped3A_129 = tpu.sem_alloc : memref<!tpu.dma_semaphore, #tpu.memory_space<semaphore_mem>>
      %dma_start3A_130 = arith.constant 0 : i32
      %dma_start3A_131 = tpu.memref_slice %arg10[%mul3A_121, %dma_start3A_130] : memref<10240x16xf32, #tpu.memory_space<vmem_shared>> -> memref<640x16xf32, #tpu.memory_space<vmem_shared>>
      %dma_start3A_132 = arith.constant 0 : i32
      %dma_start3A_133 = tpu.memref_slice %arg10[%mul3A_121, %dma_start3A_132] : memref<10240x16xf32, #tpu.memory_space<vmem_shared>> -> memref<640x16xf32, #tpu.memory_space<vmem_shared>>
      tpu.enqueue_dma source(%dma_start3A_133 : memref<640x16xf32, #tpu.memory_space<vmem_shared>>) target(%arg9 : memref<640x16xf32, #tpu.memory_space<vmem>>) target_semaphore(%run_scoped3A_129 : memref<!tpu.dma_semaphore, #tpu.memory_space<semaphore_mem>>)
      %dma_wait3A = arith.constant 0 : i32
      %dma_wait3A_134 = tpu.memref_slice %arg10[%mul3A_121, %dma_wait3A] : memref<10240x16xf32, #tpu.memory_space<vmem_shared>> -> memref<640x16xf32, #tpu.memory_space<vmem_shared>>
      %dma_wait3A_135 = arith.constant 0 : i32
      %dma_wait3A_136 = tpu.memref_slice %arg10[%mul3A_121, %dma_wait3A_135] : memref<10240x16xf32, #tpu.memory_space<vmem_shared>> -> memref<640x16xf32, #tpu.memory_space<vmem_shared>>
      tpu.wait_dma2 semaphore(%run_scoped3A_129 : memref<!tpu.dma_semaphore, #tpu.memory_space<semaphore_mem>>) src(%dma_wait3A_136 : memref<640x16xf32, #tpu.memory_space<vmem_shared>>) dst(%arg9 : memref<640x16xf32, #tpu.memory_space<vmem>>)
      tpu.yield
    }) : () -> ()
    %eq3A = arith.constant 0 : i32
    %eq3A_122 = arith.cmpi eq, %arg0, %eq3A : i32
    %convert_element_type3A = arith.extui %eq3A_122 : i1 to i32
    %cond3A = arith.constant 0 : i32
    %cond3A_123 = arith.cmpi ne, %convert_element_type3A, %cond3A : i32
    scf.if %cond3A_123 {
      %mul3A_129 = arith.constant 640 : i32
      %mul3A_130 = arith.muli %arg1, %mul3A_129 : i32
      "tpu.region"() ({
        %run_scoped3A_131 = tpu.sem_alloc : memref<!tpu.dma_semaphore, #tpu.memory_space<semaphore_mem>>
        %dma_start3A_132 = arith.constant 0 : i32
        %dma_start3A_133 = tpu.memref_slice %arg4[%mul3A_130, %dma_start3A_132] : memref<10240x16xf32, #tpu.memory_space<hbm>> -> memref<640x16xf32, #tpu.memory_space<hbm>>
        %dma_start3A_134 = arith.constant 0 : i32
        %dma_start3A_135 = tpu.memref_slice %arg4[%mul3A_130, %dma_start3A_134] : memref<10240x16xf32, #tpu.memory_space<hbm>> -> memref<640x16xf32, #tpu.memory_space<hbm>>
        tpu.enqueue_dma source(%arg9 : memref<640x16xf32, #tpu.memory_space<vmem>>) target(%dma_start3A_135 : memref<640x16xf32, #tpu.memory_space<hbm>>) target_semaphore(%run_scoped3A_131 : memref<!tpu.dma_semaphore, #tpu.memory_space<semaphore_mem>>)
        %dma_wait3A = arith.constant 0 : i32
        %dma_wait3A_136 = tpu.memref_slice %arg4[%mul3A_130, %dma_wait3A] : memref<10240x16xf32, #tpu.memory_space<hbm>> -> memref<640x16xf32, #tpu.memory_space<hbm>>
        %dma_wait3A_137 = arith.constant 0 : i32
        %dma_wait3A_138 = tpu.memref_slice %arg4[%mul3A_130, %dma_wait3A_137] : memref<10240x16xf32, #tpu.memory_space<hbm>> -> memref<640x16xf32, #tpu.memory_space<hbm>>
        tpu.wait_dma2 semaphore(%run_scoped3A_131 : memref<!tpu.dma_semaphore, #tpu.memory_space<semaphore_mem>>) src(%arg9 : memref<640x16xf32, #tpu.memory_space<vmem>>) dst(%dma_wait3A_138 : memref<640x16xf32, #tpu.memory_space<hbm>>)
        tpu.yield
      }) : () -> ()
    } else {
    }
    %eq3A_124 = arith.constant 1 : i32
    %eq3A_125 = arith.cmpi eq, %arg0, %eq3A_124 : i32
    %convert_element_type3A_126 = arith.extui %eq3A_125 : i1 to i32
    %cond3A_127 = arith.constant 0 : i32
    %cond3A_128 = arith.cmpi ne, %convert_element_type3A_126, %cond3A_127 : i32
    scf.if %cond3A_128 {
      %mul3A_129 = arith.constant 640 : i32
      %mul3A_130 = arith.muli %arg1, %mul3A_129 : i32
      "tpu.region"() ({
        %run_scoped3A_131 = tpu.sem_alloc : memref<!tpu.dma_semaphore, #tpu.memory_space<semaphore_mem>>
        %dma_start3A_132 = arith.constant 0 : i32
        %dma_start3A_133 = tpu.memref_slice %arg5[%mul3A_130, %dma_start3A_132] : memref<10240x16xf32, #tpu.memory_space<hbm>> -> memref<640x16xf32, #tpu.memory_space<hbm>>
        %dma_start3A_134 = arith.constant 0 : i32
        %dma_start3A_135 = tpu.memref_slice %arg5[%mul3A_130, %dma_start3A_134] : memref<10240x16xf32, #tpu.memory_space<hbm>> -> memref<640x16xf32, #tpu.memory_space<hbm>>
        tpu.enqueue_dma source(%arg9 : memref<640x16xf32, #tpu.memory_space<vmem>>) target(%dma_start3A_135 : memref<640x16xf32, #tpu.memory_space<hbm>>) target_semaphore(%run_scoped3A_131 : memref<!tpu.dma_semaphore, #tpu.memory_space<semaphore_mem>>)
        %dma_wait3A = arith.constant 0 : i32
        %dma_wait3A_136 = tpu.memref_slice %arg5[%mul3A_130, %dma_wait3A] : memref<10240x16xf32, #tpu.memory_space<hbm>> -> memref<640x16xf32, #tpu.memory_space<hbm>>
        %dma_wait3A_137 = arith.constant 0 : i32
        %dma_wait3A_138 = tpu.memref_slice %arg5[%mul3A_130, %dma_wait3A_137] : memref<10240x16xf32, #tpu.memory_space<hbm>> -> memref<640x16xf32, #tpu.memory_space<hbm>>
        tpu.wait_dma2 semaphore(%run_scoped3A_131 : memref<!tpu.dma_semaphore, #tpu.memory_space<semaphore_mem>>) src(%arg9 : memref<640x16xf32, #tpu.memory_space<vmem>>) dst(%dma_wait3A_138 : memref<640x16xf32, #tpu.memory_space<hbm>>)
        tpu.yield
      }) : () -> ()
    } else {
    }
    return
  }
}

#map = affine_map<(d0, d1) -> (0, 0)>
#map1 = affine_map<(d0, d1) -> (0, 0, 0, 0)>
module attributes {stable_mosaic.version = 14 : i64} {
  func.func @sc_msgpass_f32(%arg0: i32, %arg1: i32, %arg2: memref<10000x32xf32, #tpu.memory_space<hbm>>, %arg3: memref<2x32x80x128xi32, #tpu.memory_space<hbm>>, %arg4: memref<10240x32xf32, #tpu.memory_space<hbm>>, %arg5: memref<10240x32xf32, #tpu.memory_space<hbm>>, %arg6: memref<80x128xi32, #tpu.memory_space<vmem>>, %arg7: memref<80x128xi32, #tpu.memory_space<vmem>>, %arg8: memref<2x8x128x32xf32, #tpu.memory_space<vmem>>, %arg9: memref<640x32xf32, #tpu.memory_space<vmem>>, %arg10: memref<10240x32xf32, #tpu.memory_space<vmem_shared>>, %arg11: memref<!tpu.dma_semaphore, #tpu.memory_space<semaphore_mem>>, %arg12: memref<!tpu.dma_semaphore, #tpu.memory_space<semaphore_mem>>, %arg13: memref<!tpu.dma_semaphore, #tpu.memory_space<semaphore_mem>>, %arg14: memref<!tpu.dma_semaphore, #tpu.memory_space<semaphore_mem>>, %arg15: memref<!tpu.dma_semaphore, #tpu.memory_space<semaphore_mem>>, %arg16: memref<!tpu.dma_semaphore, #tpu.memory_space<semaphore_mem>>, %arg17: memref<!tpu.dma_semaphore, #tpu.memory_space<semaphore_mem>>, %arg18: memref<!tpu.dma_semaphore, #tpu.memory_space<semaphore_mem>>, %arg19: memref<!tpu.dma_semaphore, #tpu.memory_space<semaphore_mem>>, %arg20: memref<!tpu.dma_semaphore, #tpu.memory_space<semaphore_mem>>, %arg21: memref<!tpu.dma_semaphore, #tpu.memory_space<semaphore_mem>>, %arg22: memref<!tpu.dma_semaphore, #tpu.memory_space<semaphore_mem>>, %arg23: memref<!tpu.dma_semaphore, #tpu.memory_space<semaphore_mem>>, %arg24: memref<!tpu.dma_semaphore, #tpu.memory_space<semaphore_mem>>, %arg25: memref<!tpu.dma_semaphore, #tpu.memory_space<semaphore_mem>>, %arg26: memref<!tpu.dma_semaphore, #tpu.memory_space<semaphore_mem>>) attributes {dimension_semantics = [#tpu.dimension_semantics<core_parallel>, #tpu.dimension_semantics<subcore_parallel>], iteration_bounds = array<i64: 2, 16>, scalar_prefetch = 0 : i64, scratch_operands = 21 : i64, tpu.core_type = #tpu.core_type<sc_vector_subcore>, window_params = [{transform_indices = #map}, {transform_indices = #map1}, {transform_indices = #map}, {transform_indices = #map}]} {
    %mul3A = arith.constant 16 : i32
    %mul3A_0 = arith.muli %arg0, %mul3A : i32
    %add3A = arith.addi %mul3A_0, %arg1 : i32
    %run_scoped3A = arith.constant 0 : i32
    "tpu.region"() ({
      %run_scoped3A_129 = tpu.sem_alloc : memref<!tpu.dma_semaphore, #tpu.memory_space<semaphore_mem>>
      %dma_start3A_130 = arith.constant 0 : i32
      %dma_start3A_131 = arith.constant 0 : i32
      %dma_start3A_132 = tpu.memref_slice %arg3[%run_scoped3A, %add3A, %dma_start3A_130, %dma_start3A_131] : memref<2x32x80x128xi32, #tpu.memory_space<hbm>> -> memref<1x1x80x128xi32, #tpu.memory_space<hbm>>
      %dma_start3A_133 = tpu.memref_squeeze %dma_start3A_132 : memref<1x1x80x128xi32, #tpu.memory_space<hbm>> -> memref<80x128xi32, #tpu.memory_space<hbm>>
      %dma_start3A_134 = arith.constant 0 : i32
      %dma_start3A_135 = arith.constant 0 : i32
      %dma_start3A_136 = tpu.memref_slice %arg3[%run_scoped3A, %add3A, %dma_start3A_134, %dma_start3A_135] : memref<2x32x80x128xi32, #tpu.memory_space<hbm>> -> memref<1x1x80x128xi32, #tpu.memory_space<hbm>>
      %dma_start3A_137 = tpu.memref_squeeze %dma_start3A_136 : memref<1x1x80x128xi32, #tpu.memory_space<hbm>> -> memref<80x128xi32, #tpu.memory_space<hbm>>
      tpu.enqueue_dma source(%dma_start3A_137 : memref<80x128xi32, #tpu.memory_space<hbm>>) target(%arg6 : memref<80x128xi32, #tpu.memory_space<vmem>>) target_semaphore(%run_scoped3A_129 : memref<!tpu.dma_semaphore, #tpu.memory_space<semaphore_mem>>)
      %dma_wait3A = arith.constant 0 : i32
      %dma_wait3A_138 = arith.constant 0 : i32
      %dma_wait3A_139 = tpu.memref_slice %arg3[%run_scoped3A, %add3A, %dma_wait3A, %dma_wait3A_138] : memref<2x32x80x128xi32, #tpu.memory_space<hbm>> -> memref<1x1x80x128xi32, #tpu.memory_space<hbm>>
      %dma_wait3A_140 = tpu.memref_squeeze %dma_wait3A_139 : memref<1x1x80x128xi32, #tpu.memory_space<hbm>> -> memref<80x128xi32, #tpu.memory_space<hbm>>
      %dma_wait3A_141 = arith.constant 0 : i32
      %dma_wait3A_142 = arith.constant 0 : i32
      %dma_wait3A_143 = tpu.memref_slice %arg3[%run_scoped3A, %add3A, %dma_wait3A_141, %dma_wait3A_142] : memref<2x32x80x128xi32, #tpu.memory_space<hbm>> -> memref<1x1x80x128xi32, #tpu.memory_space<hbm>>
      %dma_wait3A_144 = tpu.memref_squeeze %dma_wait3A_143 : memref<1x1x80x128xi32, #tpu.memory_space<hbm>> -> memref<80x128xi32, #tpu.memory_space<hbm>>
      tpu.wait_dma2 semaphore(%run_scoped3A_129 : memref<!tpu.dma_semaphore, #tpu.memory_space<semaphore_mem>>) src(%dma_wait3A_144 : memref<80x128xi32, #tpu.memory_space<hbm>>) dst(%arg6 : memref<80x128xi32, #tpu.memory_space<vmem>>)
      tpu.yield
    }) : () -> ()
    %run_scoped3A_1 = arith.constant 1 : i32
    "tpu.region"() ({
      %run_scoped3A_129 = tpu.sem_alloc : memref<!tpu.dma_semaphore, #tpu.memory_space<semaphore_mem>>
      %dma_start3A_130 = arith.constant 0 : i32
      %dma_start3A_131 = arith.constant 0 : i32
      %dma_start3A_132 = tpu.memref_slice %arg3[%run_scoped3A_1, %add3A, %dma_start3A_130, %dma_start3A_131] : memref<2x32x80x128xi32, #tpu.memory_space<hbm>> -> memref<1x1x80x128xi32, #tpu.memory_space<hbm>>
      %dma_start3A_133 = tpu.memref_squeeze %dma_start3A_132 : memref<1x1x80x128xi32, #tpu.memory_space<hbm>> -> memref<80x128xi32, #tpu.memory_space<hbm>>
      %dma_start3A_134 = arith.constant 0 : i32
      %dma_start3A_135 = arith.constant 0 : i32
      %dma_start3A_136 = tpu.memref_slice %arg3[%run_scoped3A_1, %add3A, %dma_start3A_134, %dma_start3A_135] : memref<2x32x80x128xi32, #tpu.memory_space<hbm>> -> memref<1x1x80x128xi32, #tpu.memory_space<hbm>>
      %dma_start3A_137 = tpu.memref_squeeze %dma_start3A_136 : memref<1x1x80x128xi32, #tpu.memory_space<hbm>> -> memref<80x128xi32, #tpu.memory_space<hbm>>
      tpu.enqueue_dma source(%dma_start3A_137 : memref<80x128xi32, #tpu.memory_space<hbm>>) target(%arg7 : memref<80x128xi32, #tpu.memory_space<vmem>>) target_semaphore(%run_scoped3A_129 : memref<!tpu.dma_semaphore, #tpu.memory_space<semaphore_mem>>)
      %dma_wait3A = arith.constant 0 : i32
      %dma_wait3A_138 = arith.constant 0 : i32
      %dma_wait3A_139 = tpu.memref_slice %arg3[%run_scoped3A_1, %add3A, %dma_wait3A, %dma_wait3A_138] : memref<2x32x80x128xi32, #tpu.memory_space<hbm>> -> memref<1x1x80x128xi32, #tpu.memory_space<hbm>>
      %dma_wait3A_140 = tpu.memref_squeeze %dma_wait3A_139 : memref<1x1x80x128xi32, #tpu.memory_space<hbm>> -> memref<80x128xi32, #tpu.memory_space<hbm>>
      %dma_wait3A_141 = arith.constant 0 : i32
      %dma_wait3A_142 = arith.constant 0 : i32
      %dma_wait3A_143 = tpu.memref_slice %arg3[%run_scoped3A_1, %add3A, %dma_wait3A_141, %dma_wait3A_142] : memref<2x32x80x128xi32, #tpu.memory_space<hbm>> -> memref<1x1x80x128xi32, #tpu.memory_space<hbm>>
      %dma_wait3A_144 = tpu.memref_squeeze %dma_wait3A_143 : memref<1x1x80x128xi32, #tpu.memory_space<hbm>> -> memref<80x128xi32, #tpu.memory_space<hbm>>
      tpu.wait_dma2 semaphore(%run_scoped3A_129 : memref<!tpu.dma_semaphore, #tpu.memory_space<semaphore_mem>>) src(%dma_wait3A_144 : memref<80x128xi32, #tpu.memory_space<hbm>>) dst(%arg7 : memref<80x128xi32, #tpu.memory_space<vmem>>)
      tpu.yield
    }) : () -> ()
    %broadcast_in_dim3A = arith.constant 0.000000e+00 : f32
    %broadcast_in_dim3A_2 = vector.broadcast %broadcast_in_dim3A : f32 to vector<16xf32>
    %scan3A = arith.constant 0 : i32
    %scan3A_3 = arith.constant 0 : i32
    %scan3A_4 = arith.constant 640 : i32
    %scan3A_5 = arith.addi %scan3A_3, %scan3A_4 : i32
    %scan3A_6 = arith.constant 1 : i32
    scf.for %scan3A_129 = %scan3A_3 to %scan3A_5 step %scan3A_6  : i32 {
      %swap3A = arith.index_cast %scan3A_129 : i32 to index
      %swap3A_130 = arith.constant 0 : index
      %swap3A_131 = tpu.vector_load %arg9[%swap3A, %swap3A_130] {strides = array<i32>} : memref<640x32xf32, #tpu.memory_space<vmem>>, vector<1x16xf32>,
      %swap3A_132 = vector.shape_cast %swap3A_131 : vector<1x16xf32> to vector<16xf32>
      %swap3A_133 = vector.shape_cast %broadcast_in_dim3A_2 : vector<16xf32> to vector<1x16xf32>
      tpu.vector_store %arg9[%swap3A, %swap3A_130], %swap3A_133 {strides = array<i32>} : memref<640x32xf32, #tpu.memory_space<vmem>>, vector<1x16xf32>,
      %swap3A_134 = arith.index_cast %scan3A_129 : i32 to index
      %swap3A_135 = arith.constant 16 : index
      %swap3A_136 = tpu.vector_load %arg9[%swap3A_134, %swap3A_135] {strides = array<i32>} : memref<640x32xf32, #tpu.memory_space<vmem>>, vector<1x16xf32>,
      %swap3A_137 = vector.shape_cast %swap3A_136 : vector<1x16xf32> to vector<16xf32>
      %swap3A_138 = vector.shape_cast %broadcast_in_dim3A_2 : vector<16xf32> to vector<1x16xf32>
      tpu.vector_store %arg9[%swap3A_134, %swap3A_135], %swap3A_138 {strides = array<i32>} : memref<640x32xf32, #tpu.memory_space<vmem>>, vector<1x16xf32>,
    }
    %scan3A_7 = arith.constant 640 : i32
    %mul3A_8 = arith.constant 640 : i32
    %mul3A_9 = arith.muli %arg1, %mul3A_8 : i32
    "tpu.region"() ({
      %run_scoped3A_129 = tpu.sem_alloc : memref<!tpu.dma_semaphore, #tpu.memory_space<semaphore_mem>>
      %dma_start3A_130 = arith.constant 0 : i32
      %dma_start3A_131 = tpu.memref_slice %arg10[%mul3A_9, %dma_start3A_130] : memref<10240x32xf32, #tpu.memory_space<vmem_shared>> -> memref<640x32xf32, #tpu.memory_space<vmem_shared>>
      %dma_start3A_132 = arith.constant 0 : i32
      %dma_start3A_133 = tpu.memref_slice %arg10[%mul3A_9, %dma_start3A_132] : memref<10240x32xf32, #tpu.memory_space<vmem_shared>> -> memref<640x32xf32, #tpu.memory_space<vmem_shared>>
      tpu.enqueue_dma source(%arg9 : memref<640x32xf32, #tpu.memory_space<vmem>>) target(%dma_start3A_133 : memref<640x32xf32, #tpu.memory_space<vmem_shared>>) target_semaphore(%run_scoped3A_129 : memref<!tpu.dma_semaphore, #tpu.memory_space<semaphore_mem>>)
      %dma_wait3A = arith.constant 0 : i32
      %dma_wait3A_134 = tpu.memref_slice %arg10[%mul3A_9, %dma_wait3A] : memref<10240x32xf32, #tpu.memory_space<vmem_shared>> -> memref<640x32xf32, #tpu.memory_space<vmem_shared>>
      %dma_wait3A_135 = arith.constant 0 : i32
      %dma_wait3A_136 = tpu.memref_slice %arg10[%mul3A_9, %dma_wait3A_135] : memref<10240x32xf32, #tpu.memory_space<vmem_shared>> -> memref<640x32xf32, #tpu.memory_space<vmem_shared>>
      tpu.wait_dma2 semaphore(%run_scoped3A_129 : memref<!tpu.dma_semaphore, #tpu.memory_space<semaphore_mem>>) src(%arg9 : memref<640x32xf32, #tpu.memory_space<vmem>>) dst(%dma_wait3A_136 : memref<640x32xf32, #tpu.memory_space<vmem_shared>>)
      tpu.yield
    }) : () -> ()
    %barrier3A = arith.constant 0 : index
    tpu.barrier barrier_id(%barrier3A)
    %dma_start3A = arith.constant 0 : i32
    %dma_start3A_10 = arith.constant 0 : i32
    %dma_start3A_11 = arith.constant 0 : i32
    %dma_start3A_12 = arith.constant 0 : i32
    %dma_start3A_13 = arith.constant 0 : i32
    %dma_start3A_14 = tpu.memref_slice %arg8[%dma_start3A_10, %dma_start3A_11, %dma_start3A_12, %dma_start3A_13] : memref<2x8x128x32xf32, #tpu.memory_space<vmem>> -> memref<1x1x128x32xf32, #tpu.memory_space<vmem>>
    %dma_start3A_15 = tpu.memref_squeeze %dma_start3A_14 : memref<1x1x128x32xf32, #tpu.memory_space<vmem>> -> memref<128x32xf32, #tpu.memory_space<vmem>>
    %dma_start3A_16 = arith.constant 0 : i32
    %dma_start3A_17 = tpu.memref_slice %arg6[%dma_start3A, %dma_start3A_16] : memref<80x128xi32, #tpu.memory_space<vmem>> -> memref<1x128xi32, #tpu.memory_space<vmem>>
    %dma_start3A_18 = tpu.memref_squeeze %dma_start3A_17 : memref<1x128xi32, #tpu.memory_space<vmem>> -> memref<128xi32, #tpu.memory_space<vmem>>
    %dma_start3A_19 = arith.constant 0 : i32
    %dma_start3A_20 = arith.constant 0 : i32
    %dma_start3A_21 = tpu.memref_slice %arg2[%dma_start3A_19, %dma_start3A_20] : memref<10000x32xf32, #tpu.memory_space<hbm>> -> memref<10000x32xf32, #tpu.memory_space<hbm>>
    tpu.enqueue_indirect_dma source(%dma_start3A_21 : memref<10000x32xf32, #tpu.memory_space<hbm>>) target(%dma_start3A_15 : memref<128x32xf32, #tpu.memory_space<vmem>>) offsets(%dma_start3A_18 : memref<128xi32, #tpu.memory_space<vmem>>) semaphore(%arg11 : memref<!tpu.dma_semaphore, #tpu.memory_space<semaphore_mem>>)
    %dma_start3A_22 = arith.constant 1 : i32
    %dma_start3A_23 = arith.constant 0 : i32
    %dma_start3A_24 = arith.constant 1 : i32
    %dma_start3A_25 = arith.constant 0 : i32
    %dma_start3A_26 = arith.constant 0 : i32
    %dma_start3A_27 = tpu.memref_slice %arg8[%dma_start3A_23, %dma_start3A_24, %dma_start3A_25, %dma_start3A_26] : memref<2x8x128x32xf32, #tpu.memory_space<vmem>> -> memref<1x1x128x32xf32, #tpu.memory_space<vmem>>
    %dma_start3A_28 = tpu.memref_squeeze %dma_start3A_27 : memref<1x1x128x32xf32, #tpu.memory_space<vmem>> -> memref<128x32xf32, #tpu.memory_space<vmem>>
    %dma_start3A_29 = arith.constant 0 : i32
    %dma_start3A_30 = tpu.memref_slice %arg6[%dma_start3A_22, %dma_start3A_29] : memref<80x128xi32, #tpu.memory_space<vmem>> -> memref<1x128xi32, #tpu.memory_space<vmem>>
    %dma_start3A_31 = tpu.memref_squeeze %dma_start3A_30 : memref<1x128xi32, #tpu.memory_space<vmem>> -> memref<128xi32, #tpu.memory_space<vmem>>
    %dma_start3A_32 = arith.constant 0 : i32
    %dma_start3A_33 = arith.constant 0 : i32
    %dma_start3A_34 = tpu.memref_slice %arg2[%dma_start3A_32, %dma_start3A_33] : memref<10000x32xf32, #tpu.memory_space<hbm>> -> memref<10000x32xf32, #tpu.memory_space<hbm>>
    tpu.enqueue_indirect_dma source(%dma_start3A_34 : memref<10000x32xf32, #tpu.memory_space<hbm>>) target(%dma_start3A_28 : memref<128x32xf32, #tpu.memory_space<vmem>>) offsets(%dma_start3A_31 : memref<128xi32, #tpu.memory_space<vmem>>) semaphore(%arg12 : memref<!tpu.dma_semaphore, #tpu.memory_space<semaphore_mem>>)
    %dma_start3A_35 = arith.constant 2 : i32
    %dma_start3A_36 = arith.constant 0 : i32
    %dma_start3A_37 = arith.constant 2 : i32
    %dma_start3A_38 = arith.constant 0 : i32
    %dma_start3A_39 = arith.constant 0 : i32
    %dma_start3A_40 = tpu.memref_slice %arg8[%dma_start3A_36, %dma_start3A_37, %dma_start3A_38, %dma_start3A_39] : memref<2x8x128x32xf32, #tpu.memory_space<vmem>> -> memref<1x1x128x32xf32, #tpu.memory_space<vmem>>
    %dma_start3A_41 = tpu.memref_squeeze %dma_start3A_40 : memref<1x1x128x32xf32, #tpu.memory_space<vmem>> -> memref<128x32xf32, #tpu.memory_space<vmem>>
    %dma_start3A_42 = arith.constant 0 : i32
    %dma_start3A_43 = tpu.memref_slice %arg6[%dma_start3A_35, %dma_start3A_42] : memref<80x128xi32, #tpu.memory_space<vmem>> -> memref<1x128xi32, #tpu.memory_space<vmem>>
    %dma_start3A_44 = tpu.memref_squeeze %dma_start3A_43 : memref<1x128xi32, #tpu.memory_space<vmem>> -> memref<128xi32, #tpu.memory_space<vmem>>
    %dma_start3A_45 = arith.constant 0 : i32
    %dma_start3A_46 = arith.constant 0 : i32
    %dma_start3A_47 = tpu.memref_slice %arg2[%dma_start3A_45, %dma_start3A_46] : memref<10000x32xf32, #tpu.memory_space<hbm>> -> memref<10000x32xf32, #tpu.memory_space<hbm>>
    tpu.enqueue_indirect_dma source(%dma_start3A_47 : memref<10000x32xf32, #tpu.memory_space<hbm>>) target(%dma_start3A_41 : memref<128x32xf32, #tpu.memory_space<vmem>>) offsets(%dma_start3A_44 : memref<128xi32, #tpu.memory_space<vmem>>) semaphore(%arg13 : memref<!tpu.dma_semaphore, #tpu.memory_space<semaphore_mem>>)
    %dma_start3A_48 = arith.constant 3 : i32
    %dma_start3A_49 = arith.constant 0 : i32
    %dma_start3A_50 = arith.constant 3 : i32
    %dma_start3A_51 = arith.constant 0 : i32
    %dma_start3A_52 = arith.constant 0 : i32
    %dma_start3A_53 = tpu.memref_slice %arg8[%dma_start3A_49, %dma_start3A_50, %dma_start3A_51, %dma_start3A_52] : memref<2x8x128x32xf32, #tpu.memory_space<vmem>> -> memref<1x1x128x32xf32, #tpu.memory_space<vmem>>
    %dma_start3A_54 = tpu.memref_squeeze %dma_start3A_53 : memref<1x1x128x32xf32, #tpu.memory_space<vmem>> -> memref<128x32xf32, #tpu.memory_space<vmem>>
    %dma_start3A_55 = arith.constant 0 : i32
    %dma_start3A_56 = tpu.memref_slice %arg6[%dma_start3A_48, %dma_start3A_55] : memref<80x128xi32, #tpu.memory_space<vmem>> -> memref<1x128xi32, #tpu.memory_space<vmem>>
    %dma_start3A_57 = tpu.memref_squeeze %dma_start3A_56 : memref<1x128xi32, #tpu.memory_space<vmem>> -> memref<128xi32, #tpu.memory_space<vmem>>
    %dma_start3A_58 = arith.constant 0 : i32
    %dma_start3A_59 = arith.constant 0 : i32
    %dma_start3A_60 = tpu.memref_slice %arg2[%dma_start3A_58, %dma_start3A_59] : memref<10000x32xf32, #tpu.memory_space<hbm>> -> memref<10000x32xf32, #tpu.memory_space<hbm>>
    tpu.enqueue_indirect_dma source(%dma_start3A_60 : memref<10000x32xf32, #tpu.memory_space<hbm>>) target(%dma_start3A_54 : memref<128x32xf32, #tpu.memory_space<vmem>>) offsets(%dma_start3A_57 : memref<128xi32, #tpu.memory_space<vmem>>) semaphore(%arg14 : memref<!tpu.dma_semaphore, #tpu.memory_space<semaphore_mem>>)
    %dma_start3A_61 = arith.constant 4 : i32
    %dma_start3A_62 = arith.constant 0 : i32
    %dma_start3A_63 = arith.constant 4 : i32
    %dma_start3A_64 = arith.constant 0 : i32
    %dma_start3A_65 = arith.constant 0 : i32
    %dma_start3A_66 = tpu.memref_slice %arg8[%dma_start3A_62, %dma_start3A_63, %dma_start3A_64, %dma_start3A_65] : memref<2x8x128x32xf32, #tpu.memory_space<vmem>> -> memref<1x1x128x32xf32, #tpu.memory_space<vmem>>
    %dma_start3A_67 = tpu.memref_squeeze %dma_start3A_66 : memref<1x1x128x32xf32, #tpu.memory_space<vmem>> -> memref<128x32xf32, #tpu.memory_space<vmem>>
    %dma_start3A_68 = arith.constant 0 : i32
    %dma_start3A_69 = tpu.memref_slice %arg6[%dma_start3A_61, %dma_start3A_68] : memref<80x128xi32, #tpu.memory_space<vmem>> -> memref<1x128xi32, #tpu.memory_space<vmem>>
    %dma_start3A_70 = tpu.memref_squeeze %dma_start3A_69 : memref<1x128xi32, #tpu.memory_space<vmem>> -> memref<128xi32, #tpu.memory_space<vmem>>
    %dma_start3A_71 = arith.constant 0 : i32
    %dma_start3A_72 = arith.constant 0 : i32
    %dma_start3A_73 = tpu.memref_slice %arg2[%dma_start3A_71, %dma_start3A_72] : memref<10000x32xf32, #tpu.memory_space<hbm>> -> memref<10000x32xf32, #tpu.memory_space<hbm>>
    tpu.enqueue_indirect_dma source(%dma_start3A_73 : memref<10000x32xf32, #tpu.memory_space<hbm>>) target(%dma_start3A_67 : memref<128x32xf32, #tpu.memory_space<vmem>>) offsets(%dma_start3A_70 : memref<128xi32, #tpu.memory_space<vmem>>) semaphore(%arg15 : memref<!tpu.dma_semaphore, #tpu.memory_space<semaphore_mem>>)
    %dma_start3A_74 = arith.constant 5 : i32
    %dma_start3A_75 = arith.constant 0 : i32
    %dma_start3A_76 = arith.constant 5 : i32
    %dma_start3A_77 = arith.constant 0 : i32
    %dma_start3A_78 = arith.constant 0 : i32
    %dma_start3A_79 = tpu.memref_slice %arg8[%dma_start3A_75, %dma_start3A_76, %dma_start3A_77, %dma_start3A_78] : memref<2x8x128x32xf32, #tpu.memory_space<vmem>> -> memref<1x1x128x32xf32, #tpu.memory_space<vmem>>
    %dma_start3A_80 = tpu.memref_squeeze %dma_start3A_79 : memref<1x1x128x32xf32, #tpu.memory_space<vmem>> -> memref<128x32xf32, #tpu.memory_space<vmem>>
    %dma_start3A_81 = arith.constant 0 : i32
    %dma_start3A_82 = tpu.memref_slice %arg6[%dma_start3A_74, %dma_start3A_81] : memref<80x128xi32, #tpu.memory_space<vmem>> -> memref<1x128xi32, #tpu.memory_space<vmem>>
    %dma_start3A_83 = tpu.memref_squeeze %dma_start3A_82 : memref<1x128xi32, #tpu.memory_space<vmem>> -> memref<128xi32, #tpu.memory_space<vmem>>
    %dma_start3A_84 = arith.constant 0 : i32
    %dma_start3A_85 = arith.constant 0 : i32
    %dma_start3A_86 = tpu.memref_slice %arg2[%dma_start3A_84, %dma_start3A_85] : memref<10000x32xf32, #tpu.memory_space<hbm>> -> memref<10000x32xf32, #tpu.memory_space<hbm>>
    tpu.enqueue_indirect_dma source(%dma_start3A_86 : memref<10000x32xf32, #tpu.memory_space<hbm>>) target(%dma_start3A_80 : memref<128x32xf32, #tpu.memory_space<vmem>>) offsets(%dma_start3A_83 : memref<128xi32, #tpu.memory_space<vmem>>) semaphore(%arg16 : memref<!tpu.dma_semaphore, #tpu.memory_space<semaphore_mem>>)
    %dma_start3A_87 = arith.constant 6 : i32
    %dma_start3A_88 = arith.constant 0 : i32
    %dma_start3A_89 = arith.constant 6 : i32
    %dma_start3A_90 = arith.constant 0 : i32
    %dma_start3A_91 = arith.constant 0 : i32
    %dma_start3A_92 = tpu.memref_slice %arg8[%dma_start3A_88, %dma_start3A_89, %dma_start3A_90, %dma_start3A_91] : memref<2x8x128x32xf32, #tpu.memory_space<vmem>> -> memref<1x1x128x32xf32, #tpu.memory_space<vmem>>
    %dma_start3A_93 = tpu.memref_squeeze %dma_start3A_92 : memref<1x1x128x32xf32, #tpu.memory_space<vmem>> -> memref<128x32xf32, #tpu.memory_space<vmem>>
    %dma_start3A_94 = arith.constant 0 : i32
    %dma_start3A_95 = tpu.memref_slice %arg6[%dma_start3A_87, %dma_start3A_94] : memref<80x128xi32, #tpu.memory_space<vmem>> -> memref<1x128xi32, #tpu.memory_space<vmem>>
    %dma_start3A_96 = tpu.memref_squeeze %dma_start3A_95 : memref<1x128xi32, #tpu.memory_space<vmem>> -> memref<128xi32, #tpu.memory_space<vmem>>
    %dma_start3A_97 = arith.constant 0 : i32
    %dma_start3A_98 = arith.constant 0 : i32
    %dma_start3A_99 = tpu.memref_slice %arg2[%dma_start3A_97, %dma_start3A_98] : memref<10000x32xf32, #tpu.memory_space<hbm>> -> memref<10000x32xf32, #tpu.memory_space<hbm>>
    tpu.enqueue_indirect_dma source(%dma_start3A_99 : memref<10000x32xf32, #tpu.memory_space<hbm>>) target(%dma_start3A_93 : memref<128x32xf32, #tpu.memory_space<vmem>>) offsets(%dma_start3A_96 : memref<128xi32, #tpu.memory_space<vmem>>) semaphore(%arg17 : memref<!tpu.dma_semaphore, #tpu.memory_space<semaphore_mem>>)
    %dma_start3A_100 = arith.constant 7 : i32
    %dma_start3A_101 = arith.constant 0 : i32
    %dma_start3A_102 = arith.constant 7 : i32
    %dma_start3A_103 = arith.constant 0 : i32
    %dma_start3A_104 = arith.constant 0 : i32
    %dma_start3A_105 = tpu.memref_slice %arg8[%dma_start3A_101, %dma_start3A_102, %dma_start3A_103, %dma_start3A_104] : memref<2x8x128x32xf32, #tpu.memory_space<vmem>> -> memref<1x1x128x32xf32, #tpu.memory_space<vmem>>
    %dma_start3A_106 = tpu.memref_squeeze %dma_start3A_105 : memref<1x1x128x32xf32, #tpu.memory_space<vmem>> -> memref<128x32xf32, #tpu.memory_space<vmem>>
    %dma_start3A_107 = arith.constant 0 : i32
    %dma_start3A_108 = tpu.memref_slice %arg6[%dma_start3A_100, %dma_start3A_107] : memref<80x128xi32, #tpu.memory_space<vmem>> -> memref<1x128xi32, #tpu.memory_space<vmem>>
    %dma_start3A_109 = tpu.memref_squeeze %dma_start3A_108 : memref<1x128xi32, #tpu.memory_space<vmem>> -> memref<128xi32, #tpu.memory_space<vmem>>
    %dma_start3A_110 = arith.constant 0 : i32
    %dma_start3A_111 = arith.constant 0 : i32
    %dma_start3A_112 = tpu.memref_slice %arg2[%dma_start3A_110, %dma_start3A_111] : memref<10000x32xf32, #tpu.memory_space<hbm>> -> memref<10000x32xf32, #tpu.memory_space<hbm>>
    tpu.enqueue_indirect_dma source(%dma_start3A_112 : memref<10000x32xf32, #tpu.memory_space<hbm>>) target(%dma_start3A_106 : memref<128x32xf32, #tpu.memory_space<vmem>>) offsets(%dma_start3A_109 : memref<128xi32, #tpu.memory_space<vmem>>) semaphore(%arg18 : memref<!tpu.dma_semaphore, #tpu.memory_space<semaphore_mem>>)
    %scan3A_113 = arith.constant 0 : i32
    %scan3A_114 = arith.constant 0 : i32
    %scan3A_115 = arith.constant 5 : i32
    %scan3A_116 = arith.addi %scan3A_114, %scan3A_115 : i32
    %scan3A_117 = arith.constant 1 : i32
    scf.for %scan3A_129 = %scan3A_114 to %scan3A_116 step %scan3A_117  : i32 {
      %mul3A_130 = arith.constant 2 : i32
      %mul3A_131 = arith.muli %scan3A_129, %mul3A_130 : i32
      %add3A_132 = arith.constant 0 : i32
      %add3A_133 = arith.addi %mul3A_131, %add3A_132 : i32
      %add3A_134 = arith.constant 1 : i32
      %add3A_135 = arith.addi %add3A_133, %add3A_134 : i32
      %lt3A = arith.constant 10 : i32
      %lt3A_136 = arith.cmpi slt, %add3A_135, %lt3A : i32
      %convert_element_type3A_137 = arith.extui %lt3A_136 : i1 to i32
      %cond3A_138 = arith.constant 0 : i32
      %cond3A_139 = arith.cmpi ne, %convert_element_type3A_137, %cond3A_138 : i32
      scf.if %cond3A_139 {
        %add3A_502 = arith.constant 1 : i32
        %add3A_503 = arith.addi %add3A_133, %add3A_502 : i32
        %mul3A_504 = arith.constant 8 : i32
        %mul3A_505 = arith.muli %add3A_503, %mul3A_504 : i32
        %add3A_506 = arith.constant 0 : i32
        %add3A_507 = arith.addi %mul3A_505, %add3A_506 : i32
        %dma_start3A_508 = arith.constant 1 : i32
        %dma_start3A_509 = arith.constant 0 : i32
        %dma_start3A_510 = arith.constant 0 : i32
        %dma_start3A_511 = arith.constant 0 : i32
        %dma_start3A_512 = tpu.memref_slice %arg8[%dma_start3A_508, %dma_start3A_509, %dma_start3A_510, %dma_start3A_511] : memref<2x8x128x32xf32, #tpu.memory_space<vmem>> -> memref<1x1x128x32xf32, #tpu.memory_space<vmem>>
        %dma_start3A_513 = tpu.memref_squeeze %dma_start3A_512 : memref<1x1x128x32xf32, #tpu.memory_space<vmem>> -> memref<128x32xf32, #tpu.memory_space<vmem>>
        %dma_start3A_514 = arith.constant 0 : i32
        %dma_start3A_515 = tpu.memref_slice %arg6[%add3A_507, %dma_start3A_514] : memref<80x128xi32, #tpu.memory_space<vmem>> -> memref<1x128xi32, #tpu.memory_space<vmem>>
        %dma_start3A_516 = tpu.memref_squeeze %dma_start3A_515 : memref<1x128xi32, #tpu.memory_space<vmem>> -> memref<128xi32, #tpu.memory_space<vmem>>
        %dma_start3A_517 = arith.constant 0 : i32
        %dma_start3A_518 = arith.constant 0 : i32
        %dma_start3A_519 = tpu.memref_slice %arg2[%dma_start3A_517, %dma_start3A_518] : memref<10000x32xf32, #tpu.memory_space<hbm>> -> memref<10000x32xf32, #tpu.memory_space<hbm>>
        tpu.enqueue_indirect_dma source(%dma_start3A_519 : memref<10000x32xf32, #tpu.memory_space<hbm>>) target(%dma_start3A_513 : memref<128x32xf32, #tpu.memory_space<vmem>>) offsets(%dma_start3A_516 : memref<128xi32, #tpu.memory_space<vmem>>) semaphore(%arg19 : memref<!tpu.dma_semaphore, #tpu.memory_space<semaphore_mem>>)
        %add3A_520 = arith.constant 1 : i32
        %add3A_521 = arith.addi %add3A_133, %add3A_520 : i32
        %mul3A_522 = arith.constant 8 : i32
        %mul3A_523 = arith.muli %add3A_521, %mul3A_522 : i32
        %add3A_524 = arith.constant 1 : i32
        %add3A_525 = arith.addi %mul3A_523, %add3A_524 : i32
        %dma_start3A_526 = arith.constant 1 : i32
        %dma_start3A_527 = arith.constant 1 : i32
        %dma_start3A_528 = arith.constant 0 : i32
        %dma_start3A_529 = arith.constant 0 : i32
        %dma_start3A_530 = tpu.memref_slice %arg8[%dma_start3A_526, %dma_start3A_527, %dma_start3A_528, %dma_start3A_529] : memref<2x8x128x32xf32, #tpu.memory_space<vmem>> -> memref<1x1x128x32xf32, #tpu.memory_space<vmem>>
        %dma_start3A_531 = tpu.memref_squeeze %dma_start3A_530 : memref<1x1x128x32xf32, #tpu.memory_space<vmem>> -> memref<128x32xf32, #tpu.memory_space<vmem>>
        %dma_start3A_532 = arith.constant 0 : i32
        %dma_start3A_533 = tpu.memref_slice %arg6[%add3A_525, %dma_start3A_532] : memref<80x128xi32, #tpu.memory_space<vmem>> -> memref<1x128xi32, #tpu.memory_space<vmem>>
        %dma_start3A_534 = tpu.memref_squeeze %dma_start3A_533 : memref<1x128xi32, #tpu.memory_space<vmem>> -> memref<128xi32, #tpu.memory_space<vmem>>
        %dma_start3A_535 = arith.constant 0 : i32
        %dma_start3A_536 = arith.constant 0 : i32
        %dma_start3A_537 = tpu.memref_slice %arg2[%dma_start3A_535, %dma_start3A_536] : memref<10000x32xf32, #tpu.memory_space<hbm>> -> memref<10000x32xf32, #tpu.memory_space<hbm>>
        tpu.enqueue_indirect_dma source(%dma_start3A_537 : memref<10000x32xf32, #tpu.memory_space<hbm>>) target(%dma_start3A_531 : memref<128x32xf32, #tpu.memory_space<vmem>>) offsets(%dma_start3A_534 : memref<128xi32, #tpu.memory_space<vmem>>) semaphore(%arg20 : memref<!tpu.dma_semaphore, #tpu.memory_space<semaphore_mem>>)
        %add3A_538 = arith.constant 1 : i32
        %add3A_539 = arith.addi %add3A_133, %add3A_538 : i32
        %mul3A_540 = arith.constant 8 : i32
        %mul3A_541 = arith.muli %add3A_539, %mul3A_540 : i32
        %add3A_542 = arith.constant 2 : i32
        %add3A_543 = arith.addi %mul3A_541, %add3A_542 : i32
        %dma_start3A_544 = arith.constant 1 : i32
        %dma_start3A_545 = arith.constant 2 : i32
        %dma_start3A_546 = arith.constant 0 : i32
        %dma_start3A_547 = arith.constant 0 : i32
        %dma_start3A_548 = tpu.memref_slice %arg8[%dma_start3A_544, %dma_start3A_545, %dma_start3A_546, %dma_start3A_547] : memref<2x8x128x32xf32, #tpu.memory_space<vmem>> -> memref<1x1x128x32xf32, #tpu.memory_space<vmem>>
        %dma_start3A_549 = tpu.memref_squeeze %dma_start3A_548 : memref<1x1x128x32xf32, #tpu.memory_space<vmem>> -> memref<128x32xf32, #tpu.memory_space<vmem>>
        %dma_start3A_550 = arith.constant 0 : i32
        %dma_start3A_551 = tpu.memref_slice %arg6[%add3A_543, %dma_start3A_550] : memref<80x128xi32, #tpu.memory_space<vmem>> -> memref<1x128xi32, #tpu.memory_space<vmem>>
        %dma_start3A_552 = tpu.memref_squeeze %dma_start3A_551 : memref<1x128xi32, #tpu.memory_space<vmem>> -> memref<128xi32, #tpu.memory_space<vmem>>
        %dma_start3A_553 = arith.constant 0 : i32
        %dma_start3A_554 = arith.constant 0 : i32
        %dma_start3A_555 = tpu.memref_slice %arg2[%dma_start3A_553, %dma_start3A_554] : memref<10000x32xf32, #tpu.memory_space<hbm>> -> memref<10000x32xf32, #tpu.memory_space<hbm>>
        tpu.enqueue_indirect_dma source(%dma_start3A_555 : memref<10000x32xf32, #tpu.memory_space<hbm>>) target(%dma_start3A_549 : memref<128x32xf32, #tpu.memory_space<vmem>>) offsets(%dma_start3A_552 : memref<128xi32, #tpu.memory_space<vmem>>) semaphore(%arg21 : memref<!tpu.dma_semaphore, #tpu.memory_space<semaphore_mem>>)
        %add3A_556 = arith.constant 1 : i32
        %add3A_557 = arith.addi %add3A_133, %add3A_556 : i32
        %mul3A_558 = arith.constant 8 : i32
        %mul3A_559 = arith.muli %add3A_557, %mul3A_558 : i32
        %add3A_560 = arith.constant 3 : i32
        %add3A_561 = arith.addi %mul3A_559, %add3A_560 : i32
        %dma_start3A_562 = arith.constant 1 : i32
        %dma_start3A_563 = arith.constant 3 : i32
        %dma_start3A_564 = arith.constant 0 : i32
        %dma_start3A_565 = arith.constant 0 : i32
        %dma_start3A_566 = tpu.memref_slice %arg8[%dma_start3A_562, %dma_start3A_563, %dma_start3A_564, %dma_start3A_565] : memref<2x8x128x32xf32, #tpu.memory_space<vmem>> -> memref<1x1x128x32xf32, #tpu.memory_space<vmem>>
        %dma_start3A_567 = tpu.memref_squeeze %dma_start3A_566 : memref<1x1x128x32xf32, #tpu.memory_space<vmem>> -> memref<128x32xf32, #tpu.memory_space<vmem>>
        %dma_start3A_568 = arith.constant 0 : i32
        %dma_start3A_569 = tpu.memref_slice %arg6[%add3A_561, %dma_start3A_568] : memref<80x128xi32, #tpu.memory_space<vmem>> -> memref<1x128xi32, #tpu.memory_space<vmem>>
        %dma_start3A_570 = tpu.memref_squeeze %dma_start3A_569 : memref<1x128xi32, #tpu.memory_space<vmem>> -> memref<128xi32, #tpu.memory_space<vmem>>
        %dma_start3A_571 = arith.constant 0 : i32
        %dma_start3A_572 = arith.constant 0 : i32
        %dma_start3A_573 = tpu.memref_slice %arg2[%dma_start3A_571, %dma_start3A_572] : memref<10000x32xf32, #tpu.memory_space<hbm>> -> memref<10000x32xf32, #tpu.memory_space<hbm>>
        tpu.enqueue_indirect_dma source(%dma_start3A_573 : memref<10000x32xf32, #tpu.memory_space<hbm>>) target(%dma_start3A_567 : memref<128x32xf32, #tpu.memory_space<vmem>>) offsets(%dma_start3A_570 : memref<128xi32, #tpu.memory_space<vmem>>) semaphore(%arg22 : memref<!tpu.dma_semaphore, #tpu.memory_space<semaphore_mem>>)
        %add3A_574 = arith.constant 1 : i32
        %add3A_575 = arith.addi %add3A_133, %add3A_574 : i32
        %mul3A_576 = arith.constant 8 : i32
        %mul3A_577 = arith.muli %add3A_575, %mul3A_576 : i32
        %add3A_578 = arith.constant 4 : i32
        %add3A_579 = arith.addi %mul3A_577, %add3A_578 : i32
        %dma_start3A_580 = arith.constant 1 : i32
        %dma_start3A_581 = arith.constant 4 : i32
        %dma_start3A_582 = arith.constant 0 : i32
        %dma_start3A_583 = arith.constant 0 : i32
        %dma_start3A_584 = tpu.memref_slice %arg8[%dma_start3A_580, %dma_start3A_581, %dma_start3A_582, %dma_start3A_583] : memref<2x8x128x32xf32, #tpu.memory_space<vmem>> -> memref<1x1x128x32xf32, #tpu.memory_space<vmem>>
        %dma_start3A_585 = tpu.memref_squeeze %dma_start3A_584 : memref<1x1x128x32xf32, #tpu.memory_space<vmem>> -> memref<128x32xf32, #tpu.memory_space<vmem>>
        %dma_start3A_586 = arith.constant 0 : i32
        %dma_start3A_587 = tpu.memref_slice %arg6[%add3A_579, %dma_start3A_586] : memref<80x128xi32, #tpu.memory_space<vmem>> -> memref<1x128xi32, #tpu.memory_space<vmem>>
        %dma_start3A_588 = tpu.memref_squeeze %dma_start3A_587 : memref<1x128xi32, #tpu.memory_space<vmem>> -> memref<128xi32, #tpu.memory_space<vmem>>
        %dma_start3A_589 = arith.constant 0 : i32
        %dma_start3A_590 = arith.constant 0 : i32
        %dma_start3A_591 = tpu.memref_slice %arg2[%dma_start3A_589, %dma_start3A_590] : memref<10000x32xf32, #tpu.memory_space<hbm>> -> memref<10000x32xf32, #tpu.memory_space<hbm>>
        tpu.enqueue_indirect_dma source(%dma_start3A_591 : memref<10000x32xf32, #tpu.memory_space<hbm>>) target(%dma_start3A_585 : memref<128x32xf32, #tpu.memory_space<vmem>>) offsets(%dma_start3A_588 : memref<128xi32, #tpu.memory_space<vmem>>) semaphore(%arg23 : memref<!tpu.dma_semaphore, #tpu.memory_space<semaphore_mem>>)
        %add3A_592 = arith.constant 1 : i32
        %add3A_593 = arith.addi %add3A_133, %add3A_592 : i32
        %mul3A_594 = arith.constant 8 : i32
        %mul3A_595 = arith.muli %add3A_593, %mul3A_594 : i32
        %add3A_596 = arith.constant 5 : i32
        %add3A_597 = arith.addi %mul3A_595, %add3A_596 : i32
        %dma_start3A_598 = arith.constant 1 : i32
        %dma_start3A_599 = arith.constant 5 : i32
        %dma_start3A_600 = arith.constant 0 : i32
        %dma_start3A_601 = arith.constant 0 : i32
        %dma_start3A_602 = tpu.memref_slice %arg8[%dma_start3A_598, %dma_start3A_599, %dma_start3A_600, %dma_start3A_601] : memref<2x8x128x32xf32, #tpu.memory_space<vmem>> -> memref<1x1x128x32xf32, #tpu.memory_space<vmem>>
        %dma_start3A_603 = tpu.memref_squeeze %dma_start3A_602 : memref<1x1x128x32xf32, #tpu.memory_space<vmem>> -> memref<128x32xf32, #tpu.memory_space<vmem>>
        %dma_start3A_604 = arith.constant 0 : i32
        %dma_start3A_605 = tpu.memref_slice %arg6[%add3A_597, %dma_start3A_604] : memref<80x128xi32, #tpu.memory_space<vmem>> -> memref<1x128xi32, #tpu.memory_space<vmem>>
        %dma_start3A_606 = tpu.memref_squeeze %dma_start3A_605 : memref<1x128xi32, #tpu.memory_space<vmem>> -> memref<128xi32, #tpu.memory_space<vmem>>
        %dma_start3A_607 = arith.constant 0 : i32
        %dma_start3A_608 = arith.constant 0 : i32
        %dma_start3A_609 = tpu.memref_slice %arg2[%dma_start3A_607, %dma_start3A_608] : memref<10000x32xf32, #tpu.memory_space<hbm>> -> memref<10000x32xf32, #tpu.memory_space<hbm>>
        tpu.enqueue_indirect_dma source(%dma_start3A_609 : memref<10000x32xf32, #tpu.memory_space<hbm>>) target(%dma_start3A_603 : memref<128x32xf32, #tpu.memory_space<vmem>>) offsets(%dma_start3A_606 : memref<128xi32, #tpu.memory_space<vmem>>) semaphore(%arg24 : memref<!tpu.dma_semaphore, #tpu.memory_space<semaphore_mem>>)
        %add3A_610 = arith.constant 1 : i32
        %add3A_611 = arith.addi %add3A_133, %add3A_610 : i32
        %mul3A_612 = arith.constant 8 : i32
        %mul3A_613 = arith.muli %add3A_611, %mul3A_612 : i32
        %add3A_614 = arith.constant 6 : i32
        %add3A_615 = arith.addi %mul3A_613, %add3A_614 : i32
        %dma_start3A_616 = arith.constant 1 : i32
        %dma_start3A_617 = arith.constant 6 : i32
        %dma_start3A_618 = arith.constant 0 : i32
        %dma_start3A_619 = arith.constant 0 : i32
        %dma_start3A_620 = tpu.memref_slice %arg8[%dma_start3A_616, %dma_start3A_617, %dma_start3A_618, %dma_start3A_619] : memref<2x8x128x32xf32, #tpu.memory_space<vmem>> -> memref<1x1x128x32xf32, #tpu.memory_space<vmem>>
        %dma_start3A_621 = tpu.memref_squeeze %dma_start3A_620 : memref<1x1x128x32xf32, #tpu.memory_space<vmem>> -> memref<128x32xf32, #tpu.memory_space<vmem>>
        %dma_start3A_622 = arith.constant 0 : i32
        %dma_start3A_623 = tpu.memref_slice %arg6[%add3A_615, %dma_start3A_622] : memref<80x128xi32, #tpu.memory_space<vmem>> -> memref<1x128xi32, #tpu.memory_space<vmem>>
        %dma_start3A_624 = tpu.memref_squeeze %dma_start3A_623 : memref<1x128xi32, #tpu.memory_space<vmem>> -> memref<128xi32, #tpu.memory_space<vmem>>
        %dma_start3A_625 = arith.constant 0 : i32
        %dma_start3A_626 = arith.constant 0 : i32
        %dma_start3A_627 = tpu.memref_slice %arg2[%dma_start3A_625, %dma_start3A_626] : memref<10000x32xf32, #tpu.memory_space<hbm>> -> memref<10000x32xf32, #tpu.memory_space<hbm>>
        tpu.enqueue_indirect_dma source(%dma_start3A_627 : memref<10000x32xf32, #tpu.memory_space<hbm>>) target(%dma_start3A_621 : memref<128x32xf32, #tpu.memory_space<vmem>>) offsets(%dma_start3A_624 : memref<128xi32, #tpu.memory_space<vmem>>) semaphore(%arg25 : memref<!tpu.dma_semaphore, #tpu.memory_space<semaphore_mem>>)
        %add3A_628 = arith.constant 1 : i32
        %add3A_629 = arith.addi %add3A_133, %add3A_628 : i32
        %mul3A_630 = arith.constant 8 : i32
        %mul3A_631 = arith.muli %add3A_629, %mul3A_630 : i32
        %add3A_632 = arith.constant 7 : i32
        %add3A_633 = arith.addi %mul3A_631, %add3A_632 : i32
        %dma_start3A_634 = arith.constant 1 : i32
        %dma_start3A_635 = arith.constant 7 : i32
        %dma_start3A_636 = arith.constant 0 : i32
        %dma_start3A_637 = arith.constant 0 : i32
        %dma_start3A_638 = tpu.memref_slice %arg8[%dma_start3A_634, %dma_start3A_635, %dma_start3A_636, %dma_start3A_637] : memref<2x8x128x32xf32, #tpu.memory_space<vmem>> -> memref<1x1x128x32xf32, #tpu.memory_space<vmem>>
        %dma_start3A_639 = tpu.memref_squeeze %dma_start3A_638 : memref<1x1x128x32xf32, #tpu.memory_space<vmem>> -> memref<128x32xf32, #tpu.memory_space<vmem>>
        %dma_start3A_640 = arith.constant 0 : i32
        %dma_start3A_641 = tpu.memref_slice %arg6[%add3A_633, %dma_start3A_640] : memref<80x128xi32, #tpu.memory_space<vmem>> -> memref<1x128xi32, #tpu.memory_space<vmem>>
        %dma_start3A_642 = tpu.memref_squeeze %dma_start3A_641 : memref<1x128xi32, #tpu.memory_space<vmem>> -> memref<128xi32, #tpu.memory_space<vmem>>
        %dma_start3A_643 = arith.constant 0 : i32
        %dma_start3A_644 = arith.constant 0 : i32
        %dma_start3A_645 = tpu.memref_slice %arg2[%dma_start3A_643, %dma_start3A_644] : memref<10000x32xf32, #tpu.memory_space<hbm>> -> memref<10000x32xf32, #tpu.memory_space<hbm>>
        tpu.enqueue_indirect_dma source(%dma_start3A_645 : memref<10000x32xf32, #tpu.memory_space<hbm>>) target(%dma_start3A_639 : memref<128x32xf32, #tpu.memory_space<vmem>>) offsets(%dma_start3A_642 : memref<128xi32, #tpu.memory_space<vmem>>) semaphore(%arg26 : memref<!tpu.dma_semaphore, #tpu.memory_space<semaphore_mem>>)
      } else {
      }
      %mul3A_140 = arith.constant 8 : i32
      %mul3A_141 = arith.muli %add3A_133, %mul3A_140 : i32
      %add3A_142 = arith.constant 0 : i32
      %add3A_143 = arith.addi %mul3A_141, %add3A_142 : i32
      %dma_wait3A = arith.constant 0 : i32
      %dma_wait3A_144 = arith.constant 0 : i32
      %dma_wait3A_145 = arith.constant 0 : i32
      %dma_wait3A_146 = arith.constant 0 : i32
      %dma_wait3A_147 = tpu.memref_slice %arg8[%dma_wait3A, %dma_wait3A_144, %dma_wait3A_145, %dma_wait3A_146] : memref<2x8x128x32xf32, #tpu.memory_space<vmem>> -> memref<1x1x128x32xf32, #tpu.memory_space<vmem>>
      %dma_wait3A_148 = tpu.memref_squeeze %dma_wait3A_147 : memref<1x1x128x32xf32, #tpu.memory_space<vmem>> -> memref<128x32xf32, #tpu.memory_space<vmem>>
      %dma_wait3A_149 = arith.constant 0 : i32
      %dma_wait3A_150 = tpu.memref_slice %arg6[%add3A_143, %dma_wait3A_149] : memref<80x128xi32, #tpu.memory_space<vmem>> -> memref<1x128xi32, #tpu.memory_space<vmem>>
      %dma_wait3A_151 = tpu.memref_squeeze %dma_wait3A_150 : memref<1x128xi32, #tpu.memory_space<vmem>> -> memref<128xi32, #tpu.memory_space<vmem>>
      %dma_wait3A_152 = arith.constant 0 : i32
      %dma_wait3A_153 = arith.constant 0 : i32
      %dma_wait3A_154 = tpu.memref_slice %arg2[%dma_wait3A_152, %dma_wait3A_153] : memref<10000x32xf32, #tpu.memory_space<hbm>> -> memref<10000x32xf32, #tpu.memory_space<hbm>>
      tpu.wait_indirect_dma semaphore(%arg11 : memref<!tpu.dma_semaphore, #tpu.memory_space<semaphore_mem>>) src(%dma_wait3A_154 : memref<10000x32xf32, #tpu.memory_space<hbm>>) dst(%dma_wait3A_148 : memref<128x32xf32, #tpu.memory_space<vmem>>)
      %mul3A_155 = arith.constant 8 : i32
      %mul3A_156 = arith.muli %add3A_133, %mul3A_155 : i32
      %add3A_157 = arith.constant 0 : i32
      %add3A_158 = arith.addi %mul3A_156, %add3A_157 : i32
      %run_scoped3A_159 = arith.constant 0 : i32
      %run_scoped3A_160 = arith.constant 0 : i32
      "tpu.region"() ({
        %run_scoped3A_502 = tpu.sem_alloc : memref<!tpu.dma_semaphore, #tpu.memory_space<semaphore_mem>>
        %dma_start3A_503 = arith.constant 0 : i32
        %dma_start3A_504 = arith.constant 0 : i32
        %dma_start3A_505 = tpu.memref_slice %arg8[%run_scoped3A_159, %run_scoped3A_160, %dma_start3A_503, %dma_start3A_504] : memref<2x8x128x32xf32, #tpu.memory_space<vmem>> -> memref<1x1x128x32xf32, #tpu.memory_space<vmem>>
        %dma_start3A_506 = tpu.memref_squeeze %dma_start3A_505 : memref<1x1x128x32xf32, #tpu.memory_space<vmem>> -> memref<128x32xf32, #tpu.memory_space<vmem>>
        %dma_start3A_507 = arith.constant 0 : i32
        %dma_start3A_508 = tpu.memref_slice %arg7[%add3A_158, %dma_start3A_507] : memref<80x128xi32, #tpu.memory_space<vmem>> -> memref<1x128xi32, #tpu.memory_space<vmem>>
        %dma_start3A_509 = tpu.memref_squeeze %dma_start3A_508 : memref<1x128xi32, #tpu.memory_space<vmem>> -> memref<128xi32, #tpu.memory_space<vmem>>
        %dma_start3A_510 = arith.constant 0 : i32
        %dma_start3A_511 = arith.constant 0 : i32
        %dma_start3A_512 = tpu.memref_slice %arg10[%dma_start3A_510, %dma_start3A_511] : memref<10240x32xf32, #tpu.memory_space<vmem_shared>> -> memref<10240x32xf32, #tpu.memory_space<vmem_shared>>
        tpu.enqueue_indirect_dma source(%dma_start3A_506 : memref<128x32xf32, #tpu.memory_space<vmem>>) target(%dma_start3A_512 : memref<10240x32xf32, #tpu.memory_space<vmem_shared>>) offsets(%dma_start3A_509 : memref<128xi32, #tpu.memory_space<vmem>>) semaphore(%run_scoped3A_502 : memref<!tpu.dma_semaphore, #tpu.memory_space<semaphore_mem>>) {add = true}
        %dma_wait3A_513 = arith.constant 0 : i32
        %dma_wait3A_514 = arith.constant 0 : i32
        %dma_wait3A_515 = tpu.memref_slice %arg8[%run_scoped3A_159, %run_scoped3A_160, %dma_wait3A_513, %dma_wait3A_514] : memref<2x8x128x32xf32, #tpu.memory_space<vmem>> -> memref<1x1x128x32xf32, #tpu.memory_space<vmem>>
        %dma_wait3A_516 = tpu.memref_squeeze %dma_wait3A_515 : memref<1x1x128x32xf32, #tpu.memory_space<vmem>> -> memref<128x32xf32, #tpu.memory_space<vmem>>
        %dma_wait3A_517 = arith.constant 0 : i32
        %dma_wait3A_518 = tpu.memref_slice %arg7[%add3A_158, %dma_wait3A_517] : memref<80x128xi32, #tpu.memory_space<vmem>> -> memref<1x128xi32, #tpu.memory_space<vmem>>
        %dma_wait3A_519 = tpu.memref_squeeze %dma_wait3A_518 : memref<1x128xi32, #tpu.memory_space<vmem>> -> memref<128xi32, #tpu.memory_space<vmem>>
        %dma_wait3A_520 = arith.constant 0 : i32
        %dma_wait3A_521 = arith.constant 0 : i32
        %dma_wait3A_522 = tpu.memref_slice %arg10[%dma_wait3A_520, %dma_wait3A_521] : memref<10240x32xf32, #tpu.memory_space<vmem_shared>> -> memref<10240x32xf32, #tpu.memory_space<vmem_shared>>
        tpu.wait_indirect_dma semaphore(%run_scoped3A_502 : memref<!tpu.dma_semaphore, #tpu.memory_space<semaphore_mem>>) src(%dma_wait3A_516 : memref<128x32xf32, #tpu.memory_space<vmem>>) dst(%dma_wait3A_522 : memref<10240x32xf32, #tpu.memory_space<vmem_shared>>)
        tpu.yield
      }) : () -> ()
      %mul3A_161 = arith.constant 8 : i32
      %mul3A_162 = arith.muli %add3A_133, %mul3A_161 : i32
      %add3A_163 = arith.constant 1 : i32
      %add3A_164 = arith.addi %mul3A_162, %add3A_163 : i32
      %dma_wait3A_165 = arith.constant 0 : i32
      %dma_wait3A_166 = arith.constant 1 : i32
      %dma_wait3A_167 = arith.constant 0 : i32
      %dma_wait3A_168 = arith.constant 0 : i32
      %dma_wait3A_169 = tpu.memref_slice %arg8[%dma_wait3A_165, %dma_wait3A_166, %dma_wait3A_167, %dma_wait3A_168] : memref<2x8x128x32xf32, #tpu.memory_space<vmem>> -> memref<1x1x128x32xf32, #tpu.memory_space<vmem>>
      %dma_wait3A_170 = tpu.memref_squeeze %dma_wait3A_169 : memref<1x1x128x32xf32, #tpu.memory_space<vmem>> -> memref<128x32xf32, #tpu.memory_space<vmem>>
      %dma_wait3A_171 = arith.constant 0 : i32
      %dma_wait3A_172 = tpu.memref_slice %arg6[%add3A_164, %dma_wait3A_171] : memref<80x128xi32, #tpu.memory_space<vmem>> -> memref<1x128xi32, #tpu.memory_space<vmem>>
      %dma_wait3A_173 = tpu.memref_squeeze %dma_wait3A_172 : memref<1x128xi32, #tpu.memory_space<vmem>> -> memref<128xi32, #tpu.memory_space<vmem>>
      %dma_wait3A_174 = arith.constant 0 : i32
      %dma_wait3A_175 = arith.constant 0 : i32
      %dma_wait3A_176 = tpu.memref_slice %arg2[%dma_wait3A_174, %dma_wait3A_175] : memref<10000x32xf32, #tpu.memory_space<hbm>> -> memref<10000x32xf32, #tpu.memory_space<hbm>>
      tpu.wait_indirect_dma semaphore(%arg12 : memref<!tpu.dma_semaphore, #tpu.memory_space<semaphore_mem>>) src(%dma_wait3A_176 : memref<10000x32xf32, #tpu.memory_space<hbm>>) dst(%dma_wait3A_170 : memref<128x32xf32, #tpu.memory_space<vmem>>)
      %mul3A_177 = arith.constant 8 : i32
      %mul3A_178 = arith.muli %add3A_133, %mul3A_177 : i32
      %add3A_179 = arith.constant 1 : i32
      %add3A_180 = arith.addi %mul3A_178, %add3A_179 : i32
      %run_scoped3A_181 = arith.constant 0 : i32
      %run_scoped3A_182 = arith.constant 1 : i32
      "tpu.region"() ({
        %run_scoped3A_502 = tpu.sem_alloc : memref<!tpu.dma_semaphore, #tpu.memory_space<semaphore_mem>>
        %dma_start3A_503 = arith.constant 0 : i32
        %dma_start3A_504 = arith.constant 0 : i32
        %dma_start3A_505 = tpu.memref_slice %arg8[%run_scoped3A_181, %run_scoped3A_182, %dma_start3A_503, %dma_start3A_504] : memref<2x8x128x32xf32, #tpu.memory_space<vmem>> -> memref<1x1x128x32xf32, #tpu.memory_space<vmem>>
        %dma_start3A_506 = tpu.memref_squeeze %dma_start3A_505 : memref<1x1x128x32xf32, #tpu.memory_space<vmem>> -> memref<128x32xf32, #tpu.memory_space<vmem>>
        %dma_start3A_507 = arith.constant 0 : i32
        %dma_start3A_508 = tpu.memref_slice %arg7[%add3A_180, %dma_start3A_507] : memref<80x128xi32, #tpu.memory_space<vmem>> -> memref<1x128xi32, #tpu.memory_space<vmem>>
        %dma_start3A_509 = tpu.memref_squeeze %dma_start3A_508 : memref<1x128xi32, #tpu.memory_space<vmem>> -> memref<128xi32, #tpu.memory_space<vmem>>
        %dma_start3A_510 = arith.constant 0 : i32
        %dma_start3A_511 = arith.constant 0 : i32
        %dma_start3A_512 = tpu.memref_slice %arg10[%dma_start3A_510, %dma_start3A_511] : memref<10240x32xf32, #tpu.memory_space<vmem_shared>> -> memref<10240x32xf32, #tpu.memory_space<vmem_shared>>
        tpu.enqueue_indirect_dma source(%dma_start3A_506 : memref<128x32xf32, #tpu.memory_space<vmem>>) target(%dma_start3A_512 : memref<10240x32xf32, #tpu.memory_space<vmem_shared>>) offsets(%dma_start3A_509 : memref<128xi32, #tpu.memory_space<vmem>>) semaphore(%run_scoped3A_502 : memref<!tpu.dma_semaphore, #tpu.memory_space<semaphore_mem>>) {add = true}
        %dma_wait3A_513 = arith.constant 0 : i32
        %dma_wait3A_514 = arith.constant 0 : i32
        %dma_wait3A_515 = tpu.memref_slice %arg8[%run_scoped3A_181, %run_scoped3A_182, %dma_wait3A_513, %dma_wait3A_514] : memref<2x8x128x32xf32, #tpu.memory_space<vmem>> -> memref<1x1x128x32xf32, #tpu.memory_space<vmem>>
        %dma_wait3A_516 = tpu.memref_squeeze %dma_wait3A_515 : memref<1x1x128x32xf32, #tpu.memory_space<vmem>> -> memref<128x32xf32, #tpu.memory_space<vmem>>
        %dma_wait3A_517 = arith.constant 0 : i32
        %dma_wait3A_518 = tpu.memref_slice %arg7[%add3A_180, %dma_wait3A_517] : memref<80x128xi32, #tpu.memory_space<vmem>> -> memref<1x128xi32, #tpu.memory_space<vmem>>
        %dma_wait3A_519 = tpu.memref_squeeze %dma_wait3A_518 : memref<1x128xi32, #tpu.memory_space<vmem>> -> memref<128xi32, #tpu.memory_space<vmem>>
        %dma_wait3A_520 = arith.constant 0 : i32
        %dma_wait3A_521 = arith.constant 0 : i32
        %dma_wait3A_522 = tpu.memref_slice %arg10[%dma_wait3A_520, %dma_wait3A_521] : memref<10240x32xf32, #tpu.memory_space<vmem_shared>> -> memref<10240x32xf32, #tpu.memory_space<vmem_shared>>
        tpu.wait_indirect_dma semaphore(%run_scoped3A_502 : memref<!tpu.dma_semaphore, #tpu.memory_space<semaphore_mem>>) src(%dma_wait3A_516 : memref<128x32xf32, #tpu.memory_space<vmem>>) dst(%dma_wait3A_522 : memref<10240x32xf32, #tpu.memory_space<vmem_shared>>)
        tpu.yield
      }) : () -> ()
      %mul3A_183 = arith.constant 8 : i32
      %mul3A_184 = arith.muli %add3A_133, %mul3A_183 : i32
      %add3A_185 = arith.constant 2 : i32
      %add3A_186 = arith.addi %mul3A_184, %add3A_185 : i32
      %dma_wait3A_187 = arith.constant 0 : i32
      %dma_wait3A_188 = arith.constant 2 : i32
      %dma_wait3A_189 = arith.constant 0 : i32
      %dma_wait3A_190 = arith.constant 0 : i32
      %dma_wait3A_191 = tpu.memref_slice %arg8[%dma_wait3A_187, %dma_wait3A_188, %dma_wait3A_189, %dma_wait3A_190] : memref<2x8x128x32xf32, #tpu.memory_space<vmem>> -> memref<1x1x128x32xf32, #tpu.memory_space<vmem>>
      %dma_wait3A_192 = tpu.memref_squeeze %dma_wait3A_191 : memref<1x1x128x32xf32, #tpu.memory_space<vmem>> -> memref<128x32xf32, #tpu.memory_space<vmem>>
      %dma_wait3A_193 = arith.constant 0 : i32
      %dma_wait3A_194 = tpu.memref_slice %arg6[%add3A_186, %dma_wait3A_193] : memref<80x128xi32, #tpu.memory_space<vmem>> -> memref<1x128xi32, #tpu.memory_space<vmem>>
      %dma_wait3A_195 = tpu.memref_squeeze %dma_wait3A_194 : memref<1x128xi32, #tpu.memory_space<vmem>> -> memref<128xi32, #tpu.memory_space<vmem>>
      %dma_wait3A_196 = arith.constant 0 : i32
      %dma_wait3A_197 = arith.constant 0 : i32
      %dma_wait3A_198 = tpu.memref_slice %arg2[%dma_wait3A_196, %dma_wait3A_197] : memref<10000x32xf32, #tpu.memory_space<hbm>> -> memref<10000x32xf32, #tpu.memory_space<hbm>>
      tpu.wait_indirect_dma semaphore(%arg13 : memref<!tpu.dma_semaphore, #tpu.memory_space<semaphore_mem>>) src(%dma_wait3A_198 : memref<10000x32xf32, #tpu.memory_space<hbm>>) dst(%dma_wait3A_192 : memref<128x32xf32, #tpu.memory_space<vmem>>)
      %mul3A_199 = arith.constant 8 : i32
      %mul3A_200 = arith.muli %add3A_133, %mul3A_199 : i32
      %add3A_201 = arith.constant 2 : i32
      %add3A_202 = arith.addi %mul3A_200, %add3A_201 : i32
      %run_scoped3A_203 = arith.constant 0 : i32
      %run_scoped3A_204 = arith.constant 2 : i32
      "tpu.region"() ({
        %run_scoped3A_502 = tpu.sem_alloc : memref<!tpu.dma_semaphore, #tpu.memory_space<semaphore_mem>>
        %dma_start3A_503 = arith.constant 0 : i32
        %dma_start3A_504 = arith.constant 0 : i32
        %dma_start3A_505 = tpu.memref_slice %arg8[%run_scoped3A_203, %run_scoped3A_204, %dma_start3A_503, %dma_start3A_504] : memref<2x8x128x32xf32, #tpu.memory_space<vmem>> -> memref<1x1x128x32xf32, #tpu.memory_space<vmem>>
        %dma_start3A_506 = tpu.memref_squeeze %dma_start3A_505 : memref<1x1x128x32xf32, #tpu.memory_space<vmem>> -> memref<128x32xf32, #tpu.memory_space<vmem>>
        %dma_start3A_507 = arith.constant 0 : i32
        %dma_start3A_508 = tpu.memref_slice %arg7[%add3A_202, %dma_start3A_507] : memref<80x128xi32, #tpu.memory_space<vmem>> -> memref<1x128xi32, #tpu.memory_space<vmem>>
        %dma_start3A_509 = tpu.memref_squeeze %dma_start3A_508 : memref<1x128xi32, #tpu.memory_space<vmem>> -> memref<128xi32, #tpu.memory_space<vmem>>
        %dma_start3A_510 = arith.constant 0 : i32
        %dma_start3A_511 = arith.constant 0 : i32
        %dma_start3A_512 = tpu.memref_slice %arg10[%dma_start3A_510, %dma_start3A_511] : memref<10240x32xf32, #tpu.memory_space<vmem_shared>> -> memref<10240x32xf32, #tpu.memory_space<vmem_shared>>
        tpu.enqueue_indirect_dma source(%dma_start3A_506 : memref<128x32xf32, #tpu.memory_space<vmem>>) target(%dma_start3A_512 : memref<10240x32xf32, #tpu.memory_space<vmem_shared>>) offsets(%dma_start3A_509 : memref<128xi32, #tpu.memory_space<vmem>>) semaphore(%run_scoped3A_502 : memref<!tpu.dma_semaphore, #tpu.memory_space<semaphore_mem>>) {add = true}
        %dma_wait3A_513 = arith.constant 0 : i32
        %dma_wait3A_514 = arith.constant 0 : i32
        %dma_wait3A_515 = tpu.memref_slice %arg8[%run_scoped3A_203, %run_scoped3A_204, %dma_wait3A_513, %dma_wait3A_514] : memref<2x8x128x32xf32, #tpu.memory_space<vmem>> -> memref<1x1x128x32xf32, #tpu.memory_space<vmem>>
        %dma_wait3A_516 = tpu.memref_squeeze %dma_wait3A_515 : memref<1x1x128x32xf32, #tpu.memory_space<vmem>> -> memref<128x32xf32, #tpu.memory_space<vmem>>
        %dma_wait3A_517 = arith.constant 0 : i32
        %dma_wait3A_518 = tpu.memref_slice %arg7[%add3A_202, %dma_wait3A_517] : memref<80x128xi32, #tpu.memory_space<vmem>> -> memref<1x128xi32, #tpu.memory_space<vmem>>
        %dma_wait3A_519 = tpu.memref_squeeze %dma_wait3A_518 : memref<1x128xi32, #tpu.memory_space<vmem>> -> memref<128xi32, #tpu.memory_space<vmem>>
        %dma_wait3A_520 = arith.constant 0 : i32
        %dma_wait3A_521 = arith.constant 0 : i32
        %dma_wait3A_522 = tpu.memref_slice %arg10[%dma_wait3A_520, %dma_wait3A_521] : memref<10240x32xf32, #tpu.memory_space<vmem_shared>> -> memref<10240x32xf32, #tpu.memory_space<vmem_shared>>
        tpu.wait_indirect_dma semaphore(%run_scoped3A_502 : memref<!tpu.dma_semaphore, #tpu.memory_space<semaphore_mem>>) src(%dma_wait3A_516 : memref<128x32xf32, #tpu.memory_space<vmem>>) dst(%dma_wait3A_522 : memref<10240x32xf32, #tpu.memory_space<vmem_shared>>)
        tpu.yield
      }) : () -> ()
      %mul3A_205 = arith.constant 8 : i32
      %mul3A_206 = arith.muli %add3A_133, %mul3A_205 : i32
      %add3A_207 = arith.constant 3 : i32
      %add3A_208 = arith.addi %mul3A_206, %add3A_207 : i32
      %dma_wait3A_209 = arith.constant 0 : i32
      %dma_wait3A_210 = arith.constant 3 : i32
      %dma_wait3A_211 = arith.constant 0 : i32
      %dma_wait3A_212 = arith.constant 0 : i32
      %dma_wait3A_213 = tpu.memref_slice %arg8[%dma_wait3A_209, %dma_wait3A_210, %dma_wait3A_211, %dma_wait3A_212] : memref<2x8x128x32xf32, #tpu.memory_space<vmem>> -> memref<1x1x128x32xf32, #tpu.memory_space<vmem>>
      %dma_wait3A_214 = tpu.memref_squeeze %dma_wait3A_213 : memref<1x1x128x32xf32, #tpu.memory_space<vmem>> -> memref<128x32xf32, #tpu.memory_space<vmem>>
      %dma_wait3A_215 = arith.constant 0 : i32
      %dma_wait3A_216 = tpu.memref_slice %arg6[%add3A_208, %dma_wait3A_215] : memref<80x128xi32, #tpu.memory_space<vmem>> -> memref<1x128xi32, #tpu.memory_space<vmem>>
      %dma_wait3A_217 = tpu.memref_squeeze %dma_wait3A_216 : memref<1x128xi32, #tpu.memory_space<vmem>> -> memref<128xi32, #tpu.memory_space<vmem>>
      %dma_wait3A_218 = arith.constant 0 : i32
      %dma_wait3A_219 = arith.constant 0 : i32
      %dma_wait3A_220 = tpu.memref_slice %arg2[%dma_wait3A_218, %dma_wait3A_219] : memref<10000x32xf32, #tpu.memory_space<hbm>> -> memref<10000x32xf32, #tpu.memory_space<hbm>>
      tpu.wait_indirect_dma semaphore(%arg14 : memref<!tpu.dma_semaphore, #tpu.memory_space<semaphore_mem>>) src(%dma_wait3A_220 : memref<10000x32xf32, #tpu.memory_space<hbm>>) dst(%dma_wait3A_214 : memref<128x32xf32, #tpu.memory_space<vmem>>)
      %mul3A_221 = arith.constant 8 : i32
      %mul3A_222 = arith.muli %add3A_133, %mul3A_221 : i32
      %add3A_223 = arith.constant 3 : i32
      %add3A_224 = arith.addi %mul3A_222, %add3A_223 : i32
      %run_scoped3A_225 = arith.constant 0 : i32
      %run_scoped3A_226 = arith.constant 3 : i32
      "tpu.region"() ({
        %run_scoped3A_502 = tpu.sem_alloc : memref<!tpu.dma_semaphore, #tpu.memory_space<semaphore_mem>>
        %dma_start3A_503 = arith.constant 0 : i32
        %dma_start3A_504 = arith.constant 0 : i32
        %dma_start3A_505 = tpu.memref_slice %arg8[%run_scoped3A_225, %run_scoped3A_226, %dma_start3A_503, %dma_start3A_504] : memref<2x8x128x32xf32, #tpu.memory_space<vmem>> -> memref<1x1x128x32xf32, #tpu.memory_space<vmem>>
        %dma_start3A_506 = tpu.memref_squeeze %dma_start3A_505 : memref<1x1x128x32xf32, #tpu.memory_space<vmem>> -> memref<128x32xf32, #tpu.memory_space<vmem>>
        %dma_start3A_507 = arith.constant 0 : i32
        %dma_start3A_508 = tpu.memref_slice %arg7[%add3A_224, %dma_start3A_507] : memref<80x128xi32, #tpu.memory_space<vmem>> -> memref<1x128xi32, #tpu.memory_space<vmem>>
        %dma_start3A_509 = tpu.memref_squeeze %dma_start3A_508 : memref<1x128xi32, #tpu.memory_space<vmem>> -> memref<128xi32, #tpu.memory_space<vmem>>
        %dma_start3A_510 = arith.constant 0 : i32
        %dma_start3A_511 = arith.constant 0 : i32
        %dma_start3A_512 = tpu.memref_slice %arg10[%dma_start3A_510, %dma_start3A_511] : memref<10240x32xf32, #tpu.memory_space<vmem_shared>> -> memref<10240x32xf32, #tpu.memory_space<vmem_shared>>
        tpu.enqueue_indirect_dma source(%dma_start3A_506 : memref<128x32xf32, #tpu.memory_space<vmem>>) target(%dma_start3A_512 : memref<10240x32xf32, #tpu.memory_space<vmem_shared>>) offsets(%dma_start3A_509 : memref<128xi32, #tpu.memory_space<vmem>>) semaphore(%run_scoped3A_502 : memref<!tpu.dma_semaphore, #tpu.memory_space<semaphore_mem>>) {add = true}
        %dma_wait3A_513 = arith.constant 0 : i32
        %dma_wait3A_514 = arith.constant 0 : i32
        %dma_wait3A_515 = tpu.memref_slice %arg8[%run_scoped3A_225, %run_scoped3A_226, %dma_wait3A_513, %dma_wait3A_514] : memref<2x8x128x32xf32, #tpu.memory_space<vmem>> -> memref<1x1x128x32xf32, #tpu.memory_space<vmem>>
        %dma_wait3A_516 = tpu.memref_squeeze %dma_wait3A_515 : memref<1x1x128x32xf32, #tpu.memory_space<vmem>> -> memref<128x32xf32, #tpu.memory_space<vmem>>
        %dma_wait3A_517 = arith.constant 0 : i32
        %dma_wait3A_518 = tpu.memref_slice %arg7[%add3A_224, %dma_wait3A_517] : memref<80x128xi32, #tpu.memory_space<vmem>> -> memref<1x128xi32, #tpu.memory_space<vmem>>
        %dma_wait3A_519 = tpu.memref_squeeze %dma_wait3A_518 : memref<1x128xi32, #tpu.memory_space<vmem>> -> memref<128xi32, #tpu.memory_space<vmem>>
        %dma_wait3A_520 = arith.constant 0 : i32
        %dma_wait3A_521 = arith.constant 0 : i32
        %dma_wait3A_522 = tpu.memref_slice %arg10[%dma_wait3A_520, %dma_wait3A_521] : memref<10240x32xf32, #tpu.memory_space<vmem_shared>> -> memref<10240x32xf32, #tpu.memory_space<vmem_shared>>
        tpu.wait_indirect_dma semaphore(%run_scoped3A_502 : memref<!tpu.dma_semaphore, #tpu.memory_space<semaphore_mem>>) src(%dma_wait3A_516 : memref<128x32xf32, #tpu.memory_space<vmem>>) dst(%dma_wait3A_522 : memref<10240x32xf32, #tpu.memory_space<vmem_shared>>)
        tpu.yield
      }) : () -> ()
      %mul3A_227 = arith.constant 8 : i32
      %mul3A_228 = arith.muli %add3A_133, %mul3A_227 : i32
      %add3A_229 = arith.constant 4 : i32
      %add3A_230 = arith.addi %mul3A_228, %add3A_229 : i32
      %dma_wait3A_231 = arith.constant 0 : i32
      %dma_wait3A_232 = arith.constant 4 : i32
      %dma_wait3A_233 = arith.constant 0 : i32
      %dma_wait3A_234 = arith.constant 0 : i32
      %dma_wait3A_235 = tpu.memref_slice %arg8[%dma_wait3A_231, %dma_wait3A_232, %dma_wait3A_233, %dma_wait3A_234] : memref<2x8x128x32xf32, #tpu.memory_space<vmem>> -> memref<1x1x128x32xf32, #tpu.memory_space<vmem>>
      %dma_wait3A_236 = tpu.memref_squeeze %dma_wait3A_235 : memref<1x1x128x32xf32, #tpu.memory_space<vmem>> -> memref<128x32xf32, #tpu.memory_space<vmem>>
      %dma_wait3A_237 = arith.constant 0 : i32
      %dma_wait3A_238 = tpu.memref_slice %arg6[%add3A_230, %dma_wait3A_237] : memref<80x128xi32, #tpu.memory_space<vmem>> -> memref<1x128xi32, #tpu.memory_space<vmem>>
      %dma_wait3A_239 = tpu.memref_squeeze %dma_wait3A_238 : memref<1x128xi32, #tpu.memory_space<vmem>> -> memref<128xi32, #tpu.memory_space<vmem>>
      %dma_wait3A_240 = arith.constant 0 : i32
      %dma_wait3A_241 = arith.constant 0 : i32
      %dma_wait3A_242 = tpu.memref_slice %arg2[%dma_wait3A_240, %dma_wait3A_241] : memref<10000x32xf32, #tpu.memory_space<hbm>> -> memref<10000x32xf32, #tpu.memory_space<hbm>>
      tpu.wait_indirect_dma semaphore(%arg15 : memref<!tpu.dma_semaphore, #tpu.memory_space<semaphore_mem>>) src(%dma_wait3A_242 : memref<10000x32xf32, #tpu.memory_space<hbm>>) dst(%dma_wait3A_236 : memref<128x32xf32, #tpu.memory_space<vmem>>)
      %mul3A_243 = arith.constant 8 : i32
      %mul3A_244 = arith.muli %add3A_133, %mul3A_243 : i32
      %add3A_245 = arith.constant 4 : i32
      %add3A_246 = arith.addi %mul3A_244, %add3A_245 : i32
      %run_scoped3A_247 = arith.constant 0 : i32
      %run_scoped3A_248 = arith.constant 4 : i32
      "tpu.region"() ({
        %run_scoped3A_502 = tpu.sem_alloc : memref<!tpu.dma_semaphore, #tpu.memory_space<semaphore_mem>>
        %dma_start3A_503 = arith.constant 0 : i32
        %dma_start3A_504 = arith.constant 0 : i32
        %dma_start3A_505 = tpu.memref_slice %arg8[%run_scoped3A_247, %run_scoped3A_248, %dma_start3A_503, %dma_start3A_504] : memref<2x8x128x32xf32, #tpu.memory_space<vmem>> -> memref<1x1x128x32xf32, #tpu.memory_space<vmem>>
        %dma_start3A_506 = tpu.memref_squeeze %dma_start3A_505 : memref<1x1x128x32xf32, #tpu.memory_space<vmem>> -> memref<128x32xf32, #tpu.memory_space<vmem>>
        %dma_start3A_507 = arith.constant 0 : i32
        %dma_start3A_508 = tpu.memref_slice %arg7[%add3A_246, %dma_start3A_507] : memref<80x128xi32, #tpu.memory_space<vmem>> -> memref<1x128xi32, #tpu.memory_space<vmem>>
        %dma_start3A_509 = tpu.memref_squeeze %dma_start3A_508 : memref<1x128xi32, #tpu.memory_space<vmem>> -> memref<128xi32, #tpu.memory_space<vmem>>
        %dma_start3A_510 = arith.constant 0 : i32
        %dma_start3A_511 = arith.constant 0 : i32
        %dma_start3A_512 = tpu.memref_slice %arg10[%dma_start3A_510, %dma_start3A_511] : memref<10240x32xf32, #tpu.memory_space<vmem_shared>> -> memref<10240x32xf32, #tpu.memory_space<vmem_shared>>
        tpu.enqueue_indirect_dma source(%dma_start3A_506 : memref<128x32xf32, #tpu.memory_space<vmem>>) target(%dma_start3A_512 : memref<10240x32xf32, #tpu.memory_space<vmem_shared>>) offsets(%dma_start3A_509 : memref<128xi32, #tpu.memory_space<vmem>>) semaphore(%run_scoped3A_502 : memref<!tpu.dma_semaphore, #tpu.memory_space<semaphore_mem>>) {add = true}
        %dma_wait3A_513 = arith.constant 0 : i32
        %dma_wait3A_514 = arith.constant 0 : i32
        %dma_wait3A_515 = tpu.memref_slice %arg8[%run_scoped3A_247, %run_scoped3A_248, %dma_wait3A_513, %dma_wait3A_514] : memref<2x8x128x32xf32, #tpu.memory_space<vmem>> -> memref<1x1x128x32xf32, #tpu.memory_space<vmem>>
        %dma_wait3A_516 = tpu.memref_squeeze %dma_wait3A_515 : memref<1x1x128x32xf32, #tpu.memory_space<vmem>> -> memref<128x32xf32, #tpu.memory_space<vmem>>
        %dma_wait3A_517 = arith.constant 0 : i32
        %dma_wait3A_518 = tpu.memref_slice %arg7[%add3A_246, %dma_wait3A_517] : memref<80x128xi32, #tpu.memory_space<vmem>> -> memref<1x128xi32, #tpu.memory_space<vmem>>
        %dma_wait3A_519 = tpu.memref_squeeze %dma_wait3A_518 : memref<1x128xi32, #tpu.memory_space<vmem>> -> memref<128xi32, #tpu.memory_space<vmem>>
        %dma_wait3A_520 = arith.constant 0 : i32
        %dma_wait3A_521 = arith.constant 0 : i32
        %dma_wait3A_522 = tpu.memref_slice %arg10[%dma_wait3A_520, %dma_wait3A_521] : memref<10240x32xf32, #tpu.memory_space<vmem_shared>> -> memref<10240x32xf32, #tpu.memory_space<vmem_shared>>
        tpu.wait_indirect_dma semaphore(%run_scoped3A_502 : memref<!tpu.dma_semaphore, #tpu.memory_space<semaphore_mem>>) src(%dma_wait3A_516 : memref<128x32xf32, #tpu.memory_space<vmem>>) dst(%dma_wait3A_522 : memref<10240x32xf32, #tpu.memory_space<vmem_shared>>)
        tpu.yield
      }) : () -> ()
      %mul3A_249 = arith.constant 8 : i32
      %mul3A_250 = arith.muli %add3A_133, %mul3A_249 : i32
      %add3A_251 = arith.constant 5 : i32
      %add3A_252 = arith.addi %mul3A_250, %add3A_251 : i32
      %dma_wait3A_253 = arith.constant 0 : i32
      %dma_wait3A_254 = arith.constant 5 : i32
      %dma_wait3A_255 = arith.constant 0 : i32
      %dma_wait3A_256 = arith.constant 0 : i32
      %dma_wait3A_257 = tpu.memref_slice %arg8[%dma_wait3A_253, %dma_wait3A_254, %dma_wait3A_255, %dma_wait3A_256] : memref<2x8x128x32xf32, #tpu.memory_space<vmem>> -> memref<1x1x128x32xf32, #tpu.memory_space<vmem>>
      %dma_wait3A_258 = tpu.memref_squeeze %dma_wait3A_257 : memref<1x1x128x32xf32, #tpu.memory_space<vmem>> -> memref<128x32xf32, #tpu.memory_space<vmem>>
      %dma_wait3A_259 = arith.constant 0 : i32
      %dma_wait3A_260 = tpu.memref_slice %arg6[%add3A_252, %dma_wait3A_259] : memref<80x128xi32, #tpu.memory_space<vmem>> -> memref<1x128xi32, #tpu.memory_space<vmem>>
      %dma_wait3A_261 = tpu.memref_squeeze %dma_wait3A_260 : memref<1x128xi32, #tpu.memory_space<vmem>> -> memref<128xi32, #tpu.memory_space<vmem>>
      %dma_wait3A_262 = arith.constant 0 : i32
      %dma_wait3A_263 = arith.constant 0 : i32
      %dma_wait3A_264 = tpu.memref_slice %arg2[%dma_wait3A_262, %dma_wait3A_263] : memref<10000x32xf32, #tpu.memory_space<hbm>> -> memref<10000x32xf32, #tpu.memory_space<hbm>>
      tpu.wait_indirect_dma semaphore(%arg16 : memref<!tpu.dma_semaphore, #tpu.memory_space<semaphore_mem>>) src(%dma_wait3A_264 : memref<10000x32xf32, #tpu.memory_space<hbm>>) dst(%dma_wait3A_258 : memref<128x32xf32, #tpu.memory_space<vmem>>)
      %mul3A_265 = arith.constant 8 : i32
      %mul3A_266 = arith.muli %add3A_133, %mul3A_265 : i32
      %add3A_267 = arith.constant 5 : i32
      %add3A_268 = arith.addi %mul3A_266, %add3A_267 : i32
      %run_scoped3A_269 = arith.constant 0 : i32
      %run_scoped3A_270 = arith.constant 5 : i32
      "tpu.region"() ({
        %run_scoped3A_502 = tpu.sem_alloc : memref<!tpu.dma_semaphore, #tpu.memory_space<semaphore_mem>>
        %dma_start3A_503 = arith.constant 0 : i32
        %dma_start3A_504 = arith.constant 0 : i32
        %dma_start3A_505 = tpu.memref_slice %arg8[%run_scoped3A_269, %run_scoped3A_270, %dma_start3A_503, %dma_start3A_504] : memref<2x8x128x32xf32, #tpu.memory_space<vmem>> -> memref<1x1x128x32xf32, #tpu.memory_space<vmem>>
        %dma_start3A_506 = tpu.memref_squeeze %dma_start3A_505 : memref<1x1x128x32xf32, #tpu.memory_space<vmem>> -> memref<128x32xf32, #tpu.memory_space<vmem>>
        %dma_start3A_507 = arith.constant 0 : i32
        %dma_start3A_508 = tpu.memref_slice %arg7[%add3A_268, %dma_start3A_507] : memref<80x128xi32, #tpu.memory_space<vmem>> -> memref<1x128xi32, #tpu.memory_space<vmem>>
        %dma_start3A_509 = tpu.memref_squeeze %dma_start3A_508 : memref<1x128xi32, #tpu.memory_space<vmem>> -> memref<128xi32, #tpu.memory_space<vmem>>
        %dma_start3A_510 = arith.constant 0 : i32
        %dma_start3A_511 = arith.constant 0 : i32
        %dma_start3A_512 = tpu.memref_slice %arg10[%dma_start3A_510, %dma_start3A_511] : memref<10240x32xf32, #tpu.memory_space<vmem_shared>> -> memref<10240x32xf32, #tpu.memory_space<vmem_shared>>
        tpu.enqueue_indirect_dma source(%dma_start3A_506 : memref<128x32xf32, #tpu.memory_space<vmem>>) target(%dma_start3A_512 : memref<10240x32xf32, #tpu.memory_space<vmem_shared>>) offsets(%dma_start3A_509 : memref<128xi32, #tpu.memory_space<vmem>>) semaphore(%run_scoped3A_502 : memref<!tpu.dma_semaphore, #tpu.memory_space<semaphore_mem>>) {add = true}
        %dma_wait3A_513 = arith.constant 0 : i32
        %dma_wait3A_514 = arith.constant 0 : i32
        %dma_wait3A_515 = tpu.memref_slice %arg8[%run_scoped3A_269, %run_scoped3A_270, %dma_wait3A_513, %dma_wait3A_514] : memref<2x8x128x32xf32, #tpu.memory_space<vmem>> -> memref<1x1x128x32xf32, #tpu.memory_space<vmem>>
        %dma_wait3A_516 = tpu.memref_squeeze %dma_wait3A_515 : memref<1x1x128x32xf32, #tpu.memory_space<vmem>> -> memref<128x32xf32, #tpu.memory_space<vmem>>
        %dma_wait3A_517 = arith.constant 0 : i32
        %dma_wait3A_518 = tpu.memref_slice %arg7[%add3A_268, %dma_wait3A_517] : memref<80x128xi32, #tpu.memory_space<vmem>> -> memref<1x128xi32, #tpu.memory_space<vmem>>
        %dma_wait3A_519 = tpu.memref_squeeze %dma_wait3A_518 : memref<1x128xi32, #tpu.memory_space<vmem>> -> memref<128xi32, #tpu.memory_space<vmem>>
        %dma_wait3A_520 = arith.constant 0 : i32
        %dma_wait3A_521 = arith.constant 0 : i32
        %dma_wait3A_522 = tpu.memref_slice %arg10[%dma_wait3A_520, %dma_wait3A_521] : memref<10240x32xf32, #tpu.memory_space<vmem_shared>> -> memref<10240x32xf32, #tpu.memory_space<vmem_shared>>
        tpu.wait_indirect_dma semaphore(%run_scoped3A_502 : memref<!tpu.dma_semaphore, #tpu.memory_space<semaphore_mem>>) src(%dma_wait3A_516 : memref<128x32xf32, #tpu.memory_space<vmem>>) dst(%dma_wait3A_522 : memref<10240x32xf32, #tpu.memory_space<vmem_shared>>)
        tpu.yield
      }) : () -> ()
      %mul3A_271 = arith.constant 8 : i32
      %mul3A_272 = arith.muli %add3A_133, %mul3A_271 : i32
      %add3A_273 = arith.constant 6 : i32
      %add3A_274 = arith.addi %mul3A_272, %add3A_273 : i32
      %dma_wait3A_275 = arith.constant 0 : i32
      %dma_wait3A_276 = arith.constant 6 : i32
      %dma_wait3A_277 = arith.constant 0 : i32
      %dma_wait3A_278 = arith.constant 0 : i32
      %dma_wait3A_279 = tpu.memref_slice %arg8[%dma_wait3A_275, %dma_wait3A_276, %dma_wait3A_277, %dma_wait3A_278] : memref<2x8x128x32xf32, #tpu.memory_space<vmem>> -> memref<1x1x128x32xf32, #tpu.memory_space<vmem>>
      %dma_wait3A_280 = tpu.memref_squeeze %dma_wait3A_279 : memref<1x1x128x32xf32, #tpu.memory_space<vmem>> -> memref<128x32xf32, #tpu.memory_space<vmem>>
      %dma_wait3A_281 = arith.constant 0 : i32
      %dma_wait3A_282 = tpu.memref_slice %arg6[%add3A_274, %dma_wait3A_281] : memref<80x128xi32, #tpu.memory_space<vmem>> -> memref<1x128xi32, #tpu.memory_space<vmem>>
      %dma_wait3A_283 = tpu.memref_squeeze %dma_wait3A_282 : memref<1x128xi32, #tpu.memory_space<vmem>> -> memref<128xi32, #tpu.memory_space<vmem>>
      %dma_wait3A_284 = arith.constant 0 : i32
      %dma_wait3A_285 = arith.constant 0 : i32
      %dma_wait3A_286 = tpu.memref_slice %arg2[%dma_wait3A_284, %dma_wait3A_285] : memref<10000x32xf32, #tpu.memory_space<hbm>> -> memref<10000x32xf32, #tpu.memory_space<hbm>>
      tpu.wait_indirect_dma semaphore(%arg17 : memref<!tpu.dma_semaphore, #tpu.memory_space<semaphore_mem>>) src(%dma_wait3A_286 : memref<10000x32xf32, #tpu.memory_space<hbm>>) dst(%dma_wait3A_280 : memref<128x32xf32, #tpu.memory_space<vmem>>)
      %mul3A_287 = arith.constant 8 : i32
      %mul3A_288 = arith.muli %add3A_133, %mul3A_287 : i32
      %add3A_289 = arith.constant 6 : i32
      %add3A_290 = arith.addi %mul3A_288, %add3A_289 : i32
      %run_scoped3A_291 = arith.constant 0 : i32
      %run_scoped3A_292 = arith.constant 6 : i32
      "tpu.region"() ({
        %run_scoped3A_502 = tpu.sem_alloc : memref<!tpu.dma_semaphore, #tpu.memory_space<semaphore_mem>>
        %dma_start3A_503 = arith.constant 0 : i32
        %dma_start3A_504 = arith.constant 0 : i32
        %dma_start3A_505 = tpu.memref_slice %arg8[%run_scoped3A_291, %run_scoped3A_292, %dma_start3A_503, %dma_start3A_504] : memref<2x8x128x32xf32, #tpu.memory_space<vmem>> -> memref<1x1x128x32xf32, #tpu.memory_space<vmem>>
        %dma_start3A_506 = tpu.memref_squeeze %dma_start3A_505 : memref<1x1x128x32xf32, #tpu.memory_space<vmem>> -> memref<128x32xf32, #tpu.memory_space<vmem>>
        %dma_start3A_507 = arith.constant 0 : i32
        %dma_start3A_508 = tpu.memref_slice %arg7[%add3A_290, %dma_start3A_507] : memref<80x128xi32, #tpu.memory_space<vmem>> -> memref<1x128xi32, #tpu.memory_space<vmem>>
        %dma_start3A_509 = tpu.memref_squeeze %dma_start3A_508 : memref<1x128xi32, #tpu.memory_space<vmem>> -> memref<128xi32, #tpu.memory_space<vmem>>
        %dma_start3A_510 = arith.constant 0 : i32
        %dma_start3A_511 = arith.constant 0 : i32
        %dma_start3A_512 = tpu.memref_slice %arg10[%dma_start3A_510, %dma_start3A_511] : memref<10240x32xf32, #tpu.memory_space<vmem_shared>> -> memref<10240x32xf32, #tpu.memory_space<vmem_shared>>
        tpu.enqueue_indirect_dma source(%dma_start3A_506 : memref<128x32xf32, #tpu.memory_space<vmem>>) target(%dma_start3A_512 : memref<10240x32xf32, #tpu.memory_space<vmem_shared>>) offsets(%dma_start3A_509 : memref<128xi32, #tpu.memory_space<vmem>>) semaphore(%run_scoped3A_502 : memref<!tpu.dma_semaphore, #tpu.memory_space<semaphore_mem>>) {add = true}
        %dma_wait3A_513 = arith.constant 0 : i32
        %dma_wait3A_514 = arith.constant 0 : i32
        %dma_wait3A_515 = tpu.memref_slice %arg8[%run_scoped3A_291, %run_scoped3A_292, %dma_wait3A_513, %dma_wait3A_514] : memref<2x8x128x32xf32, #tpu.memory_space<vmem>> -> memref<1x1x128x32xf32, #tpu.memory_space<vmem>>
        %dma_wait3A_516 = tpu.memref_squeeze %dma_wait3A_515 : memref<1x1x128x32xf32, #tpu.memory_space<vmem>> -> memref<128x32xf32, #tpu.memory_space<vmem>>
        %dma_wait3A_517 = arith.constant 0 : i32
        %dma_wait3A_518 = tpu.memref_slice %arg7[%add3A_290, %dma_wait3A_517] : memref<80x128xi32, #tpu.memory_space<vmem>> -> memref<1x128xi32, #tpu.memory_space<vmem>>
        %dma_wait3A_519 = tpu.memref_squeeze %dma_wait3A_518 : memref<1x128xi32, #tpu.memory_space<vmem>> -> memref<128xi32, #tpu.memory_space<vmem>>
        %dma_wait3A_520 = arith.constant 0 : i32
        %dma_wait3A_521 = arith.constant 0 : i32
        %dma_wait3A_522 = tpu.memref_slice %arg10[%dma_wait3A_520, %dma_wait3A_521] : memref<10240x32xf32, #tpu.memory_space<vmem_shared>> -> memref<10240x32xf32, #tpu.memory_space<vmem_shared>>
        tpu.wait_indirect_dma semaphore(%run_scoped3A_502 : memref<!tpu.dma_semaphore, #tpu.memory_space<semaphore_mem>>) src(%dma_wait3A_516 : memref<128x32xf32, #tpu.memory_space<vmem>>) dst(%dma_wait3A_522 : memref<10240x32xf32, #tpu.memory_space<vmem_shared>>)
        tpu.yield
      }) : () -> ()
      %mul3A_293 = arith.constant 8 : i32
      %mul3A_294 = arith.muli %add3A_133, %mul3A_293 : i32
      %add3A_295 = arith.constant 7 : i32
      %add3A_296 = arith.addi %mul3A_294, %add3A_295 : i32
      %dma_wait3A_297 = arith.constant 0 : i32
      %dma_wait3A_298 = arith.constant 7 : i32
      %dma_wait3A_299 = arith.constant 0 : i32
      %dma_wait3A_300 = arith.constant 0 : i32
      %dma_wait3A_301 = tpu.memref_slice %arg8[%dma_wait3A_297, %dma_wait3A_298, %dma_wait3A_299, %dma_wait3A_300] : memref<2x8x128x32xf32, #tpu.memory_space<vmem>> -> memref<1x1x128x32xf32, #tpu.memory_space<vmem>>
      %dma_wait3A_302 = tpu.memref_squeeze %dma_wait3A_301 : memref<1x1x128x32xf32, #tpu.memory_space<vmem>> -> memref<128x32xf32, #tpu.memory_space<vmem>>
      %dma_wait3A_303 = arith.constant 0 : i32
      %dma_wait3A_304 = tpu.memref_slice %arg6[%add3A_296, %dma_wait3A_303] : memref<80x128xi32, #tpu.memory_space<vmem>> -> memref<1x128xi32, #tpu.memory_space<vmem>>
      %dma_wait3A_305 = tpu.memref_squeeze %dma_wait3A_304 : memref<1x128xi32, #tpu.memory_space<vmem>> -> memref<128xi32, #tpu.memory_space<vmem>>
      %dma_wait3A_306 = arith.constant 0 : i32
      %dma_wait3A_307 = arith.constant 0 : i32
      %dma_wait3A_308 = tpu.memref_slice %arg2[%dma_wait3A_306, %dma_wait3A_307] : memref<10000x32xf32, #tpu.memory_space<hbm>> -> memref<10000x32xf32, #tpu.memory_space<hbm>>
      tpu.wait_indirect_dma semaphore(%arg18 : memref<!tpu.dma_semaphore, #tpu.memory_space<semaphore_mem>>) src(%dma_wait3A_308 : memref<10000x32xf32, #tpu.memory_space<hbm>>) dst(%dma_wait3A_302 : memref<128x32xf32, #tpu.memory_space<vmem>>)
      %mul3A_309 = arith.constant 8 : i32
      %mul3A_310 = arith.muli %add3A_133, %mul3A_309 : i32
      %add3A_311 = arith.constant 7 : i32
      %add3A_312 = arith.addi %mul3A_310, %add3A_311 : i32
      %run_scoped3A_313 = arith.constant 0 : i32
      %run_scoped3A_314 = arith.constant 7 : i32
      "tpu.region"() ({
        %run_scoped3A_502 = tpu.sem_alloc : memref<!tpu.dma_semaphore, #tpu.memory_space<semaphore_mem>>
        %dma_start3A_503 = arith.constant 0 : i32
        %dma_start3A_504 = arith.constant 0 : i32
        %dma_start3A_505 = tpu.memref_slice %arg8[%run_scoped3A_313, %run_scoped3A_314, %dma_start3A_503, %dma_start3A_504] : memref<2x8x128x32xf32, #tpu.memory_space<vmem>> -> memref<1x1x128x32xf32, #tpu.memory_space<vmem>>
        %dma_start3A_506 = tpu.memref_squeeze %dma_start3A_505 : memref<1x1x128x32xf32, #tpu.memory_space<vmem>> -> memref<128x32xf32, #tpu.memory_space<vmem>>
        %dma_start3A_507 = arith.constant 0 : i32
        %dma_start3A_508 = tpu.memref_slice %arg7[%add3A_312, %dma_start3A_507] : memref<80x128xi32, #tpu.memory_space<vmem>> -> memref<1x128xi32, #tpu.memory_space<vmem>>
        %dma_start3A_509 = tpu.memref_squeeze %dma_start3A_508 : memref<1x128xi32, #tpu.memory_space<vmem>> -> memref<128xi32, #tpu.memory_space<vmem>>
        %dma_start3A_510 = arith.constant 0 : i32
        %dma_start3A_511 = arith.constant 0 : i32
        %dma_start3A_512 = tpu.memref_slice %arg10[%dma_start3A_510, %dma_start3A_511] : memref<10240x32xf32, #tpu.memory_space<vmem_shared>> -> memref<10240x32xf32, #tpu.memory_space<vmem_shared>>
        tpu.enqueue_indirect_dma source(%dma_start3A_506 : memref<128x32xf32, #tpu.memory_space<vmem>>) target(%dma_start3A_512 : memref<10240x32xf32, #tpu.memory_space<vmem_shared>>) offsets(%dma_start3A_509 : memref<128xi32, #tpu.memory_space<vmem>>) semaphore(%run_scoped3A_502 : memref<!tpu.dma_semaphore, #tpu.memory_space<semaphore_mem>>) {add = true}
        %dma_wait3A_513 = arith.constant 0 : i32
        %dma_wait3A_514 = arith.constant 0 : i32
        %dma_wait3A_515 = tpu.memref_slice %arg8[%run_scoped3A_313, %run_scoped3A_314, %dma_wait3A_513, %dma_wait3A_514] : memref<2x8x128x32xf32, #tpu.memory_space<vmem>> -> memref<1x1x128x32xf32, #tpu.memory_space<vmem>>
        %dma_wait3A_516 = tpu.memref_squeeze %dma_wait3A_515 : memref<1x1x128x32xf32, #tpu.memory_space<vmem>> -> memref<128x32xf32, #tpu.memory_space<vmem>>
        %dma_wait3A_517 = arith.constant 0 : i32
        %dma_wait3A_518 = tpu.memref_slice %arg7[%add3A_312, %dma_wait3A_517] : memref<80x128xi32, #tpu.memory_space<vmem>> -> memref<1x128xi32, #tpu.memory_space<vmem>>
        %dma_wait3A_519 = tpu.memref_squeeze %dma_wait3A_518 : memref<1x128xi32, #tpu.memory_space<vmem>> -> memref<128xi32, #tpu.memory_space<vmem>>
        %dma_wait3A_520 = arith.constant 0 : i32
        %dma_wait3A_521 = arith.constant 0 : i32
        %dma_wait3A_522 = tpu.memref_slice %arg10[%dma_wait3A_520, %dma_wait3A_521] : memref<10240x32xf32, #tpu.memory_space<vmem_shared>> -> memref<10240x32xf32, #tpu.memory_space<vmem_shared>>
        tpu.wait_indirect_dma semaphore(%run_scoped3A_502 : memref<!tpu.dma_semaphore, #tpu.memory_space<semaphore_mem>>) src(%dma_wait3A_516 : memref<128x32xf32, #tpu.memory_space<vmem>>) dst(%dma_wait3A_522 : memref<10240x32xf32, #tpu.memory_space<vmem_shared>>)
        tpu.yield
      }) : () -> ()
      %mul3A_315 = arith.constant 2 : i32
      %mul3A_316 = arith.muli %scan3A_129, %mul3A_315 : i32
      %add3A_317 = arith.constant 1 : i32
      %add3A_318 = arith.addi %mul3A_316, %add3A_317 : i32
      %add3A_319 = arith.constant 1 : i32
      %add3A_320 = arith.addi %add3A_318, %add3A_319 : i32
      %lt3A_321 = arith.constant 10 : i32
      %lt3A_322 = arith.cmpi slt, %add3A_320, %lt3A_321 : i32
      %convert_element_type3A_323 = arith.extui %lt3A_322 : i1 to i32
      %cond3A_324 = arith.constant 0 : i32
      %cond3A_325 = arith.cmpi ne, %convert_element_type3A_323, %cond3A_324 : i32
      scf.if %cond3A_325 {
        %add3A_502 = arith.constant 1 : i32
        %add3A_503 = arith.addi %add3A_318, %add3A_502 : i32
        %mul3A_504 = arith.constant 8 : i32
        %mul3A_505 = arith.muli %add3A_503, %mul3A_504 : i32
        %add3A_506 = arith.constant 0 : i32
        %add3A_507 = arith.addi %mul3A_505, %add3A_506 : i32
        %dma_start3A_508 = arith.constant 0 : i32
        %dma_start3A_509 = arith.constant 0 : i32
        %dma_start3A_510 = arith.constant 0 : i32
        %dma_start3A_511 = arith.constant 0 : i32
        %dma_start3A_512 = tpu.memref_slice %arg8[%dma_start3A_508, %dma_start3A_509, %dma_start3A_510, %dma_start3A_511] : memref<2x8x128x32xf32, #tpu.memory_space<vmem>> -> memref<1x1x128x32xf32, #tpu.memory_space<vmem>>
        %dma_start3A_513 = tpu.memref_squeeze %dma_start3A_512 : memref<1x1x128x32xf32, #tpu.memory_space<vmem>> -> memref<128x32xf32, #tpu.memory_space<vmem>>
        %dma_start3A_514 = arith.constant 0 : i32
        %dma_start3A_515 = tpu.memref_slice %arg6[%add3A_507, %dma_start3A_514] : memref<80x128xi32, #tpu.memory_space<vmem>> -> memref<1x128xi32, #tpu.memory_space<vmem>>
        %dma_start3A_516 = tpu.memref_squeeze %dma_start3A_515 : memref<1x128xi32, #tpu.memory_space<vmem>> -> memref<128xi32, #tpu.memory_space<vmem>>
        %dma_start3A_517 = arith.constant 0 : i32
        %dma_start3A_518 = arith.constant 0 : i32
        %dma_start3A_519 = tpu.memref_slice %arg2[%dma_start3A_517, %dma_start3A_518] : memref<10000x32xf32, #tpu.memory_space<hbm>> -> memref<10000x32xf32, #tpu.memory_space<hbm>>
        tpu.enqueue_indirect_dma source(%dma_start3A_519 : memref<10000x32xf32, #tpu.memory_space<hbm>>) target(%dma_start3A_513 : memref<128x32xf32, #tpu.memory_space<vmem>>) offsets(%dma_start3A_516 : memref<128xi32, #tpu.memory_space<vmem>>) semaphore(%arg11 : memref<!tpu.dma_semaphore, #tpu.memory_space<semaphore_mem>>)
        %add3A_520 = arith.constant 1 : i32
        %add3A_521 = arith.addi %add3A_318, %add3A_520 : i32
        %mul3A_522 = arith.constant 8 : i32
        %mul3A_523 = arith.muli %add3A_521, %mul3A_522 : i32
        %add3A_524 = arith.constant 1 : i32
        %add3A_525 = arith.addi %mul3A_523, %add3A_524 : i32
        %dma_start3A_526 = arith.constant 0 : i32
        %dma_start3A_527 = arith.constant 1 : i32
        %dma_start3A_528 = arith.constant 0 : i32
        %dma_start3A_529 = arith.constant 0 : i32
        %dma_start3A_530 = tpu.memref_slice %arg8[%dma_start3A_526, %dma_start3A_527, %dma_start3A_528, %dma_start3A_529] : memref<2x8x128x32xf32, #tpu.memory_space<vmem>> -> memref<1x1x128x32xf32, #tpu.memory_space<vmem>>
        %dma_start3A_531 = tpu.memref_squeeze %dma_start3A_530 : memref<1x1x128x32xf32, #tpu.memory_space<vmem>> -> memref<128x32xf32, #tpu.memory_space<vmem>>
        %dma_start3A_532 = arith.constant 0 : i32
        %dma_start3A_533 = tpu.memref_slice %arg6[%add3A_525, %dma_start3A_532] : memref<80x128xi32, #tpu.memory_space<vmem>> -> memref<1x128xi32, #tpu.memory_space<vmem>>
        %dma_start3A_534 = tpu.memref_squeeze %dma_start3A_533 : memref<1x128xi32, #tpu.memory_space<vmem>> -> memref<128xi32, #tpu.memory_space<vmem>>
        %dma_start3A_535 = arith.constant 0 : i32
        %dma_start3A_536 = arith.constant 0 : i32
        %dma_start3A_537 = tpu.memref_slice %arg2[%dma_start3A_535, %dma_start3A_536] : memref<10000x32xf32, #tpu.memory_space<hbm>> -> memref<10000x32xf32, #tpu.memory_space<hbm>>
        tpu.enqueue_indirect_dma source(%dma_start3A_537 : memref<10000x32xf32, #tpu.memory_space<hbm>>) target(%dma_start3A_531 : memref<128x32xf32, #tpu.memory_space<vmem>>) offsets(%dma_start3A_534 : memref<128xi32, #tpu.memory_space<vmem>>) semaphore(%arg12 : memref<!tpu.dma_semaphore, #tpu.memory_space<semaphore_mem>>)
        %add3A_538 = arith.constant 1 : i32
        %add3A_539 = arith.addi %add3A_318, %add3A_538 : i32
        %mul3A_540 = arith.constant 8 : i32
        %mul3A_541 = arith.muli %add3A_539, %mul3A_540 : i32
        %add3A_542 = arith.constant 2 : i32
        %add3A_543 = arith.addi %mul3A_541, %add3A_542 : i32
        %dma_start3A_544 = arith.constant 0 : i32
        %dma_start3A_545 = arith.constant 2 : i32
        %dma_start3A_546 = arith.constant 0 : i32
        %dma_start3A_547 = arith.constant 0 : i32
        %dma_start3A_548 = tpu.memref_slice %arg8[%dma_start3A_544, %dma_start3A_545, %dma_start3A_546, %dma_start3A_547] : memref<2x8x128x32xf32, #tpu.memory_space<vmem>> -> memref<1x1x128x32xf32, #tpu.memory_space<vmem>>
        %dma_start3A_549 = tpu.memref_squeeze %dma_start3A_548 : memref<1x1x128x32xf32, #tpu.memory_space<vmem>> -> memref<128x32xf32, #tpu.memory_space<vmem>>
        %dma_start3A_550 = arith.constant 0 : i32
        %dma_start3A_551 = tpu.memref_slice %arg6[%add3A_543, %dma_start3A_550] : memref<80x128xi32, #tpu.memory_space<vmem>> -> memref<1x128xi32, #tpu.memory_space<vmem>>
        %dma_start3A_552 = tpu.memref_squeeze %dma_start3A_551 : memref<1x128xi32, #tpu.memory_space<vmem>> -> memref<128xi32, #tpu.memory_space<vmem>>
        %dma_start3A_553 = arith.constant 0 : i32
        %dma_start3A_554 = arith.constant 0 : i32
        %dma_start3A_555 = tpu.memref_slice %arg2[%dma_start3A_553, %dma_start3A_554] : memref<10000x32xf32, #tpu.memory_space<hbm>> -> memref<10000x32xf32, #tpu.memory_space<hbm>>
        tpu.enqueue_indirect_dma source(%dma_start3A_555 : memref<10000x32xf32, #tpu.memory_space<hbm>>) target(%dma_start3A_549 : memref<128x32xf32, #tpu.memory_space<vmem>>) offsets(%dma_start3A_552 : memref<128xi32, #tpu.memory_space<vmem>>) semaphore(%arg13 : memref<!tpu.dma_semaphore, #tpu.memory_space<semaphore_mem>>)
        %add3A_556 = arith.constant 1 : i32
        %add3A_557 = arith.addi %add3A_318, %add3A_556 : i32
        %mul3A_558 = arith.constant 8 : i32
        %mul3A_559 = arith.muli %add3A_557, %mul3A_558 : i32
        %add3A_560 = arith.constant 3 : i32
        %add3A_561 = arith.addi %mul3A_559, %add3A_560 : i32
        %dma_start3A_562 = arith.constant 0 : i32
        %dma_start3A_563 = arith.constant 3 : i32
        %dma_start3A_564 = arith.constant 0 : i32
        %dma_start3A_565 = arith.constant 0 : i32
        %dma_start3A_566 = tpu.memref_slice %arg8[%dma_start3A_562, %dma_start3A_563, %dma_start3A_564, %dma_start3A_565] : memref<2x8x128x32xf32, #tpu.memory_space<vmem>> -> memref<1x1x128x32xf32, #tpu.memory_space<vmem>>
        %dma_start3A_567 = tpu.memref_squeeze %dma_start3A_566 : memref<1x1x128x32xf32, #tpu.memory_space<vmem>> -> memref<128x32xf32, #tpu.memory_space<vmem>>
        %dma_start3A_568 = arith.constant 0 : i32
        %dma_start3A_569 = tpu.memref_slice %arg6[%add3A_561, %dma_start3A_568] : memref<80x128xi32, #tpu.memory_space<vmem>> -> memref<1x128xi32, #tpu.memory_space<vmem>>
        %dma_start3A_570 = tpu.memref_squeeze %dma_start3A_569 : memref<1x128xi32, #tpu.memory_space<vmem>> -> memref<128xi32, #tpu.memory_space<vmem>>
        %dma_start3A_571 = arith.constant 0 : i32
        %dma_start3A_572 = arith.constant 0 : i32
        %dma_start3A_573 = tpu.memref_slice %arg2[%dma_start3A_571, %dma_start3A_572] : memref<10000x32xf32, #tpu.memory_space<hbm>> -> memref<10000x32xf32, #tpu.memory_space<hbm>>
        tpu.enqueue_indirect_dma source(%dma_start3A_573 : memref<10000x32xf32, #tpu.memory_space<hbm>>) target(%dma_start3A_567 : memref<128x32xf32, #tpu.memory_space<vmem>>) offsets(%dma_start3A_570 : memref<128xi32, #tpu.memory_space<vmem>>) semaphore(%arg14 : memref<!tpu.dma_semaphore, #tpu.memory_space<semaphore_mem>>)
        %add3A_574 = arith.constant 1 : i32
        %add3A_575 = arith.addi %add3A_318, %add3A_574 : i32
        %mul3A_576 = arith.constant 8 : i32
        %mul3A_577 = arith.muli %add3A_575, %mul3A_576 : i32
        %add3A_578 = arith.constant 4 : i32
        %add3A_579 = arith.addi %mul3A_577, %add3A_578 : i32
        %dma_start3A_580 = arith.constant 0 : i32
        %dma_start3A_581 = arith.constant 4 : i32
        %dma_start3A_582 = arith.constant 0 : i32
        %dma_start3A_583 = arith.constant 0 : i32
        %dma_start3A_584 = tpu.memref_slice %arg8[%dma_start3A_580, %dma_start3A_581, %dma_start3A_582, %dma_start3A_583] : memref<2x8x128x32xf32, #tpu.memory_space<vmem>> -> memref<1x1x128x32xf32, #tpu.memory_space<vmem>>
        %dma_start3A_585 = tpu.memref_squeeze %dma_start3A_584 : memref<1x1x128x32xf32, #tpu.memory_space<vmem>> -> memref<128x32xf32, #tpu.memory_space<vmem>>
        %dma_start3A_586 = arith.constant 0 : i32
        %dma_start3A_587 = tpu.memref_slice %arg6[%add3A_579, %dma_start3A_586] : memref<80x128xi32, #tpu.memory_space<vmem>> -> memref<1x128xi32, #tpu.memory_space<vmem>>
        %dma_start3A_588 = tpu.memref_squeeze %dma_start3A_587 : memref<1x128xi32, #tpu.memory_space<vmem>> -> memref<128xi32, #tpu.memory_space<vmem>>
        %dma_start3A_589 = arith.constant 0 : i32
        %dma_start3A_590 = arith.constant 0 : i32
        %dma_start3A_591 = tpu.memref_slice %arg2[%dma_start3A_589, %dma_start3A_590] : memref<10000x32xf32, #tpu.memory_space<hbm>> -> memref<10000x32xf32, #tpu.memory_space<hbm>>
        tpu.enqueue_indirect_dma source(%dma_start3A_591 : memref<10000x32xf32, #tpu.memory_space<hbm>>) target(%dma_start3A_585 : memref<128x32xf32, #tpu.memory_space<vmem>>) offsets(%dma_start3A_588 : memref<128xi32, #tpu.memory_space<vmem>>) semaphore(%arg15 : memref<!tpu.dma_semaphore, #tpu.memory_space<semaphore_mem>>)
        %add3A_592 = arith.constant 1 : i32
        %add3A_593 = arith.addi %add3A_318, %add3A_592 : i32
        %mul3A_594 = arith.constant 8 : i32
        %mul3A_595 = arith.muli %add3A_593, %mul3A_594 : i32
        %add3A_596 = arith.constant 5 : i32
        %add3A_597 = arith.addi %mul3A_595, %add3A_596 : i32
        %dma_start3A_598 = arith.constant 0 : i32
        %dma_start3A_599 = arith.constant 5 : i32
        %dma_start3A_600 = arith.constant 0 : i32
        %dma_start3A_601 = arith.constant 0 : i32
        %dma_start3A_602 = tpu.memref_slice %arg8[%dma_start3A_598, %dma_start3A_599, %dma_start3A_600, %dma_start3A_601] : memref<2x8x128x32xf32, #tpu.memory_space<vmem>> -> memref<1x1x128x32xf32, #tpu.memory_space<vmem>>
        %dma_start3A_603 = tpu.memref_squeeze %dma_start3A_602 : memref<1x1x128x32xf32, #tpu.memory_space<vmem>> -> memref<128x32xf32, #tpu.memory_space<vmem>>
        %dma_start3A_604 = arith.constant 0 : i32
        %dma_start3A_605 = tpu.memref_slice %arg6[%add3A_597, %dma_start3A_604] : memref<80x128xi32, #tpu.memory_space<vmem>> -> memref<1x128xi32, #tpu.memory_space<vmem>>
        %dma_start3A_606 = tpu.memref_squeeze %dma_start3A_605 : memref<1x128xi32, #tpu.memory_space<vmem>> -> memref<128xi32, #tpu.memory_space<vmem>>
        %dma_start3A_607 = arith.constant 0 : i32
        %dma_start3A_608 = arith.constant 0 : i32
        %dma_start3A_609 = tpu.memref_slice %arg2[%dma_start3A_607, %dma_start3A_608] : memref<10000x32xf32, #tpu.memory_space<hbm>> -> memref<10000x32xf32, #tpu.memory_space<hbm>>
        tpu.enqueue_indirect_dma source(%dma_start3A_609 : memref<10000x32xf32, #tpu.memory_space<hbm>>) target(%dma_start3A_603 : memref<128x32xf32, #tpu.memory_space<vmem>>) offsets(%dma_start3A_606 : memref<128xi32, #tpu.memory_space<vmem>>) semaphore(%arg16 : memref<!tpu.dma_semaphore, #tpu.memory_space<semaphore_mem>>)
        %add3A_610 = arith.constant 1 : i32
        %add3A_611 = arith.addi %add3A_318, %add3A_610 : i32
        %mul3A_612 = arith.constant 8 : i32
        %mul3A_613 = arith.muli %add3A_611, %mul3A_612 : i32
        %add3A_614 = arith.constant 6 : i32
        %add3A_615 = arith.addi %mul3A_613, %add3A_614 : i32
        %dma_start3A_616 = arith.constant 0 : i32
        %dma_start3A_617 = arith.constant 6 : i32
        %dma_start3A_618 = arith.constant 0 : i32
        %dma_start3A_619 = arith.constant 0 : i32
        %dma_start3A_620 = tpu.memref_slice %arg8[%dma_start3A_616, %dma_start3A_617, %dma_start3A_618, %dma_start3A_619] : memref<2x8x128x32xf32, #tpu.memory_space<vmem>> -> memref<1x1x128x32xf32, #tpu.memory_space<vmem>>
        %dma_start3A_621 = tpu.memref_squeeze %dma_start3A_620 : memref<1x1x128x32xf32, #tpu.memory_space<vmem>> -> memref<128x32xf32, #tpu.memory_space<vmem>>
        %dma_start3A_622 = arith.constant 0 : i32
        %dma_start3A_623 = tpu.memref_slice %arg6[%add3A_615, %dma_start3A_622] : memref<80x128xi32, #tpu.memory_space<vmem>> -> memref<1x128xi32, #tpu.memory_space<vmem>>
        %dma_start3A_624 = tpu.memref_squeeze %dma_start3A_623 : memref<1x128xi32, #tpu.memory_space<vmem>> -> memref<128xi32, #tpu.memory_space<vmem>>
        %dma_start3A_625 = arith.constant 0 : i32
        %dma_start3A_626 = arith.constant 0 : i32
        %dma_start3A_627 = tpu.memref_slice %arg2[%dma_start3A_625, %dma_start3A_626] : memref<10000x32xf32, #tpu.memory_space<hbm>> -> memref<10000x32xf32, #tpu.memory_space<hbm>>
        tpu.enqueue_indirect_dma source(%dma_start3A_627 : memref<10000x32xf32, #tpu.memory_space<hbm>>) target(%dma_start3A_621 : memref<128x32xf32, #tpu.memory_space<vmem>>) offsets(%dma_start3A_624 : memref<128xi32, #tpu.memory_space<vmem>>) semaphore(%arg17 : memref<!tpu.dma_semaphore, #tpu.memory_space<semaphore_mem>>)
        %add3A_628 = arith.constant 1 : i32
        %add3A_629 = arith.addi %add3A_318, %add3A_628 : i32
        %mul3A_630 = arith.constant 8 : i32
        %mul3A_631 = arith.muli %add3A_629, %mul3A_630 : i32
        %add3A_632 = arith.constant 7 : i32
        %add3A_633 = arith.addi %mul3A_631, %add3A_632 : i32
        %dma_start3A_634 = arith.constant 0 : i32
        %dma_start3A_635 = arith.constant 7 : i32
        %dma_start3A_636 = arith.constant 0 : i32
        %dma_start3A_637 = arith.constant 0 : i32
        %dma_start3A_638 = tpu.memref_slice %arg8[%dma_start3A_634, %dma_start3A_635, %dma_start3A_636, %dma_start3A_637] : memref<2x8x128x32xf32, #tpu.memory_space<vmem>> -> memref<1x1x128x32xf32, #tpu.memory_space<vmem>>
        %dma_start3A_639 = tpu.memref_squeeze %dma_start3A_638 : memref<1x1x128x32xf32, #tpu.memory_space<vmem>> -> memref<128x32xf32, #tpu.memory_space<vmem>>
        %dma_start3A_640 = arith.constant 0 : i32
        %dma_start3A_641 = tpu.memref_slice %arg6[%add3A_633, %dma_start3A_640] : memref<80x128xi32, #tpu.memory_space<vmem>> -> memref<1x128xi32, #tpu.memory_space<vmem>>
        %dma_start3A_642 = tpu.memref_squeeze %dma_start3A_641 : memref<1x128xi32, #tpu.memory_space<vmem>> -> memref<128xi32, #tpu.memory_space<vmem>>
        %dma_start3A_643 = arith.constant 0 : i32
        %dma_start3A_644 = arith.constant 0 : i32
        %dma_start3A_645 = tpu.memref_slice %arg2[%dma_start3A_643, %dma_start3A_644] : memref<10000x32xf32, #tpu.memory_space<hbm>> -> memref<10000x32xf32, #tpu.memory_space<hbm>>
        tpu.enqueue_indirect_dma source(%dma_start3A_645 : memref<10000x32xf32, #tpu.memory_space<hbm>>) target(%dma_start3A_639 : memref<128x32xf32, #tpu.memory_space<vmem>>) offsets(%dma_start3A_642 : memref<128xi32, #tpu.memory_space<vmem>>) semaphore(%arg18 : memref<!tpu.dma_semaphore, #tpu.memory_space<semaphore_mem>>)
      } else {
      }
      %mul3A_326 = arith.constant 8 : i32
      %mul3A_327 = arith.muli %add3A_318, %mul3A_326 : i32
      %add3A_328 = arith.constant 0 : i32
      %add3A_329 = arith.addi %mul3A_327, %add3A_328 : i32
      %dma_wait3A_330 = arith.constant 1 : i32
      %dma_wait3A_331 = arith.constant 0 : i32
      %dma_wait3A_332 = arith.constant 0 : i32
      %dma_wait3A_333 = arith.constant 0 : i32
      %dma_wait3A_334 = tpu.memref_slice %arg8[%dma_wait3A_330, %dma_wait3A_331, %dma_wait3A_332, %dma_wait3A_333] : memref<2x8x128x32xf32, #tpu.memory_space<vmem>> -> memref<1x1x128x32xf32, #tpu.memory_space<vmem>>
      %dma_wait3A_335 = tpu.memref_squeeze %dma_wait3A_334 : memref<1x1x128x32xf32, #tpu.memory_space<vmem>> -> memref<128x32xf32, #tpu.memory_space<vmem>>
      %dma_wait3A_336 = arith.constant 0 : i32
      %dma_wait3A_337 = tpu.memref_slice %arg6[%add3A_329, %dma_wait3A_336] : memref<80x128xi32, #tpu.memory_space<vmem>> -> memref<1x128xi32, #tpu.memory_space<vmem>>
      %dma_wait3A_338 = tpu.memref_squeeze %dma_wait3A_337 : memref<1x128xi32, #tpu.memory_space<vmem>> -> memref<128xi32, #tpu.memory_space<vmem>>
      %dma_wait3A_339 = arith.constant 0 : i32
      %dma_wait3A_340 = arith.constant 0 : i32
      %dma_wait3A_341 = tpu.memref_slice %arg2[%dma_wait3A_339, %dma_wait3A_340] : memref<10000x32xf32, #tpu.memory_space<hbm>> -> memref<10000x32xf32, #tpu.memory_space<hbm>>
      tpu.wait_indirect_dma semaphore(%arg19 : memref<!tpu.dma_semaphore, #tpu.memory_space<semaphore_mem>>) src(%dma_wait3A_341 : memref<10000x32xf32, #tpu.memory_space<hbm>>) dst(%dma_wait3A_335 : memref<128x32xf32, #tpu.memory_space<vmem>>)
      %mul3A_342 = arith.constant 8 : i32
      %mul3A_343 = arith.muli %add3A_318, %mul3A_342 : i32
      %add3A_344 = arith.constant 0 : i32
      %add3A_345 = arith.addi %mul3A_343, %add3A_344 : i32
      %run_scoped3A_346 = arith.constant 1 : i32
      %run_scoped3A_347 = arith.constant 0 : i32
      "tpu.region"() ({
        %run_scoped3A_502 = tpu.sem_alloc : memref<!tpu.dma_semaphore, #tpu.memory_space<semaphore_mem>>
        %dma_start3A_503 = arith.constant 0 : i32
        %dma_start3A_504 = arith.constant 0 : i32
        %dma_start3A_505 = tpu.memref_slice %arg8[%run_scoped3A_346, %run_scoped3A_347, %dma_start3A_503, %dma_start3A_504] : memref<2x8x128x32xf32, #tpu.memory_space<vmem>> -> memref<1x1x128x32xf32, #tpu.memory_space<vmem>>
        %dma_start3A_506 = tpu.memref_squeeze %dma_start3A_505 : memref<1x1x128x32xf32, #tpu.memory_space<vmem>> -> memref<128x32xf32, #tpu.memory_space<vmem>>
        %dma_start3A_507 = arith.constant 0 : i32
        %dma_start3A_508 = tpu.memref_slice %arg7[%add3A_345, %dma_start3A_507] : memref<80x128xi32, #tpu.memory_space<vmem>> -> memref<1x128xi32, #tpu.memory_space<vmem>>
        %dma_start3A_509 = tpu.memref_squeeze %dma_start3A_508 : memref<1x128xi32, #tpu.memory_space<vmem>> -> memref<128xi32, #tpu.memory_space<vmem>>
        %dma_start3A_510 = arith.constant 0 : i32
        %dma_start3A_511 = arith.constant 0 : i32
        %dma_start3A_512 = tpu.memref_slice %arg10[%dma_start3A_510, %dma_start3A_511] : memref<10240x32xf32, #tpu.memory_space<vmem_shared>> -> memref<10240x32xf32, #tpu.memory_space<vmem_shared>>
        tpu.enqueue_indirect_dma source(%dma_start3A_506 : memref<128x32xf32, #tpu.memory_space<vmem>>) target(%dma_start3A_512 : memref<10240x32xf32, #tpu.memory_space<vmem_shared>>) offsets(%dma_start3A_509 : memref<128xi32, #tpu.memory_space<vmem>>) semaphore(%run_scoped3A_502 : memref<!tpu.dma_semaphore, #tpu.memory_space<semaphore_mem>>) {add = true}
        %dma_wait3A_513 = arith.constant 0 : i32
        %dma_wait3A_514 = arith.constant 0 : i32
        %dma_wait3A_515 = tpu.memref_slice %arg8[%run_scoped3A_346, %run_scoped3A_347, %dma_wait3A_513, %dma_wait3A_514] : memref<2x8x128x32xf32, #tpu.memory_space<vmem>> -> memref<1x1x128x32xf32, #tpu.memory_space<vmem>>
        %dma_wait3A_516 = tpu.memref_squeeze %dma_wait3A_515 : memref<1x1x128x32xf32, #tpu.memory_space<vmem>> -> memref<128x32xf32, #tpu.memory_space<vmem>>
        %dma_wait3A_517 = arith.constant 0 : i32
        %dma_wait3A_518 = tpu.memref_slice %arg7[%add3A_345, %dma_wait3A_517] : memref<80x128xi32, #tpu.memory_space<vmem>> -> memref<1x128xi32, #tpu.memory_space<vmem>>
        %dma_wait3A_519 = tpu.memref_squeeze %dma_wait3A_518 : memref<1x128xi32, #tpu.memory_space<vmem>> -> memref<128xi32, #tpu.memory_space<vmem>>
        %dma_wait3A_520 = arith.constant 0 : i32
        %dma_wait3A_521 = arith.constant 0 : i32
        %dma_wait3A_522 = tpu.memref_slice %arg10[%dma_wait3A_520, %dma_wait3A_521] : memref<10240x32xf32, #tpu.memory_space<vmem_shared>> -> memref<10240x32xf32, #tpu.memory_space<vmem_shared>>
        tpu.wait_indirect_dma semaphore(%run_scoped3A_502 : memref<!tpu.dma_semaphore, #tpu.memory_space<semaphore_mem>>) src(%dma_wait3A_516 : memref<128x32xf32, #tpu.memory_space<vmem>>) dst(%dma_wait3A_522 : memref<10240x32xf32, #tpu.memory_space<vmem_shared>>)
        tpu.yield
      }) : () -> ()
      %mul3A_348 = arith.constant 8 : i32
      %mul3A_349 = arith.muli %add3A_318, %mul3A_348 : i32
      %add3A_350 = arith.constant 1 : i32
      %add3A_351 = arith.addi %mul3A_349, %add3A_350 : i32
      %dma_wait3A_352 = arith.constant 1 : i32
      %dma_wait3A_353 = arith.constant 1 : i32
      %dma_wait3A_354 = arith.constant 0 : i32
      %dma_wait3A_355 = arith.constant 0 : i32
      %dma_wait3A_356 = tpu.memref_slice %arg8[%dma_wait3A_352, %dma_wait3A_353, %dma_wait3A_354, %dma_wait3A_355] : memref<2x8x128x32xf32, #tpu.memory_space<vmem>> -> memref<1x1x128x32xf32, #tpu.memory_space<vmem>>
      %dma_wait3A_357 = tpu.memref_squeeze %dma_wait3A_356 : memref<1x1x128x32xf32, #tpu.memory_space<vmem>> -> memref<128x32xf32, #tpu.memory_space<vmem>>
      %dma_wait3A_358 = arith.constant 0 : i32
      %dma_wait3A_359 = tpu.memref_slice %arg6[%add3A_351, %dma_wait3A_358] : memref<80x128xi32, #tpu.memory_space<vmem>> -> memref<1x128xi32, #tpu.memory_space<vmem>>
      %dma_wait3A_360 = tpu.memref_squeeze %dma_wait3A_359 : memref<1x128xi32, #tpu.memory_space<vmem>> -> memref<128xi32, #tpu.memory_space<vmem>>
      %dma_wait3A_361 = arith.constant 0 : i32
      %dma_wait3A_362 = arith.constant 0 : i32
      %dma_wait3A_363 = tpu.memref_slice %arg2[%dma_wait3A_361, %dma_wait3A_362] : memref<10000x32xf32, #tpu.memory_space<hbm>> -> memref<10000x32xf32, #tpu.memory_space<hbm>>
      tpu.wait_indirect_dma semaphore(%arg20 : memref<!tpu.dma_semaphore, #tpu.memory_space<semaphore_mem>>) src(%dma_wait3A_363 : memref<10000x32xf32, #tpu.memory_space<hbm>>) dst(%dma_wait3A_357 : memref<128x32xf32, #tpu.memory_space<vmem>>)
      %mul3A_364 = arith.constant 8 : i32
      %mul3A_365 = arith.muli %add3A_318, %mul3A_364 : i32
      %add3A_366 = arith.constant 1 : i32
      %add3A_367 = arith.addi %mul3A_365, %add3A_366 : i32
      %run_scoped3A_368 = arith.constant 1 : i32
      %run_scoped3A_369 = arith.constant 1 : i32
      "tpu.region"() ({
        %run_scoped3A_502 = tpu.sem_alloc : memref<!tpu.dma_semaphore, #tpu.memory_space<semaphore_mem>>
        %dma_start3A_503 = arith.constant 0 : i32
        %dma_start3A_504 = arith.constant 0 : i32
        %dma_start3A_505 = tpu.memref_slice %arg8[%run_scoped3A_368, %run_scoped3A_369, %dma_start3A_503, %dma_start3A_504] : memref<2x8x128x32xf32, #tpu.memory_space<vmem>> -> memref<1x1x128x32xf32, #tpu.memory_space<vmem>>
        %dma_start3A_506 = tpu.memref_squeeze %dma_start3A_505 : memref<1x1x128x32xf32, #tpu.memory_space<vmem>> -> memref<128x32xf32, #tpu.memory_space<vmem>>
        %dma_start3A_507 = arith.constant 0 : i32
        %dma_start3A_508 = tpu.memref_slice %arg7[%add3A_367, %dma_start3A_507] : memref<80x128xi32, #tpu.memory_space<vmem>> -> memref<1x128xi32, #tpu.memory_space<vmem>>
        %dma_start3A_509 = tpu.memref_squeeze %dma_start3A_508 : memref<1x128xi32, #tpu.memory_space<vmem>> -> memref<128xi32, #tpu.memory_space<vmem>>
        %dma_start3A_510 = arith.constant 0 : i32
        %dma_start3A_511 = arith.constant 0 : i32
        %dma_start3A_512 = tpu.memref_slice %arg10[%dma_start3A_510, %dma_start3A_511] : memref<10240x32xf32, #tpu.memory_space<vmem_shared>> -> memref<10240x32xf32, #tpu.memory_space<vmem_shared>>
        tpu.enqueue_indirect_dma source(%dma_start3A_506 : memref<128x32xf32, #tpu.memory_space<vmem>>) target(%dma_start3A_512 : memref<10240x32xf32, #tpu.memory_space<vmem_shared>>) offsets(%dma_start3A_509 : memref<128xi32, #tpu.memory_space<vmem>>) semaphore(%run_scoped3A_502 : memref<!tpu.dma_semaphore, #tpu.memory_space<semaphore_mem>>) {add = true}
        %dma_wait3A_513 = arith.constant 0 : i32
        %dma_wait3A_514 = arith.constant 0 : i32
        %dma_wait3A_515 = tpu.memref_slice %arg8[%run_scoped3A_368, %run_scoped3A_369, %dma_wait3A_513, %dma_wait3A_514] : memref<2x8x128x32xf32, #tpu.memory_space<vmem>> -> memref<1x1x128x32xf32, #tpu.memory_space<vmem>>
        %dma_wait3A_516 = tpu.memref_squeeze %dma_wait3A_515 : memref<1x1x128x32xf32, #tpu.memory_space<vmem>> -> memref<128x32xf32, #tpu.memory_space<vmem>>
        %dma_wait3A_517 = arith.constant 0 : i32
        %dma_wait3A_518 = tpu.memref_slice %arg7[%add3A_367, %dma_wait3A_517] : memref<80x128xi32, #tpu.memory_space<vmem>> -> memref<1x128xi32, #tpu.memory_space<vmem>>
        %dma_wait3A_519 = tpu.memref_squeeze %dma_wait3A_518 : memref<1x128xi32, #tpu.memory_space<vmem>> -> memref<128xi32, #tpu.memory_space<vmem>>
        %dma_wait3A_520 = arith.constant 0 : i32
        %dma_wait3A_521 = arith.constant 0 : i32
        %dma_wait3A_522 = tpu.memref_slice %arg10[%dma_wait3A_520, %dma_wait3A_521] : memref<10240x32xf32, #tpu.memory_space<vmem_shared>> -> memref<10240x32xf32, #tpu.memory_space<vmem_shared>>
        tpu.wait_indirect_dma semaphore(%run_scoped3A_502 : memref<!tpu.dma_semaphore, #tpu.memory_space<semaphore_mem>>) src(%dma_wait3A_516 : memref<128x32xf32, #tpu.memory_space<vmem>>) dst(%dma_wait3A_522 : memref<10240x32xf32, #tpu.memory_space<vmem_shared>>)
        tpu.yield
      }) : () -> ()
      %mul3A_370 = arith.constant 8 : i32
      %mul3A_371 = arith.muli %add3A_318, %mul3A_370 : i32
      %add3A_372 = arith.constant 2 : i32
      %add3A_373 = arith.addi %mul3A_371, %add3A_372 : i32
      %dma_wait3A_374 = arith.constant 1 : i32
      %dma_wait3A_375 = arith.constant 2 : i32
      %dma_wait3A_376 = arith.constant 0 : i32
      %dma_wait3A_377 = arith.constant 0 : i32
      %dma_wait3A_378 = tpu.memref_slice %arg8[%dma_wait3A_374, %dma_wait3A_375, %dma_wait3A_376, %dma_wait3A_377] : memref<2x8x128x32xf32, #tpu.memory_space<vmem>> -> memref<1x1x128x32xf32, #tpu.memory_space<vmem>>
      %dma_wait3A_379 = tpu.memref_squeeze %dma_wait3A_378 : memref<1x1x128x32xf32, #tpu.memory_space<vmem>> -> memref<128x32xf32, #tpu.memory_space<vmem>>
      %dma_wait3A_380 = arith.constant 0 : i32
      %dma_wait3A_381 = tpu.memref_slice %arg6[%add3A_373, %dma_wait3A_380] : memref<80x128xi32, #tpu.memory_space<vmem>> -> memref<1x128xi32, #tpu.memory_space<vmem>>
      %dma_wait3A_382 = tpu.memref_squeeze %dma_wait3A_381 : memref<1x128xi32, #tpu.memory_space<vmem>> -> memref<128xi32, #tpu.memory_space<vmem>>
      %dma_wait3A_383 = arith.constant 0 : i32
      %dma_wait3A_384 = arith.constant 0 : i32
      %dma_wait3A_385 = tpu.memref_slice %arg2[%dma_wait3A_383, %dma_wait3A_384] : memref<10000x32xf32, #tpu.memory_space<hbm>> -> memref<10000x32xf32, #tpu.memory_space<hbm>>
      tpu.wait_indirect_dma semaphore(%arg21 : memref<!tpu.dma_semaphore, #tpu.memory_space<semaphore_mem>>) src(%dma_wait3A_385 : memref<10000x32xf32, #tpu.memory_space<hbm>>) dst(%dma_wait3A_379 : memref<128x32xf32, #tpu.memory_space<vmem>>)
      %mul3A_386 = arith.constant 8 : i32
      %mul3A_387 = arith.muli %add3A_318, %mul3A_386 : i32
      %add3A_388 = arith.constant 2 : i32
      %add3A_389 = arith.addi %mul3A_387, %add3A_388 : i32
      %run_scoped3A_390 = arith.constant 1 : i32
      %run_scoped3A_391 = arith.constant 2 : i32
      "tpu.region"() ({
        %run_scoped3A_502 = tpu.sem_alloc : memref<!tpu.dma_semaphore, #tpu.memory_space<semaphore_mem>>
        %dma_start3A_503 = arith.constant 0 : i32
        %dma_start3A_504 = arith.constant 0 : i32
        %dma_start3A_505 = tpu.memref_slice %arg8[%run_scoped3A_390, %run_scoped3A_391, %dma_start3A_503, %dma_start3A_504] : memref<2x8x128x32xf32, #tpu.memory_space<vmem>> -> memref<1x1x128x32xf32, #tpu.memory_space<vmem>>
        %dma_start3A_506 = tpu.memref_squeeze %dma_start3A_505 : memref<1x1x128x32xf32, #tpu.memory_space<vmem>> -> memref<128x32xf32, #tpu.memory_space<vmem>>
        %dma_start3A_507 = arith.constant 0 : i32
        %dma_start3A_508 = tpu.memref_slice %arg7[%add3A_389, %dma_start3A_507] : memref<80x128xi32, #tpu.memory_space<vmem>> -> memref<1x128xi32, #tpu.memory_space<vmem>>
        %dma_start3A_509 = tpu.memref_squeeze %dma_start3A_508 : memref<1x128xi32, #tpu.memory_space<vmem>> -> memref<128xi32, #tpu.memory_space<vmem>>
        %dma_start3A_510 = arith.constant 0 : i32
        %dma_start3A_511 = arith.constant 0 : i32
        %dma_start3A_512 = tpu.memref_slice %arg10[%dma_start3A_510, %dma_start3A_511] : memref<10240x32xf32, #tpu.memory_space<vmem_shared>> -> memref<10240x32xf32, #tpu.memory_space<vmem_shared>>
        tpu.enqueue_indirect_dma source(%dma_start3A_506 : memref<128x32xf32, #tpu.memory_space<vmem>>) target(%dma_start3A_512 : memref<10240x32xf32, #tpu.memory_space<vmem_shared>>) offsets(%dma_start3A_509 : memref<128xi32, #tpu.memory_space<vmem>>) semaphore(%run_scoped3A_502 : memref<!tpu.dma_semaphore, #tpu.memory_space<semaphore_mem>>) {add = true}
        %dma_wait3A_513 = arith.constant 0 : i32
        %dma_wait3A_514 = arith.constant 0 : i32
        %dma_wait3A_515 = tpu.memref_slice %arg8[%run_scoped3A_390, %run_scoped3A_391, %dma_wait3A_513, %dma_wait3A_514] : memref<2x8x128x32xf32, #tpu.memory_space<vmem>> -> memref<1x1x128x32xf32, #tpu.memory_space<vmem>>
        %dma_wait3A_516 = tpu.memref_squeeze %dma_wait3A_515 : memref<1x1x128x32xf32, #tpu.memory_space<vmem>> -> memref<128x32xf32, #tpu.memory_space<vmem>>
        %dma_wait3A_517 = arith.constant 0 : i32
        %dma_wait3A_518 = tpu.memref_slice %arg7[%add3A_389, %dma_wait3A_517] : memref<80x128xi32, #tpu.memory_space<vmem>> -> memref<1x128xi32, #tpu.memory_space<vmem>>
        %dma_wait3A_519 = tpu.memref_squeeze %dma_wait3A_518 : memref<1x128xi32, #tpu.memory_space<vmem>> -> memref<128xi32, #tpu.memory_space<vmem>>
        %dma_wait3A_520 = arith.constant 0 : i32
        %dma_wait3A_521 = arith.constant 0 : i32
        %dma_wait3A_522 = tpu.memref_slice %arg10[%dma_wait3A_520, %dma_wait3A_521] : memref<10240x32xf32, #tpu.memory_space<vmem_shared>> -> memref<10240x32xf32, #tpu.memory_space<vmem_shared>>
        tpu.wait_indirect_dma semaphore(%run_scoped3A_502 : memref<!tpu.dma_semaphore, #tpu.memory_space<semaphore_mem>>) src(%dma_wait3A_516 : memref<128x32xf32, #tpu.memory_space<vmem>>) dst(%dma_wait3A_522 : memref<10240x32xf32, #tpu.memory_space<vmem_shared>>)
        tpu.yield
      }) : () -> ()
      %mul3A_392 = arith.constant 8 : i32
      %mul3A_393 = arith.muli %add3A_318, %mul3A_392 : i32
      %add3A_394 = arith.constant 3 : i32
      %add3A_395 = arith.addi %mul3A_393, %add3A_394 : i32
      %dma_wait3A_396 = arith.constant 1 : i32
      %dma_wait3A_397 = arith.constant 3 : i32
      %dma_wait3A_398 = arith.constant 0 : i32
      %dma_wait3A_399 = arith.constant 0 : i32
      %dma_wait3A_400 = tpu.memref_slice %arg8[%dma_wait3A_396, %dma_wait3A_397, %dma_wait3A_398, %dma_wait3A_399] : memref<2x8x128x32xf32, #tpu.memory_space<vmem>> -> memref<1x1x128x32xf32, #tpu.memory_space<vmem>>
      %dma_wait3A_401 = tpu.memref_squeeze %dma_wait3A_400 : memref<1x1x128x32xf32, #tpu.memory_space<vmem>> -> memref<128x32xf32, #tpu.memory_space<vmem>>
      %dma_wait3A_402 = arith.constant 0 : i32
      %dma_wait3A_403 = tpu.memref_slice %arg6[%add3A_395, %dma_wait3A_402] : memref<80x128xi32, #tpu.memory_space<vmem>> -> memref<1x128xi32, #tpu.memory_space<vmem>>
      %dma_wait3A_404 = tpu.memref_squeeze %dma_wait3A_403 : memref<1x128xi32, #tpu.memory_space<vmem>> -> memref<128xi32, #tpu.memory_space<vmem>>
      %dma_wait3A_405 = arith.constant 0 : i32
      %dma_wait3A_406 = arith.constant 0 : i32
      %dma_wait3A_407 = tpu.memref_slice %arg2[%dma_wait3A_405, %dma_wait3A_406] : memref<10000x32xf32, #tpu.memory_space<hbm>> -> memref<10000x32xf32, #tpu.memory_space<hbm>>
      tpu.wait_indirect_dma semaphore(%arg22 : memref<!tpu.dma_semaphore, #tpu.memory_space<semaphore_mem>>) src(%dma_wait3A_407 : memref<10000x32xf32, #tpu.memory_space<hbm>>) dst(%dma_wait3A_401 : memref<128x32xf32, #tpu.memory_space<vmem>>)
      %mul3A_408 = arith.constant 8 : i32
      %mul3A_409 = arith.muli %add3A_318, %mul3A_408 : i32
      %add3A_410 = arith.constant 3 : i32
      %add3A_411 = arith.addi %mul3A_409, %add3A_410 : i32
      %run_scoped3A_412 = arith.constant 1 : i32
      %run_scoped3A_413 = arith.constant 3 : i32
      "tpu.region"() ({
        %run_scoped3A_502 = tpu.sem_alloc : memref<!tpu.dma_semaphore, #tpu.memory_space<semaphore_mem>>
        %dma_start3A_503 = arith.constant 0 : i32
        %dma_start3A_504 = arith.constant 0 : i32
        %dma_start3A_505 = tpu.memref_slice %arg8[%run_scoped3A_412, %run_scoped3A_413, %dma_start3A_503, %dma_start3A_504] : memref<2x8x128x32xf32, #tpu.memory_space<vmem>> -> memref<1x1x128x32xf32, #tpu.memory_space<vmem>>
        %dma_start3A_506 = tpu.memref_squeeze %dma_start3A_505 : memref<1x1x128x32xf32, #tpu.memory_space<vmem>> -> memref<128x32xf32, #tpu.memory_space<vmem>>
        %dma_start3A_507 = arith.constant 0 : i32
        %dma_start3A_508 = tpu.memref_slice %arg7[%add3A_411, %dma_start3A_507] : memref<80x128xi32, #tpu.memory_space<vmem>> -> memref<1x128xi32, #tpu.memory_space<vmem>>
        %dma_start3A_509 = tpu.memref_squeeze %dma_start3A_508 : memref<1x128xi32, #tpu.memory_space<vmem>> -> memref<128xi32, #tpu.memory_space<vmem>>
        %dma_start3A_510 = arith.constant 0 : i32
        %dma_start3A_511 = arith.constant 0 : i32
        %dma_start3A_512 = tpu.memref_slice %arg10[%dma_start3A_510, %dma_start3A_511] : memref<10240x32xf32, #tpu.memory_space<vmem_shared>> -> memref<10240x32xf32, #tpu.memory_space<vmem_shared>>
        tpu.enqueue_indirect_dma source(%dma_start3A_506 : memref<128x32xf32, #tpu.memory_space<vmem>>) target(%dma_start3A_512 : memref<10240x32xf32, #tpu.memory_space<vmem_shared>>) offsets(%dma_start3A_509 : memref<128xi32, #tpu.memory_space<vmem>>) semaphore(%run_scoped3A_502 : memref<!tpu.dma_semaphore, #tpu.memory_space<semaphore_mem>>) {add = true}
        %dma_wait3A_513 = arith.constant 0 : i32
        %dma_wait3A_514 = arith.constant 0 : i32
        %dma_wait3A_515 = tpu.memref_slice %arg8[%run_scoped3A_412, %run_scoped3A_413, %dma_wait3A_513, %dma_wait3A_514] : memref<2x8x128x32xf32, #tpu.memory_space<vmem>> -> memref<1x1x128x32xf32, #tpu.memory_space<vmem>>
        %dma_wait3A_516 = tpu.memref_squeeze %dma_wait3A_515 : memref<1x1x128x32xf32, #tpu.memory_space<vmem>> -> memref<128x32xf32, #tpu.memory_space<vmem>>
        %dma_wait3A_517 = arith.constant 0 : i32
        %dma_wait3A_518 = tpu.memref_slice %arg7[%add3A_411, %dma_wait3A_517] : memref<80x128xi32, #tpu.memory_space<vmem>> -> memref<1x128xi32, #tpu.memory_space<vmem>>
        %dma_wait3A_519 = tpu.memref_squeeze %dma_wait3A_518 : memref<1x128xi32, #tpu.memory_space<vmem>> -> memref<128xi32, #tpu.memory_space<vmem>>
        %dma_wait3A_520 = arith.constant 0 : i32
        %dma_wait3A_521 = arith.constant 0 : i32
        %dma_wait3A_522 = tpu.memref_slice %arg10[%dma_wait3A_520, %dma_wait3A_521] : memref<10240x32xf32, #tpu.memory_space<vmem_shared>> -> memref<10240x32xf32, #tpu.memory_space<vmem_shared>>
        tpu.wait_indirect_dma semaphore(%run_scoped3A_502 : memref<!tpu.dma_semaphore, #tpu.memory_space<semaphore_mem>>) src(%dma_wait3A_516 : memref<128x32xf32, #tpu.memory_space<vmem>>) dst(%dma_wait3A_522 : memref<10240x32xf32, #tpu.memory_space<vmem_shared>>)
        tpu.yield
      }) : () -> ()
      %mul3A_414 = arith.constant 8 : i32
      %mul3A_415 = arith.muli %add3A_318, %mul3A_414 : i32
      %add3A_416 = arith.constant 4 : i32
      %add3A_417 = arith.addi %mul3A_415, %add3A_416 : i32
      %dma_wait3A_418 = arith.constant 1 : i32
      %dma_wait3A_419 = arith.constant 4 : i32
      %dma_wait3A_420 = arith.constant 0 : i32
      %dma_wait3A_421 = arith.constant 0 : i32
      %dma_wait3A_422 = tpu.memref_slice %arg8[%dma_wait3A_418, %dma_wait3A_419, %dma_wait3A_420, %dma_wait3A_421] : memref<2x8x128x32xf32, #tpu.memory_space<vmem>> -> memref<1x1x128x32xf32, #tpu.memory_space<vmem>>
      %dma_wait3A_423 = tpu.memref_squeeze %dma_wait3A_422 : memref<1x1x128x32xf32, #tpu.memory_space<vmem>> -> memref<128x32xf32, #tpu.memory_space<vmem>>
      %dma_wait3A_424 = arith.constant 0 : i32
      %dma_wait3A_425 = tpu.memref_slice %arg6[%add3A_417, %dma_wait3A_424] : memref<80x128xi32, #tpu.memory_space<vmem>> -> memref<1x128xi32, #tpu.memory_space<vmem>>
      %dma_wait3A_426 = tpu.memref_squeeze %dma_wait3A_425 : memref<1x128xi32, #tpu.memory_space<vmem>> -> memref<128xi32, #tpu.memory_space<vmem>>
      %dma_wait3A_427 = arith.constant 0 : i32
      %dma_wait3A_428 = arith.constant 0 : i32
      %dma_wait3A_429 = tpu.memref_slice %arg2[%dma_wait3A_427, %dma_wait3A_428] : memref<10000x32xf32, #tpu.memory_space<hbm>> -> memref<10000x32xf32, #tpu.memory_space<hbm>>
      tpu.wait_indirect_dma semaphore(%arg23 : memref<!tpu.dma_semaphore, #tpu.memory_space<semaphore_mem>>) src(%dma_wait3A_429 : memref<10000x32xf32, #tpu.memory_space<hbm>>) dst(%dma_wait3A_423 : memref<128x32xf32, #tpu.memory_space<vmem>>)
      %mul3A_430 = arith.constant 8 : i32
      %mul3A_431 = arith.muli %add3A_318, %mul3A_430 : i32
      %add3A_432 = arith.constant 4 : i32
      %add3A_433 = arith.addi %mul3A_431, %add3A_432 : i32
      %run_scoped3A_434 = arith.constant 1 : i32
      %run_scoped3A_435 = arith.constant 4 : i32
      "tpu.region"() ({
        %run_scoped3A_502 = tpu.sem_alloc : memref<!tpu.dma_semaphore, #tpu.memory_space<semaphore_mem>>
        %dma_start3A_503 = arith.constant 0 : i32
        %dma_start3A_504 = arith.constant 0 : i32
        %dma_start3A_505 = tpu.memref_slice %arg8[%run_scoped3A_434, %run_scoped3A_435, %dma_start3A_503, %dma_start3A_504] : memref<2x8x128x32xf32, #tpu.memory_space<vmem>> -> memref<1x1x128x32xf32, #tpu.memory_space<vmem>>
        %dma_start3A_506 = tpu.memref_squeeze %dma_start3A_505 : memref<1x1x128x32xf32, #tpu.memory_space<vmem>> -> memref<128x32xf32, #tpu.memory_space<vmem>>
        %dma_start3A_507 = arith.constant 0 : i32
        %dma_start3A_508 = tpu.memref_slice %arg7[%add3A_433, %dma_start3A_507] : memref<80x128xi32, #tpu.memory_space<vmem>> -> memref<1x128xi32, #tpu.memory_space<vmem>>
        %dma_start3A_509 = tpu.memref_squeeze %dma_start3A_508 : memref<1x128xi32, #tpu.memory_space<vmem>> -> memref<128xi32, #tpu.memory_space<vmem>>
        %dma_start3A_510 = arith.constant 0 : i32
        %dma_start3A_511 = arith.constant 0 : i32
        %dma_start3A_512 = tpu.memref_slice %arg10[%dma_start3A_510, %dma_start3A_511] : memref<10240x32xf32, #tpu.memory_space<vmem_shared>> -> memref<10240x32xf32, #tpu.memory_space<vmem_shared>>
        tpu.enqueue_indirect_dma source(%dma_start3A_506 : memref<128x32xf32, #tpu.memory_space<vmem>>) target(%dma_start3A_512 : memref<10240x32xf32, #tpu.memory_space<vmem_shared>>) offsets(%dma_start3A_509 : memref<128xi32, #tpu.memory_space<vmem>>) semaphore(%run_scoped3A_502 : memref<!tpu.dma_semaphore, #tpu.memory_space<semaphore_mem>>) {add = true}
        %dma_wait3A_513 = arith.constant 0 : i32
        %dma_wait3A_514 = arith.constant 0 : i32
        %dma_wait3A_515 = tpu.memref_slice %arg8[%run_scoped3A_434, %run_scoped3A_435, %dma_wait3A_513, %dma_wait3A_514] : memref<2x8x128x32xf32, #tpu.memory_space<vmem>> -> memref<1x1x128x32xf32, #tpu.memory_space<vmem>>
        %dma_wait3A_516 = tpu.memref_squeeze %dma_wait3A_515 : memref<1x1x128x32xf32, #tpu.memory_space<vmem>> -> memref<128x32xf32, #tpu.memory_space<vmem>>
        %dma_wait3A_517 = arith.constant 0 : i32
        %dma_wait3A_518 = tpu.memref_slice %arg7[%add3A_433, %dma_wait3A_517] : memref<80x128xi32, #tpu.memory_space<vmem>> -> memref<1x128xi32, #tpu.memory_space<vmem>>
        %dma_wait3A_519 = tpu.memref_squeeze %dma_wait3A_518 : memref<1x128xi32, #tpu.memory_space<vmem>> -> memref<128xi32, #tpu.memory_space<vmem>>
        %dma_wait3A_520 = arith.constant 0 : i32
        %dma_wait3A_521 = arith.constant 0 : i32
        %dma_wait3A_522 = tpu.memref_slice %arg10[%dma_wait3A_520, %dma_wait3A_521] : memref<10240x32xf32, #tpu.memory_space<vmem_shared>> -> memref<10240x32xf32, #tpu.memory_space<vmem_shared>>
        tpu.wait_indirect_dma semaphore(%run_scoped3A_502 : memref<!tpu.dma_semaphore, #tpu.memory_space<semaphore_mem>>) src(%dma_wait3A_516 : memref<128x32xf32, #tpu.memory_space<vmem>>) dst(%dma_wait3A_522 : memref<10240x32xf32, #tpu.memory_space<vmem_shared>>)
        tpu.yield
      }) : () -> ()
      %mul3A_436 = arith.constant 8 : i32
      %mul3A_437 = arith.muli %add3A_318, %mul3A_436 : i32
      %add3A_438 = arith.constant 5 : i32
      %add3A_439 = arith.addi %mul3A_437, %add3A_438 : i32
      %dma_wait3A_440 = arith.constant 1 : i32
      %dma_wait3A_441 = arith.constant 5 : i32
      %dma_wait3A_442 = arith.constant 0 : i32
      %dma_wait3A_443 = arith.constant 0 : i32
      %dma_wait3A_444 = tpu.memref_slice %arg8[%dma_wait3A_440, %dma_wait3A_441, %dma_wait3A_442, %dma_wait3A_443] : memref<2x8x128x32xf32, #tpu.memory_space<vmem>> -> memref<1x1x128x32xf32, #tpu.memory_space<vmem>>
      %dma_wait3A_445 = tpu.memref_squeeze %dma_wait3A_444 : memref<1x1x128x32xf32, #tpu.memory_space<vmem>> -> memref<128x32xf32, #tpu.memory_space<vmem>>
      %dma_wait3A_446 = arith.constant 0 : i32
      %dma_wait3A_447 = tpu.memref_slice %arg6[%add3A_439, %dma_wait3A_446] : memref<80x128xi32, #tpu.memory_space<vmem>> -> memref<1x128xi32, #tpu.memory_space<vmem>>
      %dma_wait3A_448 = tpu.memref_squeeze %dma_wait3A_447 : memref<1x128xi32, #tpu.memory_space<vmem>> -> memref<128xi32, #tpu.memory_space<vmem>>
      %dma_wait3A_449 = arith.constant 0 : i32
      %dma_wait3A_450 = arith.constant 0 : i32
      %dma_wait3A_451 = tpu.memref_slice %arg2[%dma_wait3A_449, %dma_wait3A_450] : memref<10000x32xf32, #tpu.memory_space<hbm>> -> memref<10000x32xf32, #tpu.memory_space<hbm>>
      tpu.wait_indirect_dma semaphore(%arg24 : memref<!tpu.dma_semaphore, #tpu.memory_space<semaphore_mem>>) src(%dma_wait3A_451 : memref<10000x32xf32, #tpu.memory_space<hbm>>) dst(%dma_wait3A_445 : memref<128x32xf32, #tpu.memory_space<vmem>>)
      %mul3A_452 = arith.constant 8 : i32
      %mul3A_453 = arith.muli %add3A_318, %mul3A_452 : i32
      %add3A_454 = arith.constant 5 : i32
      %add3A_455 = arith.addi %mul3A_453, %add3A_454 : i32
      %run_scoped3A_456 = arith.constant 1 : i32
      %run_scoped3A_457 = arith.constant 5 : i32
      "tpu.region"() ({
        %run_scoped3A_502 = tpu.sem_alloc : memref<!tpu.dma_semaphore, #tpu.memory_space<semaphore_mem>>
        %dma_start3A_503 = arith.constant 0 : i32
        %dma_start3A_504 = arith.constant 0 : i32
        %dma_start3A_505 = tpu.memref_slice %arg8[%run_scoped3A_456, %run_scoped3A_457, %dma_start3A_503, %dma_start3A_504] : memref<2x8x128x32xf32, #tpu.memory_space<vmem>> -> memref<1x1x128x32xf32, #tpu.memory_space<vmem>>
        %dma_start3A_506 = tpu.memref_squeeze %dma_start3A_505 : memref<1x1x128x32xf32, #tpu.memory_space<vmem>> -> memref<128x32xf32, #tpu.memory_space<vmem>>
        %dma_start3A_507 = arith.constant 0 : i32
        %dma_start3A_508 = tpu.memref_slice %arg7[%add3A_455, %dma_start3A_507] : memref<80x128xi32, #tpu.memory_space<vmem>> -> memref<1x128xi32, #tpu.memory_space<vmem>>
        %dma_start3A_509 = tpu.memref_squeeze %dma_start3A_508 : memref<1x128xi32, #tpu.memory_space<vmem>> -> memref<128xi32, #tpu.memory_space<vmem>>
        %dma_start3A_510 = arith.constant 0 : i32
        %dma_start3A_511 = arith.constant 0 : i32
        %dma_start3A_512 = tpu.memref_slice %arg10[%dma_start3A_510, %dma_start3A_511] : memref<10240x32xf32, #tpu.memory_space<vmem_shared>> -> memref<10240x32xf32, #tpu.memory_space<vmem_shared>>
        tpu.enqueue_indirect_dma source(%dma_start3A_506 : memref<128x32xf32, #tpu.memory_space<vmem>>) target(%dma_start3A_512 : memref<10240x32xf32, #tpu.memory_space<vmem_shared>>) offsets(%dma_start3A_509 : memref<128xi32, #tpu.memory_space<vmem>>) semaphore(%run_scoped3A_502 : memref<!tpu.dma_semaphore, #tpu.memory_space<semaphore_mem>>) {add = true}
        %dma_wait3A_513 = arith.constant 0 : i32
        %dma_wait3A_514 = arith.constant 0 : i32
        %dma_wait3A_515 = tpu.memref_slice %arg8[%run_scoped3A_456, %run_scoped3A_457, %dma_wait3A_513, %dma_wait3A_514] : memref<2x8x128x32xf32, #tpu.memory_space<vmem>> -> memref<1x1x128x32xf32, #tpu.memory_space<vmem>>
        %dma_wait3A_516 = tpu.memref_squeeze %dma_wait3A_515 : memref<1x1x128x32xf32, #tpu.memory_space<vmem>> -> memref<128x32xf32, #tpu.memory_space<vmem>>
        %dma_wait3A_517 = arith.constant 0 : i32
        %dma_wait3A_518 = tpu.memref_slice %arg7[%add3A_455, %dma_wait3A_517] : memref<80x128xi32, #tpu.memory_space<vmem>> -> memref<1x128xi32, #tpu.memory_space<vmem>>
        %dma_wait3A_519 = tpu.memref_squeeze %dma_wait3A_518 : memref<1x128xi32, #tpu.memory_space<vmem>> -> memref<128xi32, #tpu.memory_space<vmem>>
        %dma_wait3A_520 = arith.constant 0 : i32
        %dma_wait3A_521 = arith.constant 0 : i32
        %dma_wait3A_522 = tpu.memref_slice %arg10[%dma_wait3A_520, %dma_wait3A_521] : memref<10240x32xf32, #tpu.memory_space<vmem_shared>> -> memref<10240x32xf32, #tpu.memory_space<vmem_shared>>
        tpu.wait_indirect_dma semaphore(%run_scoped3A_502 : memref<!tpu.dma_semaphore, #tpu.memory_space<semaphore_mem>>) src(%dma_wait3A_516 : memref<128x32xf32, #tpu.memory_space<vmem>>) dst(%dma_wait3A_522 : memref<10240x32xf32, #tpu.memory_space<vmem_shared>>)
        tpu.yield
      }) : () -> ()
      %mul3A_458 = arith.constant 8 : i32
      %mul3A_459 = arith.muli %add3A_318, %mul3A_458 : i32
      %add3A_460 = arith.constant 6 : i32
      %add3A_461 = arith.addi %mul3A_459, %add3A_460 : i32
      %dma_wait3A_462 = arith.constant 1 : i32
      %dma_wait3A_463 = arith.constant 6 : i32
      %dma_wait3A_464 = arith.constant 0 : i32
      %dma_wait3A_465 = arith.constant 0 : i32
      %dma_wait3A_466 = tpu.memref_slice %arg8[%dma_wait3A_462, %dma_wait3A_463, %dma_wait3A_464, %dma_wait3A_465] : memref<2x8x128x32xf32, #tpu.memory_space<vmem>> -> memref<1x1x128x32xf32, #tpu.memory_space<vmem>>
      %dma_wait3A_467 = tpu.memref_squeeze %dma_wait3A_466 : memref<1x1x128x32xf32, #tpu.memory_space<vmem>> -> memref<128x32xf32, #tpu.memory_space<vmem>>
      %dma_wait3A_468 = arith.constant 0 : i32
      %dma_wait3A_469 = tpu.memref_slice %arg6[%add3A_461, %dma_wait3A_468] : memref<80x128xi32, #tpu.memory_space<vmem>> -> memref<1x128xi32, #tpu.memory_space<vmem>>
      %dma_wait3A_470 = tpu.memref_squeeze %dma_wait3A_469 : memref<1x128xi32, #tpu.memory_space<vmem>> -> memref<128xi32, #tpu.memory_space<vmem>>
      %dma_wait3A_471 = arith.constant 0 : i32
      %dma_wait3A_472 = arith.constant 0 : i32
      %dma_wait3A_473 = tpu.memref_slice %arg2[%dma_wait3A_471, %dma_wait3A_472] : memref<10000x32xf32, #tpu.memory_space<hbm>> -> memref<10000x32xf32, #tpu.memory_space<hbm>>
      tpu.wait_indirect_dma semaphore(%arg25 : memref<!tpu.dma_semaphore, #tpu.memory_space<semaphore_mem>>) src(%dma_wait3A_473 : memref<10000x32xf32, #tpu.memory_space<hbm>>) dst(%dma_wait3A_467 : memref<128x32xf32, #tpu.memory_space<vmem>>)
      %mul3A_474 = arith.constant 8 : i32
      %mul3A_475 = arith.muli %add3A_318, %mul3A_474 : i32
      %add3A_476 = arith.constant 6 : i32
      %add3A_477 = arith.addi %mul3A_475, %add3A_476 : i32
      %run_scoped3A_478 = arith.constant 1 : i32
      %run_scoped3A_479 = arith.constant 6 : i32
      "tpu.region"() ({
        %run_scoped3A_502 = tpu.sem_alloc : memref<!tpu.dma_semaphore, #tpu.memory_space<semaphore_mem>>
        %dma_start3A_503 = arith.constant 0 : i32
        %dma_start3A_504 = arith.constant 0 : i32
        %dma_start3A_505 = tpu.memref_slice %arg8[%run_scoped3A_478, %run_scoped3A_479, %dma_start3A_503, %dma_start3A_504] : memref<2x8x128x32xf32, #tpu.memory_space<vmem>> -> memref<1x1x128x32xf32, #tpu.memory_space<vmem>>
        %dma_start3A_506 = tpu.memref_squeeze %dma_start3A_505 : memref<1x1x128x32xf32, #tpu.memory_space<vmem>> -> memref<128x32xf32, #tpu.memory_space<vmem>>
        %dma_start3A_507 = arith.constant 0 : i32
        %dma_start3A_508 = tpu.memref_slice %arg7[%add3A_477, %dma_start3A_507] : memref<80x128xi32, #tpu.memory_space<vmem>> -> memref<1x128xi32, #tpu.memory_space<vmem>>
        %dma_start3A_509 = tpu.memref_squeeze %dma_start3A_508 : memref<1x128xi32, #tpu.memory_space<vmem>> -> memref<128xi32, #tpu.memory_space<vmem>>
        %dma_start3A_510 = arith.constant 0 : i32
        %dma_start3A_511 = arith.constant 0 : i32
        %dma_start3A_512 = tpu.memref_slice %arg10[%dma_start3A_510, %dma_start3A_511] : memref<10240x32xf32, #tpu.memory_space<vmem_shared>> -> memref<10240x32xf32, #tpu.memory_space<vmem_shared>>
        tpu.enqueue_indirect_dma source(%dma_start3A_506 : memref<128x32xf32, #tpu.memory_space<vmem>>) target(%dma_start3A_512 : memref<10240x32xf32, #tpu.memory_space<vmem_shared>>) offsets(%dma_start3A_509 : memref<128xi32, #tpu.memory_space<vmem>>) semaphore(%run_scoped3A_502 : memref<!tpu.dma_semaphore, #tpu.memory_space<semaphore_mem>>) {add = true}
        %dma_wait3A_513 = arith.constant 0 : i32
        %dma_wait3A_514 = arith.constant 0 : i32
        %dma_wait3A_515 = tpu.memref_slice %arg8[%run_scoped3A_478, %run_scoped3A_479, %dma_wait3A_513, %dma_wait3A_514] : memref<2x8x128x32xf32, #tpu.memory_space<vmem>> -> memref<1x1x128x32xf32, #tpu.memory_space<vmem>>
        %dma_wait3A_516 = tpu.memref_squeeze %dma_wait3A_515 : memref<1x1x128x32xf32, #tpu.memory_space<vmem>> -> memref<128x32xf32, #tpu.memory_space<vmem>>
        %dma_wait3A_517 = arith.constant 0 : i32
        %dma_wait3A_518 = tpu.memref_slice %arg7[%add3A_477, %dma_wait3A_517] : memref<80x128xi32, #tpu.memory_space<vmem>> -> memref<1x128xi32, #tpu.memory_space<vmem>>
        %dma_wait3A_519 = tpu.memref_squeeze %dma_wait3A_518 : memref<1x128xi32, #tpu.memory_space<vmem>> -> memref<128xi32, #tpu.memory_space<vmem>>
        %dma_wait3A_520 = arith.constant 0 : i32
        %dma_wait3A_521 = arith.constant 0 : i32
        %dma_wait3A_522 = tpu.memref_slice %arg10[%dma_wait3A_520, %dma_wait3A_521] : memref<10240x32xf32, #tpu.memory_space<vmem_shared>> -> memref<10240x32xf32, #tpu.memory_space<vmem_shared>>
        tpu.wait_indirect_dma semaphore(%run_scoped3A_502 : memref<!tpu.dma_semaphore, #tpu.memory_space<semaphore_mem>>) src(%dma_wait3A_516 : memref<128x32xf32, #tpu.memory_space<vmem>>) dst(%dma_wait3A_522 : memref<10240x32xf32, #tpu.memory_space<vmem_shared>>)
        tpu.yield
      }) : () -> ()
      %mul3A_480 = arith.constant 8 : i32
      %mul3A_481 = arith.muli %add3A_318, %mul3A_480 : i32
      %add3A_482 = arith.constant 7 : i32
      %add3A_483 = arith.addi %mul3A_481, %add3A_482 : i32
      %dma_wait3A_484 = arith.constant 1 : i32
      %dma_wait3A_485 = arith.constant 7 : i32
      %dma_wait3A_486 = arith.constant 0 : i32
      %dma_wait3A_487 = arith.constant 0 : i32
      %dma_wait3A_488 = tpu.memref_slice %arg8[%dma_wait3A_484, %dma_wait3A_485, %dma_wait3A_486, %dma_wait3A_487] : memref<2x8x128x32xf32, #tpu.memory_space<vmem>> -> memref<1x1x128x32xf32, #tpu.memory_space<vmem>>
      %dma_wait3A_489 = tpu.memref_squeeze %dma_wait3A_488 : memref<1x1x128x32xf32, #tpu.memory_space<vmem>> -> memref<128x32xf32, #tpu.memory_space<vmem>>
      %dma_wait3A_490 = arith.constant 0 : i32
      %dma_wait3A_491 = tpu.memref_slice %arg6[%add3A_483, %dma_wait3A_490] : memref<80x128xi32, #tpu.memory_space<vmem>> -> memref<1x128xi32, #tpu.memory_space<vmem>>
      %dma_wait3A_492 = tpu.memref_squeeze %dma_wait3A_491 : memref<1x128xi32, #tpu.memory_space<vmem>> -> memref<128xi32, #tpu.memory_space<vmem>>
      %dma_wait3A_493 = arith.constant 0 : i32
      %dma_wait3A_494 = arith.constant 0 : i32
      %dma_wait3A_495 = tpu.memref_slice %arg2[%dma_wait3A_493, %dma_wait3A_494] : memref<10000x32xf32, #tpu.memory_space<hbm>> -> memref<10000x32xf32, #tpu.memory_space<hbm>>
      tpu.wait_indirect_dma semaphore(%arg26 : memref<!tpu.dma_semaphore, #tpu.memory_space<semaphore_mem>>) src(%dma_wait3A_495 : memref<10000x32xf32, #tpu.memory_space<hbm>>) dst(%dma_wait3A_489 : memref<128x32xf32, #tpu.memory_space<vmem>>)
      %mul3A_496 = arith.constant 8 : i32
      %mul3A_497 = arith.muli %add3A_318, %mul3A_496 : i32
      %add3A_498 = arith.constant 7 : i32
      %add3A_499 = arith.addi %mul3A_497, %add3A_498 : i32
      %run_scoped3A_500 = arith.constant 1 : i32
      %run_scoped3A_501 = arith.constant 7 : i32
      "tpu.region"() ({
        %run_scoped3A_502 = tpu.sem_alloc : memref<!tpu.dma_semaphore, #tpu.memory_space<semaphore_mem>>
        %dma_start3A_503 = arith.constant 0 : i32
        %dma_start3A_504 = arith.constant 0 : i32
        %dma_start3A_505 = tpu.memref_slice %arg8[%run_scoped3A_500, %run_scoped3A_501, %dma_start3A_503, %dma_start3A_504] : memref<2x8x128x32xf32, #tpu.memory_space<vmem>> -> memref<1x1x128x32xf32, #tpu.memory_space<vmem>>
        %dma_start3A_506 = tpu.memref_squeeze %dma_start3A_505 : memref<1x1x128x32xf32, #tpu.memory_space<vmem>> -> memref<128x32xf32, #tpu.memory_space<vmem>>
        %dma_start3A_507 = arith.constant 0 : i32
        %dma_start3A_508 = tpu.memref_slice %arg7[%add3A_499, %dma_start3A_507] : memref<80x128xi32, #tpu.memory_space<vmem>> -> memref<1x128xi32, #tpu.memory_space<vmem>>
        %dma_start3A_509 = tpu.memref_squeeze %dma_start3A_508 : memref<1x128xi32, #tpu.memory_space<vmem>> -> memref<128xi32, #tpu.memory_space<vmem>>
        %dma_start3A_510 = arith.constant 0 : i32
        %dma_start3A_511 = arith.constant 0 : i32
        %dma_start3A_512 = tpu.memref_slice %arg10[%dma_start3A_510, %dma_start3A_511] : memref<10240x32xf32, #tpu.memory_space<vmem_shared>> -> memref<10240x32xf32, #tpu.memory_space<vmem_shared>>
        tpu.enqueue_indirect_dma source(%dma_start3A_506 : memref<128x32xf32, #tpu.memory_space<vmem>>) target(%dma_start3A_512 : memref<10240x32xf32, #tpu.memory_space<vmem_shared>>) offsets(%dma_start3A_509 : memref<128xi32, #tpu.memory_space<vmem>>) semaphore(%run_scoped3A_502 : memref<!tpu.dma_semaphore, #tpu.memory_space<semaphore_mem>>) {add = true}
        %dma_wait3A_513 = arith.constant 0 : i32
        %dma_wait3A_514 = arith.constant 0 : i32
        %dma_wait3A_515 = tpu.memref_slice %arg8[%run_scoped3A_500, %run_scoped3A_501, %dma_wait3A_513, %dma_wait3A_514] : memref<2x8x128x32xf32, #tpu.memory_space<vmem>> -> memref<1x1x128x32xf32, #tpu.memory_space<vmem>>
        %dma_wait3A_516 = tpu.memref_squeeze %dma_wait3A_515 : memref<1x1x128x32xf32, #tpu.memory_space<vmem>> -> memref<128x32xf32, #tpu.memory_space<vmem>>
        %dma_wait3A_517 = arith.constant 0 : i32
        %dma_wait3A_518 = tpu.memref_slice %arg7[%add3A_499, %dma_wait3A_517] : memref<80x128xi32, #tpu.memory_space<vmem>> -> memref<1x128xi32, #tpu.memory_space<vmem>>
        %dma_wait3A_519 = tpu.memref_squeeze %dma_wait3A_518 : memref<1x128xi32, #tpu.memory_space<vmem>> -> memref<128xi32, #tpu.memory_space<vmem>>
        %dma_wait3A_520 = arith.constant 0 : i32
        %dma_wait3A_521 = arith.constant 0 : i32
        %dma_wait3A_522 = tpu.memref_slice %arg10[%dma_wait3A_520, %dma_wait3A_521] : memref<10240x32xf32, #tpu.memory_space<vmem_shared>> -> memref<10240x32xf32, #tpu.memory_space<vmem_shared>>
        tpu.wait_indirect_dma semaphore(%run_scoped3A_502 : memref<!tpu.dma_semaphore, #tpu.memory_space<semaphore_mem>>) src(%dma_wait3A_516 : memref<128x32xf32, #tpu.memory_space<vmem>>) dst(%dma_wait3A_522 : memref<10240x32xf32, #tpu.memory_space<vmem_shared>>)
        tpu.yield
      }) : () -> ()
    }
    %scan3A_118 = arith.constant 5 : i32
    %barrier3A_119 = arith.constant 0 : index
    tpu.barrier barrier_id(%barrier3A_119)
    %mul3A_120 = arith.constant 640 : i32
    %mul3A_121 = arith.muli %arg1, %mul3A_120 : i32
    "tpu.region"() ({
      %run_scoped3A_129 = tpu.sem_alloc : memref<!tpu.dma_semaphore, #tpu.memory_space<semaphore_mem>>
      %dma_start3A_130 = arith.constant 0 : i32
      %dma_start3A_131 = tpu.memref_slice %arg10[%mul3A_121, %dma_start3A_130] : memref<10240x32xf32, #tpu.memory_space<vmem_shared>> -> memref<640x32xf32, #tpu.memory_space<vmem_shared>>
      %dma_start3A_132 = arith.constant 0 : i32
      %dma_start3A_133 = tpu.memref_slice %arg10[%mul3A_121, %dma_start3A_132] : memref<10240x32xf32, #tpu.memory_space<vmem_shared>> -> memref<640x32xf32, #tpu.memory_space<vmem_shared>>
      tpu.enqueue_dma source(%dma_start3A_133 : memref<640x32xf32, #tpu.memory_space<vmem_shared>>) target(%arg9 : memref<640x32xf32, #tpu.memory_space<vmem>>) target_semaphore(%run_scoped3A_129 : memref<!tpu.dma_semaphore, #tpu.memory_space<semaphore_mem>>)
      %dma_wait3A = arith.constant 0 : i32
      %dma_wait3A_134 = tpu.memref_slice %arg10[%mul3A_121, %dma_wait3A] : memref<10240x32xf32, #tpu.memory_space<vmem_shared>> -> memref<640x32xf32, #tpu.memory_space<vmem_shared>>
      %dma_wait3A_135 = arith.constant 0 : i32
      %dma_wait3A_136 = tpu.memref_slice %arg10[%mul3A_121, %dma_wait3A_135] : memref<10240x32xf32, #tpu.memory_space<vmem_shared>> -> memref<640x32xf32, #tpu.memory_space<vmem_shared>>
      tpu.wait_dma2 semaphore(%run_scoped3A_129 : memref<!tpu.dma_semaphore, #tpu.memory_space<semaphore_mem>>) src(%dma_wait3A_136 : memref<640x32xf32, #tpu.memory_space<vmem_shared>>) dst(%arg9 : memref<640x32xf32, #tpu.memory_space<vmem>>)
      tpu.yield
    }) : () -> ()
    %eq3A = arith.constant 0 : i32
    %eq3A_122 = arith.cmpi eq, %arg0, %eq3A : i32
    %convert_element_type3A = arith.extui %eq3A_122 : i1 to i32
    %cond3A = arith.constant 0 : i32
    %cond3A_123 = arith.cmpi ne, %convert_element_type3A, %cond3A : i32
    scf.if %cond3A_123 {
      %mul3A_129 = arith.constant 640 : i32
      %mul3A_130 = arith.muli %arg1, %mul3A_129 : i32
      "tpu.region"() ({
        %run_scoped3A_131 = tpu.sem_alloc : memref<!tpu.dma_semaphore, #tpu.memory_space<semaphore_mem>>
        %dma_start3A_132 = arith.constant 0 : i32
        %dma_start3A_133 = tpu.memref_slice %arg4[%mul3A_130, %dma_start3A_132] : memref<10240x32xf32, #tpu.memory_space<hbm>> -> memref<640x32xf32, #tpu.memory_space<hbm>>
        %dma_start3A_134 = arith.constant 0 : i32
        %dma_start3A_135 = tpu.memref_slice %arg4[%mul3A_130, %dma_start3A_134] : memref<10240x32xf32, #tpu.memory_space<hbm>> -> memref<640x32xf32, #tpu.memory_space<hbm>>
        tpu.enqueue_dma source(%arg9 : memref<640x32xf32, #tpu.memory_space<vmem>>) target(%dma_start3A_135 : memref<640x32xf32, #tpu.memory_space<hbm>>) target_semaphore(%run_scoped3A_131 : memref<!tpu.dma_semaphore, #tpu.memory_space<semaphore_mem>>)
        %dma_wait3A = arith.constant 0 : i32
        %dma_wait3A_136 = tpu.memref_slice %arg4[%mul3A_130, %dma_wait3A] : memref<10240x32xf32, #tpu.memory_space<hbm>> -> memref<640x32xf32, #tpu.memory_space<hbm>>
        %dma_wait3A_137 = arith.constant 0 : i32
        %dma_wait3A_138 = tpu.memref_slice %arg4[%mul3A_130, %dma_wait3A_137] : memref<10240x32xf32, #tpu.memory_space<hbm>> -> memref<640x32xf32, #tpu.memory_space<hbm>>
        tpu.wait_dma2 semaphore(%run_scoped3A_131 : memref<!tpu.dma_semaphore, #tpu.memory_space<semaphore_mem>>) src(%arg9 : memref<640x32xf32, #tpu.memory_space<vmem>>) dst(%dma_wait3A_138 : memref<640x32xf32, #tpu.memory_space<hbm>>)
        tpu.yield
      }) : () -> ()
    } else {
    }
    %eq3A_124 = arith.constant 1 : i32
    %eq3A_125 = arith.cmpi eq, %arg0, %eq3A_124 : i32
    %convert_element_type3A_126 = arith.extui %eq3A_125 : i1 to i32
    %cond3A_127 = arith.constant 0 : i32
    %cond3A_128 = arith.cmpi ne, %convert_element_type3A_126, %cond3A_127 : i32
    scf.if %cond3A_128 {
      %mul3A_129 = arith.constant 640 : i32
      %mul3A_130 = arith.muli %arg1, %mul3A_129 : i32
      "tpu.region"() ({
        %run_scoped3A_131 = tpu.sem_alloc : memref<!tpu.dma_semaphore, #tpu.memory_space<semaphore_mem>>
        %dma_start3A_132 = arith.constant 0 : i32
        %dma_start3A_133 = tpu.memref_slice %arg5[%mul3A_130, %dma_start3A_132] : memref<10240x32xf32, #tpu.memory_space<hbm>> -> memref<640x32xf32, #tpu.memory_space<hbm>>
        %dma_start3A_134 = arith.constant 0 : i32
        %dma_start3A_135 = tpu.memref_slice %arg5[%mul3A_130, %dma_start3A_134] : memref<10240x32xf32, #tpu.memory_space<hbm>> -> memref<640x32xf32, #tpu.memory_space<hbm>>
        tpu.enqueue_dma source(%arg9 : memref<640x32xf32, #tpu.memory_space<vmem>>) target(%dma_start3A_135 : memref<640x32xf32, #tpu.memory_space<hbm>>) target_semaphore(%run_scoped3A_131 : memref<!tpu.dma_semaphore, #tpu.memory_space<semaphore_mem>>)
        %dma_wait3A = arith.constant 0 : i32
        %dma_wait3A_136 = tpu.memref_slice %arg5[%mul3A_130, %dma_wait3A] : memref<10240x32xf32, #tpu.memory_space<hbm>> -> memref<640x32xf32, #tpu.memory_space<hbm>>
        %dma_wait3A_137 = arith.constant 0 : i32
        %dma_wait3A_138 = tpu.memref_slice %arg5[%mul3A_130, %dma_wait3A_137] : memref<10240x32xf32, #tpu.memory_space<hbm>> -> memref<640x32xf32, #tpu.memory_space<hbm>>
        tpu.wait_dma2 semaphore(%run_scoped3A_131 : memref<!tpu.dma_semaphore, #tpu.memory_space<semaphore_mem>>) src(%arg9 : memref<640x32xf32, #tpu.memory_space<vmem>>) dst(%dma_wait3A_138 : memref<640x32xf32, #tpu.memory_space<hbm>>)
        tpu.yield
      }) : () -> ()
    } else {
    }
    return
  }
}

module attributes {stable_mosaic.version = 14 : i64} {
  func.func @_tc1_body(%arg0: memref<2500x512xf32, #tpu.memory_space<vmem>>, %arg1: memref<512x128xf32, #tpu.memory_space<vmem>>, %arg2: memref<2500x128xf32, #tpu.memory_space<vmem>>) attributes {dimension_semantics = [], scalar_prefetch = 0 : i64, scratch_operands = 0 : i64, tpu.core_type = #tpu.core_type<tc>} {
    %get3A = arith.constant 0 : index
    %get3A_0 = arith.constant 0 : index
    %get3A_1 = vector.load %arg0[%get3A, %get3A_0] : memref<2500x512xf32, #tpu.memory_space<vmem>>, vector<2500x512xf32>
    %get3A_2 = arith.constant 0 : index
    %get3A_3 = arith.constant 0 : index
    %get3A_4 = vector.load %arg1[%get3A_2, %get3A_3] : memref<512x128xf32, #tpu.memory_space<vmem>>, vector<512x128xf32>
    %dot_general3A = arith.constant dense<0.000000e+00> : vector<2500x128xf32>
    %dot_general3A_5 = tpu.matmul %get3A_1, %get3A_4, %dot_general3A {dimension_numbers = #tpu.dot_dimension_numbers<[1], [0], [0], [1], [0, 0, 1, 1], [], []>, transpose_lhs_hint = false} : vector<2500x512xf32>, vector<512x128xf32>, vector<2500x128xf32> -> vector<2500x128xf32>
    %swap3A = arith.constant 0 : index
    %swap3A_6 = arith.constant 0 : index
    %swap3A_7 = vector.load %arg2[%swap3A, %swap3A_6] : memref<2500x128xf32, #tpu.memory_space<vmem>>, vector<2500x128xf32>
    tpu.vector_store %arg2[%swap3A, %swap3A_6], %dot_general3A_5 {strides = array<i32>} : memref<2500x128xf32, #tpu.memory_space<vmem>>, vector<2500x128xf32>,
    return
  }
}

module attributes {stable_mosaic.version = 14 : i64} {
  func.func @_tc2_body(%arg0: memref<2560x128xf32, #tpu.memory_space<vmem>>, %arg1: memref<2560x128xf32, #tpu.memory_space<vmem>>, %arg2: memref<2500x128xf32, #tpu.memory_space<vmem>>, %arg3: memref<2500x128xf32, #tpu.memory_space<vmem>>, %arg4: memref<1x128xf32, #tpu.memory_space<vmem>>, %arg5: memref<128x64xf32, #tpu.memory_space<vmem>>, %arg6: memref<2500x64xf32, #tpu.memory_space<vmem>>, %arg7: memref<2500x64xf32, #tpu.memory_space<vmem>>) attributes {dimension_semantics = [], scalar_prefetch = 0 : i64, scratch_operands = 0 : i64, tpu.core_type = #tpu.core_type<tc>} {
    %get3A = arith.constant 0 : index
    %get3A_0 = arith.constant 0 : index
    %get3A_1 = vector.load %arg0[%get3A, %get3A_0] : memref<2560x128xf32, #tpu.memory_space<vmem>>, vector<2560x128xf32>
    %slice3A = vector.extract_strided_slice %get3A_1 {offsets = [0, 0], sizes = [2500, 128], strides = [1, 1]} : vector<2560x128xf32> to vector<2500x128xf32>
    %get3A_2 = arith.constant 0 : index
    %get3A_3 = arith.constant 0 : index
    %get3A_4 = vector.load %arg1[%get3A_2, %get3A_3] : memref<2560x128xf32, #tpu.memory_space<vmem>>, vector<2560x128xf32>
    %slice3A_5 = vector.extract_strided_slice %get3A_4 {offsets = [0, 0], sizes = [2500, 128], strides = [1, 1]} : vector<2560x128xf32> to vector<2500x128xf32>
    %add3A = arith.addf %slice3A, %slice3A_5 : vector<2500x128xf32>
    %get3A_6 = arith.constant 0 : index
    %get3A_7 = arith.constant 0 : index
    %get3A_8 = vector.load %arg2[%get3A_6, %get3A_7] : memref<2500x128xf32, #tpu.memory_space<vmem>>, vector<2500x128xf32>
    %add3A_9 = arith.addf %add3A, %get3A_8 : vector<2500x128xf32>
    %get3A_10 = arith.constant 0 : index
    %get3A_11 = arith.constant 0 : index
    %get3A_12 = vector.load %arg3[%get3A_10, %get3A_11] : memref<2500x128xf32, #tpu.memory_space<vmem>>, vector<2500x128xf32>
    %mul3A = arith.mulf %add3A_9, %get3A_12 : vector<2500x128xf32>
    %get3A_13 = arith.constant 0 : index
    %get3A_14 = arith.constant 0 : index
    %get3A_15 = vector.load %arg4[%get3A_13, %get3A_14] : memref<1x128xf32, #tpu.memory_space<vmem>>, vector<1x128xf32>
    %add3A_16 = vector.broadcast %get3A_15 : vector<1x128xf32> to vector<2500x128xf32>
    %add3A_17 = arith.addf %mul3A, %add3A_16 : vector<2500x128xf32>
    %max3A = arith.constant 0.000000e+00 : f32
    %max3A_18 = vector.broadcast %max3A : f32 to vector<2500x128xf32>
    %max3A_19 = arith.maximumf %add3A_17, %max3A_18 : vector<2500x128xf32>
    %get3A_20 = arith.constant 0 : index
    %get3A_21 = arith.constant 0 : index
    %get3A_22 = vector.load %arg5[%get3A_20, %get3A_21] : memref<128x64xf32, #tpu.memory_space<vmem>>, vector<128x64xf32>
    %dot_general3A = arith.constant dense<0.000000e+00> : vector<2500x64xf32>
    %dot_general3A_23 = tpu.matmul %max3A_19, %get3A_22, %dot_general3A {dimension_numbers = #tpu.dot_dimension_numbers<[1], [0], [0], [1], [0, 0, 1, 1], [], []>, transpose_lhs_hint = false} : vector<2500x128xf32>, vector<128x64xf32>, vector<2500x64xf32> -> vector<2500x64xf32>
    %get3A_24 = arith.constant 0 : index
    %get3A_25 = arith.constant 0 : index
    %get3A_26 = vector.load %arg6[%get3A_24, %get3A_25] : memref<2500x64xf32, #tpu.memory_space<vmem>>, vector<2500x64xf32>
    %mul3A_27 = arith.mulf %dot_general3A_23, %get3A_26 : vector<2500x64xf32>
    %swap3A = arith.constant 0 : index
    %swap3A_28 = arith.constant 0 : index
    %swap3A_29 = vector.load %arg7[%swap3A, %swap3A_28] : memref<2500x64xf32, #tpu.memory_space<vmem>>, vector<2500x64xf32>
    tpu.vector_store %arg7[%swap3A, %swap3A_28], %mul3A_27 {strides = array<i32>} : memref<2500x64xf32, #tpu.memory_space<vmem>>, vector<2500x64xf32>,
    return
  }
}

module attributes {stable_mosaic.version = 14 : i64} {
  func.func @_tc3_body(%arg0: memref<1280x128xf32, #tpu.memory_space<vmem>>, %arg1: memref<1280x128xf32, #tpu.memory_space<vmem>>, %arg2: memref<1250x128xf32, #tpu.memory_space<vmem>>, %arg3: memref<1250x128xf32, #tpu.memory_space<vmem>>, %arg4: memref<1x128xf32, #tpu.memory_space<vmem>>, %arg5: memref<128x256xf32, #tpu.memory_space<vmem>>, %arg6: memref<1x256xf32, #tpu.memory_space<vmem>>, %arg7: memref<64x8xf32, #tpu.memory_space<vmem>>, %arg8: memref<1x1xf32, #tpu.memory_space<vmem>>, %arg9: memref<1250x8xf32, #tpu.memory_space<vmem>>) attributes {dimension_semantics = [], scalar_prefetch = 0 : i64, scratch_operands = 0 : i64, tpu.core_type = #tpu.core_type<tc>} {
    %get3A = arith.constant 0 : index
    %get3A_0 = arith.constant 0 : index
    %get3A_1 = vector.load %arg0[%get3A, %get3A_0] : memref<1280x128xf32, #tpu.memory_space<vmem>>, vector<1280x128xf32>
    %slice3A = vector.extract_strided_slice %get3A_1 {offsets = [0, 0], sizes = [1250, 128], strides = [1, 1]} : vector<1280x128xf32> to vector<1250x128xf32>
    %get3A_2 = arith.constant 0 : index
    %get3A_3 = arith.constant 0 : index
    %get3A_4 = vector.load %arg1[%get3A_2, %get3A_3] : memref<1280x128xf32, #tpu.memory_space<vmem>>, vector<1280x128xf32>
    %slice3A_5 = vector.extract_strided_slice %get3A_4 {offsets = [0, 0], sizes = [1250, 128], strides = [1, 1]} : vector<1280x128xf32> to vector<1250x128xf32>
    %add3A = arith.addf %slice3A, %slice3A_5 : vector<1250x128xf32>
    %get3A_6 = arith.constant 0 : index
    %get3A_7 = arith.constant 0 : index
    %get3A_8 = vector.load %arg2[%get3A_6, %get3A_7] : memref<1250x128xf32, #tpu.memory_space<vmem>>, vector<1250x128xf32>
    %add3A_9 = arith.addf %add3A, %get3A_8 : vector<1250x128xf32>
    %get3A_10 = arith.constant 0 : index
    %get3A_11 = arith.constant 0 : index
    %get3A_12 = vector.load %arg3[%get3A_10, %get3A_11] : memref<1250x128xf32, #tpu.memory_space<vmem>>, vector<1250x128xf32>
    %mul3A = arith.mulf %add3A_9, %get3A_12 : vector<1250x128xf32>
    %get3A_13 = arith.constant 0 : index
    %get3A_14 = arith.constant 0 : index
    %get3A_15 = vector.load %arg4[%get3A_13, %get3A_14] : memref<1x128xf32, #tpu.memory_space<vmem>>, vector<1x128xf32>
    %add3A_16 = vector.broadcast %get3A_15 : vector<1x128xf32> to vector<1250x128xf32>
    %add3A_17 = arith.addf %mul3A, %add3A_16 : vector<1250x128xf32>
    %max3A = arith.constant 0.000000e+00 : f32
    %max3A_18 = vector.broadcast %max3A : f32 to vector<1250x128xf32>
    %max3A_19 = arith.maximumf %add3A_17, %max3A_18 : vector<1250x128xf32>
    %get3A_20 = arith.constant 0 : index
    %get3A_21 = arith.constant 0 : index
    %get3A_22 = vector.load %arg5[%get3A_20, %get3A_21] : memref<128x256xf32, #tpu.memory_space<vmem>>, vector<128x256xf32>
    %dot_general3A = arith.constant dense<0.000000e+00> : vector<1250x256xf32>
    %dot_general3A_23 = tpu.matmul %max3A_19, %get3A_22, %dot_general3A {dimension_numbers = #tpu.dot_dimension_numbers<[1], [0], [0], [1], [0, 0, 1, 1], [], []>, transpose_lhs_hint = false} : vector<1250x128xf32>, vector<128x256xf32>, vector<1250x256xf32> -> vector<1250x256xf32>
    %get3A_24 = arith.constant 0 : index
    %get3A_25 = arith.constant 0 : index
    %get3A_26 = vector.load %arg6[%get3A_24, %get3A_25] : memref<1x256xf32, #tpu.memory_space<vmem>>, vector<1x256xf32>
    %add3A_27 = vector.broadcast %get3A_26 : vector<1x256xf32> to vector<1250x256xf32>
    %add3A_28 = arith.addf %dot_general3A_23, %add3A_27 : vector<1250x256xf32>
    %slice3A_29 = vector.extract_strided_slice %add3A_28 {offsets = [0, 0], sizes = [1250, 64], strides = [1, 1]} : vector<1250x256xf32> to vector<1250x64xf32>
    %logistic3A = arith.negf %slice3A_29 : vector<1250x64xf32>
    %logistic3A_30 = math.exp %logistic3A : vector<1250x64xf32>
    %logistic3A_31 = arith.constant 1.000000e+00 : f32
    %logistic3A_32 = vector.broadcast %logistic3A_31 : f32 to vector<1250x64xf32>
    %logistic3A_33 = arith.addf %logistic3A_32, %logistic3A_30 : vector<1250x64xf32>
    %logistic3A_34 = arith.divf %logistic3A_32, %logistic3A_33 : vector<1250x64xf32>
    %slice3A_35 = vector.extract_strided_slice %add3A_28 {offsets = [0, 128], sizes = [1250, 64], strides = [1, 1]} : vector<1250x256xf32> to vector<1250x64xf32>
    %tanh3A = math.tanh %slice3A_35 : vector<1250x64xf32>
    %slice3A_36 = vector.extract_strided_slice %add3A_28 {offsets = [0, 192], sizes = [1250, 64], strides = [1, 1]} : vector<1250x256xf32> to vector<1250x64xf32>
    %logistic3A_37 = arith.negf %slice3A_36 : vector<1250x64xf32>
    %logistic3A_38 = math.exp %logistic3A_37 : vector<1250x64xf32>
    %logistic3A_39 = arith.constant 1.000000e+00 : f32
    %logistic3A_40 = vector.broadcast %logistic3A_39 : f32 to vector<1250x64xf32>
    %logistic3A_41 = arith.addf %logistic3A_40, %logistic3A_38 : vector<1250x64xf32>
    %logistic3A_42 = arith.divf %logistic3A_40, %logistic3A_41 : vector<1250x64xf32>
    %mul3A_43 = arith.mulf %logistic3A_34, %tanh3A : vector<1250x64xf32>
    %tanh3A_44 = math.tanh %mul3A_43 : vector<1250x64xf32>
    %mul3A_45 = arith.mulf %logistic3A_42, %tanh3A_44 : vector<1250x64xf32>
    %get3A_46 = arith.constant 0 : index
    %get3A_47 = arith.constant 0 : index
    %get3A_48 = vector.load %arg7[%get3A_46, %get3A_47] : memref<64x8xf32, #tpu.memory_space<vmem>>, vector<64x8xf32>
    %dot_general3A_49 = arith.constant dense<0.000000e+00> : vector<1250x8xf32>
    %dot_general3A_50 = tpu.matmul %mul3A_45, %get3A_48, %dot_general3A_49 {dimension_numbers = #tpu.dot_dimension_numbers<[1], [0], [0], [1], [0, 0, 1, 1], [], []>, transpose_lhs_hint = false} : vector<1250x64xf32>, vector<64x8xf32>, vector<1250x8xf32> -> vector<1250x8xf32>
    %get3A_51 = arith.constant 0 : index
    %get3A_52 = arith.constant 0 : index
    %get3A_53 = vector.load %arg8[%get3A_51, %get3A_52] : memref<1x1xf32, #tpu.memory_space<vmem>>, vector<1x1xf32>
    %add3A_54 = vector.broadcast %get3A_53 : vector<1x1xf32> to vector<1250x8xf32>
    %add3A_55 = arith.addf %dot_general3A_50, %add3A_54 : vector<1250x8xf32>
    %swap3A = arith.constant 0 : index
    %swap3A_56 = arith.constant 0 : index
    %swap3A_57 = vector.load %arg9[%swap3A, %swap3A_56] : memref<1250x8xf32, #tpu.memory_space<vmem>>, vector<1250x8xf32>
    tpu.vector_store %arg9[%swap3A, %swap3A_56], %add3A_55 {strides = array<i32>} : memref<1250x8xf32, #tpu.memory_space<vmem>>, vector<1250x8xf32>,
    return
  }
}

</mosaic_0001>

<sc_bundles>
// kernel: kernel.6.cloned.1.call-start
scs
__scs_entry_jumppad:
0x0: {  	(pc) =	sbr.rel $0x88, $3  }
0x1: {  	(tag) =	ssettag $0x0;
	lr =	simm.s32 $0x1  }
0x2: {  	[smem:$0x3F96] =	sst lr;
	_ =	strace $0xD0000000  }
0x3: {  	_ = 	snop  }
0x4: {  	_ = 	snop  }
0x5: {  	_ = 	snop  }
0x6: {  	_ = 	snop  }
0x7: {  	_ = 	snop  }
__scs_overlays_trampoline_lowered:
0x8: {  	[smem:$0x3FA5] =	sst s0  }
0x9: {  	[smem:$0x3FA6] =	sst s1  }
0xa: {  	[smem:$0x3FA7] =	sst s2  }
0xb: {  	[smem:$0x3FA8] =	sst s3  }
0xc: {  	[smem:$0x3FA9] =	sst s4  }
0xd: {  	[smem:$0x3FAA] =	sst s5  }
0xe: {  	[smem:$0x3FAB] =	sst s6  }
0xf: {  	[smem:$0x3FAC] =	sst s7  }
0x10: {  	[smem:$0x3FAD] =	sst s8  }
0x11: {  	[smem:$0x3FAE] =	sst s9;
	s0 =	simm.s32 @!p0 $0x0  }
0x12: {  	s1 =	sld [smem:$0x3F94];
	s0 =	simm.s32 @p0 $0x1  }
0x13: {  	[smem:$0x3FAF] =	sst s0;
	s0 =	simm.s32 @!p1 $0x0  }
0x14: {  	s2 =	sld [smem:$0x3F93];
	s0 =	simm.s32 @p1 $0x1  }
0x15: {  	[smem:$0x3FB0] =	sst s0;
	s0 =	simm.s32 @!p2 $0x0  }
0x16: {  	s3 =	sld [smem:$0x3FDB];
	s0 =	simm.s32 @p2 $0x1  }
0x17: {  	s4 =	simm.s32 $0x1BF5;
	[smem:$0x3FB2] =	sst s0  }
0x18: {  	s0 =	sld [smem:$0x3F95];
	_ =	swait.ge [sflag:s4], $0x0  }
0x19: {  	s7 =	sld [smem:$0x3F96]  }
0x1a: {  	s8 =	sadd.s32 $0xFFFFE003, lr  }
0x1b: {  	s9 =	sadd.s32 $0xFFFFFEF7, lr;
	s5 =	simm.s32 $0xFFFFFFFF;
	p2 =	slt.u32 s8, $0xFFFFF086  }
0x1c: {  	p1 =	slt.u32 s9, $0xF7A;
	s5 =	simm.s32 @!p2 $0x0  }
0x1d: {  	s5 =	simm.s32 @p1 $0x1;
	p0 =	seq.s32 s7, s2  }
0x1e: {  	s7 =	smul.u32 @!p0 $0xF7A, s2;
	p2 =	seq.s32 @!p0 s5, $0x0  }
0x1f: {  	s9 =	smul.u32 $0xF7A, s1;
	s8 =	simm.s32 @!p0 $0x1BF5;
	p2 =	por !p2, p0  }
0x20: {  	[sflag:s8] =	ssyncset.s32 @!p0 $0xFFFFF086;
	s6 =	sadd.s32 @!p0 s3, s7;
	s7 =	simm.s32 @!p0 $0x108  }
0x21: {  	s3 =	sadd.s32 s3, s9;
	s6 =	sadd.s32 @!p0 $0x88, s6;
	s7 =	simm.s32 @p2 $0x1082  }
0x22: {  	[simem:s7], [sflag:s8] =	dma.local @!p0 [hbm:s6], $0xF7A  }
0x23: {  	s9 =	sor.u32 $0xD0000000, s2;
	s6 =	simm.s32 $0x108;
	_ =	swait.ge @!p0 [sflag:s8], $0x0  }
0x24: {  	s3 =	sadd.s32 $0x88, s3;
	s6 =	simm.s32 @!p1 $0x1082;
	[sflag:s4] =	ssyncset.s32 $0xFFFFF086  }
0x25: {  	[simem:s6], [sflag:s4] =	dma.local [hbm:s3], $0xF7A  }
0x26: {  	[smem:$0x3F96] =	sst s1;
	(tag) =	ssettag s2;
	_ =	strace s9  }
0x27: {  	s1 =	sld [smem:$0x3FA6]  }
0x28: {  	s2 =	sld [smem:$0x3FA7]  }
0x29: {  	s4 =	sld [smem:$0x3FA9]  }
0x2a: {  	p0 =	seq.s32 s5, $0x0;
	s5 =	sld [smem:$0x3FAA]  }
0x2b: {  	s6 =	sld [smem:$0x3FAB]  }
0x2c: {  	s7 =	sld [smem:$0x3FAC]  }
0x2d: {  	s3 =	simm.s32 $0x108;
	s8 =	sld [smem:$0x3FAD]  }
0x2e: {  	s3 =	simm.s32 @!p0 $0x1082;
	s9 =	sld [smem:$0x3FAE]  }
0x2f: {  	lr =	sadd.s32 s0, s3;
	s0 =	sld [smem:$0x3FA5]  }
0x30: {  	s3 =	sld [smem:$0x3FA8]  }
0x31: {  	[smem:$0x3FB1] =	sst s10  }
0x32: {  	s10 =	sld [smem:$0x3FAF];
	_ =	sdelay $0x3  }
0x33: {  	p0 =	seq.s32 s10, $0x1;
	s10 =	sld [smem:$0x3FB1];
	_ =	sdelay $0x3  }
0x34: {  	[smem:$0x3FB1] =	sst s10  }
0x35: {  	s10 =	sld [smem:$0x3FB0];
	_ =	sdelay $0x3  }
0x36: {  	p1 =	seq.s32 s10, $0x1;
	s10 =	sld [smem:$0x3FB1];
	_ =	sdelay $0x3  }
0x37: {  	[smem:$0x3FB1] =	sst s10  }
0x38: {  	s10 =	sld [smem:$0x3FB2]  }
0x39: {  	_ = 	snop;
	(pc) =	sbr.ind lr, $3  }
0x3a: {  	_ = 	snop  }
0x3b: {  	_ = 	snop  }
0x3c: {  	p2 =	seq.s32 s10, $0x1;
	s10 =	sld [smem:$0x3FB1]  }
0x3d: {  	_ =	shalt  }
0x3e: {  	_ =	shalt  }
0x3f: {  	_ =	shalt  }
0x40: {  	_ =	shalt  }
0x41: {  	_ =	shalt  }
0x42: {  	_ =	shalt  }
0x43: {  	_ =	shalt  }
0x44: {  	_ =	shalt  }
0x45: {  	_ =	shalt  }
0x46: {  	_ =	shalt  }
0x47: {  	_ =	shalt  }
0x48: {  	_ =	shalt  }
0x49: {  	_ =	shalt  }
0x4a: {  	_ =	shalt  }
0x4b: {  	_ =	shalt  }
0x4c: {  	_ =	shalt  }
0x4d: {  	_ =	shalt  }
0x4e: {  	_ =	shalt  }
0x4f: {  	_ =	shalt  }
0x50: {  	_ =	shalt  }
0x51: {  	_ =	shalt  }
0x52: {  	_ =	shalt  }
0x53: {  	_ =	shalt  }
0x54: {  	_ =	shalt  }
0x55: {  	_ =	shalt  }
0x56: {  	_ =	shalt  }
0x57: {  	_ =	shalt  }
0x58: {  	_ =	shalt  }
0x59: {  	_ =	shalt  }
0x5a: {  	_ =	shalt  }
0x5b: {  	_ =	shalt  }
0x5c: {  	_ =	shalt  }
0x5d: {  	_ =	shalt  }
0x5e: {  	_ =	shalt  }
0x5f: {  	_ =	shalt  }
0x60: {  	_ =	shalt  }
0x61: {  	_ =	shalt  }
0x62: {  	_ =	shalt  }
0x63: {  	_ =	shalt  }
0x64: {  	_ =	shalt  }
0x65: {  	_ =	shalt  }
0x66: {  	_ =	shalt  }
0x67: {  	_ =	shalt  }
0x68: {  	_ =	shalt  }
0x69: {  	_ =	shalt  }
0x6a: {  	_ =	shalt  }
0x6b: {  	_ =	shalt  }
0x6c: {  	_ =	shalt  }
0x6d: {  	_ =	shalt  }
0x6e: {  	_ =	shalt  }
0x6f: {  	_ =	shalt  }
0x70: {  	_ =	shalt  }
0x71: {  	_ =	shalt  }
0x72: {  	_ =	shalt  }
0x73: {  	_ =	shalt  }
0x74: {  	_ =	shalt  }
0x75: {  	_ =	shalt  }
0x76: {  	_ =	shalt  }
0x77: {  	_ =	shalt  }
0x78: {  	_ =	shalt  }
0x79: {  	_ =	shalt  }
0x7a: {  	_ =	shalt  }
0x7b: {  	_ =	shalt  }
0x7c: {  	_ =	shalt  }
0x7d: {  	_ =	shalt  }
0x7e: {  	_ =	shalt  }
0x7f: {  	_ =	shalt  }
0x80: {  	_ =	shalt  }
0x81: {  	_ =	shalt  }
0x82: {  	_ =	shalt  }
0x83: {  	_ =	shalt  }
0x84: {  	_ =	shalt  }
0x85: {  	_ =	shalt  }
0x86: {  	_ =	shalt  }
0x87: {  	_ =	shalt  }
.Lfunc_end0:
.L_simem_size_0:
called_computation_lowered:
.L_overlay_start_0:
0x88: {  	s2 =	sld [smem:$0x3FD9]  }
0x89: {  	s3 =	sld [smem:$0x3FFE];
	_ =	sdelay $0x1  }
0x8a: {  	s1 =	srdreg.scid  }
0x8b: {  	s0 =	sand.u32 $0x1, s1  }
0x8c: {  	s17 =	sshll.u32 s0, $0xA;
	s2 =	sadd.s32 s3, s2  }
0x8d: {  	s2 =	sadd.s32 s2, s17  }
0x8e: {  	[smem:$0x3FBD] =	sst s2  }
0x8f: {  	_ = 	snop  }
0x90: {  	s2 =	sld [smem:$0x3FD0];
	(tm) =	ssettm $0x1  }
0x91: {  	s18 =	sld [smem:$0x3FFB];
	_ =	sdelay $0x3  }
0x92: {  	_ =	strace s18  }
0x93: {  	s3 =	sld [smem:$0x3FFC];
	_ =	sdelay $0x3  }
0x94: {  	_ =	strace s3  }
0x95: {  	s3 =	sld [smem:$0x3FFD];
	_ =	sdelay $0x3  }
0x96: {  	_ =	strace s3  }
0x97: {  	_ =	strace $0x8FFFFFFF  }
0x98: {  	s19 =	sld [smem:$0x3FDB];
	_ =	sdelay $0x1  }
0x99: {  	s4 =	simm.s32 $_scs_section_size  }
0x9a: {  	s5 =	simm.s32 $_size__tile_overlayer_lowered;
	s6 =	simm.s32 $_tile_overlayer_lowered  }
0x9b: {  	s22 =	simm.s32 $0x1BFF;
	s21 =	sshll.u32 s6, $0x1;
	s3 =	sadd.s32 s4, s19  }
0x9c: {  	s7 =	simm.s32 $0x0;
	s20 =	sshll.u32 s5, $0x1;
	s5 =	sadd.s32 s21, s3  }
0x9d: {  	[timem:s7], [sflag:s22] =	dma.local [hbm:s5], s20  }
0x9e: {  	_ =	swait.ge [sflag:s22], s20  }
0x9f: {  	s4 =	ssub.s32 $0x0, s20;
	[sflag:s22] =	ssyncset.done $0x0  }
0xa0: {  	[sflag:s22] =	ssyncadd.s32 s4;
	_ =	sdelay $0x1  }
0xa1: {  	s23 =	simm.s32 $0x1B8B  }
0xa2: {  	_ =	swait.ge [sflag:s23], $0x1  }
0xa3: {  	[sflag:s23] =	ssyncset.done $0x0  }
0xa4: {  	s25 =	simm.s32 $0x1B8E;
	s24 =	sld [smem:$0x3FFE];
	[sflag:s23] =	ssyncadd.s32 $0xFFFFFFFF  }
0xa5: {  	s26 =	simm.s32 $execute0_lowered;
	[smem:$0x3FD2] =	sst s25  }
0xa6: {  	s5 =	sshll.u32 s26, $0x1;
	_ =	strace $0x80000046;
	[dreg:$0x1] =	wrdreg $0xFFFFFFFF  }
0xa7: {  	s28 =	simm.s32 $_size_execute0_lowered;
	s3 =	sadd.s32 s3, s5;
	[dreg:$0x0] =	wrdreg $0x0  }
0xa8: {  	s5 =	sshll.u32 s28, $0x1;
	[dreg:$0x2] =	wrdreg s3  }
0xa9: {  	[dreg:$0x3] =	wrdreg s5  }
0xaa: {  	[dreg:$0x4] =	wrdreg $0xC0  }
0xab: {  	_ =	task [dreg:s7], $0x5FFFF  }
0xac: {  	[dreg:$0x1] =	wrdreg $0xFFFFFFFF  }
0xad: {  	[dreg:$0x0] =	wrdreg $0x60  }
0xae: {  	[dreg:$0x2] =	wrdreg s24  }
0xaf: {  	[dreg:$0x3] =	wrdreg s2  }
0xb0: {  	[dreg:$0x4] =	wrdreg $0x2B000  }
0xb1: {  	[dreg:$0x5] =	wrdreg $0x9  }
0xb2: {  	_ =	task.clear_ibuf [dreg:s7], $0x6FFFF;
	_ =	strace $0x90000046  }
0xb3: {  	s29 =	simm.s32 $0x9;
	_ =	strace $0x80000048  }
0xb4: {  	_ =	swait.ge [sflag:s29], $0x1  }
0xb5: {  	[sflag:s29] =	ssyncadd.s32 $0xFFFFFFFF  }
0xb6: {  	_ =	strace $0x90000048  }
0xb7: {  	_ =	sfence  }
0xb8: {  	s30 =	sld [smem:$0x0];
	_ =	sdelay $0x2  }
0xb9: {  	s31 =	sshll.u32 s1, $0xD;
	s1 =	sshrl.u32 s1, $0x2  }
0xba: {  	s3 =	sand.u32 $0x4000, s31;
	s1 =	sadd.s32 s1, s30  }
0xbb: {  	s0 =	sor.u32 s3, s0;
	s1 =	sshll.u32 s1, $0x11  }
0xbc: {  	s0 =	sor.u32 s1, s0  }
0xbd: {  	s0 =	sadd.s32 $0x8F2B, s0  }
0xbe: {  	[sflag:s0] =	ssyncadd.remote.s32 $0x1  }
0xbf: {  	_ =	sfence.sel $0xFFFF  }
0xc0: {  	[dreg:$0x0] =	wrdreg $0xFFFFFFFF;
	(pc) =	sbr.abs _section_cstart, $3  }
0xc1: {  	[dreg:$0x1] =	wrdreg $0xFFFFFFFF  }
0xc2: {  	_ =	task.clear_ibuf [dreg:s7], $0x2FFFF;
	_ =	strace $0x9FFFFFFF  }
0xc3: {  	(tm) =	ssettm $0x7FFFFFFF  }
tec
execute0_lowered:
.L_overlay_start_1:
0x0: {  	(tag) =	ssettag $0x1  }
0x1: {  	s4 =	rddreg [dreg:$0x0]  }
0x2: {  	s0 =	srdreg.scid;
	s7 =	rddreg [dreg:$0x1]  }
0x3: {  	s2 =	rddreg [dreg:$0x2];
	s1 =	stileid.u32  }
0x4: {  	s3 =	simm.s32 $0x0;
	s6 =	sand.u32 $0x1, s0;
	s0 =	rddreg [dreg:$0x3]  }
0x5: {  	s12 =	simm.s32 $0x0;
	[smem:$0x7FF] =	sst s3;
	s10 =	smul.u32 $0x280, s1  }
0x6: {  	s11 =	sadd.s32 $0x18000, s4;
	s5 =	sshll.u32 s6, $0x4;
	_ =	strace $0x80000047  }
0x7: {  	s8 =	ssub.s32 $0x2, s6;
	p0 =	seq.s32 s6, $0x1;
	s5 =	sor.u32 s1, s5  }
0x8: {  	s9 =	sshrl.u32 s8, $0x1;
	s31 =	sshrl.u32 s10, $0x3;
	s5 =	smul.u32 $0x2800, s5  }
0x9: {  	s7 =	smov.u32 @p0 s11;
	s11 =	simm.s32 $0x2800;
	s8 =	ssub.s32 s8, s9  }
0xa: {  	s7 =	sadd.s32 s7, s31;
	s9 =	simm.s32 $0x2880;
	s5 =	sshrl.u32 s5, $0x3  }
0xb: {  	s6 =	smax.u32 s8, $0x1;
	s8 =	simm.s32 $0x1;
	s4 =	sadd.s32 s4, s5  }
0xc: {  	v0 =	vimm.f32 $1.000000000e+00;
	v1 =	vimm.f32 $0.0e+00;
	s5 =	sadd.s32 s10, s2;
	s10 =	simm.s32 $0x80;
	s4 =	sadd.s32 $0xE000, s4  }
.LBB2_1:
0xd: {  	[tilespmem:s3], [sflag:$0x1] =	stream.linear.gather [hbm4b:s4+s3], $0x2800, $0x38;
	[tilespmem:$0x2D80] =	vst v63  }
0xe: {  	_ =	swait.ge [sflag:s8], $0x2800  }
0xf: {  	[sflag:s8] =	ssyncset.done $0x0  }
0x10: {  	[sflag:s8] =	ssyncadd.s32 $0xFFFFD800  }
0x11: {  	[tilespmem:$0x2800] =	vst v0  }
0x12: {  	[tilespmem:$0x2810] =	vst v0  }
0x13: {  	[tilespmem:$0x2820] =	vst v0  }
0x14: {  	[tilespmem:$0x2830] =	vst v0  }
0x15: {  	[tilespmem:$0x2840] =	vst v0  }
0x16: {  	[tilespmem:$0x2850] =	vst v0  }
0x17: {  	[tilespmem:$0x2860] =	vst v0  }
0x18: {  	[tilespmem:$0x2870] =	vst v0  }
0x19: {  	[tilespmem:$0x2880] =	vst v1  }
0x1a: {  	[tilespmem:$0x2890] =	vst v1  }
0x1b: {  	[tilespmem:$0x28A0] =	vst v1  }
0x1c: {  	[tilespmem:$0x28B0] =	vst v1  }
0x1d: {  	[tilespmem:$0x28C0] =	vst v1  }
0x1e: {  	[tilespmem:$0x28D0] =	vst v1  }
0x1f: {  	[tilespmem:$0x28E0] =	vst v1  }
0x20: {  	[tilespmem:$0x28F0] =	vst v1  }
0x21: {  	[tilespmem:$0x2900] =	vst v1  }
0x22: {  	[tilespmem:$0x2910] =	vst v1  }
0x23: {  	[tilespmem:$0x2920] =	vst v1  }
0x24: {  	[tilespmem:$0x2930] =	vst v1  }
0x25: {  	[tilespmem:$0x2940] =	vst v1  }
0x26: {  	[tilespmem:$0x2950] =	vst v1  }
0x27: {  	[tilespmem:$0x2960] =	vst v1  }
0x28: {  	[tilespmem:$0x2970] =	vst v1  }
0x29: {  	[tilespmem:$0x2980] =	vst v1  }
0x2a: {  	[tilespmem:$0x2990] =	vst v1  }
0x2b: {  	[tilespmem:$0x29A0] =	vst v1  }
0x2c: {  	[tilespmem:$0x29B0] =	vst v1  }
0x2d: {  	[tilespmem:$0x29C0] =	vst v1  }
0x2e: {  	[tilespmem:$0x29D0] =	vst v1  }
0x2f: {  	[tilespmem:$0x29E0] =	vst v1  }
0x30: {  	[tilespmem:$0x29F0] =	vst v1  }
0x31: {  	[tilespmem:$0x2A00] =	vst v1  }
0x32: {  	[tilespmem:$0x2A10] =	vst v1  }
0x33: {  	[tilespmem:$0x2A20] =	vst v1  }
0x34: {  	[tilespmem:$0x2A30] =	vst v1  }
0x35: {  	[tilespmem:$0x2A40] =	vst v1  }
0x36: {  	[tilespmem:$0x2A50] =	vst v1  }
0x37: {  	[tilespmem:$0x2A60] =	vst v1  }
0x38: {  	[tilespmem:$0x2A70] =	vst v1  }
0x39: {  	[tilespmem:$0x2A80] =	vst v1  }
0x3a: {  	[tilespmem:$0x2A90] =	vst v1  }
0x3b: {  	[tilespmem:$0x2AA0] =	vst v1  }
0x3c: {  	[tilespmem:$0x2AB0] =	vst v1  }
0x3d: {  	[tilespmem:$0x2AC0] =	vst v1  }
0x3e: {  	[tilespmem:$0x2AD0] =	vst v1  }
0x3f: {  	[tilespmem:$0x2AE0] =	vst v1  }
0x40: {  	[tilespmem:$0x2AF0] =	vst v1  }
0x41: {  	[spmem:s5] =	stream.linear.scatter [tilespmem:s9], [sflag:$0x1], $0x280, $0x38;
	[tilespmem:$0x2D80] =	vst v63  }
0x42: {  	_ =	swait.ge [sflag:s8], $0x280  }
0x43: {  	[sflag:s8] =	ssyncset.done $0x0  }
0x44: {  	[sflag:s8] =	ssyncadd.s32 $0xFFFFFD80  }
0x45: {  	s13 =	simm.s32 $0x0;
	[bflag:$0x0] =	sbarrier.arrive $0xFFFF  }
0x46: {  	[spmem:s2] =	stream.indirect.scatter.add.f32 [tilespmem:s11], [sflag:$0x1], $0x1, s13, s10, $0xb8;
	[tilespmem:$0x2D80] =	vst v63  }
0x47: {  	_ =	swait.ge [sflag:s8], $0x80  }
0x48: {  	s13 =	simm.s32 $0x200;
	[sflag:s8] =	ssyncset.done $0x0  }
.LBB2_2:
0x49: {  	s14 =	sshra.s32 s13, $0x2;
	[sflag:s8] =	ssyncadd.s32 $0xFFFFFF80;
	p0 =	sne.s32 s13, $0x9E00  }
0x4a: {  	[spmem:s2] =	stream.indirect.scatter.add.f32 [tilespmem:s11], [sflag:$0x1], $0x1, s14, s10, $0xb8;
	[tilespmem:$0x2D80] =	vst v63  }
.Ltmp0:
0x4b: {  	_ = 	snop;
	(pc) =	sbr.rel @p0 .LBB2_2-.Ltmp0, $4  }
0x4c: {  	_ = 	snop  }
0x4d: {  	s13 =	sadd.s32 $0x200, s13  }
0x4e: {  	_ =	swait.ge [sflag:s8], $0x80  }
0x4f: {  	[sflag:s8] =	ssyncset.done $0x0  }
0x50: {  	[sflag:s8] =	ssyncadd.s32 $0xFFFFFF80  }
0x51: {  	[bflag:$0x0] =	sbarrier.arrive $0xFFFF  }
0x52: {  	[tilespmem:s9], [sflag:$0x1] =	stream.linear.gather [spmem:s5], $0x280, $0x38;
	[tilespmem:$0x2D80] =	vst v63  }
0x53: {  	s12 =	sadd.s32 $0x1, s12;
	_ =	swait.ge [sflag:s8], $0x280  }
0x54: {  	p0 =	sne.s32 s12, s6;
	[sflag:s8] =	ssyncset.done $0x0  }
.Ltmp1:
0x55: {  	[sflag:s8] =	ssyncadd.s32 $0xFFFFFD80;
	(pc) =	sbr.rel @p0 .LBB2_1-.Ltmp1, $4  }
0x56: {  	[hbm4b:s7+s3] =	stream.linear.scatter [tilespmem:s9], [sflag:$0x1], $0x280, $0x38;
	[tilespmem:$0x2D80] =	vst v63  }
0x57: {  	_ =	swait.ge [sflag:s8], $0x280  }
0x58: {  	[sflag:s8] =	ssyncset.done $0x0  }
0x59: {  	[sflag:s8] =	ssyncadd.s32 $0xFFFFFD80  }
0x5a: {  	_ =	sfence.sel $0x180000  }
0x5b: {  	[bflag:$0x0] =	sbarrier.arrive $0xFFFF  }
0x5c: {  	p0 =	sne.s32 s1, $0x0;
	_ =	strace $0x90000047  }
0x5d: {  	s0 =	sadd.s32 @!p0 $0x100000, s0;
	[bflag:$0x2] =	sbarrier.arrive $0xFFFF  }
0x5e: {  	[sflag:s0] =	ssyncadd.tile.s32 @!p0 $0x1;
	_ =	shalt  }
.Lfunc_end2:
_tile_overlayer_lowered:
.L_overlay_start_2:
0x5f: {  	(tag) =	ssettag $0x2  }
0x60: {  	s0 =	rddreg [dreg:$0x0];
	s2 =	stileid.u32  }
0x61: {  	s1 =	rddreg [dreg:$0x1];
	p0 =	sne.s32 s2, $0x0  }
0x62: {  	s3 =	rddreg [dreg:$0x2];
	[bflag:$0x3] =	sbarrier.arrive $0xFFFF;
	s2 =	simm.s32 @!p0 $0x1C01  }
0x63: {  	[timem:s3], [sflag:s2] =	dma.local @!p0 [hbm:s0], s1  }
0x64: {  	s0 =	simm.s32 @!p0 $0x1  }
0x65: {  	_ =	swait.ge @!p0 [sflag:s0], s1  }
0x66: {  	s1 =	ssub.s32 @!p0 $0x0, s1;
	[sflag:s0] =	ssyncset.done @!p0 $0x0  }
0x67: {  	[sflag:s0] =	ssyncadd.s32 @!p0 s1  }
0x68: {  	[bflag:$0x3] =	sbarrier.arrive $0xFFFF  }
0x69: {  	_ =	shalt  }

// kernel: sc_msgpass_f16.3.cloned.1.call-start
scs
__scs_entry_jumppad:
0x0: {  	(pc) =	sbr.rel $0x88, $3  }
0x1: {  	(tag) =	ssettag $0x0;
	lr =	simm.s32 $0x1  }
0x2: {  	[smem:$0x3F96] =	sst lr;
	_ =	strace $0xD0000000  }
0x3: {  	_ = 	snop  }
0x4: {  	_ = 	snop  }
0x5: {  	_ = 	snop  }
0x6: {  	_ = 	snop  }
0x7: {  	_ = 	snop  }
__scs_overlays_trampoline_lowered:
0x8: {  	[smem:$0x3FA5] =	sst s0  }
0x9: {  	[smem:$0x3FA6] =	sst s1  }
0xa: {  	[smem:$0x3FA7] =	sst s2  }
0xb: {  	[smem:$0x3FA8] =	sst s3  }
0xc: {  	[smem:$0x3FA9] =	sst s4  }
0xd: {  	[smem:$0x3FAA] =	sst s5  }
0xe: {  	[smem:$0x3FAB] =	sst s6  }
0xf: {  	[smem:$0x3FAC] =	sst s7  }
0x10: {  	[smem:$0x3FAD] =	sst s8  }
0x11: {  	[smem:$0x3FAE] =	sst s9;
	s0 =	simm.s32 @!p0 $0x0  }
0x12: {  	s1 =	sld [smem:$0x3F94];
	s0 =	simm.s32 @p0 $0x1  }
0x13: {  	[smem:$0x3FAF] =	sst s0;
	s0 =	simm.s32 @!p1 $0x0  }
0x14: {  	s2 =	sld [smem:$0x3F93];
	s0 =	simm.s32 @p1 $0x1  }
0x15: {  	[smem:$0x3FB0] =	sst s0;
	s0 =	simm.s32 @!p2 $0x0  }
0x16: {  	s3 =	sld [smem:$0x3FDB];
	s0 =	simm.s32 @p2 $0x1  }
0x17: {  	s4 =	simm.s32 $0x1BF5;
	[smem:$0x3FB2] =	sst s0  }
0x18: {  	s0 =	sld [smem:$0x3F95];
	_ =	swait.ge [sflag:s4], $0x0  }
0x19: {  	s7 =	sld [smem:$0x3F96]  }
0x1a: {  	s8 =	sadd.s32 $0xFFFFE003, lr  }
0x1b: {  	s9 =	sadd.s32 $0xFFFFFEF7, lr;
	s5 =	simm.s32 $0xFFFFFFFF;
	p2 =	slt.u32 s8, $0xFFFFF086  }
0x1c: {  	p1 =	slt.u32 s9, $0xF7A;
	s5 =	simm.s32 @!p2 $0x0  }
0x1d: {  	s5 =	simm.s32 @p1 $0x1;
	p0 =	seq.s32 s7, s2  }
0x1e: {  	s7 =	smul.u32 @!p0 $0xF7A, s2;
	p2 =	seq.s32 @!p0 s5, $0x0  }
0x1f: {  	s9 =	smul.u32 $0xF7A, s1;
	s8 =	simm.s32 @!p0 $0x1BF5;
	p2 =	por !p2, p0  }
0x20: {  	[sflag:s8] =	ssyncset.s32 @!p0 $0xFFFFF086;
	s6 =	sadd.s32 @!p0 s3, s7;
	s7 =	simm.s32 @!p0 $0x108  }
0x21: {  	s3 =	sadd.s32 s3, s9;
	s6 =	sadd.s32 @!p0 $0x88, s6;
	s7 =	simm.s32 @p2 $0x1082  }
0x22: {  	[simem:s7], [sflag:s8] =	dma.local @!p0 [hbm:s6], $0xF7A  }
0x23: {  	s9 =	sor.u32 $0xD0000000, s2;
	s6 =	simm.s32 $0x108;
	_ =	swait.ge @!p0 [sflag:s8], $0x0  }
0x24: {  	s3 =	sadd.s32 $0x88, s3;
	s6 =	simm.s32 @!p1 $0x1082;
	[sflag:s4] =	ssyncset.s32 $0xFFFFF086  }
0x25: {  	[simem:s6], [sflag:s4] =	dma.local [hbm:s3], $0xF7A  }
0x26: {  	[smem:$0x3F96] =	sst s1;
	(tag) =	ssettag s2;
	_ =	strace s9  }
0x27: {  	s1 =	sld [smem:$0x3FA6]  }
0x28: {  	s2 =	sld [smem:$0x3FA7]  }
0x29: {  	s4 =	sld [smem:$0x3FA9]  }
0x2a: {  	p0 =	seq.s32 s5, $0x0;
	s5 =	sld [smem:$0x3FAA]  }
0x2b: {  	s6 =	sld [smem:$0x3FAB]  }
0x2c: {  	s7 =	sld [smem:$0x3FAC]  }
0x2d: {  	s3 =	simm.s32 $0x108;
	s8 =	sld [smem:$0x3FAD]  }
0x2e: {  	s3 =	simm.s32 @!p0 $0x1082;
	s9 =	sld [smem:$0x3FAE]  }
0x2f: {  	lr =	sadd.s32 s0, s3;
	s0 =	sld [smem:$0x3FA5]  }
0x30: {  	s3 =	sld [smem:$0x3FA8]  }
0x31: {  	[smem:$0x3FB1] =	sst s10  }
0x32: {  	s10 =	sld [smem:$0x3FAF];
	_ =	sdelay $0x3  }
0x33: {  	p0 =	seq.s32 s10, $0x1;
	s10 =	sld [smem:$0x3FB1];
	_ =	sdelay $0x3  }
0x34: {  	[smem:$0x3FB1] =	sst s10  }
0x35: {  	s10 =	sld [smem:$0x3FB0];
	_ =	sdelay $0x3  }
0x36: {  	p1 =	seq.s32 s10, $0x1;
	s10 =	sld [smem:$0x3FB1];
	_ =	sdelay $0x3  }
0x37: {  	[smem:$0x3FB1] =	sst s10  }
0x38: {  	s10 =	sld [smem:$0x3FB2]  }
0x39: {  	_ = 	snop;
	(pc) =	sbr.ind lr, $3  }
0x3a: {  	_ = 	snop  }
0x3b: {  	_ = 	snop  }
0x3c: {  	p2 =	seq.s32 s10, $0x1;
	s10 =	sld [smem:$0x3FB1]  }
0x3d: {  	_ =	shalt  }
0x3e: {  	_ =	shalt  }
0x3f: {  	_ =	shalt  }
0x40: {  	_ =	shalt  }
0x41: {  	_ =	shalt  }
0x42: {  	_ =	shalt  }
0x43: {  	_ =	shalt  }
0x44: {  	_ =	shalt  }
0x45: {  	_ =	shalt  }
0x46: {  	_ =	shalt  }
0x47: {  	_ =	shalt  }
0x48: {  	_ =	shalt  }
0x49: {  	_ =	shalt  }
0x4a: {  	_ =	shalt  }
0x4b: {  	_ =	shalt  }
0x4c: {  	_ =	shalt  }
0x4d: {  	_ =	shalt  }
0x4e: {  	_ =	shalt  }
0x4f: {  	_ =	shalt  }
0x50: {  	_ =	shalt  }
0x51: {  	_ =	shalt  }
0x52: {  	_ =	shalt  }
0x53: {  	_ =	shalt  }
0x54: {  	_ =	shalt  }
0x55: {  	_ =	shalt  }
0x56: {  	_ =	shalt  }
0x57: {  	_ =	shalt  }
0x58: {  	_ =	shalt  }
0x59: {  	_ =	shalt  }
0x5a: {  	_ =	shalt  }
0x5b: {  	_ =	shalt  }
0x5c: {  	_ =	shalt  }
0x5d: {  	_ =	shalt  }
0x5e: {  	_ =	shalt  }
0x5f: {  	_ =	shalt  }
0x60: {  	_ =	shalt  }
0x61: {  	_ =	shalt  }
0x62: {  	_ =	shalt  }
0x63: {  	_ =	shalt  }
0x64: {  	_ =	shalt  }
0x65: {  	_ =	shalt  }
0x66: {  	_ =	shalt  }
0x67: {  	_ =	shalt  }
0x68: {  	_ =	shalt  }
0x69: {  	_ =	shalt  }
0x6a: {  	_ =	shalt  }
0x6b: {  	_ =	shalt  }
0x6c: {  	_ =	shalt  }
0x6d: {  	_ =	shalt  }
0x6e: {  	_ =	shalt  }
0x6f: {  	_ =	shalt  }
0x70: {  	_ =	shalt  }
0x71: {  	_ =	shalt  }
0x72: {  	_ =	shalt  }
0x73: {  	_ =	shalt  }
0x74: {  	_ =	shalt  }
0x75: {  	_ =	shalt  }
0x76: {  	_ =	shalt  }
0x77: {  	_ =	shalt  }
0x78: {  	_ =	shalt  }
0x79: {  	_ =	shalt  }
0x7a: {  	_ =	shalt  }
0x7b: {  	_ =	shalt  }
0x7c: {  	_ =	shalt  }
0x7d: {  	_ =	shalt  }
0x7e: {  	_ =	shalt  }
0x7f: {  	_ =	shalt  }
0x80: {  	_ =	shalt  }
0x81: {  	_ =	shalt  }
0x82: {  	_ =	shalt  }
0x83: {  	_ =	shalt  }
0x84: {  	_ =	shalt  }
0x85: {  	_ =	shalt  }
0x86: {  	_ =	shalt  }
0x87: {  	_ =	shalt  }
.Lfunc_end0:
.L_simem_size_0:
called_computation.2_lowered:
.L_overlay_start_0:
0x88: {  	s2 =	sld [smem:$0x3FD9]  }
0x89: {  	s3 =	sld [smem:$0x3FFE];
	_ =	sdelay $0x1  }
0x8a: {  	s1 =	srdreg.scid  }
0x8b: {  	s0 =	sand.u32 $0x1, s1  }
0x8c: {  	s16 =	sshll.u32 s0, $0xA;
	s2 =	sadd.s32 s3, s2  }
0x8d: {  	s2 =	sadd.s32 s2, s16  }
0x8e: {  	[smem:$0x3FBD] =	sst s2  }
0x8f: {  	_ = 	snop  }
0x90: {  	(tm) =	ssettm $0x1  }
0x91: {  	s17 =	sld [smem:$0x3FFB];
	_ =	sdelay $0x3  }
0x92: {  	_ =	strace s17  }
0x93: {  	s2 =	sld [smem:$0x3FFC];
	_ =	sdelay $0x3  }
0x94: {  	_ =	strace s2  }
0x95: {  	s2 =	sld [smem:$0x3FFD];
	_ =	sdelay $0x3  }
0x96: {  	_ =	strace s2  }
0x97: {  	_ =	strace $0x8FFFFFFF  }
0x98: {  	s18 =	sld [smem:$0x3FDB];
	_ =	sdelay $0x1  }
0x99: {  	s19 =	simm.s32 $_scs_section_size  }
0x9a: {  	s4 =	simm.s32 $_size__tile_overlayer_lowered;
	s5 =	simm.s32 $_tile_overlayer_lowered  }
0x9b: {  	s22 =	simm.s32 $0x1BFF;
	s21 =	sshll.u32 s5, $0x1;
	s2 =	sadd.s32 s19, s18  }
0x9c: {  	s6 =	simm.s32 $0x0;
	s20 =	sshll.u32 s4, $0x1;
	s4 =	sadd.s32 s21, s2  }
0x9d: {  	[timem:s6], [sflag:s22] =	dma.local [hbm:s4], s20  }
0x9e: {  	_ =	swait.ge [sflag:s22], s20  }
0x9f: {  	s3 =	ssub.s32 $0x0, s20;
	[sflag:s22] =	ssyncset.done $0x0  }
0xa0: {  	[sflag:s22] =	ssyncadd.s32 s3;
	_ =	sdelay $0x1  }
0xa1: {  	s23 =	simm.s32 $0x1B8B  }
0xa2: {  	_ =	swait.ge [sflag:s23], $0x1  }
0xa3: {  	[sflag:s23] =	ssyncset.done $0x0  }
0xa4: {  	s25 =	simm.s32 $0x1B8E;
	s24 =	sld [smem:$0x3FFE];
	[sflag:s23] =	ssyncadd.s32 $0xFFFFFFFF  }
0xa5: {  	s26 =	simm.s32 $execute0_lowered;
	[smem:$0x3FD2] =	sst s25  }
0xa6: {  	s4 =	sshll.u32 s26, $0x1;
	_ =	strace $0x8000004C;
	[dreg:$0x1] =	wrdreg $0xFFFFFFFF  }
0xa7: {  	s28 =	simm.s32 $_size_execute0_lowered;
	s2 =	sadd.s32 s2, s4;
	[dreg:$0x0] =	wrdreg $0x0  }
0xa8: {  	s4 =	sshll.u32 s28, $0x1;
	[dreg:$0x2] =	wrdreg s2  }
0xa9: {  	[dreg:$0x3] =	wrdreg s4  }
0xaa: {  	[dreg:$0x4] =	wrdreg $0xC0  }
0xab: {  	_ =	task [dreg:s6], $0x5FFFF  }
0xac: {  	[dreg:$0x1] =	wrdreg $0xFFFFFFFF  }
0xad: {  	[dreg:$0x0] =	wrdreg $0x60  }
0xae: {  	[dreg:$0x2] =	wrdreg s24  }
0xaf: {  	[dreg:$0x3] =	wrdreg $0xF8000  }
0xb0: {  	[dreg:$0x4] =	wrdreg $0x9  }
0xb1: {  	_ =	task.clear_ibuf [dreg:s6], $0x5FFFF;
	_ =	strace $0x9000004C  }
0xb2: {  	s29 =	simm.s32 $0x9;
	_ =	strace $0x8000004E  }
0xb3: {  	_ =	swait.ge [sflag:s29], $0x1  }
0xb4: {  	[sflag:s29] =	ssyncadd.s32 $0xFFFFFFFF  }
0xb5: {  	_ =	strace $0x9000004E  }
0xb6: {  	_ =	sfence  }
0xb7: {  	s30 =	sld [smem:$0x0];
	_ =	sdelay $0x2  }
0xb8: {  	s31 =	sshll.u32 s1, $0xD;
	s1 =	sshrl.u32 s1, $0x2  }
0xb9: {  	s3 =	sand.u32 $0x4000, s31;
	s1 =	sadd.s32 s1, s30  }
0xba: {  	s0 =	sor.u32 s3, s0;
	s1 =	sshll.u32 s1, $0x11  }
0xbb: {  	s0 =	sor.u32 s1, s0  }
0xbc: {  	s0 =	sadd.s32 $0x8F2B, s0  }
0xbd: {  	[sflag:s0] =	ssyncadd.remote.s32 $0x1  }
0xbe: {  	_ =	sfence.sel $0xFFFF  }
0xbf: {  	[dreg:$0x0] =	wrdreg $0xFFFFFFFF;
	(pc) =	sbr.abs _section_cstart, $3  }
0xc0: {  	[dreg:$0x1] =	wrdreg $0xFFFFFFFF  }
0xc1: {  	_ =	task.clear_ibuf [dreg:s6], $0x2FFFF;
	_ =	strace $0x9FFFFFFF  }
0xc2: {  	(tm) =	ssettm $0x7FFFFFFF  }
0xc3: {  	_ =	shalt  }
tec
execute0_lowered:
.L_overlay_start_1:
0x0: {  	(tag) =	ssettag $0x1  }
0x1: {  	s0 =	srdreg.scid  }
0x2: {  	s1 =	rddreg [dreg:$0x0];
	s7 =	stileid.u32  }
0x3: {  	s2 =	rddreg [dreg:$0x1];
	s11 =	simm.s32 $0x0;
	s10 =	simm.s32 $0x11  }
0x4: {  	s28 =	simm.s32 $0xD000;
	s13 =	simm.s32 $0x80;
	s31 =	simm.s32 $0x5000  }
0x5: {  	s30 =	simm.s32 $0x5800;
	s29 =	simm.s32 $0x6000;
	s18 =	simm.s32 $0x6800  }
0x6: {  	s20 =	simm.s32 $0x1;
	s22 =	simm.s32 $0x2;
	s8 =	simm.s32 $0x6  }
0x7: {  	s9 =	simm.s32 $0x7;
	s12 =	simm.s32 $0x9;
	s14 =	simm.s32 $0xB  }
0x8: {  	s15 =	simm.s32 $0xC;
	s17 =	simm.s32 $0xD;
	s19 =	simm.s32 $0xE  }
0x9: {  	s21 =	simm.s32 $0xF;
	s0 =	sand.u32 $0x1, s0;
	[smem:$0x7FF] =	sst s11  }
0xa: {  	s4 =	sadd.s32 $0x18000, s1;
	s23 =	smul.u32 $0x2800, s7;
	s3 =	sshll.u32 s0, $0x4  }
0xb: {  	s5 =	ssub.s32 $0x2, s0;
	_ =	strace $0x8000004D;
	p0 =	seq.s32 s0, $0x1  }
0xc: {  	s0 =	simm.s32 $0x22000;
	s3 =	sor.u32 s7, s3;
	s6 =	sshrl.u32 s5, $0x1  }
0xd: {  	s0 =	simm.s32 @!p0 $0x1D000;
	s16 =	sadd.s32 s23, s2;
	s25 =	sshrl.u32 s23, $0x3  }
0xe: {  	s7 =	simm.s32 $0xA;
	s3 =	smul.u32 $0x2800, s3;
	s5 =	ssub.s32 s5, s6  }
0xf: {  	s0 =	sadd.s32 s0, s1;
	s6 =	simm.s32 $0x5;
	[dreg:$0x5] =	wrdreg s16  }
0x10: {  	s26 =	smax.u32 s5, $0x1;
	s0 =	sadd.s32 s0, s25;
	s3 =	sshrl.u32 s3, $0x3  }
0x11: {  	s5 =	simm.s32 $0x4;
	[dreg:$0x6] =	wrdreg s26;
	s3 =	sadd.s32 s3, s1  }
0x12: {  	[dreg:$0x7] =	wrdreg s0;
	s26 =	simm.s32 $0x10;
	s24 =	sadd.s32 $0x4000, s3  }
0x13: {  	s1 =	simm.s32 $0x0;
	s3 =	sadd.s32 $0xE000, s3;
	[dreg:$0x3] =	wrdreg s24  }
0x14: {  	v0 =	vimm.f32 $0.0e+00;
	[dreg:$0x4] =	wrdreg s3;
	s24 =	simm.s32 $0x3;
	s3 =	simm.s32 $0x8  }
.LBB2_1:
0x15: {  	[dreg:$0x8] =	wrdreg s1  }
0x16: {  	s0 =	rddreg [dreg:$0x3]  }
0x17: {  	[tilespmem:s11], [sflag:$0x11] =	stream.linear.gather [hbm4b:s0+s11], $0x2800, $0x38;
	[tilespmem:$0x12000] =	vst v63  }
0x18: {  	_ =	swait.ge [sflag:s10], $0x2800  }
0x19: {  	[sflag:s10] =	ssyncset.done $0x0  }
0x1a: {  	s25 =	simm.s32 $0x2800;
	s23 =	rddreg [dreg:$0x4];
	[sflag:s10] =	ssyncadd.s32 $0xFFFFD800  }
0x1b: {  	[tilespmem:s25], [sflag:$0x11] =	stream.linear.gather [hbm4b:s23+s11], $0x2800, $0x38;
	[tilespmem:$0x12000] =	vst v63  }
0x1c: {  	_ =	swait.ge [sflag:s10], $0x2800  }
0x1d: {  	[sflag:s10] =	ssyncset.done $0x0  }
0x1e: {  	s23 =	simm.s32 $0x40;
	s25 =	simm.s32 $0x0;
	[sflag:s10] =	ssyncadd.s32 $0xFFFFD800  }
.LBB2_2:
0x1f: {  	p0 =	sne.s32 s23, $0x9FC0;
	[tilespmem:s25+$0xD000] =	vst v0;
	s25 =	smov.u32 s23;
	s23 =	sadd.s32 $0x40, s23  }
.Ltmp0:
0x20: {  	(pc) =	sbr.rel @p0 .LBB2_2-.Ltmp0, $2  }
0x21: {  	_ =	sdelay $0x2  }
0x22: {  	s25 =	sshra.s32 s25, $0x2  }
0x23: {  	[tilespmem:s25+$0xD000] =	vst v0  }
0x24: {  	[spmem:s16] =	stream.linear.scatter [tilespmem:s28], [sflag:$0x11], $0x2800, $0x38;
	[tilespmem:$0x12000] =	vst v63  }
0x25: {  	_ =	swait.ge [sflag:s10], $0x2800  }
0x26: {  	[sflag:s10] =	ssyncset.done $0x0  }
0x27: {  	[sflag:s10] =	ssyncadd.s32 $0xFFFFD800  }
0x28: {  	s23 =	simm.s32 $0x0;
	[bflag:$0x0] =	sbarrier.arrive $0xFFFF  }
0x29: {  	[tilespmem:s31], [sflag:$0x1] =	stream.indirect.gather [hbm4b:s4+s13], $0x10, s23, s13, $0xb8;
	[tilespmem:$0x12000] =	vst v63  }
0x2a: {  	_ = 	snop  }
0x2b: {  	[tilespmem:s30], [sflag:$0x2] =	stream.indirect.gather [hbm4b:s4+s13], $0x10, s13, s13, $0xb8;
	[tilespmem:$0x12000] =	vst v63  }
0x2c: {  	s0 =	simm.s32 $0x100  }
0x2d: {  	[tilespmem:s29], [sflag:$0x3] =	stream.indirect.gather [hbm4b:s4+s13], $0x10, s0, s13, $0xb8;
	[tilespmem:$0x12000] =	vst v63  }
0x2e: {  	s1 =	simm.s32 $0x180  }
0x2f: {  	[tilespmem:s18], [sflag:$0x4] =	stream.indirect.gather [hbm4b:s4+s13], $0x10, s1, s13, $0xb8;
	[tilespmem:$0x12000] =	vst v63  }
0x30: {  	s11 =	simm.s32 $0x200;
	s1 =	simm.s32 $0x7000  }
0x31: {  	[tilespmem:s1], [sflag:$0x5] =	stream.indirect.gather [hbm4b:s4+s13], $0x10, s11, s13, $0xb8;
	[tilespmem:$0x12000] =	vst v63  }
0x32: {  	s16 =	simm.s32 $0x280;
	s11 =	simm.s32 $0x7800  }
0x33: {  	[tilespmem:s11], [sflag:$0x6] =	stream.indirect.gather [hbm4b:s4+s13], $0x10, s16, s13, $0xb8;
	[tilespmem:$0x12000] =	vst v63  }
0x34: {  	s18 =	simm.s32 $0x300;
	s16 =	simm.s32 $0x8000  }
0x35: {  	[tilespmem:s16], [sflag:$0x7] =	stream.indirect.gather [hbm4b:s4+s13], $0x10, s18, s13, $0xb8;
	[tilespmem:$0x12000] =	vst v63  }
0x36: {  	s25 =	simm.s32 $0x8800;
	s23 =	simm.s32 $0x380  }
0x37: {  	[tilespmem:s25], [sflag:$0x8] =	stream.indirect.gather [hbm4b:s4+s13], $0x10, s23, s13, $0xb8;
	[tilespmem:$0x12000] =	vst v63  }
0x38: {  	s0 =	simm.s32 $0x400;
	s18 =	simm.s32 $0x9000  }
0x39: {  	[tilespmem:s18], [sflag:$0x9] =	stream.indirect.gather [hbm4b:s4+s13], $0x10, s0, s13, $0xb8;
	[tilespmem:$0x12000] =	vst v63  }
0x3a: {  	s23 =	simm.s32 $0x480;
	s0 =	simm.s32 $0x9800  }
0x3b: {  	[tilespmem:s0], [sflag:$0xA] =	stream.indirect.gather [hbm4b:s4+s13], $0x10, s23, s13, $0xb8;
	[tilespmem:$0x12000] =	vst v63  }
0x3c: {  	s23 =	simm.s32 $0x500;
	s0 =	simm.s32 $0xA000  }
0x3d: {  	[tilespmem:s0], [sflag:$0xB] =	stream.indirect.gather [hbm4b:s4+s13], $0x10, s23, s13, $0xb8;
	[tilespmem:$0x12000] =	vst v63  }
0x3e: {  	s23 =	simm.s32 $0x580;
	s0 =	simm.s32 $0xA800  }
0x3f: {  	[tilespmem:s0], [sflag:$0xC] =	stream.indirect.gather [hbm4b:s4+s13], $0x10, s23, s13, $0xb8;
	[tilespmem:$0x12000] =	vst v63  }
0x40: {  	s23 =	simm.s32 $0x600;
	s0 =	simm.s32 $0xB000  }
0x41: {  	[tilespmem:s0], [sflag:$0xD] =	stream.indirect.gather [hbm4b:s4+s13], $0x10, s23, s13, $0xb8;
	[tilespmem:$0x12000] =	vst v63  }
0x42: {  	s23 =	simm.s32 $0x680;
	s0 =	simm.s32 $0xB800  }
0x43: {  	[tilespmem:s0], [sflag:$0xE] =	stream.indirect.gather [hbm4b:s4+s13], $0x10, s23, s13, $0xb8;
	[tilespmem:$0x12000] =	vst v63  }
0x44: {  	s23 =	simm.s32 $0x700;
	s0 =	simm.s32 $0xC000  }
0x45: {  	[tilespmem:s0], [sflag:$0xF] =	stream.indirect.gather [hbm4b:s4+s13], $0x10, s23, s13, $0xb8;
	[tilespmem:$0x12000] =	vst v63  }
0x46: {  	s23 =	simm.s32 $0x780;
	s0 =	simm.s32 $0xC800  }
0x47: {  	[tilespmem:s0], [sflag:$0x10] =	stream.indirect.gather [hbm4b:s4+s13], $0x10, s23, s13, $0xb8;
	[tilespmem:$0x12000] =	vst v63  }
0x48: {  	_ =	swait.ge [sflag:s20], $0x800  }
0x49: {  	[sflag:s20] =	ssyncset.done $0x0  }
0x4a: {  	[sflag:s20] =	ssyncadd.s32 $0xFFFFF800;
	s20 =	simm.s32 $0x2800  }
0x4b: {  	[spmem:s2] =	stream.indirect.scatter.add.f32 [tilespmem:s31], [sflag:$0x11], $0x10, s20, s13, $0xb8;
	[tilespmem:$0x12000] =	vst v63  }
0x4c: {  	_ =	swait.ge [sflag:s10], $0x800  }
0x4d: {  	[sflag:s10] =	ssyncset.done $0x0  }
0x4e: {  	[sflag:s10] =	ssyncadd.s32 $0xFFFFF800  }
0x4f: {  	_ =	swait.ge [sflag:s22], $0x800  }
0x50: {  	[sflag:s22] =	ssyncset.done $0x0  }
0x51: {  	[sflag:s22] =	ssyncadd.s32 $0xFFFFF800;
	s22 =	simm.s32 $0x2880  }
0x52: {  	[spmem:s2] =	stream.indirect.scatter.add.f32 [tilespmem:s30], [sflag:$0x11], $0x10, s22, s13, $0xb8;
	[tilespmem:$0x12000] =	vst v63  }
0x53: {  	_ =	swait.ge [sflag:s10], $0x800  }
0x54: {  	[sflag:s10] =	ssyncset.done $0x0  }
0x55: {  	[sflag:s10] =	ssyncadd.s32 $0xFFFFF800  }
0x56: {  	_ =	swait.ge [sflag:s24], $0x800  }
0x57: {  	[sflag:s24] =	ssyncset.done $0x0  }
0x58: {  	s20 =	simm.s32 $0x2900;
	[sflag:s24] =	ssyncadd.s32 $0xFFFFF800  }
0x59: {  	[spmem:s2] =	stream.indirect.scatter.add.f32 [tilespmem:s29], [sflag:$0x11], $0x10, s20, s13, $0xb8;
	[tilespmem:$0x12000] =	vst v63  }
0x5a: {  	_ =	swait.ge [sflag:s10], $0x800  }
0x5b: {  	[sflag:s10] =	ssyncset.done $0x0  }
0x5c: {  	[sflag:s10] =	ssyncadd.s32 $0xFFFFF800  }
0x5d: {  	_ =	swait.ge [sflag:s5], $0x800  }
0x5e: {  	[sflag:s5] =	ssyncset.done $0x0  }
0x5f: {  	s28 =	simm.s32 $0x6800;
	s22 =	simm.s32 $0x2980;
	[sflag:s5] =	ssyncadd.s32 $0xFFFFF800  }
0x60: {  	[spmem:s2] =	stream.indirect.scatter.add.f32 [tilespmem:s28], [sflag:$0x11], $0x10, s22, s13, $0xb8;
	[tilespmem:$0x12000] =	vst v63  }
0x61: {  	_ =	swait.ge [sflag:s10], $0x800  }
0x62: {  	[sflag:s10] =	ssyncset.done $0x0  }
0x63: {  	[sflag:s10] =	ssyncadd.s32 $0xFFFFF800  }
0x64: {  	_ =	swait.ge [sflag:s6], $0x800  }
0x65: {  	[sflag:s6] =	ssyncset.done $0x0  }
0x66: {  	s24 =	simm.s32 $0x2A00;
	[sflag:s6] =	ssyncadd.s32 $0xFFFFF800  }
0x67: {  	[spmem:s2] =	stream.indirect.scatter.add.f32 [tilespmem:s1], [sflag:$0x11], $0x10, s24, s13, $0xb8;
	[tilespmem:$0x12000] =	vst v63  }
0x68: {  	_ =	swait.ge [sflag:s10], $0x800  }
0x69: {  	[sflag:s10] =	ssyncset.done $0x0  }
0x6a: {  	[sflag:s10] =	ssyncadd.s32 $0xFFFFF800  }
0x6b: {  	_ =	swait.ge [sflag:s8], $0x800  }
0x6c: {  	[sflag:s8] =	ssyncset.done $0x0  }
0x6d: {  	s29 =	simm.s32 $0x2A80;
	[sflag:s8] =	ssyncadd.s32 $0xFFFFF800  }
0x6e: {  	[spmem:s2] =	stream.indirect.scatter.add.f32 [tilespmem:s11], [sflag:$0x11], $0x10, s29, s13, $0xb8;
	[tilespmem:$0x12000] =	vst v63  }
0x6f: {  	_ =	swait.ge [sflag:s10], $0x800  }
0x70: {  	[sflag:s10] =	ssyncset.done $0x0  }
0x71: {  	[sflag:s10] =	ssyncadd.s32 $0xFFFFF800  }
0x72: {  	_ =	swait.ge [sflag:s9], $0x800  }
0x73: {  	[sflag:s9] =	ssyncset.done $0x0  }
0x74: {  	s30 =	simm.s32 $0x2B00;
	[sflag:s9] =	ssyncadd.s32 $0xFFFFF800  }
0x75: {  	[spmem:s2] =	stream.indirect.scatter.add.f32 [tilespmem:s16], [sflag:$0x11], $0x10, s30, s13, $0xb8;
	[tilespmem:$0x12000] =	vst v63  }
0x76: {  	_ =	swait.ge [sflag:s10], $0x800  }
0x77: {  	[sflag:s10] =	ssyncset.done $0x0  }
0x78: {  	[sflag:s10] =	ssyncadd.s32 $0xFFFFF800  }
0x79: {  	_ =	swait.ge [sflag:s3], $0x800  }
0x7a: {  	[sflag:s3] =	ssyncset.done $0x0  }
0x7b: {  	s5 =	simm.s32 $0x2B80;
	[sflag:s3] =	ssyncadd.s32 $0xFFFFF800  }
0x7c: {  	[spmem:s2] =	stream.indirect.scatter.add.f32 [tilespmem:s25], [sflag:$0x11], $0x10, s5, s13, $0xb8;
	[tilespmem:$0x12000] =	vst v63  }
0x7d: {  	p0 =	por $0x0, $0x0;
	_ =	swait.ge [sflag:s10], $0x800  }
0x7e: {  	s23 =	simm.s32 @!p0 $0x5000;
	[sflag:s10] =	ssyncset.done $0x0  }
0x7f: {  	s28 =	simm.s32 @!p0 $0x80;
	s25 =	simm.s32 @!p0 $0x800;
	[sflag:s10] =	ssyncadd.s32 $0xFFFFF800  }
0x80: {  	[tilespmem:s23], [sflag:$0x1] =	stream.indirect.gather @!p0 [hbm4b:s4+s28], $0x10, s25, s28, $0xb8;
	[tilespmem:$0x12000] =	vst v63  }
0x81: {  	s23 =	simm.s32 @!p0 $0x880;
	s25 =	simm.s32 @!p0 $0x5800  }
0x82: {  	[tilespmem:s25], [sflag:$0x2] =	stream.indirect.gather @!p0 [hbm4b:s4+s28], $0x10, s23, s28, $0xb8;
	[tilespmem:$0x12000] =	vst v63  }
0x83: {  	s23 =	simm.s32 @!p0 $0x900;
	s25 =	simm.s32 @!p0 $0x6000  }
0x84: {  	[tilespmem:s25], [sflag:$0x3] =	stream.indirect.gather @!p0 [hbm4b:s4+s28], $0x10, s23, s28, $0xb8;
	[tilespmem:$0x12000] =	vst v63  }
0x85: {  	s23 =	simm.s32 @!p0 $0x980;
	s25 =	simm.s32 @!p0 $0x6800  }
0x86: {  	[tilespmem:s25], [sflag:$0x4] =	stream.indirect.gather @!p0 [hbm4b:s4+s28], $0x10, s23, s28, $0xb8;
	[tilespmem:$0x12000] =	vst v63  }
0x87: {  	s23 =	simm.s32 @!p0 $0xA00;
	s25 =	simm.s32 @!p0 $0x7000  }
0x88: {  	[tilespmem:s25], [sflag:$0x5] =	stream.indirect.gather @!p0 [hbm4b:s4+s28], $0x10, s23, s28, $0xb8;
	[tilespmem:$0x12000] =	vst v63  }
0x89: {  	s23 =	simm.s32 @!p0 $0xA80;
	s25 =	simm.s32 @!p0 $0x7800  }
0x8a: {  	[tilespmem:s25], [sflag:$0x6] =	stream.indirect.gather @!p0 [hbm4b:s4+s28], $0x10, s23, s28, $0xb8;
	[tilespmem:$0x12000] =	vst v63  }
0x8b: {  	s23 =	simm.s32 @!p0 $0xB00;
	s25 =	simm.s32 @!p0 $0x8000  }
0x8c: {  	[tilespmem:s25], [sflag:$0x7] =	stream.indirect.gather @!p0 [hbm4b:s4+s28], $0x10, s23, s28, $0xb8;
	[tilespmem:$0x12000] =	vst v63  }
0x8d: {  	s23 =	simm.s32 @!p0 $0xB80;
	s25 =	simm.s32 @!p0 $0x8800  }
0x8e: {  	[tilespmem:s25], [sflag:$0x8] =	stream.indirect.gather @!p0 [hbm4b:s4+s28], $0x10, s23, s28, $0xb8;
	[tilespmem:$0x12000] =	vst v63  }
0x8f: {  	_ =	swait.ge [sflag:s12], $0x800  }
0x90: {  	[sflag:s12] =	ssyncset.done $0x0  }
0x91: {  	s6 =	simm.s32 $0x2C00;
	[sflag:s12] =	ssyncadd.s32 $0xFFFFF800  }
0x92: {  	[spmem:s2] =	stream.indirect.scatter.add.f32 [tilespmem:s18], [sflag:$0x11], $0x10, s6, s13, $0xb8;
	[tilespmem:$0x12000] =	vst v63  }
0x93: {  	_ =	swait.ge [sflag:s10], $0x800  }
0x94: {  	[sflag:s10] =	ssyncset.done $0x0  }
0x95: {  	[sflag:s10] =	ssyncadd.s32 $0xFFFFF800  }
0x96: {  	_ =	swait.ge [sflag:s7], $0x800  }
0x97: {  	[sflag:s7] =	ssyncset.done $0x0  }
0x98: {  	s8 =	simm.s32 $0x9800;
	[sflag:s7] =	ssyncadd.s32 $0xFFFFF800;
	s7 =	simm.s32 $0x2C80  }
0x99: {  	[spmem:s2] =	stream.indirect.scatter.add.f32 [tilespmem:s8], [sflag:$0x11], $0x10, s7, s13, $0xb8;
	[tilespmem:$0x12000] =	vst v63  }
0x9a: {  	_ =	swait.ge [sflag:s10], $0x800  }
0x9b: {  	[sflag:s10] =	ssyncset.done $0x0  }
0x9c: {  	[sflag:s10] =	ssyncadd.s32 $0xFFFFF800  }
0x9d: {  	_ =	swait.ge [sflag:s14], $0x800  }
0x9e: {  	[sflag:s14] =	ssyncset.done $0x0  }
0x9f: {  	s9 =	simm.s32 $0x2D00;
	s12 =	simm.s32 $0xA000;
	[sflag:s14] =	ssyncadd.s32 $0xFFFFF800  }
0xa0: {  	[spmem:s2] =	stream.indirect.scatter.add.f32 [tilespmem:s12], [sflag:$0x11], $0x10, s9, s13, $0xb8;
	[tilespmem:$0x12000] =	vst v63  }
0xa1: {  	_ =	swait.ge [sflag:s10], $0x800  }
0xa2: {  	[sflag:s10] =	ssyncset.done $0x0  }
0xa3: {  	[sflag:s10] =	ssyncadd.s32 $0xFFFFF800  }
0xa4: {  	_ =	swait.ge [sflag:s15], $0x800  }
0xa5: {  	[sflag:s15] =	ssyncset.done $0x0  }
0xa6: {  	s14 =	simm.s32 $0x2D80;
	[sflag:s15] =	ssyncadd.s32 $0xFFFFF800;
	s15 =	simm.s32 $0xA800  }
0xa7: {  	[spmem:s2] =	stream.indirect.scatter.add.f32 [tilespmem:s15], [sflag:$0x11], $0x10, s14, s13, $0xb8;
	[tilespmem:$0x12000] =	vst v63  }
0xa8: {  	_ =	swait.ge [sflag:s10], $0x800  }
0xa9: {  	[sflag:s10] =	ssyncset.done $0x0  }
0xaa: {  	[sflag:s10] =	ssyncadd.s32 $0xFFFFF800  }
0xab: {  	_ =	swait.ge [sflag:s17], $0x800  }
0xac: {  	[sflag:s17] =	ssyncset.done $0x0  }
0xad: {  	s20 =	simm.s32 $0xB000;
	s18 =	simm.s32 $0x2E00;
	[sflag:s17] =	ssyncadd.s32 $0xFFFFF800  }
0xae: {  	[spmem:s2] =	stream.indirect.scatter.add.f32 [tilespmem:s20], [sflag:$0x11], $0x10, s18, s13, $0xb8;
	[tilespmem:$0x12000] =	vst v63  }
0xaf: {  	_ =	swait.ge [sflag:s10], $0x800  }
0xb0: {  	[sflag:s10] =	ssyncset.done $0x0  }
0xb1: {  	[sflag:s10] =	ssyncadd.s32 $0xFFFFF800  }
0xb2: {  	_ =	swait.ge [sflag:s19], $0x800  }
0xb3: {  	[sflag:s19] =	ssyncset.done $0x0  }
0xb4: {  	s22 =	simm.s32 $0x2E80;
	s24 =	simm.s32 $0xB800;
	[sflag:s19] =	ssyncadd.s32 $0xFFFFF800  }
0xb5: {  	[spmem:s2] =	stream.indirect.scatter.add.f32 [tilespmem:s24], [sflag:$0x11], $0x10, s22, s13, $0xb8;
	[tilespmem:$0x12000] =	vst v63  }
0xb6: {  	_ =	swait.ge [sflag:s10], $0x800  }
0xb7: {  	[sflag:s10] =	ssyncset.done $0x0  }
0xb8: {  	[sflag:s10] =	ssyncadd.s32 $0xFFFFF800  }
0xb9: {  	_ =	swait.ge [sflag:s21], $0x800  }
0xba: {  	[sflag:s21] =	ssyncset.done $0x0  }
0xbb: {  	s29 =	simm.s32 $0xC000;
	s25 =	simm.s32 $0x2F00;
	[sflag:s21] =	ssyncadd.s32 $0xFFFFF800  }
0xbc: {  	[spmem:s2] =	stream.indirect.scatter.add.f32 [tilespmem:s29], [sflag:$0x11], $0x10, s25, s13, $0xb8;
	[tilespmem:$0x12000] =	vst v63  }
0xbd: {  	_ =	swait.ge [sflag:s10], $0x800  }
0xbe: {  	s30 =	simm.s32 $0x2F80;
	[sflag:s10] =	ssyncset.done $0x0  }
0xbf: {  	s3 =	simm.s32 $0x8;
	s5 =	simm.s32 $0x4;
	[sflag:s10] =	ssyncadd.s32 $0xFFFFF800  }
0xc0: {  	s28 =	simm.s32 $0x4000;
	s23 =	simm.s32 $0x800;
	_ =	swait.ge [sflag:s26], $0x800  }
0xc1: {  	s6 =	simm.s32 $0x5;
	s8 =	simm.s32 $0x6;
	[sflag:s26] =	ssyncset.done $0x0  }
0xc2: {  	s9 =	simm.s32 $0x7;
	s12 =	simm.s32 $0x9;
	[sflag:s26] =	ssyncadd.s32 $0xFFFFF800  }
0xc3: {  	[spmem:s2] =	stream.indirect.scatter.add.f32 [tilespmem:s0], [sflag:$0x11], $0x10, s30, s13, $0xb8;
	[tilespmem:$0x12000] =	vst v63  }
0xc4: {  	s24 =	simm.s32 $0x2;
	s22 =	simm.s32 $0x1;
	_ =	swait.ge [sflag:s10], $0x800  }
0xc5: {  	s25 =	simm.s32 $0x2000;
	s26 =	simm.s32 $0x3;
	[sflag:s10] =	ssyncset.done $0x0  }
.LBB2_4:
0xc6: {  	s30 =	sadd.s32 $0x400, s23;
	[sflag:s10] =	ssyncadd.s32 $0xFFFFF800  }
0xc7: {  	s29 =	smov.u32 s28;
	s28 =	sadd.s32 $0x2000, s28;
	s7 =	simm.s32 $0x9000  }
0xc8: {  	[tilespmem:s7], [sflag:$0x9] =	stream.indirect.gather [hbm4b:s4+s13], $0x10, s30, s13, $0xb8;
	[tilespmem:$0x12000] =	vst v63  }
0xc9: {  	s14 =	simm.s32 $0x9800;
	p0 =	sne.s32 s28, $0xA000;
	s30 =	sadd.s32 $0x480, s23  }
0xca: {  	[tilespmem:s14], [sflag:$0xA] =	stream.indirect.gather [hbm4b:s4+s13], $0x10, s30, s13, $0xb8;
	[tilespmem:$0x12000] =	vst v63  }
0xcb: {  	s15 =	simm.s32 $0xA000;
	s30 =	sadd.s32 $0x500, s23  }
0xcc: {  	[tilespmem:s15], [sflag:$0xB] =	stream.indirect.gather [hbm4b:s4+s13], $0x10, s30, s13, $0xb8;
	[tilespmem:$0x12000] =	vst v63  }
0xcd: {  	s17 =	simm.s32 $0xA800;
	s30 =	sadd.s32 $0x580, s23  }
0xce: {  	[tilespmem:s17], [sflag:$0xC] =	stream.indirect.gather [hbm4b:s4+s13], $0x10, s30, s13, $0xb8;
	[tilespmem:$0x12000] =	vst v63  }
0xcf: {  	s19 =	simm.s32 $0xB000;
	s30 =	sadd.s32 $0x600, s23  }
0xd0: {  	[tilespmem:s19], [sflag:$0xD] =	stream.indirect.gather [hbm4b:s4+s13], $0x10, s30, s13, $0xb8;
	[tilespmem:$0x12000] =	vst v63  }
0xd1: {  	s21 =	simm.s32 $0xB800;
	s30 =	sadd.s32 $0x680, s23  }
0xd2: {  	[tilespmem:s21], [sflag:$0xE] =	stream.indirect.gather [hbm4b:s4+s13], $0x10, s30, s13, $0xb8;
	[tilespmem:$0x12000] =	vst v63  }
0xd3: {  	s20 =	simm.s32 $0xC000;
	s30 =	sadd.s32 $0x700, s23  }
0xd4: {  	[tilespmem:s20], [sflag:$0xF] =	stream.indirect.gather [hbm4b:s4+s13], $0x10, s30, s13, $0xb8;
	[tilespmem:$0x12000] =	vst v63  }
0xd5: {  	s30 =	sadd.s32 $0x780, s23  }
0xd6: {  	[tilespmem:s0], [sflag:$0x10] =	stream.indirect.gather [hbm4b:s4+s13], $0x10, s30, s13, $0xb8;
	[tilespmem:$0x12000] =	vst v63  }
0xd7: {  	_ =	swait.ge [sflag:s22], $0x800  }
0xd8: {  	[sflag:s22] =	ssyncset.done $0x0  }
0xd9: {  	s30 =	sadd.s32 $0x2800, s23;
	[sflag:s22] =	ssyncadd.s32 $0xFFFFF800  }
0xda: {  	[spmem:s2] =	stream.indirect.scatter.add.f32 [tilespmem:s31], [sflag:$0x11], $0x10, s30, s13, $0xb8;
	[tilespmem:$0x12000] =	vst v63  }
0xdb: {  	_ =	swait.ge [sflag:s10], $0x800  }
0xdc: {  	[sflag:s10] =	ssyncset.done $0x0  }
0xdd: {  	[sflag:s10] =	ssyncadd.s32 $0xFFFFF800  }
0xde: {  	_ =	swait.ge [sflag:s24], $0x800  }
0xdf: {  	[sflag:s24] =	ssyncset.done $0x0  }
0xe0: {  	s0 =	simm.s32 $0x5800;
	s30 =	sadd.s32 $0x2880, s23;
	[sflag:s24] =	ssyncadd.s32 $0xFFFFF800  }
0xe1: {  	[spmem:s2] =	stream.indirect.scatter.add.f32 [tilespmem:s0], [sflag:$0x11], $0x10, s30, s13, $0xb8;
	[tilespmem:$0x12000] =	vst v63  }
0xe2: {  	_ =	swait.ge [sflag:s10], $0x800  }
0xe3: {  	[sflag:s10] =	ssyncset.done $0x0  }
0xe4: {  	[sflag:s10] =	ssyncadd.s32 $0xFFFFF800  }
0xe5: {  	_ =	swait.ge [sflag:s26], $0x800  }
0xe6: {  	[sflag:s26] =	ssyncset.done $0x0  }
0xe7: {  	s30 =	sadd.s32 $0x2900, s23;
	s0 =	simm.s32 $0x6000;
	[sflag:s26] =	ssyncadd.s32 $0xFFFFF800  }
0xe8: {  	[spmem:s2] =	stream.indirect.scatter.add.f32 [tilespmem:s0], [sflag:$0x11], $0x10, s30, s13, $0xb8;
	[tilespmem:$0x12000] =	vst v63  }
0xe9: {  	_ =	swait.ge [sflag:s10], $0x800  }
0xea: {  	[sflag:s10] =	ssyncset.done $0x0  }
0xeb: {  	[sflag:s10] =	ssyncadd.s32 $0xFFFFF800  }
0xec: {  	_ =	swait.ge [sflag:s5], $0x800  }
0xed: {  	[sflag:s5] =	ssyncset.done $0x0  }
0xee: {  	s30 =	sadd.s32 $0x2980, s23;
	s0 =	simm.s32 $0x6800;
	[sflag:s5] =	ssyncadd.s32 $0xFFFFF800  }
0xef: {  	[spmem:s2] =	stream.indirect.scatter.add.f32 [tilespmem:s0], [sflag:$0x11], $0x10, s30, s13, $0xb8;
	[tilespmem:$0x12000] =	vst v63  }
0xf0: {  	_ =	swait.ge [sflag:s10], $0x800  }
0xf1: {  	[sflag:s10] =	ssyncset.done $0x0  }
0xf2: {  	[sflag:s10] =	ssyncadd.s32 $0xFFFFF800  }
0xf3: {  	_ =	swait.ge [sflag:s6], $0x800  }
0xf4: {  	[sflag:s6] =	ssyncset.done $0x0  }
0xf5: {  	s30 =	sadd.s32 $0x2A00, s23;
	[sflag:s6] =	ssyncadd.s32 $0xFFFFF800  }
0xf6: {  	[spmem:s2] =	stream.indirect.scatter.add.f32 [tilespmem:s1], [sflag:$0x11], $0x10, s30, s13, $0xb8;
	[tilespmem:$0x12000] =	vst v63  }
0xf7: {  	_ =	swait.ge [sflag:s10], $0x800  }
0xf8: {  	[sflag:s10] =	ssyncset.done $0x0  }
0xf9: {  	[sflag:s10] =	ssyncadd.s32 $0xFFFFF800  }
0xfa: {  	_ =	swait.ge [sflag:s8], $0x800  }
0xfb: {  	[sflag:s8] =	ssyncset.done $0x0  }
0xfc: {  	s30 =	sadd.s32 $0x2A80, s23;
	[sflag:s8] =	ssyncadd.s32 $0xFFFFF800  }
0xfd: {  	[spmem:s2] =	stream.indirect.scatter.add.f32 [tilespmem:s11], [sflag:$0x11], $0x10, s30, s13, $0xb8;
	[tilespmem:$0x12000] =	vst v63  }
0xfe: {  	_ =	swait.ge [sflag:s10], $0x800  }
0xff: {  	[sflag:s10] =	ssyncset.done $0x0  }
0x100: {  	[sflag:s10] =	ssyncadd.s32 $0xFFFFF800  }
0x101: {  	_ =	swait.ge [sflag:s9], $0x800  }
0x102: {  	[sflag:s9] =	ssyncset.done $0x0  }
0x103: {  	s30 =	sadd.s32 $0x2B00, s23;
	[sflag:s9] =	ssyncadd.s32 $0xFFFFF800  }
0x104: {  	[spmem:s2] =	stream.indirect.scatter.add.f32 [tilespmem:s16], [sflag:$0x11], $0x10, s30, s13, $0xb8;
	[tilespmem:$0x12000] =	vst v63  }
0x105: {  	_ =	swait.ge [sflag:s10], $0x800  }
0x106: {  	[sflag:s10] =	ssyncset.done $0x0  }
0x107: {  	[sflag:s10] =	ssyncadd.s32 $0xFFFFF800  }
0x108: {  	_ =	swait.ge [sflag:s3], $0x800  }
0x109: {  	[sflag:s3] =	ssyncset.done $0x0  }
0x10a: {  	s0 =	simm.s32 $0x8800;
	s30 =	sadd.s32 $0x2B80, s23;
	[sflag:s3] =	ssyncadd.s32 $0xFFFFF800  }
0x10b: {  	[spmem:s2] =	stream.indirect.scatter.add.f32 [tilespmem:s0], [sflag:$0x11], $0x10, s30, s13, $0xb8;
	[tilespmem:$0x12000] =	vst v63  }
0x10c: {  	p1 =	seq.s32 s25, $0x8000;
	s18 =	simm.s32 $0xC800;
	_ =	swait.ge [sflag:s10], $0x800  }
0x10d: {  	s25 =	sshra.s32 @!p1 s25, $0x2;
	s30 =	simm.s32 @!p1 $0x5000;
	[sflag:s10] =	ssyncset.done $0x0  }
0x10e: {  	s31 =	sadd.s32 @!p1 $0x800, s25;
	s1 =	simm.s32 @!p1 $0x80;
	[sflag:s10] =	ssyncadd.s32 $0xFFFFF800  }
0x10f: {  	[tilespmem:s30], [sflag:$0x1] =	stream.indirect.gather @!p1 [hbm4b:s4+s1], $0x10, s31, s1, $0xb8;
	[tilespmem:$0x12000] =	vst v63  }
0x110: {  	s0 =	sadd.s32 @!p1 $0x900, s25;
	s30 =	sadd.s32 @!p1 $0x880, s25;
	s31 =	simm.s32 @!p1 $0x5800  }
0x111: {  	[tilespmem:s31], [sflag:$0x2] =	stream.indirect.gather @!p1 [hbm4b:s4+s1], $0x10, s30, s1, $0xb8;
	[tilespmem:$0x12000] =	vst v63  }
0x112: {  	s11 =	sadd.s32 @!p1 $0xA00, s25;
	s30 =	simm.s32 @!p1 $0x6000;
	s31 =	sadd.s32 @!p1 $0x980, s25  }
0x113: {  	[tilespmem:s30], [sflag:$0x3] =	stream.indirect.gather @!p1 [hbm4b:s4+s1], $0x10, s0, s1, $0xb8;
	[tilespmem:$0x12000] =	vst v63  }
0x114: {  	s16 =	sadd.s32 @!p1 $0xB00, s25;
	s0 =	simm.s32 @!p1 $0x6800;
	s30 =	sadd.s32 @!p1 $0xA80, s25  }
0x115: {  	[tilespmem:s0], [sflag:$0x4] =	stream.indirect.gather @!p1 [hbm4b:s4+s1], $0x10, s31, s1, $0xb8;
	[tilespmem:$0x12000] =	vst v63  }
0x116: {  	s0 =	simm.s32 @!p1 $0x7000;
	s31 =	sadd.s32 @!p1 $0xB80, s25;
	s25 =	smov.u32 s29  }
0x117: {  	[tilespmem:s0], [sflag:$0x5] =	stream.indirect.gather @!p1 [hbm4b:s4+s1], $0x10, s11, s1, $0xb8;
	[tilespmem:$0x12000] =	vst v63  }
0x118: {  	s11 =	simm.s32 $0x7800  }
0x119: {  	s0 =	simm.s32 @!p1 $0x7800  }
0x11a: {  	[tilespmem:s0], [sflag:$0x6] =	stream.indirect.gather @!p1 [hbm4b:s4+s1], $0x10, s30, s1, $0xb8;
	[tilespmem:$0x12000] =	vst v63  }
0x11b: {  	s0 =	simm.s32 @!p1 $0x8000  }
0x11c: {  	[tilespmem:s0], [sflag:$0x7] =	stream.indirect.gather @!p1 [hbm4b:s4+s1], $0x10, s16, s1, $0xb8;
	[tilespmem:$0x12000] =	vst v63  }
0x11d: {  	s16 =	simm.s32 $0x8000  }
0x11e: {  	s0 =	simm.s32 @!p1 $0x8800  }
0x11f: {  	[tilespmem:s0], [sflag:$0x8] =	stream.indirect.gather @!p1 [hbm4b:s4+s1], $0x10, s31, s1, $0xb8;
	[tilespmem:$0x12000] =	vst v63  }
0x120: {  	s1 =	simm.s32 $0x7000;
	s31 =	simm.s32 $0x5000  }
0x121: {  	_ =	swait.ge [sflag:s12], $0x800  }
0x122: {  	[sflag:s12] =	ssyncset.done $0x0  }
0x123: {  	s0 =	sadd.s32 $0x2C00, s23;
	[sflag:s12] =	ssyncadd.s32 $0xFFFFF800  }
0x124: {  	[spmem:s2] =	stream.indirect.scatter.add.f32 [tilespmem:s7], [sflag:$0x11], $0x10, s0, s13, $0xb8;
	[tilespmem:$0x12000] =	vst v63  }
0x125: {  	_ =	swait.ge [sflag:s10], $0x800  }
0x126: {  	[sflag:s10] =	ssyncset.done $0x0  }
0x127: {  	s0 =	simm.s32 $0xA;
	[sflag:s10] =	ssyncadd.s32 $0xFFFFF800  }
0x128: {  	_ =	swait.ge [sflag:s0], $0x800  }
0x129: {  	[sflag:s0] =	ssyncset.done $0x0  }
0x12a: {  	[sflag:s0] =	ssyncadd.s32 $0xFFFFF800;
	s0 =	sadd.s32 $0x2C80, s23  }
0x12b: {  	[spmem:s2] =	stream.indirect.scatter.add.f32 [tilespmem:s14], [sflag:$0x11], $0x10, s0, s13, $0xb8;
	[tilespmem:$0x12000] =	vst v63  }
0x12c: {  	_ =	swait.ge [sflag:s10], $0x800  }
0x12d: {  	[sflag:s10] =	ssyncset.done $0x0  }
0x12e: {  	s0 =	simm.s32 $0xB;
	[sflag:s10] =	ssyncadd.s32 $0xFFFFF800  }
0x12f: {  	_ =	swait.ge [sflag:s0], $0x800  }
0x130: {  	[sflag:s0] =	ssyncset.done $0x0  }
0x131: {  	[sflag:s0] =	ssyncadd.s32 $0xFFFFF800;
	s0 =	sadd.s32 $0x2D00, s23  }
0x132: {  	[spmem:s2] =	stream.indirect.scatter.add.f32 [tilespmem:s15], [sflag:$0x11], $0x10, s0, s13, $0xb8;
	[tilespmem:$0x12000] =	vst v63  }
0x133: {  	_ =	swait.ge [sflag:s10], $0x800  }
0x134: {  	[sflag:s10] =	ssyncset.done $0x0  }
0x135: {  	s0 =	simm.s32 $0xC;
	[sflag:s10] =	ssyncadd.s32 $0xFFFFF800  }
0x136: {  	_ =	swait.ge [sflag:s0], $0x800  }
0x137: {  	[sflag:s0] =	ssyncset.done $0x0  }
0x138: {  	[sflag:s0] =	ssyncadd.s32 $0xFFFFF800;
	s0 =	sadd.s32 $0x2D80, s23  }
0x139: {  	[spmem:s2] =	stream.indirect.scatter.add.f32 [tilespmem:s17], [sflag:$0x11], $0x10, s0, s13, $0xb8;
	[tilespmem:$0x12000] =	vst v63  }
0x13a: {  	_ =	swait.ge [sflag:s10], $0x800  }
0x13b: {  	[sflag:s10] =	ssyncset.done $0x0  }
0x13c: {  	s0 =	simm.s32 $0xD;
	[sflag:s10] =	ssyncadd.s32 $0xFFFFF800  }
0x13d: {  	_ =	swait.ge [sflag:s0], $0x800  }
0x13e: {  	[sflag:s0] =	ssyncset.done $0x0  }
0x13f: {  	[sflag:s0] =	ssyncadd.s32 $0xFFFFF800;
	s0 =	sadd.s32 $0x2E00, s23  }
0x140: {  	[spmem:s2] =	stream.indirect.scatter.add.f32 [tilespmem:s19], [sflag:$0x11], $0x10, s0, s13, $0xb8;
	[tilespmem:$0x12000] =	vst v63  }
0x141: {  	_ =	swait.ge [sflag:s10], $0x800  }
0x142: {  	[sflag:s10] =	ssyncset.done $0x0  }
0x143: {  	s0 =	simm.s32 $0xE;
	[sflag:s10] =	ssyncadd.s32 $0xFFFFF800  }
0x144: {  	_ =	swait.ge [sflag:s0], $0x800  }
0x145: {  	[sflag:s0] =	ssyncset.done $0x0  }
0x146: {  	[sflag:s0] =	ssyncadd.s32 $0xFFFFF800;
	s0 =	sadd.s32 $0x2E80, s23  }
0x147: {  	[spmem:s2] =	stream.indirect.scatter.add.f32 [tilespmem:s21], [sflag:$0x11], $0x10, s0, s13, $0xb8;
	[tilespmem:$0x12000] =	vst v63  }
0x148: {  	_ =	swait.ge [sflag:s10], $0x800  }
0x149: {  	[sflag:s10] =	ssyncset.done $0x0  }
0x14a: {  	s0 =	simm.s32 $0xF;
	[sflag:s10] =	ssyncadd.s32 $0xFFFFF800  }
0x14b: {  	_ =	swait.ge [sflag:s0], $0x800  }
0x14c: {  	[sflag:s0] =	ssyncset.done $0x0  }
0x14d: {  	[sflag:s0] =	ssyncadd.s32 $0xFFFFF800;
	s0 =	sadd.s32 $0x2F00, s23  }
0x14e: {  	[spmem:s2] =	stream.indirect.scatter.add.f32 [tilespmem:s20], [sflag:$0x11], $0x10, s0, s13, $0xb8;
	[tilespmem:$0x12000] =	vst v63  }
0x14f: {  	_ =	swait.ge [sflag:s10], $0x800  }
0x150: {  	[sflag:s10] =	ssyncset.done $0x0  }
0x151: {  	s0 =	simm.s32 $0x10;
	[sflag:s10] =	ssyncadd.s32 $0xFFFFF800  }
0x152: {  	_ =	swait.ge [sflag:s0], $0x800  }
0x153: {  	[sflag:s0] =	ssyncset.done $0x0  }
.Ltmp1:
0x154: {  	[sflag:s0] =	ssyncadd.s32 $0xFFFFF800;
	s0 =	sadd.s32 $0x2F80, s23;
	(pc) =	sbr.rel @p0 .LBB2_4-.Ltmp1, $4  }
0x155: {  	[spmem:s2] =	stream.indirect.scatter.add.f32 [tilespmem:s18], [sflag:$0x11], $0x10, s0, s13, $0xb8;
	[tilespmem:$0x12000] =	vst v63  }
0x156: {  	s0 =	simm.s32 $0xC800  }
0x157: {  	_ =	swait.ge [sflag:s10], $0x800  }
0x158: {  	s23 =	sshra.s32 s25, $0x2;
	[sflag:s10] =	ssyncset.done $0x0  }
0x159: {  	s0 =	sadd.s32 $0x400, s23;
	[sflag:s10] =	ssyncadd.s32 $0xFFFFF800;
	s7 =	simm.s32 $0x9000  }
0x15a: {  	[tilespmem:s7], [sflag:$0x9] =	stream.indirect.gather [hbm4b:s4+s13], $0x10, s0, s13, $0xb8;
	[tilespmem:$0x12000] =	vst v63  }
0x15b: {  	s18 =	sadd.s32 $0x480, s23;
	s14 =	simm.s32 $0x9800  }
0x15c: {  	[tilespmem:s14], [sflag:$0xA] =	stream.indirect.gather [hbm4b:s4+s13], $0x10, s18, s13, $0xb8;
	[tilespmem:$0x12000] =	vst v63  }
0x15d: {  	s19 =	sadd.s32 $0x500, s23;
	s15 =	simm.s32 $0xA000  }
0x15e: {  	[tilespmem:s15], [sflag:$0xB] =	stream.indirect.gather [hbm4b:s4+s13], $0x10, s19, s13, $0xb8;
	[tilespmem:$0x12000] =	vst v63  }
0x15f: {  	s20 =	sadd.s32 $0x580, s23;
	s17 =	simm.s32 $0xA800  }
0x160: {  	[tilespmem:s17], [sflag:$0xC] =	stream.indirect.gather [hbm4b:s4+s13], $0x10, s20, s13, $0xb8;
	[tilespmem:$0x12000] =	vst v63  }
0x161: {  	s21 =	sadd.s32 $0x600, s23;
	s19 =	simm.s32 $0xB000  }
0x162: {  	[tilespmem:s19], [sflag:$0xD] =	stream.indirect.gather [hbm4b:s4+s13], $0x10, s21, s13, $0xb8;
	[tilespmem:$0x12000] =	vst v63  }
0x163: {  	s18 =	sadd.s32 $0x680, s23;
	s20 =	simm.s32 $0xB800  }
0x164: {  	[tilespmem:s20], [sflag:$0xE] =	stream.indirect.gather [hbm4b:s4+s13], $0x10, s18, s13, $0xb8;
	[tilespmem:$0x12000] =	vst v63  }
0x165: {  	s21 =	sadd.s32 $0x700, s23;
	s18 =	simm.s32 $0xC000  }
0x166: {  	[tilespmem:s18], [sflag:$0xF] =	stream.indirect.gather [hbm4b:s4+s13], $0x10, s21, s13, $0xb8;
	[tilespmem:$0x12000] =	vst v63  }
0x167: {  	s28 =	simm.s32 $0xC800;
	s21 =	sadd.s32 $0x780, s23  }
0x168: {  	[tilespmem:s28], [sflag:$0x10] =	stream.indirect.gather [hbm4b:s4+s13], $0x10, s21, s13, $0xb8;
	[tilespmem:$0x12000] =	vst v63  }
0x169: {  	_ =	swait.ge [sflag:s22], $0x800  }
0x16a: {  	[sflag:s22] =	ssyncset.done $0x0  }
0x16b: {  	s21 =	sadd.s32 $0x2800, s23;
	[sflag:s22] =	ssyncadd.s32 $0xFFFFF800  }
0x16c: {  	[spmem:s2] =	stream.indirect.scatter.add.f32 [tilespmem:s31], [sflag:$0x11], $0x10, s21, s13, $0xb8;
	[tilespmem:$0x12000] =	vst v63  }
0x16d: {  	_ =	swait.ge [sflag:s10], $0x800  }
0x16e: {  	[sflag:s10] =	ssyncset.done $0x0  }
0x16f: {  	[sflag:s10] =	ssyncadd.s32 $0xFFFFF800  }
0x170: {  	_ =	swait.ge [sflag:s24], $0x800  }
0x171: {  	[sflag:s24] =	ssyncset.done $0x0  }
0x172: {  	s22 =	sadd.s32 $0x2880, s23;
	s21 =	simm.s32 $0x5800;
	[sflag:s24] =	ssyncadd.s32 $0xFFFFF800  }
0x173: {  	[spmem:s2] =	stream.indirect.scatter.add.f32 [tilespmem:s21], [sflag:$0x11], $0x10, s22, s13, $0xb8;
	[tilespmem:$0x12000] =	vst v63  }
0x174: {  	_ =	swait.ge [sflag:s10], $0x800  }
0x175: {  	[sflag:s10] =	ssyncset.done $0x0  }
0x176: {  	[sflag:s10] =	ssyncadd.s32 $0xFFFFF800  }
0x177: {  	_ =	swait.ge [sflag:s26], $0x800  }
0x178: {  	[sflag:s26] =	ssyncset.done $0x0  }
0x179: {  	s24 =	sadd.s32 $0x2900, s23;
	[sflag:s26] =	ssyncadd.s32 $0xFFFFF800;
	s26 =	simm.s32 $0x6000  }
0x17a: {  	[spmem:s2] =	stream.indirect.scatter.add.f32 [tilespmem:s26], [sflag:$0x11], $0x10, s24, s13, $0xb8;
	[tilespmem:$0x12000] =	vst v63  }
0x17b: {  	_ =	swait.ge [sflag:s10], $0x800  }
0x17c: {  	[sflag:s10] =	ssyncset.done $0x0  }
0x17d: {  	[sflag:s10] =	ssyncadd.s32 $0xFFFFF800  }
0x17e: {  	_ =	swait.ge [sflag:s5], $0x800  }
0x17f: {  	[sflag:s5] =	ssyncset.done $0x0  }
0x180: {  	s21 =	sadd.s32 $0x2980, s23;
	s22 =	simm.s32 $0x6800;
	[sflag:s5] =	ssyncadd.s32 $0xFFFFF800  }
0x181: {  	[spmem:s2] =	stream.indirect.scatter.add.f32 [tilespmem:s22], [sflag:$0x11], $0x10, s21, s13, $0xb8;
	[tilespmem:$0x12000] =	vst v63  }
0x182: {  	_ =	swait.ge [sflag:s10], $0x800  }
0x183: {  	[sflag:s10] =	ssyncset.done $0x0  }
0x184: {  	[sflag:s10] =	ssyncadd.s32 $0xFFFFF800  }
0x185: {  	_ =	swait.ge [sflag:s6], $0x800  }
0x186: {  	[sflag:s6] =	ssyncset.done $0x0  }
0x187: {  	s24 =	sadd.s32 $0x2A00, s23;
	[sflag:s6] =	ssyncadd.s32 $0xFFFFF800  }
0x188: {  	[spmem:s2] =	stream.indirect.scatter.add.f32 [tilespmem:s1], [sflag:$0x11], $0x10, s24, s13, $0xb8;
	[tilespmem:$0x12000] =	vst v63  }
0x189: {  	_ =	swait.ge [sflag:s10], $0x800  }
0x18a: {  	[sflag:s10] =	ssyncset.done $0x0  }
0x18b: {  	[sflag:s10] =	ssyncadd.s32 $0xFFFFF800  }
0x18c: {  	_ =	swait.ge [sflag:s8], $0x800  }
0x18d: {  	[sflag:s8] =	ssyncset.done $0x0  }
0x18e: {  	s26 =	sadd.s32 $0x2A80, s23;
	[sflag:s8] =	ssyncadd.s32 $0xFFFFF800  }
0x18f: {  	[spmem:s2] =	stream.indirect.scatter.add.f32 [tilespmem:s11], [sflag:$0x11], $0x10, s26, s13, $0xb8;
	[tilespmem:$0x12000] =	vst v63  }
0x190: {  	_ =	swait.ge [sflag:s10], $0x800  }
0x191: {  	[sflag:s10] =	ssyncset.done $0x0  }
0x192: {  	[sflag:s10] =	ssyncadd.s32 $0xFFFFF800  }
0x193: {  	_ =	swait.ge [sflag:s9], $0x800  }
0x194: {  	[sflag:s9] =	ssyncset.done $0x0  }
0x195: {  	s1 =	sadd.s32 $0x2B00, s23;
	[sflag:s9] =	ssyncadd.s32 $0xFFFFF800  }
0x196: {  	[spmem:s2] =	stream.indirect.scatter.add.f32 [tilespmem:s16], [sflag:$0x11], $0x10, s1, s13, $0xb8;
	[tilespmem:$0x12000] =	vst v63  }
0x197: {  	_ =	swait.ge [sflag:s10], $0x800  }
0x198: {  	[sflag:s10] =	ssyncset.done $0x0  }
0x199: {  	[sflag:s10] =	ssyncadd.s32 $0xFFFFF800  }
0x19a: {  	_ =	swait.ge [sflag:s3], $0x800  }
0x19b: {  	p0 =	seq.s32 s25, $0x8000;
	[sflag:s3] =	ssyncset.done $0x0  }
0x19c: {  	s5 =	simm.s32 $0x8800;
	[sflag:s3] =	ssyncadd.s32 $0xFFFFF800;
	s3 =	sadd.s32 $0x2B80, s23  }
0x19d: {  	[spmem:s2] =	stream.indirect.scatter.add.f32 [tilespmem:s5], [sflag:$0x11], $0x10, s3, s13, $0xb8;
	[tilespmem:$0x12000] =	vst v63  }
0x19e: {  	s0 =	sshra.s32 @!p0 s25, $0x2;
	_ =	swait.ge [sflag:s10], $0x800  }
0x19f: {  	s11 =	sadd.s32 @!p0 $0x800, s0;
	[sflag:s10] =	ssyncset.done $0x0  }
0x1a0: {  	s1 =	simm.s32 @!p0 $0x5000;
	s16 =	simm.s32 @!p0 $0x80;
	[sflag:s10] =	ssyncadd.s32 $0xFFFFF800  }
0x1a1: {  	[tilespmem:s1], [sflag:$0x1] =	stream.indirect.gather @!p0 [hbm4b:s4+s16], $0x10, s11, s16, $0xb8;
	[tilespmem:$0x12000] =	vst v63  }
0x1a2: {  	s1 =	sadd.s32 @!p0 $0x880, s0;
	s11 =	simm.s32 @!p0 $0x5800  }
0x1a3: {  	[tilespmem:s11], [sflag:$0x2] =	stream.indirect.gather @!p0 [hbm4b:s4+s16], $0x10, s1, s16, $0xb8;
	[tilespmem:$0x12000] =	vst v63  }
0x1a4: {  	s1 =	sadd.s32 @!p0 $0x900, s0;
	s11 =	simm.s32 @!p0 $0x6000  }
0x1a5: {  	[tilespmem:s11], [sflag:$0x3] =	stream.indirect.gather @!p0 [hbm4b:s4+s16], $0x10, s1, s16, $0xb8;
	[tilespmem:$0x12000] =	vst v63  }
0x1a6: {  	s1 =	sadd.s32 @!p0 $0x980, s0;
	s11 =	simm.s32 @!p0 $0x6800  }
0x1a7: {  	[tilespmem:s11], [sflag:$0x4] =	stream.indirect.gather @!p0 [hbm4b:s4+s16], $0x10, s1, s16, $0xb8;
	[tilespmem:$0x12000] =	vst v63  }
0x1a8: {  	s1 =	sadd.s32 @!p0 $0xA00, s0;
	s11 =	simm.s32 @!p0 $0x7000  }
0x1a9: {  	[tilespmem:s11], [sflag:$0x5] =	stream.indirect.gather @!p0 [hbm4b:s4+s16], $0x10, s1, s16, $0xb8;
	[tilespmem:$0x12000] =	vst v63  }
0x1aa: {  	s1 =	sadd.s32 @!p0 $0xA80, s0;
	s11 =	simm.s32 @!p0 $0x7800  }
0x1ab: {  	[tilespmem:s11], [sflag:$0x6] =	stream.indirect.gather @!p0 [hbm4b:s4+s16], $0x10, s1, s16, $0xb8;
	[tilespmem:$0x12000] =	vst v63  }
0x1ac: {  	s1 =	sadd.s32 @!p0 $0xB00, s0;
	s11 =	simm.s32 @!p0 $0x8000  }
0x1ad: {  	[tilespmem:s11], [sflag:$0x7] =	stream.indirect.gather @!p0 [hbm4b:s4+s16], $0x10, s1, s16, $0xb8;
	[tilespmem:$0x12000] =	vst v63  }
0x1ae: {  	s0 =	sadd.s32 @!p0 $0xB80, s0;
	s1 =	simm.s32 @!p0 $0x8800  }
0x1af: {  	[tilespmem:s1], [sflag:$0x8] =	stream.indirect.gather @!p0 [hbm4b:s4+s16], $0x10, s0, s16, $0xb8;
	[tilespmem:$0x12000] =	vst v63  }
0x1b0: {  	_ =	swait.ge [sflag:s12], $0x800  }
0x1b1: {  	[sflag:s12] =	ssyncset.done $0x0  }
0x1b2: {  	s6 =	sadd.s32 $0x2C00, s23;
	[sflag:s12] =	ssyncadd.s32 $0xFFFFF800  }
0x1b3: {  	[spmem:s2] =	stream.indirect.scatter.add.f32 [tilespmem:s7], [sflag:$0x11], $0x10, s6, s13, $0xb8;
	[tilespmem:$0x12000] =	vst v63  }
0x1b4: {  	_ =	swait.ge [sflag:s10], $0x800  }
0x1b5: {  	[sflag:s10] =	ssyncset.done $0x0  }
0x1b6: {  	s7 =	simm.s32 $0xA;
	[sflag:s10] =	ssyncadd.s32 $0xFFFFF800  }
0x1b7: {  	_ =	swait.ge [sflag:s7], $0x800  }
0x1b8: {  	[sflag:s7] =	ssyncset.done $0x0  }
0x1b9: {  	s8 =	sadd.s32 $0x2C80, s23;
	[sflag:s7] =	ssyncadd.s32 $0xFFFFF800  }
0x1ba: {  	[spmem:s2] =	stream.indirect.scatter.add.f32 [tilespmem:s14], [sflag:$0x11], $0x10, s8, s13, $0xb8;
	[tilespmem:$0x12000] =	vst v63  }
0x1bb: {  	_ =	swait.ge [sflag:s10], $0x800  }
0x1bc: {  	[sflag:s10] =	ssyncset.done $0x0  }
0x1bd: {  	s9 =	simm.s32 $0xB;
	[sflag:s10] =	ssyncadd.s32 $0xFFFFF800  }
0x1be: {  	_ =	swait.ge [sflag:s9], $0x800  }
0x1bf: {  	[sflag:s9] =	ssyncset.done $0x0  }
0x1c0: {  	s11 =	sadd.s32 $0x2D00, s23;
	[sflag:s9] =	ssyncadd.s32 $0xFFFFF800  }
0x1c1: {  	[spmem:s2] =	stream.indirect.scatter.add.f32 [tilespmem:s15], [sflag:$0x11], $0x10, s11, s13, $0xb8;
	[tilespmem:$0x12000] =	vst v63  }
0x1c2: {  	_ =	swait.ge [sflag:s10], $0x800  }
0x1c3: {  	[sflag:s10] =	ssyncset.done $0x0  }
0x1c4: {  	s12 =	simm.s32 $0xC;
	[sflag:s10] =	ssyncadd.s32 $0xFFFFF800  }
0x1c5: {  	_ =	swait.ge [sflag:s12], $0x800  }
0x1c6: {  	[sflag:s12] =	ssyncset.done $0x0  }
0x1c7: {  	s14 =	sadd.s32 $0x2D80, s23;
	[sflag:s12] =	ssyncadd.s32 $0xFFFFF800  }
0x1c8: {  	[spmem:s2] =	stream.indirect.scatter.add.f32 [tilespmem:s17], [sflag:$0x11], $0x10, s14, s13, $0xb8;
	[tilespmem:$0x12000] =	vst v63  }
0x1c9: {  	_ =	swait.ge [sflag:s10], $0x800  }
0x1ca: {  	[sflag:s10] =	ssyncset.done $0x0  }
0x1cb: {  	s15 =	simm.s32 $0xD;
	[sflag:s10] =	ssyncadd.s32 $0xFFFFF800  }
0x1cc: {  	_ =	swait.ge [sflag:s15], $0x800  }
0x1cd: {  	[sflag:s15] =	ssyncset.done $0x0  }
0x1ce: {  	s16 =	sadd.s32 $0x2E00, s23;
	[sflag:s15] =	ssyncadd.s32 $0xFFFFF800  }
0x1cf: {  	[spmem:s2] =	stream.indirect.scatter.add.f32 [tilespmem:s19], [sflag:$0x11], $0x10, s16, s13, $0xb8;
	[tilespmem:$0x12000] =	vst v63  }
0x1d0: {  	_ =	swait.ge [sflag:s10], $0x800  }
0x1d1: {  	[sflag:s10] =	ssyncset.done $0x0  }
0x1d2: {  	s17 =	simm.s32 $0xE;
	[sflag:s10] =	ssyncadd.s32 $0xFFFFF800  }
0x1d3: {  	_ =	swait.ge [sflag:s17], $0x800  }
0x1d4: {  	[sflag:s17] =	ssyncset.done $0x0  }
0x1d5: {  	s19 =	sadd.s32 $0x2E80, s23;
	[sflag:s17] =	ssyncadd.s32 $0xFFFFF800  }
0x1d6: {  	[spmem:s2] =	stream.indirect.scatter.add.f32 [tilespmem:s20], [sflag:$0x11], $0x10, s19, s13, $0xb8;
	[tilespmem:$0x12000] =	vst v63  }
0x1d7: {  	_ =	swait.ge [sflag:s10], $0x800  }
0x1d8: {  	[sflag:s10] =	ssyncset.done $0x0  }
0x1d9: {  	s20 =	simm.s32 $0xF;
	[sflag:s10] =	ssyncadd.s32 $0xFFFFF800  }
0x1da: {  	_ =	swait.ge [sflag:s20], $0x800  }
0x1db: {  	[sflag:s20] =	ssyncset.done $0x0  }
0x1dc: {  	s21 =	sadd.s32 $0x2F00, s23;
	[sflag:s20] =	ssyncadd.s32 $0xFFFFF800  }
0x1dd: {  	[spmem:s2] =	stream.indirect.scatter.add.f32 [tilespmem:s18], [sflag:$0x11], $0x10, s21, s13, $0xb8;
	[tilespmem:$0x12000] =	vst v63  }
0x1de: {  	_ =	swait.ge [sflag:s10], $0x800  }
0x1df: {  	[sflag:s10] =	ssyncset.done $0x0  }
0x1e0: {  	s22 =	simm.s32 $0x10;
	[sflag:s10] =	ssyncadd.s32 $0xFFFFF800  }
0x1e1: {  	_ =	swait.ge [sflag:s22], $0x800  }
0x1e2: {  	[sflag:s22] =	ssyncset.done $0x0  }
0x1e3: {  	s23 =	sadd.s32 $0x2F80, s23;
	[sflag:s22] =	ssyncadd.s32 $0xFFFFF800  }
0x1e4: {  	[spmem:s2] =	stream.indirect.scatter.add.f32 [tilespmem:s28], [sflag:$0x11], $0x10, s23, s13, $0xb8;
	[tilespmem:$0x12000] =	vst v63  }
0x1e5: {  	_ =	swait.ge [sflag:s10], $0x800  }
0x1e6: {  	[sflag:s10] =	ssyncset.done $0x0  }
0x1e7: {  	[sflag:s10] =	ssyncadd.s32 $0xFFFFF800  }
0x1e8: {  	[bflag:$0x0] =	sbarrier.arrive $0xFFFF  }
0x1e9: {  	s28 =	simm.s32 $0xD000;
	s16 =	rddreg [dreg:$0x5]  }
0x1ea: {  	[tilespmem:s28], [sflag:$0x11] =	stream.linear.gather [spmem:s16], $0x2800, $0x38;
	[tilespmem:$0x12000] =	vst v63  }
0x1eb: {  	_ =	swait.ge [sflag:s10], $0x2800  }
0x1ec: {  	[sflag:s10] =	ssyncset.done $0x0  }
0x1ed: {  	s11 =	simm.s32 $0x0;
	s24 =	rddreg [dreg:$0x7];
	[sflag:s10] =	ssyncadd.s32 $0xFFFFD800  }
0x1ee: {  	[hbm4b:s24+s11] =	stream.linear.scatter [tilespmem:s28], [sflag:$0x11], $0x2800, $0x38;
	[tilespmem:$0x12000] =	vst v63  }
0x1ef: {  	s30 =	simm.s32 $0x5800;
	s29 =	simm.s32 $0x6000;
	_ =	swait.ge [sflag:s10], $0x2800  }
0x1f0: {  	s5 =	simm.s32 $0x4;
	s3 =	simm.s32 $0x8;
	s25 =	rddreg [dreg:$0x8]  }
0x1f1: {  	s6 =	simm.s32 $0x5;
	s26 =	rddreg [dreg:$0x6];
	s1 =	sadd.s32 $0x1, s25  }
0x1f2: {  	s7 =	simm.s32 $0xA;
	s8 =	simm.s32 $0x6;
	p0 =	sne.s32 s1, s26  }
.Ltmp2:
0x1f3: {  	s9 =	simm.s32 $0x7;
	s12 =	simm.s32 $0x9;
	(pc) =	sbr.rel @p0 .LBB2_1-.Ltmp2, $4  }
0x1f4: {  	s14 =	simm.s32 $0xB;
	s15 =	simm.s32 $0xC;
	s17 =	simm.s32 $0xD  }
0x1f5: {  	s19 =	simm.s32 $0xE;
	s20 =	simm.s32 $0x1;
	s18 =	simm.s32 $0x6800  }
0x1f6: {  	s21 =	simm.s32 $0xF;
	s22 =	simm.s32 $0x2;
	[sflag:s10] =	ssyncset.done $0x0  }
0x1f7: {  	s24 =	simm.s32 $0x3;
	[sflag:s10] =	ssyncadd.s32 $0xFFFFD800;
	s26 =	simm.s32 $0x10  }
0x1f8: {  	_ =	sfence.sel $0x180000  }
0x1f9: {  	[bflag:$0x0] =	sbarrier.arrive $0xFFFF  }
0x1fa: {  	_ =	strace $0x9000004D  }
0x1fb: {  	s0 =	stileid.u32;
	[bflag:$0x2] =	sbarrier.arrive $0xFFFF  }
0x1fc: {  	p0 =	sne.s32 s0, $0x0;
	s0 =	rddreg [dreg:$0x2]  }
0x1fd: {  	s0 =	sadd.s32 @!p0 $0x100000, s0  }
0x1fe: {  	[sflag:s0] =	ssyncadd.tile.s32 @!p0 $0x1;
	_ =	shalt  }
.Lfunc_end2:
_tile_overlayer_lowered:
.L_overlay_start_2:
0x1ff: {  	(tag) =	ssettag $0x2  }
0x200: {  	s0 =	rddreg [dreg:$0x0];
	s2 =	stileid.u32  }
0x201: {  	s1 =	rddreg [dreg:$0x1];
	p0 =	sne.s32 s2, $0x0  }
0x202: {  	s3 =	rddreg [dreg:$0x2];
	[bflag:$0x3] =	sbarrier.arrive $0xFFFF;
	s2 =	simm.s32 @!p0 $0x1C11  }
0x203: {  	[timem:s3], [sflag:s2] =	dma.local @!p0 [hbm:s0], s1  }
0x204: {  	s0 =	simm.s32 @!p0 $0x11  }
0x205: {  	_ =	swait.ge @!p0 [sflag:s0], s1  }
0x206: {  	s1 =	ssub.s32 @!p0 $0x0, s1;
	[sflag:s0] =	ssyncset.done @!p0 $0x0  }
0x207: {  	[sflag:s0] =	ssyncadd.s32 @!p0 s1  }
0x208: {  	[bflag:$0x3] =	sbarrier.arrive $0xFFFF  }
0x209: {  	_ =	shalt  }

// kernel: sc_msgpass_f32.3.cloned.1.call-start
scs
__scs_entry_jumppad:
0x0: {  	(pc) =	sbr.rel $0x88, $3  }
0x1: {  	(tag) =	ssettag $0x0;
	lr =	simm.s32 $0x1  }
0x2: {  	[smem:$0x3F96] =	sst lr;
	_ =	strace $0xD0000000  }
0x3: {  	_ = 	snop  }
0x4: {  	_ = 	snop  }
0x5: {  	_ = 	snop  }
0x6: {  	_ = 	snop  }
0x7: {  	_ = 	snop  }
__scs_overlays_trampoline_lowered:
0x8: {  	[smem:$0x3FA5] =	sst s0  }
0x9: {  	[smem:$0x3FA6] =	sst s1  }
0xa: {  	[smem:$0x3FA7] =	sst s2  }
0xb: {  	[smem:$0x3FA8] =	sst s3  }
0xc: {  	[smem:$0x3FA9] =	sst s4  }
0xd: {  	[smem:$0x3FAA] =	sst s5  }
0xe: {  	[smem:$0x3FAB] =	sst s6  }
0xf: {  	[smem:$0x3FAC] =	sst s7  }
0x10: {  	[smem:$0x3FAD] =	sst s8  }
0x11: {  	[smem:$0x3FAE] =	sst s9;
	s0 =	simm.s32 @!p0 $0x0  }
0x12: {  	s1 =	sld [smem:$0x3F94];
	s0 =	simm.s32 @p0 $0x1  }
0x13: {  	[smem:$0x3FAF] =	sst s0;
	s0 =	simm.s32 @!p1 $0x0  }
0x14: {  	s2 =	sld [smem:$0x3F93];
	s0 =	simm.s32 @p1 $0x1  }
0x15: {  	[smem:$0x3FB0] =	sst s0;
	s0 =	simm.s32 @!p2 $0x0  }
0x16: {  	s3 =	sld [smem:$0x3FDB];
	s0 =	simm.s32 @p2 $0x1  }
0x17: {  	s4 =	simm.s32 $0x1BF5;
	[smem:$0x3FB2] =	sst s0  }
0x18: {  	s0 =	sld [smem:$0x3F95];
	_ =	swait.ge [sflag:s4], $0x0  }
0x19: {  	s7 =	sld [smem:$0x3F96]  }
0x1a: {  	s8 =	sadd.s32 $0xFFFFE003, lr  }
0x1b: {  	s9 =	sadd.s32 $0xFFFFFEF7, lr;
	s5 =	simm.s32 $0xFFFFFFFF;
	p2 =	slt.u32 s8, $0xFFFFF086  }
0x1c: {  	p1 =	slt.u32 s9, $0xF7A;
	s5 =	simm.s32 @!p2 $0x0  }
0x1d: {  	s5 =	simm.s32 @p1 $0x1;
	p0 =	seq.s32 s7, s2  }
0x1e: {  	s7 =	smul.u32 @!p0 $0xF7A, s2;
	p2 =	seq.s32 @!p0 s5, $0x0  }
0x1f: {  	s9 =	smul.u32 $0xF7A, s1;
	s8 =	simm.s32 @!p0 $0x1BF5;
	p2 =	por !p2, p0  }
0x20: {  	[sflag:s8] =	ssyncset.s32 @!p0 $0xFFFFF086;
	s6 =	sadd.s32 @!p0 s3, s7;
	s7 =	simm.s32 @!p0 $0x108  }
0x21: {  	s3 =	sadd.s32 s3, s9;
	s6 =	sadd.s32 @!p0 $0x88, s6;
	s7 =	simm.s32 @p2 $0x1082  }
0x22: {  	[simem:s7], [sflag:s8] =	dma.local @!p0 [hbm:s6], $0xF7A  }
0x23: {  	s9 =	sor.u32 $0xD0000000, s2;
	s6 =	simm.s32 $0x108;
	_ =	swait.ge @!p0 [sflag:s8], $0x0  }
0x24: {  	s3 =	sadd.s32 $0x88, s3;
	s6 =	simm.s32 @!p1 $0x1082;
	[sflag:s4] =	ssyncset.s32 $0xFFFFF086  }
0x25: {  	[simem:s6], [sflag:s4] =	dma.local [hbm:s3], $0xF7A  }
0x26: {  	[smem:$0x3F96] =	sst s1;
	(tag) =	ssettag s2;
	_ =	strace s9  }
0x27: {  	s1 =	sld [smem:$0x3FA6]  }
0x28: {  	s2 =	sld [smem:$0x3FA7]  }
0x29: {  	s4 =	sld [smem:$0x3FA9]  }
0x2a: {  	p0 =	seq.s32 s5, $0x0;
	s5 =	sld [smem:$0x3FAA]  }
0x2b: {  	s6 =	sld [smem:$0x3FAB]  }
0x2c: {  	s7 =	sld [smem:$0x3FAC]  }
0x2d: {  	s3 =	simm.s32 $0x108;
	s8 =	sld [smem:$0x3FAD]  }
0x2e: {  	s3 =	simm.s32 @!p0 $0x1082;
	s9 =	sld [smem:$0x3FAE]  }
0x2f: {  	lr =	sadd.s32 s0, s3;
	s0 =	sld [smem:$0x3FA5]  }
0x30: {  	s3 =	sld [smem:$0x3FA8]  }
0x31: {  	[smem:$0x3FB1] =	sst s10  }
0x32: {  	s10 =	sld [smem:$0x3FAF];
	_ =	sdelay $0x3  }
0x33: {  	p0 =	seq.s32 s10, $0x1;
	s10 =	sld [smem:$0x3FB1];
	_ =	sdelay $0x3  }
0x34: {  	[smem:$0x3FB1] =	sst s10  }
0x35: {  	s10 =	sld [smem:$0x3FB0];
	_ =	sdelay $0x3  }
0x36: {  	p1 =	seq.s32 s10, $0x1;
	s10 =	sld [smem:$0x3FB1];
	_ =	sdelay $0x3  }
0x37: {  	[smem:$0x3FB1] =	sst s10  }
0x38: {  	s10 =	sld [smem:$0x3FB2]  }
0x39: {  	_ = 	snop;
	(pc) =	sbr.ind lr, $3  }
0x3a: {  	_ = 	snop  }
0x3b: {  	_ = 	snop  }
0x3c: {  	p2 =	seq.s32 s10, $0x1;
	s10 =	sld [smem:$0x3FB1]  }
0x3d: {  	_ =	shalt  }
0x3e: {  	_ =	shalt  }
0x3f: {  	_ =	shalt  }
0x40: {  	_ =	shalt  }
0x41: {  	_ =	shalt  }
0x42: {  	_ =	shalt  }
0x43: {  	_ =	shalt  }
0x44: {  	_ =	shalt  }
0x45: {  	_ =	shalt  }
0x46: {  	_ =	shalt  }
0x47: {  	_ =	shalt  }
0x48: {  	_ =	shalt  }
0x49: {  	_ =	shalt  }
0x4a: {  	_ =	shalt  }
0x4b: {  	_ =	shalt  }
0x4c: {  	_ =	shalt  }
0x4d: {  	_ =	shalt  }
0x4e: {  	_ =	shalt  }
0x4f: {  	_ =	shalt  }
0x50: {  	_ =	shalt  }
0x51: {  	_ =	shalt  }
0x52: {  	_ =	shalt  }
0x53: {  	_ =	shalt  }
0x54: {  	_ =	shalt  }
0x55: {  	_ =	shalt  }
0x56: {  	_ =	shalt  }
0x57: {  	_ =	shalt  }
0x58: {  	_ =	shalt  }
0x59: {  	_ =	shalt  }
0x5a: {  	_ =	shalt  }
0x5b: {  	_ =	shalt  }
0x5c: {  	_ =	shalt  }
0x5d: {  	_ =	shalt  }
0x5e: {  	_ =	shalt  }
0x5f: {  	_ =	shalt  }
0x60: {  	_ =	shalt  }
0x61: {  	_ =	shalt  }
0x62: {  	_ =	shalt  }
0x63: {  	_ =	shalt  }
0x64: {  	_ =	shalt  }
0x65: {  	_ =	shalt  }
0x66: {  	_ =	shalt  }
0x67: {  	_ =	shalt  }
0x68: {  	_ =	shalt  }
0x69: {  	_ =	shalt  }
0x6a: {  	_ =	shalt  }
0x6b: {  	_ =	shalt  }
0x6c: {  	_ =	shalt  }
0x6d: {  	_ =	shalt  }
0x6e: {  	_ =	shalt  }
0x6f: {  	_ =	shalt  }
0x70: {  	_ =	shalt  }
0x71: {  	_ =	shalt  }
0x72: {  	_ =	shalt  }
0x73: {  	_ =	shalt  }
0x74: {  	_ =	shalt  }
0x75: {  	_ =	shalt  }
0x76: {  	_ =	shalt  }
0x77: {  	_ =	shalt  }
0x78: {  	_ =	shalt  }
0x79: {  	_ =	shalt  }
0x7a: {  	_ =	shalt  }
0x7b: {  	_ =	shalt  }
0x7c: {  	_ =	shalt  }
0x7d: {  	_ =	shalt  }
0x7e: {  	_ =	shalt  }
0x7f: {  	_ =	shalt  }
0x80: {  	_ =	shalt  }
0x81: {  	_ =	shalt  }
0x82: {  	_ =	shalt  }
0x83: {  	_ =	shalt  }
0x84: {  	_ =	shalt  }
0x85: {  	_ =	shalt  }
0x86: {  	_ =	shalt  }
0x87: {  	_ =	shalt  }
.Lfunc_end0:
.L_simem_size_0:
called_computation.1_lowered:
.L_overlay_start_0:
0x88: {  	s2 =	sld [smem:$0x3FD9]  }
0x89: {  	s3 =	sld [smem:$0x3FFE];
	_ =	sdelay $0x1  }
0x8a: {  	s1 =	srdreg.scid  }
0x8b: {  	s0 =	sand.u32 $0x1, s1  }
0x8c: {  	s16 =	sshll.u32 s0, $0xA;
	s2 =	sadd.s32 s3, s2  }
0x8d: {  	s2 =	sadd.s32 s2, s16  }
0x8e: {  	[smem:$0x3FBD] =	sst s2  }
0x8f: {  	_ = 	snop  }
0x90: {  	(tm) =	ssettm $0x1  }
0x91: {  	s17 =	sld [smem:$0x3FFB];
	_ =	sdelay $0x3  }
0x92: {  	_ =	strace s17  }
0x93: {  	s2 =	sld [smem:$0x3FFC];
	_ =	sdelay $0x3  }
0x94: {  	_ =	strace s2  }
0x95: {  	s2 =	sld [smem:$0x3FFD];
	_ =	sdelay $0x3  }
0x96: {  	_ =	strace s2  }
0x97: {  	_ =	strace $0x8FFFFFFF  }
0x98: {  	s18 =	sld [smem:$0x3FDB];
	_ =	sdelay $0x1  }
0x99: {  	s19 =	simm.s32 $_scs_section_size  }
0x9a: {  	s4 =	simm.s32 $_size__tile_overlayer_lowered;
	s5 =	simm.s32 $_tile_overlayer_lowered  }
0x9b: {  	s22 =	simm.s32 $0x1BFF;
	s21 =	sshll.u32 s5, $0x1;
	s2 =	sadd.s32 s19, s18  }
0x9c: {  	s6 =	simm.s32 $0x0;
	s20 =	sshll.u32 s4, $0x1;
	s4 =	sadd.s32 s21, s2  }
0x9d: {  	[timem:s6], [sflag:s22] =	dma.local [hbm:s4], s20  }
0x9e: {  	_ =	swait.ge [sflag:s22], s20  }
0x9f: {  	s3 =	ssub.s32 $0x0, s20;
	[sflag:s22] =	ssyncset.done $0x0  }
0xa0: {  	[sflag:s22] =	ssyncadd.s32 s3;
	_ =	sdelay $0x1  }
0xa1: {  	s23 =	simm.s32 $0x1B8B  }
0xa2: {  	_ =	swait.ge [sflag:s23], $0x1  }
0xa3: {  	[sflag:s23] =	ssyncset.done $0x0  }
0xa4: {  	s25 =	simm.s32 $0x1B8E;
	s24 =	sld [smem:$0x3FFE];
	[sflag:s23] =	ssyncadd.s32 $0xFFFFFFFF  }
0xa5: {  	s26 =	simm.s32 $execute0_lowered;
	[smem:$0x3FD2] =	sst s25  }
0xa6: {  	s4 =	sshll.u32 s26, $0x1;
	_ =	strace $0x80000049;
	[dreg:$0x1] =	wrdreg $0xFFFFFFFF  }
0xa7: {  	s28 =	simm.s32 $_size_execute0_lowered;
	s2 =	sadd.s32 s2, s4;
	[dreg:$0x0] =	wrdreg $0x0  }
0xa8: {  	s4 =	sshll.u32 s28, $0x1;
	[dreg:$0x2] =	wrdreg s2  }
0xa9: {  	[dreg:$0x3] =	wrdreg s4  }
0xaa: {  	[dreg:$0x4] =	wrdreg $0xC0  }
0xab: {  	_ =	task [dreg:s6], $0x5FFFF  }
0xac: {  	[dreg:$0x1] =	wrdreg $0xFFFFFFFF  }
0xad: {  	[dreg:$0x0] =	wrdreg $0x60  }
0xae: {  	[dreg:$0x2] =	wrdreg s24  }
0xaf: {  	[dreg:$0x3] =	wrdreg $0x1A0000  }
0xb0: {  	[dreg:$0x4] =	wrdreg $0x9  }
0xb1: {  	_ =	task.clear_ibuf [dreg:s6], $0x5FFFF;
	_ =	strace $0x90000049  }
0xb2: {  	s29 =	simm.s32 $0x9;
	_ =	strace $0x8000004B  }
0xb3: {  	_ =	swait.ge [sflag:s29], $0x1  }
0xb4: {  	[sflag:s29] =	ssyncadd.s32 $0xFFFFFFFF  }
0xb5: {  	_ =	strace $0x9000004B  }
0xb6: {  	_ =	sfence  }
0xb7: {  	s30 =	sld [smem:$0x0];
	_ =	sdelay $0x2  }
0xb8: {  	s31 =	sshll.u32 s1, $0xD;
	s1 =	sshrl.u32 s1, $0x2  }
0xb9: {  	s3 =	sand.u32 $0x4000, s31;
	s1 =	sadd.s32 s1, s30  }
0xba: {  	s0 =	sor.u32 s3, s0;
	s1 =	sshll.u32 s1, $0x11  }
0xbb: {  	s0 =	sor.u32 s1, s0  }
0xbc: {  	s0 =	sadd.s32 $0x8F2B, s0  }
0xbd: {  	[sflag:s0] =	ssyncadd.remote.s32 $0x1  }
0xbe: {  	_ =	sfence.sel $0xFFFF  }
0xbf: {  	[dreg:$0x0] =	wrdreg $0xFFFFFFFF;
	(pc) =	sbr.abs _section_cstart, $3  }
0xc0: {  	[dreg:$0x1] =	wrdreg $0xFFFFFFFF  }
0xc1: {  	_ =	task.clear_ibuf [dreg:s6], $0x2FFFF;
	_ =	strace $0x9FFFFFFF  }
0xc2: {  	(tm) =	ssettm $0x7FFFFFFF  }
0xc3: {  	_ =	shalt  }
tec
execute0_lowered:
.L_overlay_start_1:
0x0: {  	(tag) =	ssettag $0x1  }
0x1: {  	s0 =	srdreg.scid;
	s1 =	rddreg [dreg:$0x0]  }
0x2: {  	s7 =	stileid.u32;
	s2 =	rddreg [dreg:$0x1];
	s11 =	simm.s32 $0x0  }
0x3: {  	s10 =	simm.s32 $0x11;
	s29 =	simm.s32 $0x15000;
	s13 =	simm.s32 $0x80  }
0x4: {  	s31 =	simm.s32 $0x5000;
	s30 =	simm.s32 $0x6000;
	s18 =	simm.s32 $0x7000  }
0x5: {  	s20 =	simm.s32 $0x1;
	s22 =	simm.s32 $0x2;
	s8 =	simm.s32 $0x6  }
0x6: {  	s9 =	simm.s32 $0x7;
	s12 =	simm.s32 $0x9;
	s14 =	simm.s32 $0xB  }
0x7: {  	s15 =	simm.s32 $0xC;
	s17 =	simm.s32 $0xD;
	s19 =	simm.s32 $0xE  }
0x8: {  	s21 =	simm.s32 $0xF;
	s0 =	sand.u32 $0x1, s0;
	[smem:$0x7FF] =	sst s11  }
0x9: {  	s4 =	sadd.s32 $0x18000, s1;
	s24 =	smul.u32 $0x5000, s7;
	s3 =	sshll.u32 s0, $0x4  }
0xa: {  	s5 =	ssub.s32 $0x2, s0;
	_ =	strace $0x8000004A;
	p0 =	seq.s32 s0, $0x1  }
0xb: {  	s0 =	simm.s32 $0x2BE00;
	s3 =	sor.u32 s7, s3;
	s6 =	sshrl.u32 s5, $0x1  }
0xc: {  	s0 =	simm.s32 @!p0 $0x21E00;
	s16 =	sadd.s32 s24, s2;
	s26 =	sshrl.u32 s24, $0x3  }
0xd: {  	s24 =	simm.s32 $0x3;
	s7 =	simm.s32 $0xA;
	s3 =	smul.u32 $0x2800, s3  }
0xe: {  	s5 =	ssub.s32 s5, s6;
	s0 =	sadd.s32 s0, s1;
	s6 =	simm.s32 $0x5  }
0xf: {  	[dreg:$0x5] =	wrdreg s16;
	s28 =	smax.u32 s5, $0x1;
	s3 =	sshrl.u32 s3, $0x3  }
0x10: {  	s0 =	sadd.s32 s0, s26;
	[dreg:$0x6] =	wrdreg s28;
	s3 =	sadd.s32 s3, s1  }
0x11: {  	s5 =	simm.s32 $0x4;
	[dreg:$0x7] =	wrdreg s0;
	s25 =	sadd.s32 $0x4000, s3  }
0x12: {  	s26 =	simm.s32 $0x10;
	s3 =	sadd.s32 $0xE000, s3;
	[dreg:$0x3] =	wrdreg s25  }
0x13: {  	v0 =	vimm.f32 $0.0e+00;
	s1 =	simm.s32 $0x0;
	[dreg:$0x4] =	wrdreg s3;
	s3 =	simm.s32 $0x8  }
.LBB2_1:
0x14: {  	[dreg:$0x8] =	wrdreg s1  }
0x15: {  	s0 =	rddreg [dreg:$0x3]  }
0x16: {  	[tilespmem:s11], [sflag:$0x11] =	stream.linear.gather [hbm4b:s0+s11], $0x2800, $0x38;
	[tilespmem:$0x1F000] =	vst v63  }
0x17: {  	_ =	swait.ge [sflag:s10], $0x2800  }
0x18: {  	[sflag:s10] =	ssyncset.done $0x0  }
0x19: {  	s28 =	simm.s32 $0x2800;
	s25 =	rddreg [dreg:$0x4];
	[sflag:s10] =	ssyncadd.s32 $0xFFFFD800  }
0x1a: {  	[tilespmem:s28], [sflag:$0x11] =	stream.linear.gather [hbm4b:s25+s11], $0x2800, $0x38;
	[tilespmem:$0x1F000] =	vst v63  }
0x1b: {  	_ =	swait.ge [sflag:s10], $0x2800  }
0x1c: {  	[sflag:s10] =	ssyncset.done $0x0  }
0x1d: {  	s23 =	simm.s32 $0x80;
	s25 =	simm.s32 $0x0;
	[sflag:s10] =	ssyncadd.s32 $0xFFFFD800  }
.LBB2_2:
0x1e: {  	p0 =	sne.s32 s23, $0x13F80;
	[tilespmem:s25+$0x15000] =	vst v0;
	s28 =	smov.u32 s23;
	s23 =	sadd.s32 $0x80, s23  }
.Ltmp0:
0x1f: {  	[tilespmem:s25+$0x15010] =	vst v0;
	(pc) =	sbr.rel @p0 .LBB2_2-.Ltmp0, $2  }
0x20: {  	_ =	sdelay $0x2  }
0x21: {  	s25 =	sshra.s32 s28, $0x2  }
0x22: {  	[tilespmem:s25+$0x15000] =	vst v0  }
0x23: {  	[tilespmem:s25+$0x15010] =	vst v0  }
0x24: {  	[spmem:s16] =	stream.linear.scatter [tilespmem:s29], [sflag:$0x11], $0x5000, $0x38;
	[tilespmem:$0x1F000] =	vst v63  }
0x25: {  	_ =	swait.ge [sflag:s10], $0x5000  }
0x26: {  	[sflag:s10] =	ssyncset.done $0x0  }
0x27: {  	[sflag:s10] =	ssyncadd.s32 $0xFFFFB000  }
0x28: {  	s23 =	simm.s32 $0x0;
	[bflag:$0x0] =	sbarrier.arrive $0xFFFF  }
0x29: {  	[tilespmem:s31], [sflag:$0x1] =	stream.indirect.gather [hbm4b:s4+s13], $0x20, s23, s13, $0xb8;
	[tilespmem:$0x1F000] =	vst v63  }
0x2a: {  	_ = 	snop  }
0x2b: {  	[tilespmem:s30], [sflag:$0x2] =	stream.indirect.gather [hbm4b:s4+s13], $0x20, s13, s13, $0xb8;
	[tilespmem:$0x1F000] =	vst v63  }
0x2c: {  	s0 =	simm.s32 $0x100  }
0x2d: {  	[tilespmem:s18], [sflag:$0x3] =	stream.indirect.gather [hbm4b:s4+s13], $0x20, s0, s13, $0xb8;
	[tilespmem:$0x1F000] =	vst v63  }
0x2e: {  	s1 =	simm.s32 $0x8000;
	s16 =	simm.s32 $0x180  }
0x2f: {  	[tilespmem:s1], [sflag:$0x4] =	stream.indirect.gather [hbm4b:s4+s13], $0x20, s16, s13, $0xb8;
	[tilespmem:$0x1F000] =	vst v63  }
0x30: {  	s11 =	simm.s32 $0x9000;
	s18 =	simm.s32 $0x200  }
0x31: {  	[tilespmem:s11], [sflag:$0x5] =	stream.indirect.gather [hbm4b:s4+s13], $0x20, s18, s13, $0xb8;
	[tilespmem:$0x1F000] =	vst v63  }
0x32: {  	s23 =	simm.s32 $0x280;
	s16 =	simm.s32 $0xA000  }
0x33: {  	[tilespmem:s16], [sflag:$0x6] =	stream.indirect.gather [hbm4b:s4+s13], $0x20, s23, s13, $0xb8;
	[tilespmem:$0x1F000] =	vst v63  }
0x34: {  	s25 =	simm.s32 $0x300;
	s28 =	simm.s32 $0xB000  }
0x35: {  	[tilespmem:s28], [sflag:$0x7] =	stream.indirect.gather [hbm4b:s4+s13], $0x20, s25, s13, $0xb8;
	[tilespmem:$0x1F000] =	vst v63  }
0x36: {  	s29 =	simm.s32 $0x380;
	s25 =	simm.s32 $0xC000  }
0x37: {  	[tilespmem:s25], [sflag:$0x8] =	stream.indirect.gather [hbm4b:s4+s13], $0x20, s29, s13, $0xb8;
	[tilespmem:$0x1F000] =	vst v63  }
0x38: {  	s0 =	simm.s32 $0x400;
	s29 =	simm.s32 $0xD000  }
0x39: {  	[tilespmem:s29], [sflag:$0x9] =	stream.indirect.gather [hbm4b:s4+s13], $0x20, s0, s13, $0xb8;
	[tilespmem:$0x1F000] =	vst v63  }
0x3a: {  	s23 =	simm.s32 $0x480;
	s0 =	simm.s32 $0xE000  }
0x3b: {  	[tilespmem:s0], [sflag:$0xA] =	stream.indirect.gather [hbm4b:s4+s13], $0x20, s23, s13, $0xb8;
	[tilespmem:$0x1F000] =	vst v63  }
0x3c: {  	s23 =	simm.s32 $0x500;
	s0 =	simm.s32 $0xF000  }
0x3d: {  	[tilespmem:s0], [sflag:$0xB] =	stream.indirect.gather [hbm4b:s4+s13], $0x20, s23, s13, $0xb8;
	[tilespmem:$0x1F000] =	vst v63  }
0x3e: {  	s23 =	simm.s32 $0x580;
	s0 =	simm.s32 $0x10000  }
0x3f: {  	[tilespmem:s0], [sflag:$0xC] =	stream.indirect.gather [hbm4b:s4+s13], $0x20, s23, s13, $0xb8;
	[tilespmem:$0x1F000] =	vst v63  }
0x40: {  	s23 =	simm.s32 $0x600;
	s0 =	simm.s32 $0x11000  }
0x41: {  	[tilespmem:s0], [sflag:$0xD] =	stream.indirect.gather [hbm4b:s4+s13], $0x20, s23, s13, $0xb8;
	[tilespmem:$0x1F000] =	vst v63  }
0x42: {  	s23 =	simm.s32 $0x680;
	s0 =	simm.s32 $0x12000  }
0x43: {  	[tilespmem:s0], [sflag:$0xE] =	stream.indirect.gather [hbm4b:s4+s13], $0x20, s23, s13, $0xb8;
	[tilespmem:$0x1F000] =	vst v63  }
0x44: {  	s23 =	simm.s32 $0x700;
	s0 =	simm.s32 $0x13000  }
0x45: {  	[tilespmem:s0], [sflag:$0xF] =	stream.indirect.gather [hbm4b:s4+s13], $0x20, s23, s13, $0xb8;
	[tilespmem:$0x1F000] =	vst v63  }
0x46: {  	s23 =	simm.s32 $0x780;
	s0 =	simm.s32 $0x14000  }
0x47: {  	[tilespmem:s0], [sflag:$0x10] =	stream.indirect.gather [hbm4b:s4+s13], $0x20, s23, s13, $0xb8;
	[tilespmem:$0x1F000] =	vst v63  }
0x48: {  	_ =	swait.ge [sflag:s20], $0x1000  }
0x49: {  	[sflag:s20] =	ssyncset.done $0x0  }
0x4a: {  	[sflag:s20] =	ssyncadd.s32 $0xFFFFF000;
	s20 =	simm.s32 $0x2800  }
0x4b: {  	[spmem:s2] =	stream.indirect.scatter.add.f32 [tilespmem:s31], [sflag:$0x11], $0x20, s20, s13, $0xb8;
	[tilespmem:$0x1F000] =	vst v63  }
0x4c: {  	_ =	swait.ge [sflag:s10], $0x1000  }
0x4d: {  	[sflag:s10] =	ssyncset.done $0x0  }
0x4e: {  	[sflag:s10] =	ssyncadd.s32 $0xFFFFF000  }
0x4f: {  	_ =	swait.ge [sflag:s22], $0x1000  }
0x50: {  	[sflag:s22] =	ssyncset.done $0x0  }
0x51: {  	[sflag:s22] =	ssyncadd.s32 $0xFFFFF000;
	s22 =	simm.s32 $0x2880  }
0x52: {  	[spmem:s2] =	stream.indirect.scatter.add.f32 [tilespmem:s30], [sflag:$0x11], $0x20, s22, s13, $0xb8;
	[tilespmem:$0x1F000] =	vst v63  }
0x53: {  	_ =	swait.ge [sflag:s10], $0x1000  }
0x54: {  	[sflag:s10] =	ssyncset.done $0x0  }
0x55: {  	[sflag:s10] =	ssyncadd.s32 $0xFFFFF000  }
0x56: {  	_ =	swait.ge [sflag:s24], $0x1000  }
0x57: {  	[sflag:s24] =	ssyncset.done $0x0  }
0x58: {  	s18 =	simm.s32 $0x7000;
	s30 =	simm.s32 $0x2900;
	[sflag:s24] =	ssyncadd.s32 $0xFFFFF000  }
0x59: {  	[spmem:s2] =	stream.indirect.scatter.add.f32 [tilespmem:s18], [sflag:$0x11], $0x20, s30, s13, $0xb8;
	[tilespmem:$0x1F000] =	vst v63  }
0x5a: {  	_ =	swait.ge [sflag:s10], $0x1000  }
0x5b: {  	[sflag:s10] =	ssyncset.done $0x0  }
0x5c: {  	[sflag:s10] =	ssyncadd.s32 $0xFFFFF000  }
0x5d: {  	_ =	swait.ge [sflag:s5], $0x1000  }
0x5e: {  	[sflag:s5] =	ssyncset.done $0x0  }
0x5f: {  	s20 =	simm.s32 $0x2980;
	[sflag:s5] =	ssyncadd.s32 $0xFFFFF000  }
0x60: {  	[spmem:s2] =	stream.indirect.scatter.add.f32 [tilespmem:s1], [sflag:$0x11], $0x20, s20, s13, $0xb8;
	[tilespmem:$0x1F000] =	vst v63  }
0x61: {  	_ =	swait.ge [sflag:s10], $0x1000  }
0x62: {  	[sflag:s10] =	ssyncset.done $0x0  }
0x63: {  	[sflag:s10] =	ssyncadd.s32 $0xFFFFF000  }
0x64: {  	_ =	swait.ge [sflag:s6], $0x1000  }
0x65: {  	[sflag:s6] =	ssyncset.done $0x0  }
0x66: {  	s22 =	simm.s32 $0x2A00;
	[sflag:s6] =	ssyncadd.s32 $0xFFFFF000  }
0x67: {  	[spmem:s2] =	stream.indirect.scatter.add.f32 [tilespmem:s11], [sflag:$0x11], $0x20, s22, s13, $0xb8;
	[tilespmem:$0x1F000] =	vst v63  }
0x68: {  	_ =	swait.ge [sflag:s10], $0x1000  }
0x69: {  	[sflag:s10] =	ssyncset.done $0x0  }
0x6a: {  	[sflag:s10] =	ssyncadd.s32 $0xFFFFF000  }
0x6b: {  	_ =	swait.ge [sflag:s8], $0x1000  }
0x6c: {  	[sflag:s8] =	ssyncset.done $0x0  }
0x6d: {  	s24 =	simm.s32 $0x2A80;
	[sflag:s8] =	ssyncadd.s32 $0xFFFFF000  }
0x6e: {  	[spmem:s2] =	stream.indirect.scatter.add.f32 [tilespmem:s16], [sflag:$0x11], $0x20, s24, s13, $0xb8;
	[tilespmem:$0x1F000] =	vst v63  }
0x6f: {  	_ =	swait.ge [sflag:s10], $0x1000  }
0x70: {  	[sflag:s10] =	ssyncset.done $0x0  }
0x71: {  	[sflag:s10] =	ssyncadd.s32 $0xFFFFF000  }
0x72: {  	_ =	swait.ge [sflag:s9], $0x1000  }
0x73: {  	[sflag:s9] =	ssyncset.done $0x0  }
0x74: {  	s30 =	simm.s32 $0x2B00;
	[sflag:s9] =	ssyncadd.s32 $0xFFFFF000  }
0x75: {  	[spmem:s2] =	stream.indirect.scatter.add.f32 [tilespmem:s28], [sflag:$0x11], $0x20, s30, s13, $0xb8;
	[tilespmem:$0x1F000] =	vst v63  }
0x76: {  	_ =	swait.ge [sflag:s10], $0x1000  }
0x77: {  	[sflag:s10] =	ssyncset.done $0x0  }
0x78: {  	[sflag:s10] =	ssyncadd.s32 $0xFFFFF000  }
0x79: {  	_ =	swait.ge [sflag:s3], $0x1000  }
0x7a: {  	[sflag:s3] =	ssyncset.done $0x0  }
0x7b: {  	s5 =	simm.s32 $0x2B80;
	[sflag:s3] =	ssyncadd.s32 $0xFFFFF000  }
0x7c: {  	[spmem:s2] =	stream.indirect.scatter.add.f32 [tilespmem:s25], [sflag:$0x11], $0x20, s5, s13, $0xb8;
	[tilespmem:$0x1F000] =	vst v63  }
0x7d: {  	p0 =	por $0x0, $0x0;
	_ =	swait.ge [sflag:s10], $0x1000  }
0x7e: {  	s23 =	simm.s32 @!p0 $0x5000;
	[sflag:s10] =	ssyncset.done $0x0  }
0x7f: {  	s28 =	simm.s32 @!p0 $0x80;
	s25 =	simm.s32 @!p0 $0x800;
	[sflag:s10] =	ssyncadd.s32 $0xFFFFF000  }
0x80: {  	[tilespmem:s23], [sflag:$0x1] =	stream.indirect.gather @!p0 [hbm4b:s4+s28], $0x20, s25, s28, $0xb8;
	[tilespmem:$0x1F000] =	vst v63  }
0x81: {  	s23 =	simm.s32 @!p0 $0x880;
	s25 =	simm.s32 @!p0 $0x6000  }
0x82: {  	[tilespmem:s25], [sflag:$0x2] =	stream.indirect.gather @!p0 [hbm4b:s4+s28], $0x20, s23, s28, $0xb8;
	[tilespmem:$0x1F000] =	vst v63  }
0x83: {  	s23 =	simm.s32 @!p0 $0x900;
	s25 =	simm.s32 @!p0 $0x7000  }
0x84: {  	[tilespmem:s25], [sflag:$0x3] =	stream.indirect.gather @!p0 [hbm4b:s4+s28], $0x20, s23, s28, $0xb8;
	[tilespmem:$0x1F000] =	vst v63  }
0x85: {  	s23 =	simm.s32 @!p0 $0x980;
	s25 =	simm.s32 @!p0 $0x8000  }
0x86: {  	[tilespmem:s25], [sflag:$0x4] =	stream.indirect.gather @!p0 [hbm4b:s4+s28], $0x20, s23, s28, $0xb8;
	[tilespmem:$0x1F000] =	vst v63  }
0x87: {  	s23 =	simm.s32 @!p0 $0xA00;
	s25 =	simm.s32 @!p0 $0x9000  }
0x88: {  	[tilespmem:s25], [sflag:$0x5] =	stream.indirect.gather @!p0 [hbm4b:s4+s28], $0x20, s23, s28, $0xb8;
	[tilespmem:$0x1F000] =	vst v63  }
0x89: {  	s23 =	simm.s32 @!p0 $0xA80;
	s25 =	simm.s32 @!p0 $0xA000  }
0x8a: {  	[tilespmem:s25], [sflag:$0x6] =	stream.indirect.gather @!p0 [hbm4b:s4+s28], $0x20, s23, s28, $0xb8;
	[tilespmem:$0x1F000] =	vst v63  }
0x8b: {  	s23 =	simm.s32 @!p0 $0xB00;
	s25 =	simm.s32 @!p0 $0xB000  }
0x8c: {  	[tilespmem:s25], [sflag:$0x7] =	stream.indirect.gather @!p0 [hbm4b:s4+s28], $0x20, s23, s28, $0xb8;
	[tilespmem:$0x1F000] =	vst v63  }
0x8d: {  	s23 =	simm.s32 @!p0 $0xB80;
	s25 =	simm.s32 @!p0 $0xC000  }
0x8e: {  	[tilespmem:s25], [sflag:$0x8] =	stream.indirect.gather @!p0 [hbm4b:s4+s28], $0x20, s23, s28, $0xb8;
	[tilespmem:$0x1F000] =	vst v63  }
0x8f: {  	_ =	swait.ge [sflag:s12], $0x1000  }
0x90: {  	[sflag:s12] =	ssyncset.done $0x0  }
0x91: {  	s6 =	simm.s32 $0x2C00;
	[sflag:s12] =	ssyncadd.s32 $0xFFFFF000  }
0x92: {  	[spmem:s2] =	stream.indirect.scatter.add.f32 [tilespmem:s29], [sflag:$0x11], $0x20, s6, s13, $0xb8;
	[tilespmem:$0x1F000] =	vst v63  }
0x93: {  	_ =	swait.ge [sflag:s10], $0x1000  }
0x94: {  	[sflag:s10] =	ssyncset.done $0x0  }
0x95: {  	[sflag:s10] =	ssyncadd.s32 $0xFFFFF000  }
0x96: {  	_ =	swait.ge [sflag:s7], $0x1000  }
0x97: {  	[sflag:s7] =	ssyncset.done $0x0  }
0x98: {  	s8 =	simm.s32 $0xE000;
	[sflag:s7] =	ssyncadd.s32 $0xFFFFF000;
	s7 =	simm.s32 $0x2C80  }
0x99: {  	[spmem:s2] =	stream.indirect.scatter.add.f32 [tilespmem:s8], [sflag:$0x11], $0x20, s7, s13, $0xb8;
	[tilespmem:$0x1F000] =	vst v63  }
0x9a: {  	_ =	swait.ge [sflag:s10], $0x1000  }
0x9b: {  	[sflag:s10] =	ssyncset.done $0x0  }
0x9c: {  	[sflag:s10] =	ssyncadd.s32 $0xFFFFF000  }
0x9d: {  	_ =	swait.ge [sflag:s14], $0x1000  }
0x9e: {  	[sflag:s14] =	ssyncset.done $0x0  }
0x9f: {  	s9 =	simm.s32 $0x2D00;
	s12 =	simm.s32 $0xF000;
	[sflag:s14] =	ssyncadd.s32 $0xFFFFF000  }
0xa0: {  	[spmem:s2] =	stream.indirect.scatter.add.f32 [tilespmem:s12], [sflag:$0x11], $0x20, s9, s13, $0xb8;
	[tilespmem:$0x1F000] =	vst v63  }
0xa1: {  	_ =	swait.ge [sflag:s10], $0x1000  }
0xa2: {  	[sflag:s10] =	ssyncset.done $0x0  }
0xa3: {  	[sflag:s10] =	ssyncadd.s32 $0xFFFFF000  }
0xa4: {  	_ =	swait.ge [sflag:s15], $0x1000  }
0xa5: {  	[sflag:s15] =	ssyncset.done $0x0  }
0xa6: {  	s14 =	simm.s32 $0x2D80;
	[sflag:s15] =	ssyncadd.s32 $0xFFFFF000;
	s15 =	simm.s32 $0x10000  }
0xa7: {  	[spmem:s2] =	stream.indirect.scatter.add.f32 [tilespmem:s15], [sflag:$0x11], $0x20, s14, s13, $0xb8;
	[tilespmem:$0x1F000] =	vst v63  }
0xa8: {  	_ =	swait.ge [sflag:s10], $0x1000  }
0xa9: {  	[sflag:s10] =	ssyncset.done $0x0  }
0xaa: {  	[sflag:s10] =	ssyncadd.s32 $0xFFFFF000  }
0xab: {  	_ =	swait.ge [sflag:s17], $0x1000  }
0xac: {  	[sflag:s17] =	ssyncset.done $0x0  }
0xad: {  	s18 =	simm.s32 $0x2E00;
	s20 =	simm.s32 $0x11000;
	[sflag:s17] =	ssyncadd.s32 $0xFFFFF000  }
0xae: {  	[spmem:s2] =	stream.indirect.scatter.add.f32 [tilespmem:s20], [sflag:$0x11], $0x20, s18, s13, $0xb8;
	[tilespmem:$0x1F000] =	vst v63  }
0xaf: {  	_ =	swait.ge [sflag:s10], $0x1000  }
0xb0: {  	[sflag:s10] =	ssyncset.done $0x0  }
0xb1: {  	[sflag:s10] =	ssyncadd.s32 $0xFFFFF000  }
0xb2: {  	_ =	swait.ge [sflag:s19], $0x1000  }
0xb3: {  	[sflag:s19] =	ssyncset.done $0x0  }
0xb4: {  	s22 =	simm.s32 $0x2E80;
	s24 =	simm.s32 $0x12000;
	[sflag:s19] =	ssyncadd.s32 $0xFFFFF000  }
0xb5: {  	[spmem:s2] =	stream.indirect.scatter.add.f32 [tilespmem:s24], [sflag:$0x11], $0x20, s22, s13, $0xb8;
	[tilespmem:$0x1F000] =	vst v63  }
0xb6: {  	_ =	swait.ge [sflag:s10], $0x1000  }
0xb7: {  	[sflag:s10] =	ssyncset.done $0x0  }
0xb8: {  	[sflag:s10] =	ssyncadd.s32 $0xFFFFF000  }
0xb9: {  	_ =	swait.ge [sflag:s21], $0x1000  }
0xba: {  	[sflag:s21] =	ssyncset.done $0x0  }
0xbb: {  	s25 =	simm.s32 $0x2F00;
	s29 =	simm.s32 $0x13000;
	[sflag:s21] =	ssyncadd.s32 $0xFFFFF000  }
0xbc: {  	[spmem:s2] =	stream.indirect.scatter.add.f32 [tilespmem:s29], [sflag:$0x11], $0x20, s25, s13, $0xb8;
	[tilespmem:$0x1F000] =	vst v63  }
0xbd: {  	_ =	swait.ge [sflag:s10], $0x1000  }
0xbe: {  	s30 =	simm.s32 $0x2F80;
	[sflag:s10] =	ssyncset.done $0x0  }
0xbf: {  	s3 =	simm.s32 $0x8;
	s5 =	simm.s32 $0x4;
	[sflag:s10] =	ssyncadd.s32 $0xFFFFF000  }
0xc0: {  	s28 =	simm.s32 $0x4000;
	s23 =	simm.s32 $0x800;
	_ =	swait.ge [sflag:s26], $0x1000  }
0xc1: {  	s6 =	simm.s32 $0x5;
	s8 =	simm.s32 $0x6;
	[sflag:s26] =	ssyncset.done $0x0  }
0xc2: {  	s9 =	simm.s32 $0x7;
	s12 =	simm.s32 $0x9;
	[sflag:s26] =	ssyncadd.s32 $0xFFFFF000  }
0xc3: {  	[spmem:s2] =	stream.indirect.scatter.add.f32 [tilespmem:s0], [sflag:$0x11], $0x20, s30, s13, $0xb8;
	[tilespmem:$0x1F000] =	vst v63  }
0xc4: {  	s24 =	simm.s32 $0x2;
	s22 =	simm.s32 $0x1;
	_ =	swait.ge [sflag:s10], $0x1000  }
0xc5: {  	s25 =	simm.s32 $0x2000;
	s26 =	simm.s32 $0x3;
	[sflag:s10] =	ssyncset.done $0x0  }
.LBB2_4:
0xc6: {  	s30 =	sadd.s32 $0x400, s23;
	[sflag:s10] =	ssyncadd.s32 $0xFFFFF000  }
0xc7: {  	s29 =	smov.u32 s28;
	s28 =	sadd.s32 $0x2000, s28;
	s7 =	simm.s32 $0xD000  }
0xc8: {  	[tilespmem:s7], [sflag:$0x9] =	stream.indirect.gather [hbm4b:s4+s13], $0x20, s30, s13, $0xb8;
	[tilespmem:$0x1F000] =	vst v63  }
0xc9: {  	s14 =	simm.s32 $0xE000;
	p0 =	sne.s32 s28, $0xA000;
	s30 =	sadd.s32 $0x480, s23  }
0xca: {  	[tilespmem:s14], [sflag:$0xA] =	stream.indirect.gather [hbm4b:s4+s13], $0x20, s30, s13, $0xb8;
	[tilespmem:$0x1F000] =	vst v63  }
0xcb: {  	s15 =	simm.s32 $0xF000;
	s30 =	sadd.s32 $0x500, s23  }
0xcc: {  	[tilespmem:s15], [sflag:$0xB] =	stream.indirect.gather [hbm4b:s4+s13], $0x20, s30, s13, $0xb8;
	[tilespmem:$0x1F000] =	vst v63  }
0xcd: {  	s17 =	simm.s32 $0x10000;
	s30 =	sadd.s32 $0x580, s23  }
0xce: {  	[tilespmem:s17], [sflag:$0xC] =	stream.indirect.gather [hbm4b:s4+s13], $0x20, s30, s13, $0xb8;
	[tilespmem:$0x1F000] =	vst v63  }
0xcf: {  	s19 =	simm.s32 $0x11000;
	s30 =	sadd.s32 $0x600, s23  }
0xd0: {  	[tilespmem:s19], [sflag:$0xD] =	stream.indirect.gather [hbm4b:s4+s13], $0x20, s30, s13, $0xb8;
	[tilespmem:$0x1F000] =	vst v63  }
0xd1: {  	s21 =	simm.s32 $0x12000;
	s30 =	sadd.s32 $0x680, s23  }
0xd2: {  	[tilespmem:s21], [sflag:$0xE] =	stream.indirect.gather [hbm4b:s4+s13], $0x20, s30, s13, $0xb8;
	[tilespmem:$0x1F000] =	vst v63  }
0xd3: {  	s20 =	simm.s32 $0x13000;
	s30 =	sadd.s32 $0x700, s23  }
0xd4: {  	[tilespmem:s20], [sflag:$0xF] =	stream.indirect.gather [hbm4b:s4+s13], $0x20, s30, s13, $0xb8;
	[tilespmem:$0x1F000] =	vst v63  }
0xd5: {  	s30 =	sadd.s32 $0x780, s23  }
0xd6: {  	[tilespmem:s0], [sflag:$0x10] =	stream.indirect.gather [hbm4b:s4+s13], $0x20, s30, s13, $0xb8;
	[tilespmem:$0x1F000] =	vst v63  }
0xd7: {  	_ =	swait.ge [sflag:s22], $0x1000  }
0xd8: {  	[sflag:s22] =	ssyncset.done $0x0  }
0xd9: {  	s30 =	sadd.s32 $0x2800, s23;
	[sflag:s22] =	ssyncadd.s32 $0xFFFFF000  }
0xda: {  	[spmem:s2] =	stream.indirect.scatter.add.f32 [tilespmem:s31], [sflag:$0x11], $0x20, s30, s13, $0xb8;
	[tilespmem:$0x1F000] =	vst v63  }
0xdb: {  	_ =	swait.ge [sflag:s10], $0x1000  }
0xdc: {  	[sflag:s10] =	ssyncset.done $0x0  }
0xdd: {  	[sflag:s10] =	ssyncadd.s32 $0xFFFFF000  }
0xde: {  	_ =	swait.ge [sflag:s24], $0x1000  }
0xdf: {  	[sflag:s24] =	ssyncset.done $0x0  }
0xe0: {  	s0 =	simm.s32 $0x6000;
	s30 =	sadd.s32 $0x2880, s23;
	[sflag:s24] =	ssyncadd.s32 $0xFFFFF000  }
0xe1: {  	[spmem:s2] =	stream.indirect.scatter.add.f32 [tilespmem:s0], [sflag:$0x11], $0x20, s30, s13, $0xb8;
	[tilespmem:$0x1F000] =	vst v63  }
0xe2: {  	_ =	swait.ge [sflag:s10], $0x1000  }
0xe3: {  	[sflag:s10] =	ssyncset.done $0x0  }
0xe4: {  	[sflag:s10] =	ssyncadd.s32 $0xFFFFF000  }
0xe5: {  	_ =	swait.ge [sflag:s26], $0x1000  }
0xe6: {  	[sflag:s26] =	ssyncset.done $0x0  }
0xe7: {  	s30 =	sadd.s32 $0x2900, s23;
	s0 =	simm.s32 $0x7000;
	[sflag:s26] =	ssyncadd.s32 $0xFFFFF000  }
0xe8: {  	[spmem:s2] =	stream.indirect.scatter.add.f32 [tilespmem:s0], [sflag:$0x11], $0x20, s30, s13, $0xb8;
	[tilespmem:$0x1F000] =	vst v63  }
0xe9: {  	_ =	swait.ge [sflag:s10], $0x1000  }
0xea: {  	[sflag:s10] =	ssyncset.done $0x0  }
0xeb: {  	[sflag:s10] =	ssyncadd.s32 $0xFFFFF000  }
0xec: {  	_ =	swait.ge [sflag:s5], $0x1000  }
0xed: {  	[sflag:s5] =	ssyncset.done $0x0  }
0xee: {  	s30 =	sadd.s32 $0x2980, s23;
	[sflag:s5] =	ssyncadd.s32 $0xFFFFF000  }
0xef: {  	[spmem:s2] =	stream.indirect.scatter.add.f32 [tilespmem:s1], [sflag:$0x11], $0x20, s30, s13, $0xb8;
	[tilespmem:$0x1F000] =	vst v63  }
0xf0: {  	_ =	swait.ge [sflag:s10], $0x1000  }
0xf1: {  	[sflag:s10] =	ssyncset.done $0x0  }
0xf2: {  	[sflag:s10] =	ssyncadd.s32 $0xFFFFF000  }
0xf3: {  	_ =	swait.ge [sflag:s6], $0x1000  }
0xf4: {  	[sflag:s6] =	ssyncset.done $0x0  }
0xf5: {  	s30 =	sadd.s32 $0x2A00, s23;
	[sflag:s6] =	ssyncadd.s32 $0xFFFFF000  }
0xf6: {  	[spmem:s2] =	stream.indirect.scatter.add.f32 [tilespmem:s11], [sflag:$0x11], $0x20, s30, s13, $0xb8;
	[tilespmem:$0x1F000] =	vst v63  }
0xf7: {  	_ =	swait.ge [sflag:s10], $0x1000  }
0xf8: {  	[sflag:s10] =	ssyncset.done $0x0  }
0xf9: {  	[sflag:s10] =	ssyncadd.s32 $0xFFFFF000  }
0xfa: {  	_ =	swait.ge [sflag:s8], $0x1000  }
0xfb: {  	[sflag:s8] =	ssyncset.done $0x0  }
0xfc: {  	s30 =	sadd.s32 $0x2A80, s23;
	[sflag:s8] =	ssyncadd.s32 $0xFFFFF000  }
0xfd: {  	[spmem:s2] =	stream.indirect.scatter.add.f32 [tilespmem:s16], [sflag:$0x11], $0x20, s30, s13, $0xb8;
	[tilespmem:$0x1F000] =	vst v63  }
0xfe: {  	_ =	swait.ge [sflag:s10], $0x1000  }
0xff: {  	[sflag:s10] =	ssyncset.done $0x0  }
0x100: {  	[sflag:s10] =	ssyncadd.s32 $0xFFFFF000  }
0x101: {  	_ =	swait.ge [sflag:s9], $0x1000  }
0x102: {  	[sflag:s9] =	ssyncset.done $0x0  }
0x103: {  	s0 =	simm.s32 $0xB000;
	s30 =	sadd.s32 $0x2B00, s23;
	[sflag:s9] =	ssyncadd.s32 $0xFFFFF000  }
0x104: {  	[spmem:s2] =	stream.indirect.scatter.add.f32 [tilespmem:s0], [sflag:$0x11], $0x20, s30, s13, $0xb8;
	[tilespmem:$0x1F000] =	vst v63  }
0x105: {  	_ =	swait.ge [sflag:s10], $0x1000  }
0x106: {  	[sflag:s10] =	ssyncset.done $0x0  }
0x107: {  	[sflag:s10] =	ssyncadd.s32 $0xFFFFF000  }
0x108: {  	_ =	swait.ge [sflag:s3], $0x1000  }
0x109: {  	[sflag:s3] =	ssyncset.done $0x0  }
0x10a: {  	s30 =	sadd.s32 $0x2B80, s23;
	s0 =	simm.s32 $0xC000;
	[sflag:s3] =	ssyncadd.s32 $0xFFFFF000  }
0x10b: {  	[spmem:s2] =	stream.indirect.scatter.add.f32 [tilespmem:s0], [sflag:$0x11], $0x20, s30, s13, $0xb8;
	[tilespmem:$0x1F000] =	vst v63  }
0x10c: {  	p1 =	seq.s32 s25, $0x8000;
	s18 =	simm.s32 $0x14000;
	_ =	swait.ge [sflag:s10], $0x1000  }
0x10d: {  	s25 =	sshra.s32 @!p1 s25, $0x2;
	s30 =	simm.s32 @!p1 $0x5000;
	[sflag:s10] =	ssyncset.done $0x0  }
0x10e: {  	s31 =	sadd.s32 @!p1 $0x800, s25;
	s1 =	simm.s32 @!p1 $0x80;
	[sflag:s10] =	ssyncadd.s32 $0xFFFFF000  }
0x10f: {  	[tilespmem:s30], [sflag:$0x1] =	stream.indirect.gather @!p1 [hbm4b:s4+s1], $0x20, s31, s1, $0xb8;
	[tilespmem:$0x1F000] =	vst v63  }
0x110: {  	s0 =	sadd.s32 @!p1 $0x900, s25;
	s30 =	sadd.s32 @!p1 $0x880, s25;
	s31 =	simm.s32 @!p1 $0x6000  }
0x111: {  	[tilespmem:s31], [sflag:$0x2] =	stream.indirect.gather @!p1 [hbm4b:s4+s1], $0x20, s30, s1, $0xb8;
	[tilespmem:$0x1F000] =	vst v63  }
0x112: {  	s11 =	sadd.s32 @!p1 $0xA00, s25;
	s30 =	simm.s32 @!p1 $0x7000;
	s31 =	sadd.s32 @!p1 $0x980, s25  }
0x113: {  	[tilespmem:s30], [sflag:$0x3] =	stream.indirect.gather @!p1 [hbm4b:s4+s1], $0x20, s0, s1, $0xb8;
	[tilespmem:$0x1F000] =	vst v63  }
0x114: {  	s16 =	sadd.s32 @!p1 $0xB00, s25;
	s0 =	simm.s32 @!p1 $0x8000;
	s30 =	sadd.s32 @!p1 $0xA80, s25  }
0x115: {  	[tilespmem:s0], [sflag:$0x4] =	stream.indirect.gather @!p1 [hbm4b:s4+s1], $0x20, s31, s1, $0xb8;
	[tilespmem:$0x1F000] =	vst v63  }
0x116: {  	s0 =	simm.s32 @!p1 $0x9000;
	s31 =	sadd.s32 @!p1 $0xB80, s25;
	s25 =	smov.u32 s29  }
0x117: {  	[tilespmem:s0], [sflag:$0x5] =	stream.indirect.gather @!p1 [hbm4b:s4+s1], $0x20, s11, s1, $0xb8;
	[tilespmem:$0x1F000] =	vst v63  }
0x118: {  	s11 =	simm.s32 $0x9000  }
0x119: {  	s0 =	simm.s32 @!p1 $0xA000  }
0x11a: {  	[tilespmem:s0], [sflag:$0x6] =	stream.indirect.gather @!p1 [hbm4b:s4+s1], $0x20, s30, s1, $0xb8;
	[tilespmem:$0x1F000] =	vst v63  }
0x11b: {  	s0 =	simm.s32 @!p1 $0xB000  }
0x11c: {  	[tilespmem:s0], [sflag:$0x7] =	stream.indirect.gather @!p1 [hbm4b:s4+s1], $0x20, s16, s1, $0xb8;
	[tilespmem:$0x1F000] =	vst v63  }
0x11d: {  	s16 =	simm.s32 $0xA000  }
0x11e: {  	s0 =	simm.s32 @!p1 $0xC000  }
0x11f: {  	[tilespmem:s0], [sflag:$0x8] =	stream.indirect.gather @!p1 [hbm4b:s4+s1], $0x20, s31, s1, $0xb8;
	[tilespmem:$0x1F000] =	vst v63  }
0x120: {  	s1 =	simm.s32 $0x8000;
	s31 =	simm.s32 $0x5000  }
0x121: {  	_ =	swait.ge [sflag:s12], $0x1000  }
0x122: {  	[sflag:s12] =	ssyncset.done $0x0  }
0x123: {  	s0 =	sadd.s32 $0x2C00, s23;
	[sflag:s12] =	ssyncadd.s32 $0xFFFFF000  }
0x124: {  	[spmem:s2] =	stream.indirect.scatter.add.f32 [tilespmem:s7], [sflag:$0x11], $0x20, s0, s13, $0xb8;
	[tilespmem:$0x1F000] =	vst v63  }
0x125: {  	_ =	swait.ge [sflag:s10], $0x1000  }
0x126: {  	[sflag:s10] =	ssyncset.done $0x0  }
0x127: {  	s0 =	simm.s32 $0xA;
	[sflag:s10] =	ssyncadd.s32 $0xFFFFF000  }
0x128: {  	_ =	swait.ge [sflag:s0], $0x1000  }
0x129: {  	[sflag:s0] =	ssyncset.done $0x0  }
0x12a: {  	[sflag:s0] =	ssyncadd.s32 $0xFFFFF000;
	s0 =	sadd.s32 $0x2C80, s23  }
0x12b: {  	[spmem:s2] =	stream.indirect.scatter.add.f32 [tilespmem:s14], [sflag:$0x11], $0x20, s0, s13, $0xb8;
	[tilespmem:$0x1F000] =	vst v63  }
0x12c: {  	_ =	swait.ge [sflag:s10], $0x1000  }
0x12d: {  	[sflag:s10] =	ssyncset.done $0x0  }
0x12e: {  	s0 =	simm.s32 $0xB;
	[sflag:s10] =	ssyncadd.s32 $0xFFFFF000  }
0x12f: {  	_ =	swait.ge [sflag:s0], $0x1000  }
0x130: {  	[sflag:s0] =	ssyncset.done $0x0  }
0x131: {  	[sflag:s0] =	ssyncadd.s32 $0xFFFFF000;
	s0 =	sadd.s32 $0x2D00, s23  }
0x132: {  	[spmem:s2] =	stream.indirect.scatter.add.f32 [tilespmem:s15], [sflag:$0x11], $0x20, s0, s13, $0xb8;
	[tilespmem:$0x1F000] =	vst v63  }
0x133: {  	_ =	swait.ge [sflag:s10], $0x1000  }
0x134: {  	[sflag:s10] =	ssyncset.done $0x0  }
0x135: {  	s0 =	simm.s32 $0xC;
	[sflag:s10] =	ssyncadd.s32 $0xFFFFF000  }
0x136: {  	_ =	swait.ge [sflag:s0], $0x1000  }
0x137: {  	[sflag:s0] =	ssyncset.done $0x0  }
0x138: {  	[sflag:s0] =	ssyncadd.s32 $0xFFFFF000;
	s0 =	sadd.s32 $0x2D80, s23  }
0x139: {  	[spmem:s2] =	stream.indirect.scatter.add.f32 [tilespmem:s17], [sflag:$0x11], $0x20, s0, s13, $0xb8;
	[tilespmem:$0x1F000] =	vst v63  }
0x13a: {  	_ =	swait.ge [sflag:s10], $0x1000  }
0x13b: {  	[sflag:s10] =	ssyncset.done $0x0  }
0x13c: {  	s0 =	simm.s32 $0xD;
	[sflag:s10] =	ssyncadd.s32 $0xFFFFF000  }
0x13d: {  	_ =	swait.ge [sflag:s0], $0x1000  }
0x13e: {  	[sflag:s0] =	ssyncset.done $0x0  }
0x13f: {  	[sflag:s0] =	ssyncadd.s32 $0xFFFFF000;
	s0 =	sadd.s32 $0x2E00, s23  }
0x140: {  	[spmem:s2] =	stream.indirect.scatter.add.f32 [tilespmem:s19], [sflag:$0x11], $0x20, s0, s13, $0xb8;
	[tilespmem:$0x1F000] =	vst v63  }
0x141: {  	_ =	swait.ge [sflag:s10], $0x1000  }
0x142: {  	[sflag:s10] =	ssyncset.done $0x0  }
0x143: {  	s0 =	simm.s32 $0xE;
	[sflag:s10] =	ssyncadd.s32 $0xFFFFF000  }
0x144: {  	_ =	swait.ge [sflag:s0], $0x1000  }
0x145: {  	[sflag:s0] =	ssyncset.done $0x0  }
0x146: {  	[sflag:s0] =	ssyncadd.s32 $0xFFFFF000;
	s0 =	sadd.s32 $0x2E80, s23  }
0x147: {  	[spmem:s2] =	stream.indirect.scatter.add.f32 [tilespmem:s21], [sflag:$0x11], $0x20, s0, s13, $0xb8;
	[tilespmem:$0x1F000] =	vst v63  }
0x148: {  	_ =	swait.ge [sflag:s10], $0x1000  }
0x149: {  	[sflag:s10] =	ssyncset.done $0x0  }
0x14a: {  	s0 =	simm.s32 $0xF;
	[sflag:s10] =	ssyncadd.s32 $0xFFFFF000  }
0x14b: {  	_ =	swait.ge [sflag:s0], $0x1000  }
0x14c: {  	[sflag:s0] =	ssyncset.done $0x0  }
0x14d: {  	[sflag:s0] =	ssyncadd.s32 $0xFFFFF000;
	s0 =	sadd.s32 $0x2F00, s23  }
0x14e: {  	[spmem:s2] =	stream.indirect.scatter.add.f32 [tilespmem:s20], [sflag:$0x11], $0x20, s0, s13, $0xb8;
	[tilespmem:$0x1F000] =	vst v63  }
0x14f: {  	_ =	swait.ge [sflag:s10], $0x1000  }
0x150: {  	[sflag:s10] =	ssyncset.done $0x0  }
0x151: {  	s0 =	simm.s32 $0x10;
	[sflag:s10] =	ssyncadd.s32 $0xFFFFF000  }
0x152: {  	_ =	swait.ge [sflag:s0], $0x1000  }
0x153: {  	[sflag:s0] =	ssyncset.done $0x0  }
.Ltmp1:
0x154: {  	[sflag:s0] =	ssyncadd.s32 $0xFFFFF000;
	s0 =	sadd.s32 $0x2F80, s23;
	(pc) =	sbr.rel @p0 .LBB2_4-.Ltmp1, $4  }
0x155: {  	[spmem:s2] =	stream.indirect.scatter.add.f32 [tilespmem:s18], [sflag:$0x11], $0x20, s0, s13, $0xb8;
	[tilespmem:$0x1F000] =	vst v63  }
0x156: {  	s0 =	simm.s32 $0x14000  }
0x157: {  	_ =	swait.ge [sflag:s10], $0x1000  }
0x158: {  	s23 =	sshra.s32 s25, $0x2;
	[sflag:s10] =	ssyncset.done $0x0  }
0x159: {  	s0 =	sadd.s32 $0x400, s23;
	[sflag:s10] =	ssyncadd.s32 $0xFFFFF000;
	s7 =	simm.s32 $0xD000  }
0x15a: {  	[tilespmem:s7], [sflag:$0x9] =	stream.indirect.gather [hbm4b:s4+s13], $0x20, s0, s13, $0xb8;
	[tilespmem:$0x1F000] =	vst v63  }
0x15b: {  	s18 =	sadd.s32 $0x480, s23;
	s14 =	simm.s32 $0xE000  }
0x15c: {  	[tilespmem:s14], [sflag:$0xA] =	stream.indirect.gather [hbm4b:s4+s13], $0x20, s18, s13, $0xb8;
	[tilespmem:$0x1F000] =	vst v63  }
0x15d: {  	s19 =	sadd.s32 $0x500, s23;
	s15 =	simm.s32 $0xF000  }
0x15e: {  	[tilespmem:s15], [sflag:$0xB] =	stream.indirect.gather [hbm4b:s4+s13], $0x20, s19, s13, $0xb8;
	[tilespmem:$0x1F000] =	vst v63  }
0x15f: {  	s20 =	sadd.s32 $0x580, s23;
	s17 =	simm.s32 $0x10000  }
0x160: {  	[tilespmem:s17], [sflag:$0xC] =	stream.indirect.gather [hbm4b:s4+s13], $0x20, s20, s13, $0xb8;
	[tilespmem:$0x1F000] =	vst v63  }
0x161: {  	s21 =	sadd.s32 $0x600, s23;
	s19 =	simm.s32 $0x11000  }
0x162: {  	[tilespmem:s19], [sflag:$0xD] =	stream.indirect.gather [hbm4b:s4+s13], $0x20, s21, s13, $0xb8;
	[tilespmem:$0x1F000] =	vst v63  }
0x163: {  	s18 =	sadd.s32 $0x680, s23;
	s20 =	simm.s32 $0x12000  }
0x164: {  	[tilespmem:s20], [sflag:$0xE] =	stream.indirect.gather [hbm4b:s4+s13], $0x20, s18, s13, $0xb8;
	[tilespmem:$0x1F000] =	vst v63  }
0x165: {  	s21 =	sadd.s32 $0x700, s23;
	s18 =	simm.s32 $0x13000  }
0x166: {  	[tilespmem:s18], [sflag:$0xF] =	stream.indirect.gather [hbm4b:s4+s13], $0x20, s21, s13, $0xb8;
	[tilespmem:$0x1F000] =	vst v63  }
0x167: {  	s28 =	simm.s32 $0x14000;
	s21 =	sadd.s32 $0x780, s23  }
0x168: {  	[tilespmem:s28], [sflag:$0x10] =	stream.indirect.gather [hbm4b:s4+s13], $0x20, s21, s13, $0xb8;
	[tilespmem:$0x1F000] =	vst v63  }
0x169: {  	_ =	swait.ge [sflag:s22], $0x1000  }
0x16a: {  	[sflag:s22] =	ssyncset.done $0x0  }
0x16b: {  	s21 =	sadd.s32 $0x2800, s23;
	[sflag:s22] =	ssyncadd.s32 $0xFFFFF000  }
0x16c: {  	[spmem:s2] =	stream.indirect.scatter.add.f32 [tilespmem:s31], [sflag:$0x11], $0x20, s21, s13, $0xb8;
	[tilespmem:$0x1F000] =	vst v63  }
0x16d: {  	_ =	swait.ge [sflag:s10], $0x1000  }
0x16e: {  	[sflag:s10] =	ssyncset.done $0x0  }
0x16f: {  	[sflag:s10] =	ssyncadd.s32 $0xFFFFF000  }
0x170: {  	_ =	swait.ge [sflag:s24], $0x1000  }
0x171: {  	[sflag:s24] =	ssyncset.done $0x0  }
0x172: {  	s22 =	sadd.s32 $0x2880, s23;
	s21 =	simm.s32 $0x6000;
	[sflag:s24] =	ssyncadd.s32 $0xFFFFF000  }
0x173: {  	[spmem:s2] =	stream.indirect.scatter.add.f32 [tilespmem:s21], [sflag:$0x11], $0x20, s22, s13, $0xb8;
	[tilespmem:$0x1F000] =	vst v63  }
0x174: {  	_ =	swait.ge [sflag:s10], $0x1000  }
0x175: {  	[sflag:s10] =	ssyncset.done $0x0  }
0x176: {  	[sflag:s10] =	ssyncadd.s32 $0xFFFFF000  }
0x177: {  	_ =	swait.ge [sflag:s26], $0x1000  }
0x178: {  	[sflag:s26] =	ssyncset.done $0x0  }
0x179: {  	s24 =	sadd.s32 $0x2900, s23;
	[sflag:s26] =	ssyncadd.s32 $0xFFFFF000;
	s26 =	simm.s32 $0x7000  }
0x17a: {  	[spmem:s2] =	stream.indirect.scatter.add.f32 [tilespmem:s26], [sflag:$0x11], $0x20, s24, s13, $0xb8;
	[tilespmem:$0x1F000] =	vst v63  }
0x17b: {  	_ =	swait.ge [sflag:s10], $0x1000  }
0x17c: {  	[sflag:s10] =	ssyncset.done $0x0  }
0x17d: {  	[sflag:s10] =	ssyncadd.s32 $0xFFFFF000  }
0x17e: {  	_ =	swait.ge [sflag:s5], $0x1000  }
0x17f: {  	[sflag:s5] =	ssyncset.done $0x0  }
0x180: {  	[sflag:s5] =	ssyncadd.s32 $0xFFFFF000;
	s5 =	sadd.s32 $0x2980, s23  }
0x181: {  	[spmem:s2] =	stream.indirect.scatter.add.f32 [tilespmem:s1], [sflag:$0x11], $0x20, s5, s13, $0xb8;
	[tilespmem:$0x1F000] =	vst v63  }
0x182: {  	_ =	swait.ge [sflag:s10], $0x1000  }
0x183: {  	[sflag:s10] =	ssyncset.done $0x0  }
0x184: {  	[sflag:s10] =	ssyncadd.s32 $0xFFFFF000  }
0x185: {  	_ =	swait.ge [sflag:s6], $0x1000  }
0x186: {  	[sflag:s6] =	ssyncset.done $0x0  }
0x187: {  	s21 =	sadd.s32 $0x2A00, s23;
	[sflag:s6] =	ssyncadd.s32 $0xFFFFF000  }
0x188: {  	[spmem:s2] =	stream.indirect.scatter.add.f32 [tilespmem:s11], [sflag:$0x11], $0x20, s21, s13, $0xb8;
	[tilespmem:$0x1F000] =	vst v63  }
0x189: {  	_ =	swait.ge [sflag:s10], $0x1000  }
0x18a: {  	[sflag:s10] =	ssyncset.done $0x0  }
0x18b: {  	[sflag:s10] =	ssyncadd.s32 $0xFFFFF000  }
0x18c: {  	_ =	swait.ge [sflag:s8], $0x1000  }
0x18d: {  	[sflag:s8] =	ssyncset.done $0x0  }
0x18e: {  	s22 =	sadd.s32 $0x2A80, s23;
	[sflag:s8] =	ssyncadd.s32 $0xFFFFF000  }
0x18f: {  	[spmem:s2] =	stream.indirect.scatter.add.f32 [tilespmem:s16], [sflag:$0x11], $0x20, s22, s13, $0xb8;
	[tilespmem:$0x1F000] =	vst v63  }
0x190: {  	_ =	swait.ge [sflag:s10], $0x1000  }
0x191: {  	[sflag:s10] =	ssyncset.done $0x0  }
0x192: {  	[sflag:s10] =	ssyncadd.s32 $0xFFFFF000  }
0x193: {  	_ =	swait.ge [sflag:s9], $0x1000  }
0x194: {  	[sflag:s9] =	ssyncset.done $0x0  }
0x195: {  	s24 =	sadd.s32 $0x2B00, s23;
	s26 =	simm.s32 $0xB000;
	[sflag:s9] =	ssyncadd.s32 $0xFFFFF000  }
0x196: {  	[spmem:s2] =	stream.indirect.scatter.add.f32 [tilespmem:s26], [sflag:$0x11], $0x20, s24, s13, $0xb8;
	[tilespmem:$0x1F000] =	vst v63  }
0x197: {  	_ =	swait.ge [sflag:s10], $0x1000  }
0x198: {  	[sflag:s10] =	ssyncset.done $0x0  }
0x199: {  	[sflag:s10] =	ssyncadd.s32 $0xFFFFF000  }
0x19a: {  	_ =	swait.ge [sflag:s3], $0x1000  }
0x19b: {  	[sflag:s3] =	ssyncset.done $0x0  }
0x19c: {  	s5 =	simm.s32 $0xC000;
	[sflag:s3] =	ssyncadd.s32 $0xFFFFF000;
	s3 =	sadd.s32 $0x2B80, s23  }
0x19d: {  	[spmem:s2] =	stream.indirect.scatter.add.f32 [tilespmem:s5], [sflag:$0x11], $0x20, s3, s13, $0xb8;
	[tilespmem:$0x1F000] =	vst v63  }
0x19e: {  	p0 =	seq.s32 s25, $0x8000;
	_ =	swait.ge [sflag:s10], $0x1000  }
0x19f: {  	s0 =	sshra.s32 @!p0 s25, $0x2;
	s1 =	simm.s32 @!p0 $0x5000;
	[sflag:s10] =	ssyncset.done $0x0  }
0x1a0: {  	s11 =	sadd.s32 @!p0 $0x800, s0;
	s16 =	simm.s32 @!p0 $0x80;
	[sflag:s10] =	ssyncadd.s32 $0xFFFFF000  }
0x1a1: {  	[tilespmem:s1], [sflag:$0x1] =	stream.indirect.gather @!p0 [hbm4b:s4+s16], $0x20, s11, s16, $0xb8;
	[tilespmem:$0x1F000] =	vst v63  }
0x1a2: {  	s1 =	sadd.s32 @!p0 $0x880, s0;
	s11 =	simm.s32 @!p0 $0x6000  }
0x1a3: {  	[tilespmem:s11], [sflag:$0x2] =	stream.indirect.gather @!p0 [hbm4b:s4+s16], $0x20, s1, s16, $0xb8;
	[tilespmem:$0x1F000] =	vst v63  }
0x1a4: {  	s1 =	sadd.s32 @!p0 $0x900, s0;
	s11 =	simm.s32 @!p0 $0x7000  }
0x1a5: {  	[tilespmem:s11], [sflag:$0x3] =	stream.indirect.gather @!p0 [hbm4b:s4+s16], $0x20, s1, s16, $0xb8;
	[tilespmem:$0x1F000] =	vst v63  }
0x1a6: {  	s1 =	sadd.s32 @!p0 $0x980, s0;
	s11 =	simm.s32 @!p0 $0x8000  }
0x1a7: {  	[tilespmem:s11], [sflag:$0x4] =	stream.indirect.gather @!p0 [hbm4b:s4+s16], $0x20, s1, s16, $0xb8;
	[tilespmem:$0x1F000] =	vst v63  }
0x1a8: {  	s1 =	sadd.s32 @!p0 $0xA00, s0;
	s11 =	simm.s32 @!p0 $0x9000  }
0x1a9: {  	[tilespmem:s11], [sflag:$0x5] =	stream.indirect.gather @!p0 [hbm4b:s4+s16], $0x20, s1, s16, $0xb8;
	[tilespmem:$0x1F000] =	vst v63  }
0x1aa: {  	s1 =	sadd.s32 @!p0 $0xA80, s0;
	s11 =	simm.s32 @!p0 $0xA000  }
0x1ab: {  	[tilespmem:s11], [sflag:$0x6] =	stream.indirect.gather @!p0 [hbm4b:s4+s16], $0x20, s1, s16, $0xb8;
	[tilespmem:$0x1F000] =	vst v63  }
0x1ac: {  	s1 =	sadd.s32 @!p0 $0xB00, s0;
	s11 =	simm.s32 @!p0 $0xB000  }
0x1ad: {  	[tilespmem:s11], [sflag:$0x7] =	stream.indirect.gather @!p0 [hbm4b:s4+s16], $0x20, s1, s16, $0xb8;
	[tilespmem:$0x1F000] =	vst v63  }
0x1ae: {  	s0 =	sadd.s32 @!p0 $0xB80, s0;
	s1 =	simm.s32 @!p0 $0xC000  }
0x1af: {  	[tilespmem:s1], [sflag:$0x8] =	stream.indirect.gather @!p0 [hbm4b:s4+s16], $0x20, s0, s16, $0xb8;
	[tilespmem:$0x1F000] =	vst v63  }
0x1b0: {  	_ =	swait.ge [sflag:s12], $0x1000  }
0x1b1: {  	[sflag:s12] =	ssyncset.done $0x0  }
0x1b2: {  	s6 =	sadd.s32 $0x2C00, s23;
	[sflag:s12] =	ssyncadd.s32 $0xFFFFF000  }
0x1b3: {  	[spmem:s2] =	stream.indirect.scatter.add.f32 [tilespmem:s7], [sflag:$0x11], $0x20, s6, s13, $0xb8;
	[tilespmem:$0x1F000] =	vst v63  }
0x1b4: {  	_ =	swait.ge [sflag:s10], $0x1000  }
0x1b5: {  	[sflag:s10] =	ssyncset.done $0x0  }
0x1b6: {  	s7 =	simm.s32 $0xA;
	[sflag:s10] =	ssyncadd.s32 $0xFFFFF000  }
0x1b7: {  	_ =	swait.ge [sflag:s7], $0x1000  }
0x1b8: {  	[sflag:s7] =	ssyncset.done $0x0  }
0x1b9: {  	s8 =	sadd.s32 $0x2C80, s23;
	[sflag:s7] =	ssyncadd.s32 $0xFFFFF000  }
0x1ba: {  	[spmem:s2] =	stream.indirect.scatter.add.f32 [tilespmem:s14], [sflag:$0x11], $0x20, s8, s13, $0xb8;
	[tilespmem:$0x1F000] =	vst v63  }
0x1bb: {  	_ =	swait.ge [sflag:s10], $0x1000  }
0x1bc: {  	[sflag:s10] =	ssyncset.done $0x0  }
0x1bd: {  	s9 =	simm.s32 $0xB;
	[sflag:s10] =	ssyncadd.s32 $0xFFFFF000  }
0x1be: {  	_ =	swait.ge [sflag:s9], $0x1000  }
0x1bf: {  	[sflag:s9] =	ssyncset.done $0x0  }
0x1c0: {  	s11 =	sadd.s32 $0x2D00, s23;
	[sflag:s9] =	ssyncadd.s32 $0xFFFFF000  }
0x1c1: {  	[spmem:s2] =	stream.indirect.scatter.add.f32 [tilespmem:s15], [sflag:$0x11], $0x20, s11, s13, $0xb8;
	[tilespmem:$0x1F000] =	vst v63  }
0x1c2: {  	_ =	swait.ge [sflag:s10], $0x1000  }
0x1c3: {  	[sflag:s10] =	ssyncset.done $0x0  }
0x1c4: {  	s12 =	simm.s32 $0xC;
	[sflag:s10] =	ssyncadd.s32 $0xFFFFF000  }
0x1c5: {  	_ =	swait.ge [sflag:s12], $0x1000  }
0x1c6: {  	[sflag:s12] =	ssyncset.done $0x0  }
0x1c7: {  	s14 =	sadd.s32 $0x2D80, s23;
	[sflag:s12] =	ssyncadd.s32 $0xFFFFF000  }
0x1c8: {  	[spmem:s2] =	stream.indirect.scatter.add.f32 [tilespmem:s17], [sflag:$0x11], $0x20, s14, s13, $0xb8;
	[tilespmem:$0x1F000] =	vst v63  }
0x1c9: {  	_ =	swait.ge [sflag:s10], $0x1000  }
0x1ca: {  	[sflag:s10] =	ssyncset.done $0x0  }
0x1cb: {  	s15 =	simm.s32 $0xD;
	[sflag:s10] =	ssyncadd.s32 $0xFFFFF000  }
0x1cc: {  	_ =	swait.ge [sflag:s15], $0x1000  }
0x1cd: {  	[sflag:s15] =	ssyncset.done $0x0  }
0x1ce: {  	s16 =	sadd.s32 $0x2E00, s23;
	[sflag:s15] =	ssyncadd.s32 $0xFFFFF000  }
0x1cf: {  	[spmem:s2] =	stream.indirect.scatter.add.f32 [tilespmem:s19], [sflag:$0x11], $0x20, s16, s13, $0xb8;
	[tilespmem:$0x1F000] =	vst v63  }
0x1d0: {  	_ =	swait.ge [sflag:s10], $0x1000  }
0x1d1: {  	[sflag:s10] =	ssyncset.done $0x0  }
0x1d2: {  	s17 =	simm.s32 $0xE;
	[sflag:s10] =	ssyncadd.s32 $0xFFFFF000  }
0x1d3: {  	_ =	swait.ge [sflag:s17], $0x1000  }
0x1d4: {  	[sflag:s17] =	ssyncset.done $0x0  }
0x1d5: {  	s19 =	sadd.s32 $0x2E80, s23;
	[sflag:s17] =	ssyncadd.s32 $0xFFFFF000  }
0x1d6: {  	[spmem:s2] =	stream.indirect.scatter.add.f32 [tilespmem:s20], [sflag:$0x11], $0x20, s19, s13, $0xb8;
	[tilespmem:$0x1F000] =	vst v63  }
0x1d7: {  	_ =	swait.ge [sflag:s10], $0x1000  }
0x1d8: {  	[sflag:s10] =	ssyncset.done $0x0  }
0x1d9: {  	s20 =	simm.s32 $0xF;
	[sflag:s10] =	ssyncadd.s32 $0xFFFFF000  }
0x1da: {  	_ =	swait.ge [sflag:s20], $0x1000  }
0x1db: {  	[sflag:s20] =	ssyncset.done $0x0  }
0x1dc: {  	s21 =	sadd.s32 $0x2F00, s23;
	[sflag:s20] =	ssyncadd.s32 $0xFFFFF000  }
0x1dd: {  	[spmem:s2] =	stream.indirect.scatter.add.f32 [tilespmem:s18], [sflag:$0x11], $0x20, s21, s13, $0xb8;
	[tilespmem:$0x1F000] =	vst v63  }
0x1de: {  	_ =	swait.ge [sflag:s10], $0x1000  }
0x1df: {  	[sflag:s10] =	ssyncset.done $0x0  }
0x1e0: {  	s22 =	simm.s32 $0x10;
	[sflag:s10] =	ssyncadd.s32 $0xFFFFF000  }
0x1e1: {  	_ =	swait.ge [sflag:s22], $0x1000  }
0x1e2: {  	[sflag:s22] =	ssyncset.done $0x0  }
0x1e3: {  	s24 =	sadd.s32 $0x2F80, s23;
	[sflag:s22] =	ssyncadd.s32 $0xFFFFF000  }
0x1e4: {  	[spmem:s2] =	stream.indirect.scatter.add.f32 [tilespmem:s28], [sflag:$0x11], $0x20, s24, s13, $0xb8;
	[tilespmem:$0x1F000] =	vst v63  }
0x1e5: {  	_ =	swait.ge [sflag:s10], $0x1000  }
0x1e6: {  	[sflag:s10] =	ssyncset.done $0x0  }
0x1e7: {  	[sflag:s10] =	ssyncadd.s32 $0xFFFFF000  }
0x1e8: {  	[bflag:$0x0] =	sbarrier.arrive $0xFFFF  }
0x1e9: {  	s29 =	simm.s32 $0x15000;
	s16 =	rddreg [dreg:$0x5]  }
0x1ea: {  	[tilespmem:s29], [sflag:$0x11] =	stream.linear.gather [spmem:s16], $0x5000, $0x38;
	[tilespmem:$0x1F000] =	vst v63  }
0x1eb: {  	_ =	swait.ge [sflag:s10], $0x5000  }
0x1ec: {  	[sflag:s10] =	ssyncset.done $0x0  }
0x1ed: {  	s11 =	simm.s32 $0x0;
	s25 =	rddreg [dreg:$0x7];
	[sflag:s10] =	ssyncadd.s32 $0xFFFFB000  }
0x1ee: {  	[hbm4b:s25+s11] =	stream.linear.scatter [tilespmem:s29], [sflag:$0x11], $0x5000, $0x38;
	[tilespmem:$0x1F000] =	vst v63  }
0x1ef: {  	s30 =	simm.s32 $0x6000;
	_ =	swait.ge [sflag:s10], $0x5000  }
0x1f0: {  	s5 =	simm.s32 $0x4;
	s3 =	simm.s32 $0x8;
	s26 =	rddreg [dreg:$0x8]  }
0x1f1: {  	s6 =	simm.s32 $0x5;
	s28 =	rddreg [dreg:$0x6];
	s1 =	sadd.s32 $0x1, s26  }
0x1f2: {  	s7 =	simm.s32 $0xA;
	s8 =	simm.s32 $0x6;
	p0 =	sne.s32 s1, s28  }
.Ltmp2:
0x1f3: {  	s9 =	simm.s32 $0x7;
	s12 =	simm.s32 $0x9;
	(pc) =	sbr.rel @p0 .LBB2_1-.Ltmp2, $4  }
0x1f4: {  	s14 =	simm.s32 $0xB;
	s15 =	simm.s32 $0xC;
	s17 =	simm.s32 $0xD  }
0x1f5: {  	s19 =	simm.s32 $0xE;
	s20 =	simm.s32 $0x1;
	s18 =	simm.s32 $0x7000  }
0x1f6: {  	s21 =	simm.s32 $0xF;
	s22 =	simm.s32 $0x2;
	[sflag:s10] =	ssyncset.done $0x0  }
0x1f7: {  	s24 =	simm.s32 $0x3;
	[sflag:s10] =	ssyncadd.s32 $0xFFFFB000;
	s26 =	simm.s32 $0x10  }
0x1f8: {  	_ =	sfence.sel $0x180000  }
0x1f9: {  	[bflag:$0x0] =	sbarrier.arrive $0xFFFF  }
0x1fa: {  	_ =	strace $0x9000004A  }
0x1fb: {  	s0 =	stileid.u32;
	[bflag:$0x2] =	sbarrier.arrive $0xFFFF  }
0x1fc: {  	p0 =	sne.s32 s0, $0x0;
	s0 =	rddreg [dreg:$0x2]  }
0x1fd: {  	s0 =	sadd.s32 @!p0 $0x100000, s0  }
0x1fe: {  	[sflag:s0] =	ssyncadd.tile.s32 @!p0 $0x1;
	_ =	shalt  }
.Lfunc_end2:
_tile_overlayer_lowered:
.L_overlay_start_2:
0x1ff: {  	(tag) =	ssettag $0x2  }
0x200: {  	s0 =	rddreg [dreg:$0x0];
	s2 =	stileid.u32  }
0x201: {  	s1 =	rddreg [dreg:$0x1];
	p0 =	sne.s32 s2, $0x0  }
0x202: {  	s3 =	rddreg [dreg:$0x2];
	[bflag:$0x3] =	sbarrier.arrive $0xFFFF;
	s2 =	simm.s32 @!p0 $0x1C11  }
0x203: {  	[timem:s3], [sflag:s2] =	dma.local @!p0 [hbm:s0], s1  }
0x204: {  	s0 =	simm.s32 @!p0 $0x11  }
0x205: {  	_ =	swait.ge @!p0 [sflag:s0], s1  }
0x206: {  	s1 =	ssub.s32 @!p0 $0x0, s1;
	[sflag:s0] =	ssyncset.done @!p0 $0x0  }
0x207: {  	[sflag:s0] =	ssyncadd.s32 @!p0 s1  }
0x208: {  	[bflag:$0x3] =	sbarrier.arrive $0xFFFF  }
0x209: {  	_ =	shalt  }

</sc_bundles>
